<compile_context>
chip_gen: v7x
topology: tpu7x:2x2x1
jax: 0.10.2.dev20260603
libtpu: 0.0.44.dev20260713+nightly
codegen_flags: <defaults>
</compile_context>

<pallas_src>
import jax
import jax.numpy as jnp
from jax import lax
from jax.experimental import pallas as pl
from jax.experimental.pallas import tpu as pltpu
from jax.experimental.pallas import tpu_sc as plsc

N_NODES = 10000
N_EDGES = 160000
N_PRED = 100000
IN_CH = 980
HID = 256
OUT = 64
PRED_HID = 128

NC, NS = 2, 16
MP = 10240
KP = 1024
EC = 128
ECH = 80
E_PAD = NS * ECH * EC
PCH = 26
P_PAD = NC * NS * PCH * 128
MB = 256

_SC_PARAMS = pltpu.CompilerParams(needs_layout_passes=False)




def _dual_mm(xt, Wa, Wb):
    K = xt.shape[0]
    Fo = Wa.shape[1]
    dn = (((0,), (0,)), ((), ()))

    def body(x_ref, wa_ref, wb_ref, star_ref, xr_ref):
        xb = x_ref[...]
        ol = lax.dot_general(xb, wa_ref[...], dn,
                             preferred_element_type=jnp.float32)
        star_ref[...] = jnp.stack([ol[:, :128], ol[:, 128:]])
        xr_ref[...] = lax.dot_general(xb, wb_ref[...], dn,
                                      preferred_element_type=jnp.float32)

    return pl.pallas_call(
        body,
        grid=(MP // MB,),
        in_specs=[
            pl.BlockSpec((K, MB), lambda m: (0, m)),
            pl.BlockSpec((K, Fo), lambda m: (0, 0)),
            pl.BlockSpec((K, Fo), lambda m: (0, 0)),
        ],
        out_specs=[
            pl.BlockSpec((2, MB, 128), lambda m: (0, m, 0)),
            pl.BlockSpec((MB, Fo), lambda m: (m, 0)),
        ],
        out_shape=[
            jax.ShapeDtypeStruct((2, MP, 128), jnp.float32),
            jax.ShapeDtypeStruct((MP, Fo), jnp.float32),
        ],
    )(xt, Wa, Wb)


def _tc_stage(s_star, cntp, xr, b, Wa, Wb, relu, split):
    Fin = xr.shape[1]
    Fo = Wa.shape[1]

    def body(s0_ref, s1_ref, cnt_ref, xr_ref, b_ref, wa_ref, wb_ref,
             star_ref, xro_ref):
        s = jnp.concatenate([s0_ref[0], s1_ref[0]], axis=-1)
        cnt = jnp.sum(cnt_ref[...], axis=0)[:, None]
        inv = 1.0 / jnp.maximum(cnt, 1.0)
        h = s * inv + b_ref[...] + xr_ref[...]
        if relu:
            h = jnp.maximum(h, 0.0)
        ol = jnp.dot(h, wa_ref[...], preferred_element_type=jnp.float32)
        if split:
            star_ref[...] = jnp.stack([ol[:, :128], ol[:, 128:]])
        else:
            star_ref[...] = jnp.concatenate(
                [ol, jnp.zeros((MB, 128 - Fo), jnp.float32)], axis=-1)
        xro_ref[...] = jnp.dot(h, wb_ref[...], preferred_element_type=jnp.float32)

    star_spec = (pl.BlockSpec((2, MB, 128), lambda m: (0, m, 0)) if split
                 else pl.BlockSpec((MB, 128), lambda m: (m, 0)))
    star_shape = ((2, MP, 128) if split else (MP, 128))
    return pl.pallas_call(
        body,
        grid=(MP // MB,),
        in_specs=[
            pl.BlockSpec((1, MB, 128), lambda m: (0, m, 0)),
            pl.BlockSpec((1, MB, 128), lambda m: (1, m, 0)),
            pl.BlockSpec((NC * NS, MB), lambda m: (0, m)),
            pl.BlockSpec((MB, Fin), lambda m: (m, 0)),
            pl.BlockSpec((1, Fin), lambda m: (0, 0)),
            pl.BlockSpec((Fin, Fo), lambda m: (0, 0)),
            pl.BlockSpec((Fin, Fo), lambda m: (0, 0)),
        ],
        out_specs=[
            star_spec,
            pl.BlockSpec((MB, Fo), lambda m: (m, 0)),
        ],
        out_shape=[
            jax.ShapeDtypeStruct(star_shape, jnp.float32),
            jax.ShapeDtypeStruct((MP, Fo), jnp.float32),
        ],
    )(s_star, s_star, cntp, xr, b, Wa, Wb)


def _tc_final_nodes(s3p, cntp, xr, b, Wp1, bp1):
    Fin = xr.shape[1]

    def body(s0_ref, s1_ref, cnt_ref, xr_ref, b_ref, w_ref, bp1_ref,
             star_ref):
        z = (s0_ref[0] + s1_ref[0])[:, :Fin]
        cnt = jnp.sum(cnt_ref[...], axis=0)[:, None]
        inv = 1.0 / jnp.maximum(cnt, 1.0)
        z = z * inv + b_ref[...] + xr_ref[...]
        w = w_ref[...]
        a = jnp.dot(z, w[:Fin], preferred_element_type=jnp.float32)
        a = a + bp1_ref[...]
        bz = jnp.dot(z, w[Fin:], preferred_element_type=jnp.float32)
        star_ref[...] = jnp.stack([a, bz])

    return pl.pallas_call(
        body,
        grid=(MP // MB,),
        in_specs=[
            pl.BlockSpec((1, MB, 128), lambda m: (0, m, 0)),
            pl.BlockSpec((1, MB, 128), lambda m: (1, m, 0)),
            pl.BlockSpec((NC * NS, MB), lambda m: (0, m)),
            pl.BlockSpec((MB, Fin), lambda m: (m, 0)),
            pl.BlockSpec((1, Fin), lambda m: (0, 0)),
            pl.BlockSpec((2 * Fin, PRED_HID), lambda m: (0, 0)),
            pl.BlockSpec((1, PRED_HID), lambda m: (0, 0)),
        ],
        out_specs=pl.BlockSpec((2, MB, PRED_HID), lambda m: (0, m, 0)),
        out_shape=jax.ShapeDtypeStruct((2, MP, PRED_HID), jnp.float32),
    )(s3p, s3p, cntp, xr, b, Wp1, bp1)




def _degree(dst_slab):
    half = ECH // 2
    mesh = plsc.VectorSubcoreMesh(core_axis_name="c", subcore_axis_name="s")
    scratch = [
        pltpu.VMEM((MP,), jnp.float32),
        pltpu.VMEM((1, EC), jnp.int32),
        pltpu.VMEM((1, EC), jnp.int32),
        pltpu.SemaphoreType.DMA,
        pltpu.SemaphoreType.DMA,
    ]

    def body(dst_ref, out_ref, cntp, id0, id1, sd0, sd1):
        c = lax.axis_index("c")
        s = lax.axis_index("s")
        base = c * half

        def czero(i, carry):
            cntp[pl.ds(i * 16, 16)] = jnp.zeros((16,), jnp.float32)
            return carry
        lax.fori_loop(0, MP // 16, czero, None)

        pltpu.sync_copy(dst_ref.at[s, base], id0.at[0])
        pltpu.sync_copy(dst_ref.at[s, base + 1], id1.at[0])

        ones16 = jnp.full((16,), 1.0, jnp.float32)

        def step(i, carry):
            for par, idb, sd in ((0, id0, sd0), (1, id1, sd1)):
                j = 2 * i + par

                @pl.when(j >= 2)
                def _():
                    pltpu.make_async_copy(dst_ref.at[s, base + j], idb.at[0],
                                          sd).wait()

                for k in range(EC // 16):
                    idv = idb[0, pl.ds(k * 16, 16)]
                    plsc.addupdate_scatter(cntp, [idv], ones16)

                @pl.when(j + 2 < half)
                def _():
                    pltpu.async_copy(dst_ref.at[s, base + j + 2], idb.at[0],
                                     sd)
            return carry
        lax.fori_loop(0, half // 2, step, None)

        pltpu.sync_copy(cntp, out_ref.at[c, s])

    fn = pl.kernel(body,
                   out_type=jax.ShapeDtypeStruct((NC, NS, MP), jnp.float32),
                   mesh=mesh, scratch_types=scratch,
                   compiler_params=_SC_PARAMS)
    return fn(dst_slab)


def _seg_half(table, src_adj, dst_slab):
    rpt = MP // NS

    mesh = plsc.VectorSubcoreMesh(core_axis_name="c", subcore_axis_name="s")
    scratch = [
        pltpu.VMEM_SHARED((MP, 128), jnp.float32),
        pltpu.VMEM((EC,), jnp.int32),
        pltpu.VMEM((EC,), jnp.int32),
        pltpu.VMEM((1, EC), jnp.int32),
        pltpu.VMEM((1, EC), jnp.int32),
        pltpu.VMEM((EC, 128), jnp.float32),
        pltpu.VMEM((EC, 128), jnp.float32),
        pltpu.SemaphoreType.DMA,
        pltpu.SemaphoreType.DMA,
        pltpu.SemaphoreType.DMA,
        pltpu.SemaphoreType.DMA,
        pltpu.SemaphoreType.DMA,
        pltpu.SemaphoreType.DMA,
    ]

    def body(table_ref, src_ref, dst_ref, out_ref,
             acc, is0, is1, id0, id1, buf0, buf1,
             sem0, sem1, sis0, sis1, sid0, sid1):
        c = lax.axis_index("c")
        s = lax.axis_index("s")

        def zfill(i, carry):
            for k in range(8):
                buf0[i, pl.ds(k * 16, 16)] = jnp.zeros((16,), jnp.float32)
            return carry
        lax.fori_loop(0, EC, zfill, None)
        for t in range(rpt // EC):
            pltpu.sync_copy(buf0, acc.at[pl.ds(s * rpt + t * EC, EC)])

        plsc.subcore_barrier()

        pltpu.sync_copy(src_ref.at[c, s, 0], is0)
        pltpu.sync_copy(dst_ref.at[s, 0], id0.at[0])
        pltpu.sync_copy(src_ref.at[c, s, 1], is1)
        pltpu.sync_copy(dst_ref.at[s, 1], id1.at[0])
        pltpu.async_copy(table_ref.at[is0], buf0, sem0)
        pltpu.async_copy(table_ref.at[is1], buf1, sem1)

        def step(i, carry):
            for par, isb, idb, buf, sem, sis, sid in (
                    (0, is0, id0, buf0, sem0, sis0, sid0),
                    (1, is1, id1, buf1, sem1, sis1, sid1)):
                j = 2 * i + par
                pltpu.make_async_copy(table_ref.at[isb], buf, sem).wait()

                @pl.when(j + 2 < ECH)
                def _():
                    pltpu.async_copy(src_ref.at[c, s, j + 2], isb, sis)

                @pl.when(j >= 2)
                def _():
                    pltpu.make_async_copy(dst_ref.at[s, j], idb.at[0],
                                          sid).wait()

                pltpu.sync_copy(buf, acc.at[idb.at[0]], add=True)

                @pl.when(j + 2 < ECH)
                def _():
                    pltpu.async_copy(dst_ref.at[s, j + 2], idb.at[0], sid)
                    pltpu.make_async_copy(src_ref.at[c, s, j + 2], isb,
                                          sis).wait()
                    pltpu.async_copy(table_ref.at[isb], buf, sem)
            return carry
        lax.fori_loop(0, ECH // 2, step, None)

        plsc.subcore_barrier()
        pltpu.sync_copy(acc.at[pl.ds(s * rpt, rpt)],
                        out_ref.at[c, pl.ds(s * rpt, rpt)])

    fn = pl.kernel(body,
                   out_type=jax.ShapeDtypeStruct((2, MP, 128), jnp.float32),
                   mesh=mesh, scratch_types=scratch,
                   compiler_params=_SC_PARAMS)
    return fn(table, src_adj, dst_slab)


def _seg_ep(table, src_adj, dst_slab):
    rpt = MP // NS
    half = ECH // 2

    mesh = plsc.VectorSubcoreMesh(core_axis_name="c", subcore_axis_name="s")
    scratch = [
        pltpu.VMEM_SHARED((MP, 128), jnp.float32),
        pltpu.VMEM((EC,), jnp.int32),
        pltpu.VMEM((EC,), jnp.int32),
        pltpu.VMEM((1, EC), jnp.int32),
        pltpu.VMEM((1, EC), jnp.int32),
        pltpu.VMEM((EC, 128), jnp.float32),
        pltpu.VMEM((EC, 128), jnp.float32),
        pltpu.SemaphoreType.DMA,
        pltpu.SemaphoreType.DMA,
        pltpu.SemaphoreType.DMA,
        pltpu.SemaphoreType.DMA,
        pltpu.SemaphoreType.DMA,
        pltpu.SemaphoreType.DMA,
    ]

    def body(table_ref, src_ref, dst_ref, out_ref,
             acc, is0, is1, id0, id1, buf0, buf1,
             sem0, sem1, sis0, sis1, sid0, sid1):
        c = lax.axis_index("c")
        s = lax.axis_index("s")
        base = c * half

        def zfill(i, carry):
            for k in range(8):
                buf0[i, pl.ds(k * 16, 16)] = jnp.zeros((16,), jnp.float32)
            return carry
        lax.fori_loop(0, EC, zfill, None)
        for t in range(rpt // EC):
            pltpu.sync_copy(buf0, acc.at[pl.ds(s * rpt + t * EC, EC)])

        plsc.subcore_barrier()

        pltpu.sync_copy(src_ref.at[0, s, base], is0)
        pltpu.sync_copy(dst_ref.at[s, base], id0.at[0])
        pltpu.sync_copy(src_ref.at[0, s, base + 1], is1)
        pltpu.sync_copy(dst_ref.at[s, base + 1], id1.at[0])
        pltpu.async_copy(table_ref.at[is0], buf0, sem0)
        pltpu.async_copy(table_ref.at[is1], buf1, sem1)

        def step(i, carry):
            for par, isb, idb, buf, sem, sis, sid in (
                    (0, is0, id0, buf0, sem0, sis0, sid0),
                    (1, is1, id1, buf1, sem1, sis1, sid1)):
                j = 2 * i + par
                g = base + j
                pltpu.make_async_copy(table_ref.at[isb], buf, sem).wait()

                @pl.when(j + 2 < half)
                def _():
                    pltpu.async_copy(src_ref.at[0, s, g + 2], isb, sis)

                @pl.when(j >= 2)
                def _():
                    pltpu.make_async_copy(dst_ref.at[s, g], idb.at[0],
                                          sid).wait()

                pltpu.sync_copy(buf, acc.at[idb.at[0]], add=True)

                @pl.when(j + 2 < half)
                def _():
                    pltpu.async_copy(dst_ref.at[s, g + 2], idb.at[0], sid)
                    pltpu.make_async_copy(src_ref.at[0, s, g + 2], isb,
                                          sis).wait()
                    pltpu.async_copy(table_ref.at[isb], buf, sem)
            return carry
        lax.fori_loop(0, half // 2, step, None)

        plsc.subcore_barrier()
        pltpu.sync_copy(acc.at[pl.ds(s * rpt, rpt)],
                        out_ref.at[c, pl.ds(s * rpt, rpt)])

    fn = pl.kernel(
        body,
        out_type=jax.ShapeDtypeStruct((2, MP, 128), jnp.float32),
        mesh=mesh,
        scratch_types=scratch,
        compiler_params=_SC_PARAMS,
    )
    return fn(table, src_adj, dst_slab)


def _pred_fused(table, pidx, wp2, bp2p):
    mesh = plsc.VectorSubcoreMesh(core_axis_name="c", subcore_axis_name="s")
    scratch = [
        pltpu.VMEM((PCH, 128), jnp.int32),
        pltpu.VMEM((PCH, 128), jnp.int32),
        pltpu.VMEM((128, 128), jnp.float32),
        pltpu.VMEM((128, 128), jnp.float32),
        pltpu.VMEM((128, 128), jnp.float32),
        pltpu.VMEM((128, 128), jnp.float32),
        pltpu.VMEM((PCH * 128,), jnp.float32),
        pltpu.VMEM((16 * 17,), jnp.float32),
        pltpu.VMEM((PRED_HID,), jnp.float32),
        pltpu.VMEM((16,), jnp.float32),
        pltpu.SemaphoreType.DMA,
        pltpu.SemaphoreType.DMA,
        pltpu.SemaphoreType.DMA,
        pltpu.SemaphoreType.DMA,
    ]
    NK = PRED_HID // 16

    def body(table_ref, pidx_ref, wp2_ref, bp2_ref, out_ref,
             idx_a, idx_b, bufa0, bufa1, bufb0, bufb1, lbuf, tbuf,
             cwp2, cbp2, sa0, sa1, sb0, sb1):
        c = lax.axis_index("c")
        s = lax.axis_index("s")
        w = c * NS + s
        base = w * (PCH * 128)
        pltpu.sync_copy(pidx_ref.at[0, w], idx_a)
        pltpu.sync_copy(pidx_ref.at[1, w], idx_b)
        pltpu.sync_copy(wp2_ref, cwp2)
        pltpu.sync_copy(bp2_ref, cbp2)

        pltpu.async_copy(table_ref.at[idx_a.at[0]], bufa0, sa0)
        pltpu.async_copy(table_ref.at[idx_b.at[0]], bufb0, sb0)
        pltpu.async_copy(table_ref.at[idx_a.at[1]], bufa1, sa1)
        pltpu.async_copy(table_ref.at[idx_b.at[1]], bufb1, sb1)

        wp2c = [cwp2[pl.ds(k * 16, 16)] for k in range(NK)]
        bp2v = cbp2[pl.ds(0, 16)]
        lane17 = lax.iota(jnp.int32, 16) * 17

        def step(i, carry):
            for par, bufa, bufb, sa, sb in ((0, bufa0, bufb0, sa0, sb0),
                                            (1, bufa1, bufb1, sa1, sb1)):
                j = 2 * i + par
                pltpu.make_async_copy(table_ref.at[idx_a.at[j]], bufa,
                                      sa).wait()
                pltpu.make_async_copy(table_ref.at[idx_b.at[j]], bufb,
                                      sb).wait()

                def group(g, carry2):
                    def edge(ee, carry3):
                        e = g * 16 + ee
                        acc = jnp.zeros((16,), jnp.float32)
                        for k in range(NK):
                            va = bufa[e, pl.ds(k * 16, 16)]
                            vb = bufb[e, pl.ds(k * 16, 16)]
                            acc = acc + jnp.maximum(va + vb, 0.0) * wp2c[k]
                        plsc.store_scatter(tbuf, [lane17 + ee], acc)
                        return carry3
                    lax.fori_loop(0, 16, edge, None)

                    v = tbuf[pl.ds(0, 16)]
                    for l in range(1, 16):
                        v = v + tbuf[pl.ds(l * 17, 16)]
                    v = v + bp2v
                    lbuf[pl.ds(j * 128 + g * 16, 16)] = \
                        1.0 / (1.0 + jnp.exp(-v))
                    return carry2
                lax.fori_loop(0, 8, group, None)

                @pl.when(j + 2 < PCH)
                def _():
                    pltpu.async_copy(table_ref.at[idx_a.at[j + 2]], bufa, sa)
                    pltpu.async_copy(table_ref.at[idx_b.at[j + 2]], bufb, sb)
            return carry
        lax.fori_loop(0, PCH // 2, step, None)
        pltpu.sync_copy(lbuf, out_ref.at[pl.ds(base, PCH * 128)])

    fn = pl.kernel(
        body,
        out_type=jax.ShapeDtypeStruct((P_PAD,), jnp.float32),
        mesh=mesh,
        scratch_types=scratch,
        compiler_params=_SC_PARAMS,
    )
    return fn(table, pidx, wp2, bp2p)




def kernel(x, edge_index, pred_edge_index, W1l, b1l, W1r, W2l, b2l, W2r,
           W3l, b3l, W3r, Wp1, bp1, Wp2, bp2):
    ei = edge_index.astype(jnp.int32)
    pei = pred_edge_index.astype(jnp.int32)

    src = jnp.pad(ei[0], (0, E_PAD - N_EDGES))
    dst = jnp.pad(ei[1], (0, E_PAD - N_EDGES), constant_values=N_NODES)
    src_slab = src.reshape(NS, ECH, EC)
    src_adj = jnp.stack([src_slab, src_slab + MP])
    dst_slab = dst.reshape(NS, ECH, EC)

    ps = jnp.pad(pei[0], (0, P_PAD - N_PRED)).reshape(NC * NS, PCH, 128)
    pd = jnp.pad(pei[1], (0, P_PAD - N_PRED)).reshape(NC * NS, PCH, 128)
    pidx = jnp.stack([ps, pd + MP])

    cntp = _degree(dst_slab).reshape(NC * NS, MP)

    star1, xr1 = _dual_mm(x.T, W1l, W1r)
    s1 = _seg_half(star1.reshape(2 * MP, 128), src_adj, dst_slab)

    star2, xr2 = _tc_stage(s1, cntp, xr1, b1l.reshape(1, HID), W2l, W2r,
                           relu=True, split=True)
    s2 = _seg_half(star2.reshape(2 * MP, 128), src_adj, dst_slab)
    star3, xr3 = _tc_stage(s2, cntp, xr2, b2l.reshape(1, HID), W3l, W3r,
                           relu=True, split=False)
    s3p = _seg_ep(star3, src_adj, dst_slab)

    starp = _tc_final_nodes(s3p, cntp, xr3, b3l.reshape(1, OUT), Wp1,
                            bp1.reshape(1, PRED_HID))
    out = _pred_fused(starp.reshape(2 * MP, PRED_HID), pidx,
                      Wp2.reshape(PRED_HID), jnp.broadcast_to(bp2, (16,)))
    return out[:N_PRED]

# --- scband reference (transcript-rebuilt; emitter-appended) ---
"""Pipeline reference for scband-homo-ddimodel-33681133535937 (READ-ONLY COPY).

The authoritative reference and input builder live on the scoring server;
editing this copy changes nothing except your own understanding.
"""

import jax, jax.numpy as jnp
import numpy as np

N_NODES = 10000
N_EDGES = 160000
N_PRED = 100000
IN_CH = 980
HID = 256
OUT = 64
PRED_HID = 128


def _param(key, shape, fan_in):
    return jax.random.normal(key, shape, dtype=jnp.float32) * (1.0 / np.sqrt(fan_in))


def setup_inputs(seed: int = 0) -> dict:
    key = jax.random.key(seed)
    ks = jax.random.split(key, 16)
    x = jax.random.normal(ks[0], (N_NODES, IN_CH), dtype=jnp.float32)
    edge_index = jax.random.randint(ks[1], (2, N_EDGES), 0, N_NODES, dtype=jnp.int64)
    pred_edge_index = jax.random.randint(ks[2], (2, N_PRED), 0, N_NODES, dtype=jnp.int64)
    params = {
        'W1l': _param(ks[3], (IN_CH, HID), IN_CH), 'b1l': jnp.zeros((HID,), jnp.float32), 'W1r': _param(ks[4], (IN_CH, HID), IN_CH),
        'W2l': _param(ks[5], (HID, HID), HID), 'b2l': jnp.zeros((HID,), jnp.float32), 'W2r': _param(ks[6], (HID, HID), HID),
        'W3l': _param(ks[7], (HID, OUT), HID), 'b3l': jnp.zeros((OUT,), jnp.float32), 'W3r': _param(ks[8], (HID, OUT), HID),
        'Wp1': _param(ks[9], (2 * OUT, PRED_HID), 2 * OUT), 'bp1': jnp.zeros((PRED_HID,), jnp.float32),
        'Wp2': _param(ks[10], (PRED_HID, 1), PRED_HID), 'bp2': jnp.zeros((1,), jnp.float32),
    }
    inp = {'x': x, 'edge_index': edge_index, 'pred_edge_index': pred_edge_index}
    inp.update(params)
    return inp


def _sage_conv(x, src, dst, Wl, bl, Wr, n_nodes):
    # PyG SAGEConv (mean aggr): out = lin_l(mean_{j in N(i)} x_j) + lin_r(x_i)
    msg = jnp.take(x, src, axis=0)
    agg = jax.ops.segment_sum(msg, dst, num_segments=n_nodes)
    cnt = jax.ops.segment_sum(jnp.ones((src.shape[0],), jnp.float32), dst, num_segments=n_nodes)
    agg = agg / jnp.clip(cnt, 1.0, None)[:, None]
    return agg @ Wl + bl + x @ Wr


def reference(x, edge_index, pred_edge_index, W1l, b1l, W1r, W2l, b2l, W2r, W3l, b3l, W3r, Wp1, bp1, Wp2, bp2):
    src, dst = edge_index[0], edge_index[1]
    n = x.shape[0]
    # GraphSAGEEncoder (eval mode: dropout is identity)
    h = jax.nn.relu(_sage_conv(x, src, dst, W1l, b1l, W1r, n))
    h = jax.nn.relu(_sage_conv(h, src, dst, W2l, b2l, W2r, n))
    z = _sage_conv(h, src, dst, W3l, b3l, W3r, n)
    # LinkPredictor (eval mode: dropout is identity)
    pair = jnp.concatenate([jnp.take(z, pred_edge_index[0], axis=0), jnp.take(z, pred_edge_index[1], axis=0)], axis=-1)
    hid = jax.nn.relu(pair @ Wp1 + bp1)
    out = hid @ Wp2 + bp2
    return jax.nn.sigmoid(out[:, 0])

if __name__ == "__main__":
    import jax
    _d = setup_inputs()
    print(jax.jit(kernel)(*tuple(_d.values())))

</pallas_src>

<mosaic_0001>
#map = affine_map<(d0, d1) -> (0, 0)>
#map1 = affine_map<(d0, d1) -> (0, 0, 0, 0)>
#map2 = affine_map<(d0, d1) -> (0, 0, 0)>
module attributes {stable_mosaic.version = 14 : i64} {
  func.func @body(%arg0: i32, %arg1: i32, %arg2: memref<20480x128xf32, #tpu.memory_space<hbm>>, %arg3: memref<2x16x80x128xi32, #tpu.memory_space<hbm>>, %arg4: memref<16x80x128xi32, #tpu.memory_space<hbm>>, %arg5: memref<2x10240x128xf32, #tpu.memory_space<hbm>>, %arg6: memref<10240x128xf32, #tpu.memory_space<vmem_shared>>, %arg7: memref<128xi32, #tpu.memory_space<vmem>>, %arg8: memref<128xi32, #tpu.memory_space<vmem>>, %arg9: memref<1x128xi32, #tpu.memory_space<vmem>>, %arg10: memref<1x128xi32, #tpu.memory_space<vmem>>, %arg11: memref<128x128xf32, #tpu.memory_space<vmem>>, %arg12: memref<128x128xf32, #tpu.memory_space<vmem>>, %arg13: memref<!tpu.dma_semaphore, #tpu.memory_space<semaphore_mem>>, %arg14: memref<!tpu.dma_semaphore, #tpu.memory_space<semaphore_mem>>, %arg15: memref<!tpu.dma_semaphore, #tpu.memory_space<semaphore_mem>>, %arg16: memref<!tpu.dma_semaphore, #tpu.memory_space<semaphore_mem>>, %arg17: memref<!tpu.dma_semaphore, #tpu.memory_space<semaphore_mem>>, %arg18: memref<!tpu.dma_semaphore, #tpu.memory_space<semaphore_mem>>) attributes {dimension_semantics = [#tpu.dimension_semantics<core_parallel>, #tpu.dimension_semantics<subcore_parallel>], iteration_bounds = array<i64: 2, 16>, scalar_prefetch = 0 : i64, scratch_operands = 13 : i64, tpu.core_type = #tpu.core_type<sc_vector_subcore>, window_params = [{transform_indices = #map}, {transform_indices = #map1}, {transform_indices = #map2}, {transform_indices = #map2}]} {
    %scan3A = arith.constant 0 : i32
    %scan3A_0 = arith.constant 128 : i32
    %scan3A_1 = arith.addi %scan3A, %scan3A_0 : i32
    %scan3A_2 = arith.constant 1 : i32
    scf.for %scan3A_42 = %scan3A to %scan3A_1 step %scan3A_2  : i32 {
      %broadcast_in_dim3A = arith.constant 0.000000e+00 : f32
      %broadcast_in_dim3A_43 = vector.broadcast %broadcast_in_dim3A : f32 to vector<16xf32>
      %swap3A = arith.index_cast %scan3A_42 : i32 to index
      %swap3A_44 = arith.constant 0 : index
      %swap3A_45 = tpu.vector_load %arg11[%swap3A, %swap3A_44] {strides = array<i32>} : memref<128x128xf32, #tpu.memory_space<vmem>>, vector<16xf32>,
      tpu.vector_store %arg11[%swap3A, %swap3A_44], %broadcast_in_dim3A_43 {strides = array<i32>} : memref<128x128xf32, #tpu.memory_space<vmem>>, vector<16xf32>,
      %broadcast_in_dim3A_46 = arith.constant 0.000000e+00 : f32
      %broadcast_in_dim3A_47 = vector.broadcast %broadcast_in_dim3A_46 : f32 to vector<16xf32>
      %swap3A_48 = arith.index_cast %scan3A_42 : i32 to index
      %swap3A_49 = arith.constant 16 : index
      %swap3A_50 = tpu.vector_load %arg11[%swap3A_48, %swap3A_49] {strides = array<i32>} : memref<128x128xf32, #tpu.memory_space<vmem>>, vector<16xf32>,
      tpu.vector_store %arg11[%swap3A_48, %swap3A_49], %broadcast_in_dim3A_47 {strides = array<i32>} : memref<128x128xf32, #tpu.memory_space<vmem>>, vector<16xf32>,
      %broadcast_in_dim3A_51 = arith.constant 0.000000e+00 : f32
      %broadcast_in_dim3A_52 = vector.broadcast %broadcast_in_dim3A_51 : f32 to vector<16xf32>
      %swap3A_53 = arith.index_cast %scan3A_42 : i32 to index
      %swap3A_54 = arith.constant 32 : index
      %swap3A_55 = tpu.vector_load %arg11[%swap3A_53, %swap3A_54] {strides = array<i32>} : memref<128x128xf32, #tpu.memory_space<vmem>>, vector<16xf32>,
      tpu.vector_store %arg11[%swap3A_53, %swap3A_54], %broadcast_in_dim3A_52 {strides = array<i32>} : memref<128x128xf32, #tpu.memory_space<vmem>>, vector<16xf32>,
      %broadcast_in_dim3A_56 = arith.constant 0.000000e+00 : f32
      %broadcast_in_dim3A_57 = vector.broadcast %broadcast_in_dim3A_56 : f32 to vector<16xf32>
      %swap3A_58 = arith.index_cast %scan3A_42 : i32 to index
      %swap3A_59 = arith.constant 48 : index
      %swap3A_60 = tpu.vector_load %arg11[%swap3A_58, %swap3A_59] {strides = array<i32>} : memref<128x128xf32, #tpu.memory_space<vmem>>, vector<16xf32>,
      tpu.vector_store %arg11[%swap3A_58, %swap3A_59], %broadcast_in_dim3A_57 {strides = array<i32>} : memref<128x128xf32, #tpu.memory_space<vmem>>, vector<16xf32>,
      %broadcast_in_dim3A_61 = arith.constant 0.000000e+00 : f32
      %broadcast_in_dim3A_62 = vector.broadcast %broadcast_in_dim3A_61 : f32 to vector<16xf32>
      %swap3A_63 = arith.index_cast %scan3A_42 : i32 to index
      %swap3A_64 = arith.constant 64 : index
      %swap3A_65 = tpu.vector_load %arg11[%swap3A_63, %swap3A_64] {strides = array<i32>} : memref<128x128xf32, #tpu.memory_space<vmem>>, vector<16xf32>,
      tpu.vector_store %arg11[%swap3A_63, %swap3A_64], %broadcast_in_dim3A_62 {strides = array<i32>} : memref<128x128xf32, #tpu.memory_space<vmem>>, vector<16xf32>,
      %broadcast_in_dim3A_66 = arith.constant 0.000000e+00 : f32
      %broadcast_in_dim3A_67 = vector.broadcast %broadcast_in_dim3A_66 : f32 to vector<16xf32>
      %swap3A_68 = arith.index_cast %scan3A_42 : i32 to index
      %swap3A_69 = arith.constant 80 : index
      %swap3A_70 = tpu.vector_load %arg11[%swap3A_68, %swap3A_69] {strides = array<i32>} : memref<128x128xf32, #tpu.memory_space<vmem>>, vector<16xf32>,
      tpu.vector_store %arg11[%swap3A_68, %swap3A_69], %broadcast_in_dim3A_67 {strides = array<i32>} : memref<128x128xf32, #tpu.memory_space<vmem>>, vector<16xf32>,
      %broadcast_in_dim3A_71 = arith.constant 0.000000e+00 : f32
      %broadcast_in_dim3A_72 = vector.broadcast %broadcast_in_dim3A_71 : f32 to vector<16xf32>
      %swap3A_73 = arith.index_cast %scan3A_42 : i32 to index
      %swap3A_74 = arith.constant 96 : index
      %swap3A_75 = tpu.vector_load %arg11[%swap3A_73, %swap3A_74] {strides = array<i32>} : memref<128x128xf32, #tpu.memory_space<vmem>>, vector<16xf32>,
      tpu.vector_store %arg11[%swap3A_73, %swap3A_74], %broadcast_in_dim3A_72 {strides = array<i32>} : memref<128x128xf32, #tpu.memory_space<vmem>>, vector<16xf32>,
      %broadcast_in_dim3A_76 = arith.constant 0.000000e+00 : f32
      %broadcast_in_dim3A_77 = vector.broadcast %broadcast_in_dim3A_76 : f32 to vector<16xf32>
      %swap3A_78 = arith.index_cast %scan3A_42 : i32 to index
      %swap3A_79 = arith.constant 112 : index
      %swap3A_80 = tpu.vector_load %arg11[%swap3A_78, %swap3A_79] {strides = array<i32>} : memref<128x128xf32, #tpu.memory_space<vmem>>, vector<16xf32>,
      tpu.vector_store %arg11[%swap3A_78, %swap3A_79], %broadcast_in_dim3A_77 {strides = array<i32>} : memref<128x128xf32, #tpu.memory_space<vmem>>, vector<16xf32>,
    }
    %scan3A_3 = arith.constant 128 : i32
    %mul3A = arith.constant 640 : i32
    %mul3A_4 = arith.muli %arg1, %mul3A : i32
    %add3A = arith.constant 0 : i32
    %add3A_5 = arith.addi %mul3A_4, %add3A : i32
    "tpu.region"() ({
      %run_scoped3A_42 = tpu.sem_alloc : memref<!tpu.dma_semaphore, #tpu.memory_space<semaphore_mem>>
      %dma_start3A_43 = arith.constant 0 : i32
      %dma_start3A_44 = tpu.memref_slice %arg6[%add3A_5, %dma_start3A_43] : memref<10240x128xf32, #tpu.memory_space<vmem_shared>> -> memref<128x128xf32, #tpu.memory_space<vmem_shared>>
      %dma_start3A_45 = arith.constant 0 : i32
      %dma_start3A_46 = tpu.memref_slice %arg6[%add3A_5, %dma_start3A_45] : memref<10240x128xf32, #tpu.memory_space<vmem_shared>> -> memref<128x128xf32, #tpu.memory_space<vmem_shared>>
      tpu.enqueue_dma source(%arg11 : memref<128x128xf32, #tpu.memory_space<vmem>>) target(%dma_start3A_46 : memref<128x128xf32, #tpu.memory_space<vmem_shared>>) target_semaphore(%run_scoped3A_42 : memref<!tpu.dma_semaphore, #tpu.memory_space<semaphore_mem>>)
      %dma_wait3A = arith.constant 0 : i32
      %dma_wait3A_47 = tpu.memref_slice %arg6[%add3A_5, %dma_wait3A] : memref<10240x128xf32, #tpu.memory_space<vmem_shared>> -> memref<128x128xf32, #tpu.memory_space<vmem_shared>>
      %dma_wait3A_48 = arith.constant 0 : i32
      %dma_wait3A_49 = tpu.memref_slice %arg6[%add3A_5, %dma_wait3A_48] : memref<10240x128xf32, #tpu.memory_space<vmem_shared>> -> memref<128x128xf32, #tpu.memory_space<vmem_shared>>
      tpu.wait_dma2 semaphore(%run_scoped3A_42 : memref<!tpu.dma_semaphore, #tpu.memory_space<semaphore_mem>>) src(%arg11 : memref<128x128xf32, #tpu.memory_space<vmem>>) dst(%dma_wait3A_49 : memref<128x128xf32, #tpu.memory_space<vmem_shared>>)
      tpu.yield
    }) : () -> ()
    %mul3A_6 = arith.constant 640 : i32
    %mul3A_7 = arith.muli %arg1, %mul3A_6 : i32
    %add3A_8 = arith.constant 128 : i32
    %add3A_9 = arith.addi %mul3A_7, %add3A_8 : i32
    "tpu.region"() ({
      %run_scoped3A_42 = tpu.sem_alloc : memref<!tpu.dma_semaphore, #tpu.memory_space<semaphore_mem>>
      %dma_start3A_43 = arith.constant 0 : i32
      %dma_start3A_44 = tpu.memref_slice %arg6[%add3A_9, %dma_start3A_43] : memref<10240x128xf32, #tpu.memory_space<vmem_shared>> -> memref<128x128xf32, #tpu.memory_space<vmem_shared>>
      %dma_start3A_45 = arith.constant 0 : i32
      %dma_start3A_46 = tpu.memref_slice %arg6[%add3A_9, %dma_start3A_45] : memref<10240x128xf32, #tpu.memory_space<vmem_shared>> -> memref<128x128xf32, #tpu.memory_space<vmem_shared>>
      tpu.enqueue_dma source(%arg11 : memref<128x128xf32, #tpu.memory_space<vmem>>) target(%dma_start3A_46 : memref<128x128xf32, #tpu.memory_space<vmem_shared>>) target_semaphore(%run_scoped3A_42 : memref<!tpu.dma_semaphore, #tpu.memory_space<semaphore_mem>>)
      %dma_wait3A = arith.constant 0 : i32
      %dma_wait3A_47 = tpu.memref_slice %arg6[%add3A_9, %dma_wait3A] : memref<10240x128xf32, #tpu.memory_space<vmem_shared>> -> memref<128x128xf32, #tpu.memory_space<vmem_shared>>
      %dma_wait3A_48 = arith.constant 0 : i32
      %dma_wait3A_49 = tpu.memref_slice %arg6[%add3A_9, %dma_wait3A_48] : memref<10240x128xf32, #tpu.memory_space<vmem_shared>> -> memref<128x128xf32, #tpu.memory_space<vmem_shared>>
      tpu.wait_dma2 semaphore(%run_scoped3A_42 : memref<!tpu.dma_semaphore, #tpu.memory_space<semaphore_mem>>) src(%arg11 : memref<128x128xf32, #tpu.memory_space<vmem>>) dst(%dma_wait3A_49 : memref<128x128xf32, #tpu.memory_space<vmem_shared>>)
      tpu.yield
    }) : () -> ()
    %mul3A_10 = arith.constant 640 : i32
    %mul3A_11 = arith.muli %arg1, %mul3A_10 : i32
    %add3A_12 = arith.constant 256 : i32
    %add3A_13 = arith.addi %mul3A_11, %add3A_12 : i32
    "tpu.region"() ({
      %run_scoped3A_42 = tpu.sem_alloc : memref<!tpu.dma_semaphore, #tpu.memory_space<semaphore_mem>>
      %dma_start3A_43 = arith.constant 0 : i32
      %dma_start3A_44 = tpu.memref_slice %arg6[%add3A_13, %dma_start3A_43] : memref<10240x128xf32, #tpu.memory_space<vmem_shared>> -> memref<128x128xf32, #tpu.memory_space<vmem_shared>>
      %dma_start3A_45 = arith.constant 0 : i32
      %dma_start3A_46 = tpu.memref_slice %arg6[%add3A_13, %dma_start3A_45] : memref<10240x128xf32, #tpu.memory_space<vmem_shared>> -> memref<128x128xf32, #tpu.memory_space<vmem_shared>>
      tpu.enqueue_dma source(%arg11 : memref<128x128xf32, #tpu.memory_space<vmem>>) target(%dma_start3A_46 : memref<128x128xf32, #tpu.memory_space<vmem_shared>>) target_semaphore(%run_scoped3A_42 : memref<!tpu.dma_semaphore, #tpu.memory_space<semaphore_mem>>)
      %dma_wait3A = arith.constant 0 : i32
      %dma_wait3A_47 = tpu.memref_slice %arg6[%add3A_13, %dma_wait3A] : memref<10240x128xf32, #tpu.memory_space<vmem_shared>> -> memref<128x128xf32, #tpu.memory_space<vmem_shared>>
      %dma_wait3A_48 = arith.constant 0 : i32
      %dma_wait3A_49 = tpu.memref_slice %arg6[%add3A_13, %dma_wait3A_48] : memref<10240x128xf32, #tpu.memory_space<vmem_shared>> -> memref<128x128xf32, #tpu.memory_space<vmem_shared>>
      tpu.wait_dma2 semaphore(%run_scoped3A_42 : memref<!tpu.dma_semaphore, #tpu.memory_space<semaphore_mem>>) src(%arg11 : memref<128x128xf32, #tpu.memory_space<vmem>>) dst(%dma_wait3A_49 : memref<128x128xf32, #tpu.memory_space<vmem_shared>>)
      tpu.yield
    }) : () -> ()
    %mul3A_14 = arith.constant 640 : i32
    %mul3A_15 = arith.muli %arg1, %mul3A_14 : i32
    %add3A_16 = arith.constant 384 : i32
    %add3A_17 = arith.addi %mul3A_15, %add3A_16 : i32
    "tpu.region"() ({
      %run_scoped3A_42 = tpu.sem_alloc : memref<!tpu.dma_semaphore, #tpu.memory_space<semaphore_mem>>
      %dma_start3A_43 = arith.constant 0 : i32
      %dma_start3A_44 = tpu.memref_slice %arg6[%add3A_17, %dma_start3A_43] : memref<10240x128xf32, #tpu.memory_space<vmem_shared>> -> memref<128x128xf32, #tpu.memory_space<vmem_shared>>
      %dma_start3A_45 = arith.constant 0 : i32
      %dma_start3A_46 = tpu.memref_slice %arg6[%add3A_17, %dma_start3A_45] : memref<10240x128xf32, #tpu.memory_space<vmem_shared>> -> memref<128x128xf32, #tpu.memory_space<vmem_shared>>
      tpu.enqueue_dma source(%arg11 : memref<128x128xf32, #tpu.memory_space<vmem>>) target(%dma_start3A_46 : memref<128x128xf32, #tpu.memory_space<vmem_shared>>) target_semaphore(%run_scoped3A_42 : memref<!tpu.dma_semaphore, #tpu.memory_space<semaphore_mem>>)
      %dma_wait3A = arith.constant 0 : i32
      %dma_wait3A_47 = tpu.memref_slice %arg6[%add3A_17, %dma_wait3A] : memref<10240x128xf32, #tpu.memory_space<vmem_shared>> -> memref<128x128xf32, #tpu.memory_space<vmem_shared>>
      %dma_wait3A_48 = arith.constant 0 : i32
      %dma_wait3A_49 = tpu.memref_slice %arg6[%add3A_17, %dma_wait3A_48] : memref<10240x128xf32, #tpu.memory_space<vmem_shared>> -> memref<128x128xf32, #tpu.memory_space<vmem_shared>>
      tpu.wait_dma2 semaphore(%run_scoped3A_42 : memref<!tpu.dma_semaphore, #tpu.memory_space<semaphore_mem>>) src(%arg11 : memref<128x128xf32, #tpu.memory_space<vmem>>) dst(%dma_wait3A_49 : memref<128x128xf32, #tpu.memory_space<vmem_shared>>)
      tpu.yield
    }) : () -> ()
    %mul3A_18 = arith.constant 640 : i32
    %mul3A_19 = arith.muli %arg1, %mul3A_18 : i32
    %add3A_20 = arith.constant 512 : i32
    %add3A_21 = arith.addi %mul3A_19, %add3A_20 : i32
    "tpu.region"() ({
      %run_scoped3A_42 = tpu.sem_alloc : memref<!tpu.dma_semaphore, #tpu.memory_space<semaphore_mem>>
      %dma_start3A_43 = arith.constant 0 : i32
      %dma_start3A_44 = tpu.memref_slice %arg6[%add3A_21, %dma_start3A_43] : memref<10240x128xf32, #tpu.memory_space<vmem_shared>> -> memref<128x128xf32, #tpu.memory_space<vmem_shared>>
      %dma_start3A_45 = arith.constant 0 : i32
      %dma_start3A_46 = tpu.memref_slice %arg6[%add3A_21, %dma_start3A_45] : memref<10240x128xf32, #tpu.memory_space<vmem_shared>> -> memref<128x128xf32, #tpu.memory_space<vmem_shared>>
      tpu.enqueue_dma source(%arg11 : memref<128x128xf32, #tpu.memory_space<vmem>>) target(%dma_start3A_46 : memref<128x128xf32, #tpu.memory_space<vmem_shared>>) target_semaphore(%run_scoped3A_42 : memref<!tpu.dma_semaphore, #tpu.memory_space<semaphore_mem>>)
      %dma_wait3A = arith.constant 0 : i32
      %dma_wait3A_47 = tpu.memref_slice %arg6[%add3A_21, %dma_wait3A] : memref<10240x128xf32, #tpu.memory_space<vmem_shared>> -> memref<128x128xf32, #tpu.memory_space<vmem_shared>>
      %dma_wait3A_48 = arith.constant 0 : i32
      %dma_wait3A_49 = tpu.memref_slice %arg6[%add3A_21, %dma_wait3A_48] : memref<10240x128xf32, #tpu.memory_space<vmem_shared>> -> memref<128x128xf32, #tpu.memory_space<vmem_shared>>
      tpu.wait_dma2 semaphore(%run_scoped3A_42 : memref<!tpu.dma_semaphore, #tpu.memory_space<semaphore_mem>>) src(%arg11 : memref<128x128xf32, #tpu.memory_space<vmem>>) dst(%dma_wait3A_49 : memref<128x128xf32, #tpu.memory_space<vmem_shared>>)
      tpu.yield
    }) : () -> ()
    %barrier3A = arith.constant 0 : index
    tpu.barrier barrier_id(%barrier3A)
    %run_scoped3A = arith.constant 0 : i32
    "tpu.region"() ({
      %run_scoped3A_42 = tpu.sem_alloc : memref<!tpu.dma_semaphore, #tpu.memory_space<semaphore_mem>>
      %dma_start3A_43 = arith.constant 0 : i32
      %dma_start3A_44 = tpu.memref_slice %arg3[%arg0, %arg1, %run_scoped3A, %dma_start3A_43] : memref<2x16x80x128xi32, #tpu.memory_space<hbm>> -> memref<1x1x1x128xi32, #tpu.memory_space<hbm>>
      %dma_start3A_45 = tpu.memref_squeeze %dma_start3A_44 : memref<1x1x1x128xi32, #tpu.memory_space<hbm>> -> memref<128xi32, #tpu.memory_space<hbm>>
      %dma_start3A_46 = arith.constant 0 : i32
      %dma_start3A_47 = tpu.memref_slice %arg3[%arg0, %arg1, %run_scoped3A, %dma_start3A_46] : memref<2x16x80x128xi32, #tpu.memory_space<hbm>> -> memref<1x1x1x128xi32, #tpu.memory_space<hbm>>
      %dma_start3A_48 = tpu.memref_squeeze %dma_start3A_47 : memref<1x1x1x128xi32, #tpu.memory_space<hbm>> -> memref<128xi32, #tpu.memory_space<hbm>>
      tpu.enqueue_dma source(%dma_start3A_48 : memref<128xi32, #tpu.memory_space<hbm>>) target(%arg7 : memref<128xi32, #tpu.memory_space<vmem>>) target_semaphore(%run_scoped3A_42 : memref<!tpu.dma_semaphore, #tpu.memory_space<semaphore_mem>>)
      %dma_wait3A = arith.constant 0 : i32
      %dma_wait3A_49 = tpu.memref_slice %arg3[%arg0, %arg1, %run_scoped3A, %dma_wait3A] : memref<2x16x80x128xi32, #tpu.memory_space<hbm>> -> memref<1x1x1x128xi32, #tpu.memory_space<hbm>>
      %dma_wait3A_50 = tpu.memref_squeeze %dma_wait3A_49 : memref<1x1x1x128xi32, #tpu.memory_space<hbm>> -> memref<128xi32, #tpu.memory_space<hbm>>
      %dma_wait3A_51 = arith.constant 0 : i32
      %dma_wait3A_52 = tpu.memref_slice %arg3[%arg0, %arg1, %run_scoped3A, %dma_wait3A_51] : memref<2x16x80x128xi32, #tpu.memory_space<hbm>> -> memref<1x1x1x128xi32, #tpu.memory_space<hbm>>
      %dma_wait3A_53 = tpu.memref_squeeze %dma_wait3A_52 : memref<1x1x1x128xi32, #tpu.memory_space<hbm>> -> memref<128xi32, #tpu.memory_space<hbm>>
      tpu.wait_dma2 semaphore(%run_scoped3A_42 : memref<!tpu.dma_semaphore, #tpu.memory_space<semaphore_mem>>) src(%dma_wait3A_53 : memref<128xi32, #tpu.memory_space<hbm>>) dst(%arg7 : memref<128xi32, #tpu.memory_space<vmem>>)
      tpu.yield
    }) : () -> ()
    %run_scoped3A_22 = arith.constant 0 : i32
    %run_scoped3A_23 = arith.constant 0 : i32
    "tpu.region"() ({
      %run_scoped3A_42 = tpu.sem_alloc : memref<!tpu.dma_semaphore, #tpu.memory_space<semaphore_mem>>
      %dma_start3A_43 = arith.constant 0 : i32
      %dma_start3A_44 = tpu.memref_slice %arg9[%run_scoped3A_23, %dma_start3A_43] : memref<1x128xi32, #tpu.memory_space<vmem>> -> memref<1x128xi32, #tpu.memory_space<vmem>>
      %dma_start3A_45 = tpu.memref_squeeze %dma_start3A_44 : memref<1x128xi32, #tpu.memory_space<vmem>> -> memref<128xi32, #tpu.memory_space<vmem>>
      %dma_start3A_46 = arith.constant 0 : i32
      %dma_start3A_47 = tpu.memref_slice %arg4[%arg1, %run_scoped3A_22, %dma_start3A_46] : memref<16x80x128xi32, #tpu.memory_space<hbm>> -> memref<1x1x128xi32, #tpu.memory_space<hbm>>
      %dma_start3A_48 = tpu.memref_squeeze %dma_start3A_47 : memref<1x1x128xi32, #tpu.memory_space<hbm>> -> memref<128xi32, #tpu.memory_space<hbm>>
      %dma_start3A_49 = arith.constant 0 : i32
      %dma_start3A_50 = tpu.memref_slice %arg9[%run_scoped3A_23, %dma_start3A_49] : memref<1x128xi32, #tpu.memory_space<vmem>> -> memref<1x128xi32, #tpu.memory_space<vmem>>
      %dma_start3A_51 = tpu.memref_squeeze %dma_start3A_50 : memref<1x128xi32, #tpu.memory_space<vmem>> -> memref<128xi32, #tpu.memory_space<vmem>>
      %dma_start3A_52 = arith.constant 0 : i32
      %dma_start3A_53 = tpu.memref_slice %arg4[%arg1, %run_scoped3A_22, %dma_start3A_52] : memref<16x80x128xi32, #tpu.memory_space<hbm>> -> memref<1x1x128xi32, #tpu.memory_space<hbm>>
      %dma_start3A_54 = tpu.memref_squeeze %dma_start3A_53 : memref<1x1x128xi32, #tpu.memory_space<hbm>> -> memref<128xi32, #tpu.memory_space<hbm>>
      tpu.enqueue_dma source(%dma_start3A_54 : memref<128xi32, #tpu.memory_space<hbm>>) target(%dma_start3A_51 : memref<128xi32, #tpu.memory_space<vmem>>) target_semaphore(%run_scoped3A_42 : memref<!tpu.dma_semaphore, #tpu.memory_space<semaphore_mem>>)
      %dma_wait3A = arith.constant 0 : i32
      %dma_wait3A_55 = tpu.memref_slice %arg9[%run_scoped3A_23, %dma_wait3A] : memref<1x128xi32, #tpu.memory_space<vmem>> -> memref<1x128xi32, #tpu.memory_space<vmem>>
      %dma_wait3A_56 = tpu.memref_squeeze %dma_wait3A_55 : memref<1x128xi32, #tpu.memory_space<vmem>> -> memref<128xi32, #tpu.memory_space<vmem>>
      %dma_wait3A_57 = arith.constant 0 : i32
      %dma_wait3A_58 = tpu.memref_slice %arg4[%arg1, %run_scoped3A_22, %dma_wait3A_57] : memref<16x80x128xi32, #tpu.memory_space<hbm>> -> memref<1x1x128xi32, #tpu.memory_space<hbm>>
      %dma_wait3A_59 = tpu.memref_squeeze %dma_wait3A_58 : memref<1x1x128xi32, #tpu.memory_space<hbm>> -> memref<128xi32, #tpu.memory_space<hbm>>
      %dma_wait3A_60 = arith.constant 0 : i32
      %dma_wait3A_61 = tpu.memref_slice %arg9[%run_scoped3A_23, %dma_wait3A_60] : memref<1x128xi32, #tpu.memory_space<vmem>> -> memref<1x128xi32, #tpu.memory_space<vmem>>
      %dma_wait3A_62 = tpu.memref_squeeze %dma_wait3A_61 : memref<1x128xi32, #tpu.memory_space<vmem>> -> memref<128xi32, #tpu.memory_space<vmem>>
      %dma_wait3A_63 = arith.constant 0 : i32
      %dma_wait3A_64 = tpu.memref_slice %arg4[%arg1, %run_scoped3A_22, %dma_wait3A_63] : memref<16x80x128xi32, #tpu.memory_space<hbm>> -> memref<1x1x128xi32, #tpu.memory_space<hbm>>
      %dma_wait3A_65 = tpu.memref_squeeze %dma_wait3A_64 : memref<1x1x128xi32, #tpu.memory_space<hbm>> -> memref<128xi32, #tpu.memory_space<hbm>>
      tpu.wait_dma2 semaphore(%run_scoped3A_42 : memref<!tpu.dma_semaphore, #tpu.memory_space<semaphore_mem>>) src(%dma_wait3A_65 : memref<128xi32, #tpu.memory_space<hbm>>) dst(%dma_wait3A_62 : memref<128xi32, #tpu.memory_space<vmem>>)
      tpu.yield
    }) : () -> ()
    %run_scoped3A_24 = arith.constant 1 : i32
    "tpu.region"() ({
      %run_scoped3A_42 = tpu.sem_alloc : memref<!tpu.dma_semaphore, #tpu.memory_space<semaphore_mem>>
      %dma_start3A_43 = arith.constant 0 : i32
      %dma_start3A_44 = tpu.memref_slice %arg3[%arg0, %arg1, %run_scoped3A_24, %dma_start3A_43] : memref<2x16x80x128xi32, #tpu.memory_space<hbm>> -> memref<1x1x1x128xi32, #tpu.memory_space<hbm>>
      %dma_start3A_45 = tpu.memref_squeeze %dma_start3A_44 : memref<1x1x1x128xi32, #tpu.memory_space<hbm>> -> memref<128xi32, #tpu.memory_space<hbm>>
      %dma_start3A_46 = arith.constant 0 : i32
      %dma_start3A_47 = tpu.memref_slice %arg3[%arg0, %arg1, %run_scoped3A_24, %dma_start3A_46] : memref<2x16x80x128xi32, #tpu.memory_space<hbm>> -> memref<1x1x1x128xi32, #tpu.memory_space<hbm>>
      %dma_start3A_48 = tpu.memref_squeeze %dma_start3A_47 : memref<1x1x1x128xi32, #tpu.memory_space<hbm>> -> memref<128xi32, #tpu.memory_space<hbm>>
      tpu.enqueue_dma source(%dma_start3A_48 : memref<128xi32, #tpu.memory_space<hbm>>) target(%arg8 : memref<128xi32, #tpu.memory_space<vmem>>) target_semaphore(%run_scoped3A_42 : memref<!tpu.dma_semaphore, #tpu.memory_space<semaphore_mem>>)
      %dma_wait3A = arith.constant 0 : i32
      %dma_wait3A_49 = tpu.memref_slice %arg3[%arg0, %arg1, %run_scoped3A_24, %dma_wait3A] : memref<2x16x80x128xi32, #tpu.memory_space<hbm>> -> memref<1x1x1x128xi32, #tpu.memory_space<hbm>>
      %dma_wait3A_50 = tpu.memref_squeeze %dma_wait3A_49 : memref<1x1x1x128xi32, #tpu.memory_space<hbm>> -> memref<128xi32, #tpu.memory_space<hbm>>
      %dma_wait3A_51 = arith.constant 0 : i32
      %dma_wait3A_52 = tpu.memref_slice %arg3[%arg0, %arg1, %run_scoped3A_24, %dma_wait3A_51] : memref<2x16x80x128xi32, #tpu.memory_space<hbm>> -> memref<1x1x1x128xi32, #tpu.memory_space<hbm>>
      %dma_wait3A_53 = tpu.memref_squeeze %dma_wait3A_52 : memref<1x1x1x128xi32, #tpu.memory_space<hbm>> -> memref<128xi32, #tpu.memory_space<hbm>>
      tpu.wait_dma2 semaphore(%run_scoped3A_42 : memref<!tpu.dma_semaphore, #tpu.memory_space<semaphore_mem>>) src(%dma_wait3A_53 : memref<128xi32, #tpu.memory_space<hbm>>) dst(%arg8 : memref<128xi32, #tpu.memory_space<vmem>>)
      tpu.yield
    }) : () -> ()
    %run_scoped3A_25 = arith.constant 1 : i32
    %run_scoped3A_26 = arith.constant 0 : i32
    "tpu.region"() ({
      %run_scoped3A_42 = tpu.sem_alloc : memref<!tpu.dma_semaphore, #tpu.memory_space<semaphore_mem>>
      %dma_start3A_43 = arith.constant 0 : i32
      %dma_start3A_44 = tpu.memref_slice %arg10[%run_scoped3A_26, %dma_start3A_43] : memref<1x128xi32, #tpu.memory_space<vmem>> -> memref<1x128xi32, #tpu.memory_space<vmem>>
      %dma_start3A_45 = tpu.memref_squeeze %dma_start3A_44 : memref<1x128xi32, #tpu.memory_space<vmem>> -> memref<128xi32, #tpu.memory_space<vmem>>
      %dma_start3A_46 = arith.constant 0 : i32
      %dma_start3A_47 = tpu.memref_slice %arg4[%arg1, %run_scoped3A_25, %dma_start3A_46] : memref<16x80x128xi32, #tpu.memory_space<hbm>> -> memref<1x1x128xi32, #tpu.memory_space<hbm>>
      %dma_start3A_48 = tpu.memref_squeeze %dma_start3A_47 : memref<1x1x128xi32, #tpu.memory_space<hbm>> -> memref<128xi32, #tpu.memory_space<hbm>>
      %dma_start3A_49 = arith.constant 0 : i32
      %dma_start3A_50 = tpu.memref_slice %arg10[%run_scoped3A_26, %dma_start3A_49] : memref<1x128xi32, #tpu.memory_space<vmem>> -> memref<1x128xi32, #tpu.memory_space<vmem>>
      %dma_start3A_51 = tpu.memref_squeeze %dma_start3A_50 : memref<1x128xi32, #tpu.memory_space<vmem>> -> memref<128xi32, #tpu.memory_space<vmem>>
      %dma_start3A_52 = arith.constant 0 : i32
      %dma_start3A_53 = tpu.memref_slice %arg4[%arg1, %run_scoped3A_25, %dma_start3A_52] : memref<16x80x128xi32, #tpu.memory_space<hbm>> -> memref<1x1x128xi32, #tpu.memory_space<hbm>>
      %dma_start3A_54 = tpu.memref_squeeze %dma_start3A_53 : memref<1x1x128xi32, #tpu.memory_space<hbm>> -> memref<128xi32, #tpu.memory_space<hbm>>
      tpu.enqueue_dma source(%dma_start3A_54 : memref<128xi32, #tpu.memory_space<hbm>>) target(%dma_start3A_51 : memref<128xi32, #tpu.memory_space<vmem>>) target_semaphore(%run_scoped3A_42 : memref<!tpu.dma_semaphore, #tpu.memory_space<semaphore_mem>>)
      %dma_wait3A = arith.constant 0 : i32
      %dma_wait3A_55 = tpu.memref_slice %arg10[%run_scoped3A_26, %dma_wait3A] : memref<1x128xi32, #tpu.memory_space<vmem>> -> memref<1x128xi32, #tpu.memory_space<vmem>>
      %dma_wait3A_56 = tpu.memref_squeeze %dma_wait3A_55 : memref<1x128xi32, #tpu.memory_space<vmem>> -> memref<128xi32, #tpu.memory_space<vmem>>
      %dma_wait3A_57 = arith.constant 0 : i32
      %dma_wait3A_58 = tpu.memref_slice %arg4[%arg1, %run_scoped3A_25, %dma_wait3A_57] : memref<16x80x128xi32, #tpu.memory_space<hbm>> -> memref<1x1x128xi32, #tpu.memory_space<hbm>>
      %dma_wait3A_59 = tpu.memref_squeeze %dma_wait3A_58 : memref<1x1x128xi32, #tpu.memory_space<hbm>> -> memref<128xi32, #tpu.memory_space<hbm>>
      %dma_wait3A_60 = arith.constant 0 : i32
      %dma_wait3A_61 = tpu.memref_slice %arg10[%run_scoped3A_26, %dma_wait3A_60] : memref<1x128xi32, #tpu.memory_space<vmem>> -> memref<1x128xi32, #tpu.memory_space<vmem>>
      %dma_wait3A_62 = tpu.memref_squeeze %dma_wait3A_61 : memref<1x128xi32, #tpu.memory_space<vmem>> -> memref<128xi32, #tpu.memory_space<vmem>>
      %dma_wait3A_63 = arith.constant 0 : i32
      %dma_wait3A_64 = tpu.memref_slice %arg4[%arg1, %run_scoped3A_25, %dma_wait3A_63] : memref<16x80x128xi32, #tpu.memory_space<hbm>> -> memref<1x1x128xi32, #tpu.memory_space<hbm>>
      %dma_wait3A_65 = tpu.memref_squeeze %dma_wait3A_64 : memref<1x1x128xi32, #tpu.memory_space<hbm>> -> memref<128xi32, #tpu.memory_space<hbm>>
      tpu.wait_dma2 semaphore(%run_scoped3A_42 : memref<!tpu.dma_semaphore, #tpu.memory_space<semaphore_mem>>) src(%dma_wait3A_65 : memref<128xi32, #tpu.memory_space<hbm>>) dst(%dma_wait3A_62 : memref<128xi32, #tpu.memory_space<vmem>>)
      tpu.yield
    }) : () -> ()
    %dma_start3A = arith.constant 0 : i32
    %dma_start3A_27 = arith.constant 0 : i32
    %dma_start3A_28 = tpu.memref_slice %arg2[%dma_start3A, %dma_start3A_27] : memref<20480x128xf32, #tpu.memory_space<hbm>> -> memref<20480x128xf32, #tpu.memory_space<hbm>>
    tpu.enqueue_indirect_dma source(%dma_start3A_28 : memref<20480x128xf32, #tpu.memory_space<hbm>>) target(%arg11 : memref<128x128xf32, #tpu.memory_space<vmem>>) offsets(%arg7 : memref<128xi32, #tpu.memory_space<vmem>>) semaphore(%arg13 : memref<!tpu.dma_semaphore, #tpu.memory_space<semaphore_mem>>)
    %dma_start3A_29 = arith.constant 0 : i32
    %dma_start3A_30 = arith.constant 0 : i32
    %dma_start3A_31 = tpu.memref_slice %arg2[%dma_start3A_29, %dma_start3A_30] : memref<20480x128xf32, #tpu.memory_space<hbm>> -> memref<20480x128xf32, #tpu.memory_space<hbm>>
    tpu.enqueue_indirect_dma source(%dma_start3A_31 : memref<20480x128xf32, #tpu.memory_space<hbm>>) target(%arg12 : memref<128x128xf32, #tpu.memory_space<vmem>>) offsets(%arg8 : memref<128xi32, #tpu.memory_space<vmem>>) semaphore(%arg14 : memref<!tpu.dma_semaphore, #tpu.memory_space<semaphore_mem>>)
    %scan3A_32 = arith.constant 0 : i32
    %scan3A_33 = arith.constant 40 : i32
    %scan3A_34 = arith.addi %scan3A_32, %scan3A_33 : i32
    %scan3A_35 = arith.constant 1 : i32
    scf.for %scan3A_42 = %scan3A_32 to %scan3A_34 step %scan3A_35  : i32 {
      %mul3A_43 = arith.constant 2 : i32
      %mul3A_44 = arith.muli %mul3A_43, %scan3A_42 : i32
      %add3A_45 = arith.constant 0 : i32
      %add3A_46 = arith.addi %mul3A_44, %add3A_45 : i32
      %dma_wait3A = arith.constant 0 : i32
      %dma_wait3A_47 = arith.constant 0 : i32
      %dma_wait3A_48 = tpu.memref_slice %arg2[%dma_wait3A, %dma_wait3A_47] : memref<20480x128xf32, #tpu.memory_space<hbm>> -> memref<20480x128xf32, #tpu.memory_space<hbm>>
      tpu.wait_indirect_dma semaphore(%arg13 : memref<!tpu.dma_semaphore, #tpu.memory_space<semaphore_mem>>) src(%dma_wait3A_48 : memref<20480x128xf32, #tpu.memory_space<hbm>>) dst(%arg11 : memref<128x128xf32, #tpu.memory_space<vmem>>)
      %add3A_49 = arith.constant 2 : i32
      %add3A_50 = arith.addi %add3A_46, %add3A_49 : i32
      %lt3A = arith.constant 80 : i32
      %lt3A_51 = arith.cmpi slt, %add3A_50, %lt3A : i32
      %convert_element_type3A = arith.extui %lt3A_51 : i1 to i32
      %cond3A = arith.constant 0 : i32
      %cond3A_52 = arith.cmpi ne, %convert_element_type3A, %cond3A : i32
      scf.if %cond3A_52 {
        %add3A_92 = arith.constant 2 : i32
        %add3A_93 = arith.addi %add3A_46, %add3A_92 : i32
        %dma_start3A_94 = arith.constant 0 : i32
        %dma_start3A_95 = tpu.memref_slice %arg3[%arg0, %arg1, %add3A_93, %dma_start3A_94] : memref<2x16x80x128xi32, #tpu.memory_space<hbm>> -> memref<1x1x1x128xi32, #tpu.memory_space<hbm>>
        %dma_start3A_96 = tpu.memref_squeeze %dma_start3A_95 : memref<1x1x1x128xi32, #tpu.memory_space<hbm>> -> memref<128xi32, #tpu.memory_space<hbm>>
        %dma_start3A_97 = arith.constant 0 : i32
        %dma_start3A_98 = tpu.memref_slice %arg3[%arg0, %arg1, %add3A_93, %dma_start3A_97] : memref<2x16x80x128xi32, #tpu.memory_space<hbm>> -> memref<1x1x1x128xi32, #tpu.memory_space<hbm>>
        %dma_start3A_99 = tpu.memref_squeeze %dma_start3A_98 : memref<1x1x1x128xi32, #tpu.memory_space<hbm>> -> memref<128xi32, #tpu.memory_space<hbm>>
        tpu.enqueue_dma source(%dma_start3A_99 : memref<128xi32, #tpu.memory_space<hbm>>) target(%arg7 : memref<128xi32, #tpu.memory_space<vmem>>) target_semaphore(%arg15 : memref<!tpu.dma_semaphore, #tpu.memory_space<semaphore_mem>>)
      } else {
      }
      %ge3A = arith.constant 2 : i32
      %ge3A_53 = arith.cmpi sge, %add3A_46, %ge3A : i32
      %convert_element_type3A_54 = arith.extui %ge3A_53 : i1 to i32
      %cond3A_55 = arith.constant 0 : i32
      %cond3A_56 = arith.cmpi ne, %convert_element_type3A_54, %cond3A_55 : i32
      scf.if %cond3A_56 {
        %dma_wait3A_92 = arith.constant 0 : i32
        %dma_wait3A_93 = arith.constant 0 : i32
        %dma_wait3A_94 = tpu.memref_slice %arg9[%dma_wait3A_92, %dma_wait3A_93] : memref<1x128xi32, #tpu.memory_space<vmem>> -> memref<1x128xi32, #tpu.memory_space<vmem>>
        %dma_wait3A_95 = tpu.memref_squeeze %dma_wait3A_94 : memref<1x128xi32, #tpu.memory_space<vmem>> -> memref<128xi32, #tpu.memory_space<vmem>>
        %dma_wait3A_96 = arith.constant 0 : i32
        %dma_wait3A_97 = tpu.memref_slice %arg4[%arg1, %add3A_46, %dma_wait3A_96] : memref<16x80x128xi32, #tpu.memory_space<hbm>> -> memref<1x1x128xi32, #tpu.memory_space<hbm>>
        %dma_wait3A_98 = tpu.memref_squeeze %dma_wait3A_97 : memref<1x1x128xi32, #tpu.memory_space<hbm>> -> memref<128xi32, #tpu.memory_space<hbm>>
        %dma_wait3A_99 = arith.constant 0 : i32
        %dma_wait3A_100 = tpu.memref_slice %arg9[%dma_wait3A_92, %dma_wait3A_99] : memref<1x128xi32, #tpu.memory_space<vmem>> -> memref<1x128xi32, #tpu.memory_space<vmem>>
        %dma_wait3A_101 = tpu.memref_squeeze %dma_wait3A_100 : memref<1x128xi32, #tpu.memory_space<vmem>> -> memref<128xi32, #tpu.memory_space<vmem>>
        %dma_wait3A_102 = arith.constant 0 : i32
        %dma_wait3A_103 = tpu.memref_slice %arg4[%arg1, %add3A_46, %dma_wait3A_102] : memref<16x80x128xi32, #tpu.memory_space<hbm>> -> memref<1x1x128xi32, #tpu.memory_space<hbm>>
        %dma_wait3A_104 = tpu.memref_squeeze %dma_wait3A_103 : memref<1x1x128xi32, #tpu.memory_space<hbm>> -> memref<128xi32, #tpu.memory_space<hbm>>
        tpu.wait_dma2 semaphore(%arg17 : memref<!tpu.dma_semaphore, #tpu.memory_space<semaphore_mem>>) src(%dma_wait3A_104 : memref<128xi32, #tpu.memory_space<hbm>>) dst(%dma_wait3A_101 : memref<128xi32, #tpu.memory_space<vmem>>)
      } else {
      }
      %run_scoped3A_57 = arith.constant 0 : i32
      "tpu.region"() ({
        %run_scoped3A_92 = tpu.sem_alloc : memref<!tpu.dma_semaphore, #tpu.memory_space<semaphore_mem>>
        %dma_start3A_93 = arith.constant 0 : i32
        %dma_start3A_94 = tpu.memref_slice %arg9[%run_scoped3A_57, %dma_start3A_93] : memref<1x128xi32, #tpu.memory_space<vmem>> -> memref<1x128xi32, #tpu.memory_space<vmem>>
        %dma_start3A_95 = tpu.memref_squeeze %dma_start3A_94 : memref<1x128xi32, #tpu.memory_space<vmem>> -> memref<128xi32, #tpu.memory_space<vmem>>
        %dma_start3A_96 = arith.constant 0 : i32
        %dma_start3A_97 = arith.constant 0 : i32
        %dma_start3A_98 = tpu.memref_slice %arg6[%dma_start3A_96, %dma_start3A_97] : memref<10240x128xf32, #tpu.memory_space<vmem_shared>> -> memref<10240x128xf32, #tpu.memory_space<vmem_shared>>
        tpu.enqueue_indirect_dma source(%arg11 : memref<128x128xf32, #tpu.memory_space<vmem>>) target(%dma_start3A_98 : memref<10240x128xf32, #tpu.memory_space<vmem_shared>>) offsets(%dma_start3A_95 : memref<128xi32, #tpu.memory_space<vmem>>) semaphore(%run_scoped3A_92 : memref<!tpu.dma_semaphore, #tpu.memory_space<semaphore_mem>>) {add = true}
        %dma_wait3A_99 = arith.constant 0 : i32
        %dma_wait3A_100 = tpu.memref_slice %arg9[%run_scoped3A_57, %dma_wait3A_99] : memref<1x128xi32, #tpu.memory_space<vmem>> -> memref<1x128xi32, #tpu.memory_space<vmem>>
        %dma_wait3A_101 = tpu.memref_squeeze %dma_wait3A_100 : memref<1x128xi32, #tpu.memory_space<vmem>> -> memref<128xi32, #tpu.memory_space<vmem>>
        %dma_wait3A_102 = arith.constant 0 : i32
        %dma_wait3A_103 = arith.constant 0 : i32
        %dma_wait3A_104 = tpu.memref_slice %arg6[%dma_wait3A_102, %dma_wait3A_103] : memref<10240x128xf32, #tpu.memory_space<vmem_shared>> -> memref<10240x128xf32, #tpu.memory_space<vmem_shared>>
        tpu.wait_indirect_dma semaphore(%run_scoped3A_92 : memref<!tpu.dma_semaphore, #tpu.memory_space<semaphore_mem>>) src(%arg11 : memref<128x128xf32, #tpu.memory_space<vmem>>) dst(%dma_wait3A_104 : memref<10240x128xf32, #tpu.memory_space<vmem_shared>>)
        tpu.yield
      }) : () -> ()
      %add3A_58 = arith.constant 2 : i32
      %add3A_59 = arith.addi %add3A_46, %add3A_58 : i32
      %lt3A_60 = arith.constant 80 : i32
      %lt3A_61 = arith.cmpi slt, %add3A_59, %lt3A_60 : i32
      %convert_element_type3A_62 = arith.extui %lt3A_61 : i1 to i32
      %cond3A_63 = arith.constant 0 : i32
      %cond3A_64 = arith.cmpi ne, %convert_element_type3A_62, %cond3A_63 : i32
      scf.if %cond3A_64 {
        %add3A_92 = arith.constant 2 : i32
        %add3A_93 = arith.addi %add3A_46, %add3A_92 : i32
        %dma_start3A_94 = arith.constant 0 : i32
        %dma_start3A_95 = arith.constant 0 : i32
        %dma_start3A_96 = tpu.memref_slice %arg9[%dma_start3A_94, %dma_start3A_95] : memref<1x128xi32, #tpu.memory_space<vmem>> -> memref<1x128xi32, #tpu.memory_space<vmem>>
        %dma_start3A_97 = tpu.memref_squeeze %dma_start3A_96 : memref<1x128xi32, #tpu.memory_space<vmem>> -> memref<128xi32, #tpu.memory_space<vmem>>
        %dma_start3A_98 = arith.constant 0 : i32
        %dma_start3A_99 = tpu.memref_slice %arg4[%arg1, %add3A_93, %dma_start3A_98] : memref<16x80x128xi32, #tpu.memory_space<hbm>> -> memref<1x1x128xi32, #tpu.memory_space<hbm>>
        %dma_start3A_100 = tpu.memref_squeeze %dma_start3A_99 : memref<1x1x128xi32, #tpu.memory_space<hbm>> -> memref<128xi32, #tpu.memory_space<hbm>>
        %dma_start3A_101 = arith.constant 0 : i32
        %dma_start3A_102 = tpu.memref_slice %arg9[%dma_start3A_94, %dma_start3A_101] : memref<1x128xi32, #tpu.memory_space<vmem>> -> memref<1x128xi32, #tpu.memory_space<vmem>>
        %dma_start3A_103 = tpu.memref_squeeze %dma_start3A_102 : memref<1x128xi32, #tpu.memory_space<vmem>> -> memref<128xi32, #tpu.memory_space<vmem>>
        %dma_start3A_104 = arith.constant 0 : i32
        %dma_start3A_105 = tpu.memref_slice %arg4[%arg1, %add3A_93, %dma_start3A_104] : memref<16x80x128xi32, #tpu.memory_space<hbm>> -> memref<1x1x128xi32, #tpu.memory_space<hbm>>
        %dma_start3A_106 = tpu.memref_squeeze %dma_start3A_105 : memref<1x1x128xi32, #tpu.memory_space<hbm>> -> memref<128xi32, #tpu.memory_space<hbm>>
        tpu.enqueue_dma source(%dma_start3A_106 : memref<128xi32, #tpu.memory_space<hbm>>) target(%dma_start3A_103 : memref<128xi32, #tpu.memory_space<vmem>>) target_semaphore(%arg17 : memref<!tpu.dma_semaphore, #tpu.memory_space<semaphore_mem>>)
        %add3A_107 = arith.constant 2 : i32
        %add3A_108 = arith.addi %add3A_46, %add3A_107 : i32
        %dma_wait3A_109 = arith.constant 0 : i32
        %dma_wait3A_110 = tpu.memref_slice %arg3[%arg0, %arg1, %add3A_108, %dma_wait3A_109] : memref<2x16x80x128xi32, #tpu.memory_space<hbm>> -> memref<1x1x1x128xi32, #tpu.memory_space<hbm>>
        %dma_wait3A_111 = tpu.memref_squeeze %dma_wait3A_110 : memref<1x1x1x128xi32, #tpu.memory_space<hbm>> -> memref<128xi32, #tpu.memory_space<hbm>>
        %dma_wait3A_112 = arith.constant 0 : i32
        %dma_wait3A_113 = tpu.memref_slice %arg3[%arg0, %arg1, %add3A_108, %dma_wait3A_112] : memref<2x16x80x128xi32, #tpu.memory_space<hbm>> -> memref<1x1x1x128xi32, #tpu.memory_space<hbm>>
        %dma_wait3A_114 = tpu.memref_squeeze %dma_wait3A_113 : memref<1x1x1x128xi32, #tpu.memory_space<hbm>> -> memref<128xi32, #tpu.memory_space<hbm>>
        tpu.wait_dma2 semaphore(%arg15 : memref<!tpu.dma_semaphore, #tpu.memory_space<semaphore_mem>>) src(%dma_wait3A_114 : memref<128xi32, #tpu.memory_space<hbm>>) dst(%arg7 : memref<128xi32, #tpu.memory_space<vmem>>)
        %dma_start3A_115 = arith.constant 0 : i32
        %dma_start3A_116 = arith.constant 0 : i32
        %dma_start3A_117 = tpu.memref_slice %arg2[%dma_start3A_115, %dma_start3A_116] : memref<20480x128xf32, #tpu.memory_space<hbm>> -> memref<20480x128xf32, #tpu.memory_space<hbm>>
        tpu.enqueue_indirect_dma source(%dma_start3A_117 : memref<20480x128xf32, #tpu.memory_space<hbm>>) target(%arg11 : memref<128x128xf32, #tpu.memory_space<vmem>>) offsets(%arg7 : memref<128xi32, #tpu.memory_space<vmem>>) semaphore(%arg13 : memref<!tpu.dma_semaphore, #tpu.memory_space<semaphore_mem>>)
      } else {
      }
      %mul3A_65 = arith.constant 2 : i32
      %mul3A_66 = arith.muli %mul3A_65, %scan3A_42 : i32
      %add3A_67 = arith.constant 1 : i32
      %add3A_68 = arith.addi %mul3A_66, %add3A_67 : i32
      %dma_wait3A_69 = arith.constant 0 : i32
      %dma_wait3A_70 = arith.constant 0 : i32
      %dma_wait3A_71 = tpu.memref_slice %arg2[%dma_wait3A_69, %dma_wait3A_70] : memref<20480x128xf32, #tpu.memory_space<hbm>> -> memref<20480x128xf32, #tpu.memory_space<hbm>>
      tpu.wait_indirect_dma semaphore(%arg14 : memref<!tpu.dma_semaphore, #tpu.memory_space<semaphore_mem>>) src(%dma_wait3A_71 : memref<20480x128xf32, #tpu.memory_space<hbm>>) dst(%arg12 : memref<128x128xf32, #tpu.memory_space<vmem>>)
      %add3A_72 = arith.constant 2 : i32
      %add3A_73 = arith.addi %add3A_68, %add3A_72 : i32
      %lt3A_74 = arith.constant 80 : i32
      %lt3A_75 = arith.cmpi slt, %add3A_73, %lt3A_74 : i32
      %convert_element_type3A_76 = arith.extui %lt3A_75 : i1 to i32
      %cond3A_77 = arith.constant 0 : i32
      %cond3A_78 = arith.cmpi ne, %convert_element_type3A_76, %cond3A_77 : i32
      scf.if %cond3A_78 {
        %add3A_92 = arith.constant 2 : i32
        %add3A_93 = arith.addi %add3A_68, %add3A_92 : i32
        %dma_start3A_94 = arith.constant 0 : i32
        %dma_start3A_95 = tpu.memref_slice %arg3[%arg0, %arg1, %add3A_93, %dma_start3A_94] : memref<2x16x80x128xi32, #tpu.memory_space<hbm>> -> memref<1x1x1x128xi32, #tpu.memory_space<hbm>>
        %dma_start3A_96 = tpu.memref_squeeze %dma_start3A_95 : memref<1x1x1x128xi32, #tpu.memory_space<hbm>> -> memref<128xi32, #tpu.memory_space<hbm>>
        %dma_start3A_97 = arith.constant 0 : i32
        %dma_start3A_98 = tpu.memref_slice %arg3[%arg0, %arg1, %add3A_93, %dma_start3A_97] : memref<2x16x80x128xi32, #tpu.memory_space<hbm>> -> memref<1x1x1x128xi32, #tpu.memory_space<hbm>>
        %dma_start3A_99 = tpu.memref_squeeze %dma_start3A_98 : memref<1x1x1x128xi32, #tpu.memory_space<hbm>> -> memref<128xi32, #tpu.memory_space<hbm>>
        tpu.enqueue_dma source(%dma_start3A_99 : memref<128xi32, #tpu.memory_space<hbm>>) target(%arg8 : memref<128xi32, #tpu.memory_space<vmem>>) target_semaphore(%arg16 : memref<!tpu.dma_semaphore, #tpu.memory_space<semaphore_mem>>)
      } else {
      }
      %ge3A_79 = arith.constant 2 : i32
      %ge3A_80 = arith.cmpi sge, %add3A_68, %ge3A_79 : i32
      %convert_element_type3A_81 = arith.extui %ge3A_80 : i1 to i32
      %cond3A_82 = arith.constant 0 : i32
      %cond3A_83 = arith.cmpi ne, %convert_element_type3A_81, %cond3A_82 : i32
      scf.if %cond3A_83 {
        %dma_wait3A_92 = arith.constant 0 : i32
        %dma_wait3A_93 = arith.constant 0 : i32
        %dma_wait3A_94 = tpu.memref_slice %arg10[%dma_wait3A_92, %dma_wait3A_93] : memref<1x128xi32, #tpu.memory_space<vmem>> -> memref<1x128xi32, #tpu.memory_space<vmem>>
        %dma_wait3A_95 = tpu.memref_squeeze %dma_wait3A_94 : memref<1x128xi32, #tpu.memory_space<vmem>> -> memref<128xi32, #tpu.memory_space<vmem>>
        %dma_wait3A_96 = arith.constant 0 : i32
        %dma_wait3A_97 = tpu.memref_slice %arg4[%arg1, %add3A_68, %dma_wait3A_96] : memref<16x80x128xi32, #tpu.memory_space<hbm>> -> memref<1x1x128xi32, #tpu.memory_space<hbm>>
        %dma_wait3A_98 = tpu.memref_squeeze %dma_wait3A_97 : memref<1x1x128xi32, #tpu.memory_space<hbm>> -> memref<128xi32, #tpu.memory_space<hbm>>
        %dma_wait3A_99 = arith.constant 0 : i32
        %dma_wait3A_100 = tpu.memref_slice %arg10[%dma_wait3A_92, %dma_wait3A_99] : memref<1x128xi32, #tpu.memory_space<vmem>> -> memref<1x128xi32, #tpu.memory_space<vmem>>
        %dma_wait3A_101 = tpu.memref_squeeze %dma_wait3A_100 : memref<1x128xi32, #tpu.memory_space<vmem>> -> memref<128xi32, #tpu.memory_space<vmem>>
        %dma_wait3A_102 = arith.constant 0 : i32
        %dma_wait3A_103 = tpu.memref_slice %arg4[%arg1, %add3A_68, %dma_wait3A_102] : memref<16x80x128xi32, #tpu.memory_space<hbm>> -> memref<1x1x128xi32, #tpu.memory_space<hbm>>
        %dma_wait3A_104 = tpu.memref_squeeze %dma_wait3A_103 : memref<1x1x128xi32, #tpu.memory_space<hbm>> -> memref<128xi32, #tpu.memory_space<hbm>>
        tpu.wait_dma2 semaphore(%arg18 : memref<!tpu.dma_semaphore, #tpu.memory_space<semaphore_mem>>) src(%dma_wait3A_104 : memref<128xi32, #tpu.memory_space<hbm>>) dst(%dma_wait3A_101 : memref<128xi32, #tpu.memory_space<vmem>>)
      } else {
      }
      %run_scoped3A_84 = arith.constant 0 : i32
      "tpu.region"() ({
        %run_scoped3A_92 = tpu.sem_alloc : memref<!tpu.dma_semaphore, #tpu.memory_space<semaphore_mem>>
        %dma_start3A_93 = arith.constant 0 : i32
        %dma_start3A_94 = tpu.memref_slice %arg10[%run_scoped3A_84, %dma_start3A_93] : memref<1x128xi32, #tpu.memory_space<vmem>> -> memref<1x128xi32, #tpu.memory_space<vmem>>
        %dma_start3A_95 = tpu.memref_squeeze %dma_start3A_94 : memref<1x128xi32, #tpu.memory_space<vmem>> -> memref<128xi32, #tpu.memory_space<vmem>>
        %dma_start3A_96 = arith.constant 0 : i32
        %dma_start3A_97 = arith.constant 0 : i32
        %dma_start3A_98 = tpu.memref_slice %arg6[%dma_start3A_96, %dma_start3A_97] : memref<10240x128xf32, #tpu.memory_space<vmem_shared>> -> memref<10240x128xf32, #tpu.memory_space<vmem_shared>>
        tpu.enqueue_indirect_dma source(%arg12 : memref<128x128xf32, #tpu.memory_space<vmem>>) target(%dma_start3A_98 : memref<10240x128xf32, #tpu.memory_space<vmem_shared>>) offsets(%dma_start3A_95 : memref<128xi32, #tpu.memory_space<vmem>>) semaphore(%run_scoped3A_92 : memref<!tpu.dma_semaphore, #tpu.memory_space<semaphore_mem>>) {add = true}
        %dma_wait3A_99 = arith.constant 0 : i32
        %dma_wait3A_100 = tpu.memref_slice %arg10[%run_scoped3A_84, %dma_wait3A_99] : memref<1x128xi32, #tpu.memory_space<vmem>> -> memref<1x128xi32, #tpu.memory_space<vmem>>
        %dma_wait3A_101 = tpu.memref_squeeze %dma_wait3A_100 : memref<1x128xi32, #tpu.memory_space<vmem>> -> memref<128xi32, #tpu.memory_space<vmem>>
        %dma_wait3A_102 = arith.constant 0 : i32
        %dma_wait3A_103 = arith.constant 0 : i32
        %dma_wait3A_104 = tpu.memref_slice %arg6[%dma_wait3A_102, %dma_wait3A_103] : memref<10240x128xf32, #tpu.memory_space<vmem_shared>> -> memref<10240x128xf32, #tpu.memory_space<vmem_shared>>
        tpu.wait_indirect_dma semaphore(%run_scoped3A_92 : memref<!tpu.dma_semaphore, #tpu.memory_space<semaphore_mem>>) src(%arg12 : memref<128x128xf32, #tpu.memory_space<vmem>>) dst(%dma_wait3A_104 : memref<10240x128xf32, #tpu.memory_space<vmem_shared>>)
        tpu.yield
      }) : () -> ()
      %add3A_85 = arith.constant 2 : i32
      %add3A_86 = arith.addi %add3A_68, %add3A_85 : i32
      %lt3A_87 = arith.constant 80 : i32
      %lt3A_88 = arith.cmpi slt, %add3A_86, %lt3A_87 : i32
      %convert_element_type3A_89 = arith.extui %lt3A_88 : i1 to i32
      %cond3A_90 = arith.constant 0 : i32
      %cond3A_91 = arith.cmpi ne, %convert_element_type3A_89, %cond3A_90 : i32
      scf.if %cond3A_91 {
        %add3A_92 = arith.constant 2 : i32
        %add3A_93 = arith.addi %add3A_68, %add3A_92 : i32
        %dma_start3A_94 = arith.constant 0 : i32
        %dma_start3A_95 = arith.constant 0 : i32
        %dma_start3A_96 = tpu.memref_slice %arg10[%dma_start3A_94, %dma_start3A_95] : memref<1x128xi32, #tpu.memory_space<vmem>> -> memref<1x128xi32, #tpu.memory_space<vmem>>
        %dma_start3A_97 = tpu.memref_squeeze %dma_start3A_96 : memref<1x128xi32, #tpu.memory_space<vmem>> -> memref<128xi32, #tpu.memory_space<vmem>>
        %dma_start3A_98 = arith.constant 0 : i32
        %dma_start3A_99 = tpu.memref_slice %arg4[%arg1, %add3A_93, %dma_start3A_98] : memref<16x80x128xi32, #tpu.memory_space<hbm>> -> memref<1x1x128xi32, #tpu.memory_space<hbm>>
        %dma_start3A_100 = tpu.memref_squeeze %dma_start3A_99 : memref<1x1x128xi32, #tpu.memory_space<hbm>> -> memref<128xi32, #tpu.memory_space<hbm>>
        %dma_start3A_101 = arith.constant 0 : i32
        %dma_start3A_102 = tpu.memref_slice %arg10[%dma_start3A_94, %dma_start3A_101] : memref<1x128xi32, #tpu.memory_space<vmem>> -> memref<1x128xi32, #tpu.memory_space<vmem>>
        %dma_start3A_103 = tpu.memref_squeeze %dma_start3A_102 : memref<1x128xi32, #tpu.memory_space<vmem>> -> memref<128xi32, #tpu.memory_space<vmem>>
        %dma_start3A_104 = arith.constant 0 : i32
        %dma_start3A_105 = tpu.memref_slice %arg4[%arg1, %add3A_93, %dma_start3A_104] : memref<16x80x128xi32, #tpu.memory_space<hbm>> -> memref<1x1x128xi32, #tpu.memory_space<hbm>>
        %dma_start3A_106 = tpu.memref_squeeze %dma_start3A_105 : memref<1x1x128xi32, #tpu.memory_space<hbm>> -> memref<128xi32, #tpu.memory_space<hbm>>
        tpu.enqueue_dma source(%dma_start3A_106 : memref<128xi32, #tpu.memory_space<hbm>>) target(%dma_start3A_103 : memref<128xi32, #tpu.memory_space<vmem>>) target_semaphore(%arg18 : memref<!tpu.dma_semaphore, #tpu.memory_space<semaphore_mem>>)
        %add3A_107 = arith.constant 2 : i32
        %add3A_108 = arith.addi %add3A_68, %add3A_107 : i32
        %dma_wait3A_109 = arith.constant 0 : i32
        %dma_wait3A_110 = tpu.memref_slice %arg3[%arg0, %arg1, %add3A_108, %dma_wait3A_109] : memref<2x16x80x128xi32, #tpu.memory_space<hbm>> -> memref<1x1x1x128xi32, #tpu.memory_space<hbm>>
        %dma_wait3A_111 = tpu.memref_squeeze %dma_wait3A_110 : memref<1x1x1x128xi32, #tpu.memory_space<hbm>> -> memref<128xi32, #tpu.memory_space<hbm>>
        %dma_wait3A_112 = arith.constant 0 : i32
        %dma_wait3A_113 = tpu.memref_slice %arg3[%arg0, %arg1, %add3A_108, %dma_wait3A_112] : memref<2x16x80x128xi32, #tpu.memory_space<hbm>> -> memref<1x1x1x128xi32, #tpu.memory_space<hbm>>
        %dma_wait3A_114 = tpu.memref_squeeze %dma_wait3A_113 : memref<1x1x1x128xi32, #tpu.memory_space<hbm>> -> memref<128xi32, #tpu.memory_space<hbm>>
        tpu.wait_dma2 semaphore(%arg16 : memref<!tpu.dma_semaphore, #tpu.memory_space<semaphore_mem>>) src(%dma_wait3A_114 : memref<128xi32, #tpu.memory_space<hbm>>) dst(%arg8 : memref<128xi32, #tpu.memory_space<vmem>>)
        %dma_start3A_115 = arith.constant 0 : i32
        %dma_start3A_116 = arith.constant 0 : i32
        %dma_start3A_117 = tpu.memref_slice %arg2[%dma_start3A_115, %dma_start3A_116] : memref<20480x128xf32, #tpu.memory_space<hbm>> -> memref<20480x128xf32, #tpu.memory_space<hbm>>
        tpu.enqueue_indirect_dma source(%dma_start3A_117 : memref<20480x128xf32, #tpu.memory_space<hbm>>) target(%arg12 : memref<128x128xf32, #tpu.memory_space<vmem>>) offsets(%arg8 : memref<128xi32, #tpu.memory_space<vmem>>) semaphore(%arg14 : memref<!tpu.dma_semaphore, #tpu.memory_space<semaphore_mem>>)
      } else {
      }
    }
    %scan3A_36 = arith.constant 40 : i32
    %barrier3A_37 = arith.constant 0 : index
    tpu.barrier barrier_id(%barrier3A_37)
    %mul3A_38 = arith.constant 640 : i32
    %mul3A_39 = arith.muli %arg1, %mul3A_38 : i32
    %mul3A_40 = arith.constant 640 : i32
    %mul3A_41 = arith.muli %arg1, %mul3A_40 : i32
    "tpu.region"() ({
      %run_scoped3A_42 = tpu.sem_alloc : memref<!tpu.dma_semaphore, #tpu.memory_space<semaphore_mem>>
      %dma_start3A_43 = arith.constant 0 : i32
      %dma_start3A_44 = tpu.memref_slice %arg5[%arg0, %mul3A_41, %dma_start3A_43] : memref<2x10240x128xf32, #tpu.memory_space<hbm>> -> memref<1x640x128xf32, #tpu.memory_space<hbm>>
      %dma_start3A_45 = tpu.memref_squeeze %dma_start3A_44 : memref<1x640x128xf32, #tpu.memory_space<hbm>> -> memref<640x128xf32, #tpu.memory_space<hbm>>
      %dma_start3A_46 = arith.constant 0 : i32
      %dma_start3A_47 = tpu.memref_slice %arg6[%mul3A_39, %dma_start3A_46] : memref<10240x128xf32, #tpu.memory_space<vmem_shared>> -> memref<640x128xf32, #tpu.memory_space<vmem_shared>>
      tpu.enqueue_dma source(%dma_start3A_47 : memref<640x128xf32, #tpu.memory_space<vmem_shared>>) target(%dma_start3A_45 : memref<640x128xf32, #tpu.memory_space<hbm>>) target_semaphore(%run_scoped3A_42 : memref<!tpu.dma_semaphore, #tpu.memory_space<semaphore_mem>>)
      %dma_wait3A = arith.constant 0 : i32
      %dma_wait3A_48 = tpu.memref_slice %arg5[%arg0, %mul3A_41, %dma_wait3A] : memref<2x10240x128xf32, #tpu.memory_space<hbm>> -> memref<1x640x128xf32, #tpu.memory_space<hbm>>
      %dma_wait3A_49 = tpu.memref_squeeze %dma_wait3A_48 : memref<1x640x128xf32, #tpu.memory_space<hbm>> -> memref<640x128xf32, #tpu.memory_space<hbm>>
      %dma_wait3A_50 = arith.constant 0 : i32
      %dma_wait3A_51 = tpu.memref_slice %arg6[%mul3A_39, %dma_wait3A_50] : memref<10240x128xf32, #tpu.memory_space<vmem_shared>> -> memref<640x128xf32, #tpu.memory_space<vmem_shared>>
      tpu.wait_dma2 semaphore(%run_scoped3A_42 : memref<!tpu.dma_semaphore, #tpu.memory_space<semaphore_mem>>) src(%dma_wait3A_51 : memref<640x128xf32, #tpu.memory_space<vmem_shared>>) dst(%dma_wait3A_49 : memref<640x128xf32, #tpu.memory_space<hbm>>)
      tpu.yield
    }) : () -> ()
    return
  }
}

#map = affine_map<(d0, d1) -> (0, 0, 0)>
module attributes {stable_mosaic.version = 14 : i64} {
  func.func @body(%arg0: i32, %arg1: i32, %arg2: memref<16x80x128xi32, #tpu.memory_space<hbm>>, %arg3: memref<2x16x10240xf32, #tpu.memory_space<hbm>>, %arg4: memref<10240xf32, #tpu.memory_space<vmem>>, %arg5: memref<1x128xi32, #tpu.memory_space<vmem>>, %arg6: memref<1x128xi32, #tpu.memory_space<vmem>>, %arg7: memref<!tpu.dma_semaphore, #tpu.memory_space<semaphore_mem>>, %arg8: memref<!tpu.dma_semaphore, #tpu.memory_space<semaphore_mem>>) attributes {dimension_semantics = [#tpu.dimension_semantics<core_parallel>, #tpu.dimension_semantics<subcore_parallel>], iteration_bounds = array<i64: 2, 16>, scalar_prefetch = 0 : i64, scratch_operands = 5 : i64, tpu.core_type = #tpu.core_type<sc_vector_subcore>, window_params = [{transform_indices = #map}, {transform_indices = #map}]} {
    %mul3A = arith.constant 40 : i32
    %mul3A_0 = arith.muli %arg0, %mul3A : i32
    %scan3A = arith.constant 0 : i32
    %scan3A_1 = arith.constant 640 : i32
    %scan3A_2 = arith.addi %scan3A, %scan3A_1 : i32
    %scan3A_3 = arith.constant 1 : i32
    scf.for %scan3A_13 = %scan3A to %scan3A_2 step %scan3A_3  : i32 {
      %broadcast_in_dim3A_14 = arith.constant 0.000000e+00 : f32
      %broadcast_in_dim3A_15 = vector.broadcast %broadcast_in_dim3A_14 : f32 to vector<16xf32>
      %mul3A_16 = arith.constant 16 : i32
      %mul3A_17 = arith.muli %scan3A_13, %mul3A_16 : i32
      %swap3A = arith.index_cast %mul3A_17 : i32 to index
      %swap3A_18 = tpu.vector_load %arg4[%swap3A] {strides = array<i32>} : memref<10240xf32, #tpu.memory_space<vmem>>, vector<16xf32>,
      tpu.vector_store %arg4[%swap3A], %broadcast_in_dim3A_15 {strides = array<i32>} : memref<10240xf32, #tpu.memory_space<vmem>>, vector<16xf32>,
    }
    %scan3A_4 = arith.constant 640 : i32
    %run_scoped3A = arith.constant 0 : i32
    "tpu.region"() ({
      %run_scoped3A_13 = tpu.sem_alloc : memref<!tpu.dma_semaphore, #tpu.memory_space<semaphore_mem>>
      %dma_start3A = arith.constant 0 : i32
      %dma_start3A_14 = tpu.memref_slice %arg5[%run_scoped3A, %dma_start3A] : memref<1x128xi32, #tpu.memory_space<vmem>> -> memref<1x128xi32, #tpu.memory_space<vmem>>
      %dma_start3A_15 = tpu.memref_squeeze %dma_start3A_14 : memref<1x128xi32, #tpu.memory_space<vmem>> -> memref<128xi32, #tpu.memory_space<vmem>>
      %dma_start3A_16 = arith.constant 0 : i32
      %dma_start3A_17 = tpu.memref_slice %arg2[%arg1, %mul3A_0, %dma_start3A_16] : memref<16x80x128xi32, #tpu.memory_space<hbm>> -> memref<1x1x128xi32, #tpu.memory_space<hbm>>
      %dma_start3A_18 = tpu.memref_squeeze %dma_start3A_17 : memref<1x1x128xi32, #tpu.memory_space<hbm>> -> memref<128xi32, #tpu.memory_space<hbm>>
      %dma_start3A_19 = arith.constant 0 : i32
      %dma_start3A_20 = tpu.memref_slice %arg5[%run_scoped3A, %dma_start3A_19] : memref<1x128xi32, #tpu.memory_space<vmem>> -> memref<1x128xi32, #tpu.memory_space<vmem>>
      %dma_start3A_21 = tpu.memref_squeeze %dma_start3A_20 : memref<1x128xi32, #tpu.memory_space<vmem>> -> memref<128xi32, #tpu.memory_space<vmem>>
      %dma_start3A_22 = arith.constant 0 : i32
      %dma_start3A_23 = tpu.memref_slice %arg2[%arg1, %mul3A_0, %dma_start3A_22] : memref<16x80x128xi32, #tpu.memory_space<hbm>> -> memref<1x1x128xi32, #tpu.memory_space<hbm>>
      %dma_start3A_24 = tpu.memref_squeeze %dma_start3A_23 : memref<1x1x128xi32, #tpu.memory_space<hbm>> -> memref<128xi32, #tpu.memory_space<hbm>>
      tpu.enqueue_dma source(%dma_start3A_24 : memref<128xi32, #tpu.memory_space<hbm>>) target(%dma_start3A_21 : memref<128xi32, #tpu.memory_space<vmem>>) target_semaphore(%run_scoped3A_13 : memref<!tpu.dma_semaphore, #tpu.memory_space<semaphore_mem>>)
      %dma_wait3A = arith.constant 0 : i32
      %dma_wait3A_25 = tpu.memref_slice %arg5[%run_scoped3A, %dma_wait3A] : memref<1x128xi32, #tpu.memory_space<vmem>> -> memref<1x128xi32, #tpu.memory_space<vmem>>
      %dma_wait3A_26 = tpu.memref_squeeze %dma_wait3A_25 : memref<1x128xi32, #tpu.memory_space<vmem>> -> memref<128xi32, #tpu.memory_space<vmem>>
      %dma_wait3A_27 = arith.constant 0 : i32
      %dma_wait3A_28 = tpu.memref_slice %arg2[%arg1, %mul3A_0, %dma_wait3A_27] : memref<16x80x128xi32, #tpu.memory_space<hbm>> -> memref<1x1x128xi32, #tpu.memory_space<hbm>>
      %dma_wait3A_29 = tpu.memref_squeeze %dma_wait3A_28 : memref<1x1x128xi32, #tpu.memory_space<hbm>> -> memref<128xi32, #tpu.memory_space<hbm>>
      %dma_wait3A_30 = arith.constant 0 : i32
      %dma_wait3A_31 = tpu.memref_slice %arg5[%run_scoped3A, %dma_wait3A_30] : memref<1x128xi32, #tpu.memory_space<vmem>> -> memref<1x128xi32, #tpu.memory_space<vmem>>
      %dma_wait3A_32 = tpu.memref_squeeze %dma_wait3A_31 : memref<1x128xi32, #tpu.memory_space<vmem>> -> memref<128xi32, #tpu.memory_space<vmem>>
      %dma_wait3A_33 = arith.constant 0 : i32
      %dma_wait3A_34 = tpu.memref_slice %arg2[%arg1, %mul3A_0, %dma_wait3A_33] : memref<16x80x128xi32, #tpu.memory_space<hbm>> -> memref<1x1x128xi32, #tpu.memory_space<hbm>>
      %dma_wait3A_35 = tpu.memref_squeeze %dma_wait3A_34 : memref<1x1x128xi32, #tpu.memory_space<hbm>> -> memref<128xi32, #tpu.memory_space<hbm>>
      tpu.wait_dma2 semaphore(%run_scoped3A_13 : memref<!tpu.dma_semaphore, #tpu.memory_space<semaphore_mem>>) src(%dma_wait3A_35 : memref<128xi32, #tpu.memory_space<hbm>>) dst(%dma_wait3A_32 : memref<128xi32, #tpu.memory_space<vmem>>)
      tpu.yield
    }) : () -> ()
    %add3A = arith.constant 1 : i32
    %add3A_5 = arith.addi %mul3A_0, %add3A : i32
    %run_scoped3A_6 = arith.constant 0 : i32
    "tpu.region"() ({
      %run_scoped3A_13 = tpu.sem_alloc : memref<!tpu.dma_semaphore, #tpu.memory_space<semaphore_mem>>
      %dma_start3A = arith.constant 0 : i32
      %dma_start3A_14 = tpu.memref_slice %arg6[%run_scoped3A_6, %dma_start3A] : memref<1x128xi32, #tpu.memory_space<vmem>> -> memref<1x128xi32, #tpu.memory_space<vmem>>
      %dma_start3A_15 = tpu.memref_squeeze %dma_start3A_14 : memref<1x128xi32, #tpu.memory_space<vmem>> -> memref<128xi32, #tpu.memory_space<vmem>>
      %dma_start3A_16 = arith.constant 0 : i32
      %dma_start3A_17 = tpu.memref_slice %arg2[%arg1, %add3A_5, %dma_start3A_16] : memref<16x80x128xi32, #tpu.memory_space<hbm>> -> memref<1x1x128xi32, #tpu.memory_space<hbm>>
      %dma_start3A_18 = tpu.memref_squeeze %dma_start3A_17 : memref<1x1x128xi32, #tpu.memory_space<hbm>> -> memref<128xi32, #tpu.memory_space<hbm>>
      %dma_start3A_19 = arith.constant 0 : i32
      %dma_start3A_20 = tpu.memref_slice %arg6[%run_scoped3A_6, %dma_start3A_19] : memref<1x128xi32, #tpu.memory_space<vmem>> -> memref<1x128xi32, #tpu.memory_space<vmem>>
      %dma_start3A_21 = tpu.memref_squeeze %dma_start3A_20 : memref<1x128xi32, #tpu.memory_space<vmem>> -> memref<128xi32, #tpu.memory_space<vmem>>
      %dma_start3A_22 = arith.constant 0 : i32
      %dma_start3A_23 = tpu.memref_slice %arg2[%arg1, %add3A_5, %dma_start3A_22] : memref<16x80x128xi32, #tpu.memory_space<hbm>> -> memref<1x1x128xi32, #tpu.memory_space<hbm>>
      %dma_start3A_24 = tpu.memref_squeeze %dma_start3A_23 : memref<1x1x128xi32, #tpu.memory_space<hbm>> -> memref<128xi32, #tpu.memory_space<hbm>>
      tpu.enqueue_dma source(%dma_start3A_24 : memref<128xi32, #tpu.memory_space<hbm>>) target(%dma_start3A_21 : memref<128xi32, #tpu.memory_space<vmem>>) target_semaphore(%run_scoped3A_13 : memref<!tpu.dma_semaphore, #tpu.memory_space<semaphore_mem>>)
      %dma_wait3A = arith.constant 0 : i32
      %dma_wait3A_25 = tpu.memref_slice %arg6[%run_scoped3A_6, %dma_wait3A] : memref<1x128xi32, #tpu.memory_space<vmem>> -> memref<1x128xi32, #tpu.memory_space<vmem>>
      %dma_wait3A_26 = tpu.memref_squeeze %dma_wait3A_25 : memref<1x128xi32, #tpu.memory_space<vmem>> -> memref<128xi32, #tpu.memory_space<vmem>>
      %dma_wait3A_27 = arith.constant 0 : i32
      %dma_wait3A_28 = tpu.memref_slice %arg2[%arg1, %add3A_5, %dma_wait3A_27] : memref<16x80x128xi32, #tpu.memory_space<hbm>> -> memref<1x1x128xi32, #tpu.memory_space<hbm>>
      %dma_wait3A_29 = tpu.memref_squeeze %dma_wait3A_28 : memref<1x1x128xi32, #tpu.memory_space<hbm>> -> memref<128xi32, #tpu.memory_space<hbm>>
      %dma_wait3A_30 = arith.constant 0 : i32
      %dma_wait3A_31 = tpu.memref_slice %arg6[%run_scoped3A_6, %dma_wait3A_30] : memref<1x128xi32, #tpu.memory_space<vmem>> -> memref<1x128xi32, #tpu.memory_space<vmem>>
      %dma_wait3A_32 = tpu.memref_squeeze %dma_wait3A_31 : memref<1x128xi32, #tpu.memory_space<vmem>> -> memref<128xi32, #tpu.memory_space<vmem>>
      %dma_wait3A_33 = arith.constant 0 : i32
      %dma_wait3A_34 = tpu.memref_slice %arg2[%arg1, %add3A_5, %dma_wait3A_33] : memref<16x80x128xi32, #tpu.memory_space<hbm>> -> memref<1x1x128xi32, #tpu.memory_space<hbm>>
      %dma_wait3A_35 = tpu.memref_squeeze %dma_wait3A_34 : memref<1x1x128xi32, #tpu.memory_space<hbm>> -> memref<128xi32, #tpu.memory_space<hbm>>
      tpu.wait_dma2 semaphore(%run_scoped3A_13 : memref<!tpu.dma_semaphore, #tpu.memory_space<semaphore_mem>>) src(%dma_wait3A_35 : memref<128xi32, #tpu.memory_space<hbm>>) dst(%dma_wait3A_32 : memref<128xi32, #tpu.memory_space<vmem>>)
      tpu.yield
    }) : () -> ()
    %broadcast_in_dim3A = arith.constant 1.000000e+00 : f32
    %broadcast_in_dim3A_7 = vector.broadcast %broadcast_in_dim3A : f32 to vector<16xf32>
    %scan3A_8 = arith.constant 0 : i32
    %scan3A_9 = arith.constant 20 : i32
    %scan3A_10 = arith.addi %scan3A_8, %scan3A_9 : i32
    %scan3A_11 = arith.constant 1 : i32
    scf.for %scan3A_13 = %scan3A_8 to %scan3A_10 step %scan3A_11  : i32 {
      %mul3A_14 = arith.constant 2 : i32
      %mul3A_15 = arith.muli %mul3A_14, %scan3A_13 : i32
      %add3A_16 = arith.constant 0 : i32
      %add3A_17 = arith.addi %mul3A_15, %add3A_16 : i32
      %ge3A = arith.constant 2 : i32
      %ge3A_18 = arith.cmpi sge, %add3A_17, %ge3A : i32
      %convert_element_type3A = arith.extui %ge3A_18 : i1 to i32
      %cond3A = arith.constant 0 : i32
      %cond3A_19 = arith.cmpi ne, %convert_element_type3A, %cond3A : i32
      scf.if %cond3A_19 {
        %add3A_105 = arith.addi %mul3A_0, %add3A_17 : i32
        %dma_wait3A = arith.constant 0 : i32
        %dma_wait3A_106 = arith.constant 0 : i32
        %dma_wait3A_107 = tpu.memref_slice %arg5[%dma_wait3A, %dma_wait3A_106] : memref<1x128xi32, #tpu.memory_space<vmem>> -> memref<1x128xi32, #tpu.memory_space<vmem>>
        %dma_wait3A_108 = tpu.memref_squeeze %dma_wait3A_107 : memref<1x128xi32, #tpu.memory_space<vmem>> -> memref<128xi32, #tpu.memory_space<vmem>>
        %dma_wait3A_109 = arith.constant 0 : i32
        %dma_wait3A_110 = tpu.memref_slice %arg2[%arg1, %add3A_105, %dma_wait3A_109] : memref<16x80x128xi32, #tpu.memory_space<hbm>> -> memref<1x1x128xi32, #tpu.memory_space<hbm>>
        %dma_wait3A_111 = tpu.memref_squeeze %dma_wait3A_110 : memref<1x1x128xi32, #tpu.memory_space<hbm>> -> memref<128xi32, #tpu.memory_space<hbm>>
        %dma_wait3A_112 = arith.constant 0 : i32
        %dma_wait3A_113 = tpu.memref_slice %arg5[%dma_wait3A, %dma_wait3A_112] : memref<1x128xi32, #tpu.memory_space<vmem>> -> memref<1x128xi32, #tpu.memory_space<vmem>>
        %dma_wait3A_114 = tpu.memref_squeeze %dma_wait3A_113 : memref<1x128xi32, #tpu.memory_space<vmem>> -> memref<128xi32, #tpu.memory_space<vmem>>
        %dma_wait3A_115 = arith.constant 0 : i32
        %dma_wait3A_116 = tpu.memref_slice %arg2[%arg1, %add3A_105, %dma_wait3A_115] : memref<16x80x128xi32, #tpu.memory_space<hbm>> -> memref<1x1x128xi32, #tpu.memory_space<hbm>>
        %dma_wait3A_117 = tpu.memref_squeeze %dma_wait3A_116 : memref<1x1x128xi32, #tpu.memory_space<hbm>> -> memref<128xi32, #tpu.memory_space<hbm>>
        tpu.wait_dma2 semaphore(%arg7 : memref<!tpu.dma_semaphore, #tpu.memory_space<semaphore_mem>>) src(%dma_wait3A_117 : memref<128xi32, #tpu.memory_space<hbm>>) dst(%dma_wait3A_114 : memref<128xi32, #tpu.memory_space<vmem>>)
      } else {
      }
      %get3A = arith.constant 0 : i32
      %get3A_20 = arith.index_cast %get3A : i32 to index
      %get3A_21 = arith.constant 0 : index
      %get3A_22 = tpu.vector_load %arg5[%get3A_20, %get3A_21] {strides = array<i32>} : memref<1x128xi32, #tpu.memory_space<vmem>>, vector<16xi32>,
      tpu.vector_store_idx %arg4[%get3A_22], %broadcast_in_dim3A_7 {add = true} : memref<10240xf32, #tpu.memory_space<vmem>>[vector<16xi32>], vector<16xf32>,
      %get3A_23 = arith.constant 0 : i32
      %get3A_24 = arith.index_cast %get3A_23 : i32 to index
      %get3A_25 = arith.constant 16 : index
      %get3A_26 = tpu.vector_load %arg5[%get3A_24, %get3A_25] {strides = array<i32>} : memref<1x128xi32, #tpu.memory_space<vmem>>, vector<16xi32>,
      tpu.vector_store_idx %arg4[%get3A_26], %broadcast_in_dim3A_7 {add = true} : memref<10240xf32, #tpu.memory_space<vmem>>[vector<16xi32>], vector<16xf32>,
      %get3A_27 = arith.constant 0 : i32
      %get3A_28 = arith.index_cast %get3A_27 : i32 to index
      %get3A_29 = arith.constant 32 : index
      %get3A_30 = tpu.vector_load %arg5[%get3A_28, %get3A_29] {strides = array<i32>} : memref<1x128xi32, #tpu.memory_space<vmem>>, vector<16xi32>,
      tpu.vector_store_idx %arg4[%get3A_30], %broadcast_in_dim3A_7 {add = true} : memref<10240xf32, #tpu.memory_space<vmem>>[vector<16xi32>], vector<16xf32>,
      %get3A_31 = arith.constant 0 : i32
      %get3A_32 = arith.index_cast %get3A_31 : i32 to index
      %get3A_33 = arith.constant 48 : index
      %get3A_34 = tpu.vector_load %arg5[%get3A_32, %get3A_33] {strides = array<i32>} : memref<1x128xi32, #tpu.memory_space<vmem>>, vector<16xi32>,
      tpu.vector_store_idx %arg4[%get3A_34], %broadcast_in_dim3A_7 {add = true} : memref<10240xf32, #tpu.memory_space<vmem>>[vector<16xi32>], vector<16xf32>,
      %get3A_35 = arith.constant 0 : i32
      %get3A_36 = arith.index_cast %get3A_35 : i32 to index
      %get3A_37 = arith.constant 64 : index
      %get3A_38 = tpu.vector_load %arg5[%get3A_36, %get3A_37] {strides = array<i32>} : memref<1x128xi32, #tpu.memory_space<vmem>>, vector<16xi32>,
      tpu.vector_store_idx %arg4[%get3A_38], %broadcast_in_dim3A_7 {add = true} : memref<10240xf32, #tpu.memory_space<vmem>>[vector<16xi32>], vector<16xf32>,
      %get3A_39 = arith.constant 0 : i32
      %get3A_40 = arith.index_cast %get3A_39 : i32 to index
      %get3A_41 = arith.constant 80 : index
      %get3A_42 = tpu.vector_load %arg5[%get3A_40, %get3A_41] {strides = array<i32>} : memref<1x128xi32, #tpu.memory_space<vmem>>, vector<16xi32>,
      tpu.vector_store_idx %arg4[%get3A_42], %broadcast_in_dim3A_7 {add = true} : memref<10240xf32, #tpu.memory_space<vmem>>[vector<16xi32>], vector<16xf32>,
      %get3A_43 = arith.constant 0 : i32
      %get3A_44 = arith.index_cast %get3A_43 : i32 to index
      %get3A_45 = arith.constant 96 : index
      %get3A_46 = tpu.vector_load %arg5[%get3A_44, %get3A_45] {strides = array<i32>} : memref<1x128xi32, #tpu.memory_space<vmem>>, vector<16xi32>,
      tpu.vector_store_idx %arg4[%get3A_46], %broadcast_in_dim3A_7 {add = true} : memref<10240xf32, #tpu.memory_space<vmem>>[vector<16xi32>], vector<16xf32>,
      %get3A_47 = arith.constant 0 : i32
      %get3A_48 = arith.index_cast %get3A_47 : i32 to index
      %get3A_49 = arith.constant 112 : index
      %get3A_50 = tpu.vector_load %arg5[%get3A_48, %get3A_49] {strides = array<i32>} : memref<1x128xi32, #tpu.memory_space<vmem>>, vector<16xi32>,
      tpu.vector_store_idx %arg4[%get3A_50], %broadcast_in_dim3A_7 {add = true} : memref<10240xf32, #tpu.memory_space<vmem>>[vector<16xi32>], vector<16xf32>,
      %add3A_51 = arith.constant 2 : i32
      %add3A_52 = arith.addi %add3A_17, %add3A_51 : i32
      %lt3A = arith.constant 40 : i32
      %lt3A_53 = arith.cmpi slt, %add3A_52, %lt3A : i32
      %convert_element_type3A_54 = arith.extui %lt3A_53 : i1 to i32
      %cond3A_55 = arith.constant 0 : i32
      %cond3A_56 = arith.cmpi ne, %convert_element_type3A_54, %cond3A_55 : i32
      scf.if %cond3A_56 {
        %add3A_105 = arith.addi %mul3A_0, %add3A_17 : i32
        %add3A_106 = arith.constant 2 : i32
        %add3A_107 = arith.addi %add3A_105, %add3A_106 : i32
        %dma_start3A = arith.constant 0 : i32
        %dma_start3A_108 = arith.constant 0 : i32
        %dma_start3A_109 = tpu.memref_slice %arg5[%dma_start3A, %dma_start3A_108] : memref<1x128xi32, #tpu.memory_space<vmem>> -> memref<1x128xi32, #tpu.memory_space<vmem>>
        %dma_start3A_110 = tpu.memref_squeeze %dma_start3A_109 : memref<1x128xi32, #tpu.memory_space<vmem>> -> memref<128xi32, #tpu.memory_space<vmem>>
        %dma_start3A_111 = arith.constant 0 : i32
        %dma_start3A_112 = tpu.memref_slice %arg2[%arg1, %add3A_107, %dma_start3A_111] : memref<16x80x128xi32, #tpu.memory_space<hbm>> -> memref<1x1x128xi32, #tpu.memory_space<hbm>>
        %dma_start3A_113 = tpu.memref_squeeze %dma_start3A_112 : memref<1x1x128xi32, #tpu.memory_space<hbm>> -> memref<128xi32, #tpu.memory_space<hbm>>
        %dma_start3A_114 = arith.constant 0 : i32
        %dma_start3A_115 = tpu.memref_slice %arg5[%dma_start3A, %dma_start3A_114] : memref<1x128xi32, #tpu.memory_space<vmem>> -> memref<1x128xi32, #tpu.memory_space<vmem>>
        %dma_start3A_116 = tpu.memref_squeeze %dma_start3A_115 : memref<1x128xi32, #tpu.memory_space<vmem>> -> memref<128xi32, #tpu.memory_space<vmem>>
        %dma_start3A_117 = arith.constant 0 : i32
        %dma_start3A_118 = tpu.memref_slice %arg2[%arg1, %add3A_107, %dma_start3A_117] : memref<16x80x128xi32, #tpu.memory_space<hbm>> -> memref<1x1x128xi32, #tpu.memory_space<hbm>>
        %dma_start3A_119 = tpu.memref_squeeze %dma_start3A_118 : memref<1x1x128xi32, #tpu.memory_space<hbm>> -> memref<128xi32, #tpu.memory_space<hbm>>
        tpu.enqueue_dma source(%dma_start3A_119 : memref<128xi32, #tpu.memory_space<hbm>>) target(%dma_start3A_116 : memref<128xi32, #tpu.memory_space<vmem>>) target_semaphore(%arg7 : memref<!tpu.dma_semaphore, #tpu.memory_space<semaphore_mem>>)
      } else {
      }
      %mul3A_57 = arith.constant 2 : i32
      %mul3A_58 = arith.muli %mul3A_57, %scan3A_13 : i32
      %add3A_59 = arith.constant 1 : i32
      %add3A_60 = arith.addi %mul3A_58, %add3A_59 : i32
      %ge3A_61 = arith.constant 2 : i32
      %ge3A_62 = arith.cmpi sge, %add3A_60, %ge3A_61 : i32
      %convert_element_type3A_63 = arith.extui %ge3A_62 : i1 to i32
      %cond3A_64 = arith.constant 0 : i32
      %cond3A_65 = arith.cmpi ne, %convert_element_type3A_63, %cond3A_64 : i32
      scf.if %cond3A_65 {
        %add3A_105 = arith.addi %mul3A_0, %add3A_60 : i32
        %dma_wait3A = arith.constant 0 : i32
        %dma_wait3A_106 = arith.constant 0 : i32
        %dma_wait3A_107 = tpu.memref_slice %arg6[%dma_wait3A, %dma_wait3A_106] : memref<1x128xi32, #tpu.memory_space<vmem>> -> memref<1x128xi32, #tpu.memory_space<vmem>>
        %dma_wait3A_108 = tpu.memref_squeeze %dma_wait3A_107 : memref<1x128xi32, #tpu.memory_space<vmem>> -> memref<128xi32, #tpu.memory_space<vmem>>
        %dma_wait3A_109 = arith.constant 0 : i32
        %dma_wait3A_110 = tpu.memref_slice %arg2[%arg1, %add3A_105, %dma_wait3A_109] : memref<16x80x128xi32, #tpu.memory_space<hbm>> -> memref<1x1x128xi32, #tpu.memory_space<hbm>>
        %dma_wait3A_111 = tpu.memref_squeeze %dma_wait3A_110 : memref<1x1x128xi32, #tpu.memory_space<hbm>> -> memref<128xi32, #tpu.memory_space<hbm>>
        %dma_wait3A_112 = arith.constant 0 : i32
        %dma_wait3A_113 = tpu.memref_slice %arg6[%dma_wait3A, %dma_wait3A_112] : memref<1x128xi32, #tpu.memory_space<vmem>> -> memref<1x128xi32, #tpu.memory_space<vmem>>
        %dma_wait3A_114 = tpu.memref_squeeze %dma_wait3A_113 : memref<1x128xi32, #tpu.memory_space<vmem>> -> memref<128xi32, #tpu.memory_space<vmem>>
        %dma_wait3A_115 = arith.constant 0 : i32
        %dma_wait3A_116 = tpu.memref_slice %arg2[%arg1, %add3A_105, %dma_wait3A_115] : memref<16x80x128xi32, #tpu.memory_space<hbm>> -> memref<1x1x128xi32, #tpu.memory_space<hbm>>
        %dma_wait3A_117 = tpu.memref_squeeze %dma_wait3A_116 : memref<1x1x128xi32, #tpu.memory_space<hbm>> -> memref<128xi32, #tpu.memory_space<hbm>>
        tpu.wait_dma2 semaphore(%arg8 : memref<!tpu.dma_semaphore, #tpu.memory_space<semaphore_mem>>) src(%dma_wait3A_117 : memref<128xi32, #tpu.memory_space<hbm>>) dst(%dma_wait3A_114 : memref<128xi32, #tpu.memory_space<vmem>>)
      } else {
      }
      %get3A_66 = arith.constant 0 : i32
      %get3A_67 = arith.index_cast %get3A_66 : i32 to index
      %get3A_68 = arith.constant 0 : index
      %get3A_69 = tpu.vector_load %arg6[%get3A_67, %get3A_68] {strides = array<i32>} : memref<1x128xi32, #tpu.memory_space<vmem>>, vector<16xi32>,
      tpu.vector_store_idx %arg4[%get3A_69], %broadcast_in_dim3A_7 {add = true} : memref<10240xf32, #tpu.memory_space<vmem>>[vector<16xi32>], vector<16xf32>,
      %get3A_70 = arith.constant 0 : i32
      %get3A_71 = arith.index_cast %get3A_70 : i32 to index
      %get3A_72 = arith.constant 16 : index
      %get3A_73 = tpu.vector_load %arg6[%get3A_71, %get3A_72] {strides = array<i32>} : memref<1x128xi32, #tpu.memory_space<vmem>>, vector<16xi32>,
      tpu.vector_store_idx %arg4[%get3A_73], %broadcast_in_dim3A_7 {add = true} : memref<10240xf32, #tpu.memory_space<vmem>>[vector<16xi32>], vector<16xf32>,
      %get3A_74 = arith.constant 0 : i32
      %get3A_75 = arith.index_cast %get3A_74 : i32 to index
      %get3A_76 = arith.constant 32 : index
      %get3A_77 = tpu.vector_load %arg6[%get3A_75, %get3A_76] {strides = array<i32>} : memref<1x128xi32, #tpu.memory_space<vmem>>, vector<16xi32>,
      tpu.vector_store_idx %arg4[%get3A_77], %broadcast_in_dim3A_7 {add = true} : memref<10240xf32, #tpu.memory_space<vmem>>[vector<16xi32>], vector<16xf32>,
      %get3A_78 = arith.constant 0 : i32
      %get3A_79 = arith.index_cast %get3A_78 : i32 to index
      %get3A_80 = arith.constant 48 : index
      %get3A_81 = tpu.vector_load %arg6[%get3A_79, %get3A_80] {strides = array<i32>} : memref<1x128xi32, #tpu.memory_space<vmem>>, vector<16xi32>,
      tpu.vector_store_idx %arg4[%get3A_81], %broadcast_in_dim3A_7 {add = true} : memref<10240xf32, #tpu.memory_space<vmem>>[vector<16xi32>], vector<16xf32>,
      %get3A_82 = arith.constant 0 : i32
      %get3A_83 = arith.index_cast %get3A_82 : i32 to index
      %get3A_84 = arith.constant 64 : index
      %get3A_85 = tpu.vector_load %arg6[%get3A_83, %get3A_84] {strides = array<i32>} : memref<1x128xi32, #tpu.memory_space<vmem>>, vector<16xi32>,
      tpu.vector_store_idx %arg4[%get3A_85], %broadcast_in_dim3A_7 {add = true} : memref<10240xf32, #tpu.memory_space<vmem>>[vector<16xi32>], vector<16xf32>,
      %get3A_86 = arith.constant 0 : i32
      %get3A_87 = arith.index_cast %get3A_86 : i32 to index
      %get3A_88 = arith.constant 80 : index
      %get3A_89 = tpu.vector_load %arg6[%get3A_87, %get3A_88] {strides = array<i32>} : memref<1x128xi32, #tpu.memory_space<vmem>>, vector<16xi32>,
      tpu.vector_store_idx %arg4[%get3A_89], %broadcast_in_dim3A_7 {add = true} : memref<10240xf32, #tpu.memory_space<vmem>>[vector<16xi32>], vector<16xf32>,
      %get3A_90 = arith.constant 0 : i32
      %get3A_91 = arith.index_cast %get3A_90 : i32 to index
      %get3A_92 = arith.constant 96 : index
      %get3A_93 = tpu.vector_load %arg6[%get3A_91, %get3A_92] {strides = array<i32>} : memref<1x128xi32, #tpu.memory_space<vmem>>, vector<16xi32>,
      tpu.vector_store_idx %arg4[%get3A_93], %broadcast_in_dim3A_7 {add = true} : memref<10240xf32, #tpu.memory_space<vmem>>[vector<16xi32>], vector<16xf32>,
      %get3A_94 = arith.constant 0 : i32
      %get3A_95 = arith.index_cast %get3A_94 : i32 to index
      %get3A_96 = arith.constant 112 : index
      %get3A_97 = tpu.vector_load %arg6[%get3A_95, %get3A_96] {strides = array<i32>} : memref<1x128xi32, #tpu.memory_space<vmem>>, vector<16xi32>,
      tpu.vector_store_idx %arg4[%get3A_97], %broadcast_in_dim3A_7 {add = true} : memref<10240xf32, #tpu.memory_space<vmem>>[vector<16xi32>], vector<16xf32>,
      %add3A_98 = arith.constant 2 : i32
      %add3A_99 = arith.addi %add3A_60, %add3A_98 : i32
      %lt3A_100 = arith.constant 40 : i32
      %lt3A_101 = arith.cmpi slt, %add3A_99, %lt3A_100 : i32
      %convert_element_type3A_102 = arith.extui %lt3A_101 : i1 to i32
      %cond3A_103 = arith.constant 0 : i32
      %cond3A_104 = arith.cmpi ne, %convert_element_type3A_102, %cond3A_103 : i32
      scf.if %cond3A_104 {
        %add3A_105 = arith.addi %mul3A_0, %add3A_60 : i32
        %add3A_106 = arith.constant 2 : i32
        %add3A_107 = arith.addi %add3A_105, %add3A_106 : i32
        %dma_start3A = arith.constant 0 : i32
        %dma_start3A_108 = arith.constant 0 : i32
        %dma_start3A_109 = tpu.memref_slice %arg6[%dma_start3A, %dma_start3A_108] : memref<1x128xi32, #tpu.memory_space<vmem>> -> memref<1x128xi32, #tpu.memory_space<vmem>>
        %dma_start3A_110 = tpu.memref_squeeze %dma_start3A_109 : memref<1x128xi32, #tpu.memory_space<vmem>> -> memref<128xi32, #tpu.memory_space<vmem>>
        %dma_start3A_111 = arith.constant 0 : i32
        %dma_start3A_112 = tpu.memref_slice %arg2[%arg1, %add3A_107, %dma_start3A_111] : memref<16x80x128xi32, #tpu.memory_space<hbm>> -> memref<1x1x128xi32, #tpu.memory_space<hbm>>
        %dma_start3A_113 = tpu.memref_squeeze %dma_start3A_112 : memref<1x1x128xi32, #tpu.memory_space<hbm>> -> memref<128xi32, #tpu.memory_space<hbm>>
        %dma_start3A_114 = arith.constant 0 : i32
        %dma_start3A_115 = tpu.memref_slice %arg6[%dma_start3A, %dma_start3A_114] : memref<1x128xi32, #tpu.memory_space<vmem>> -> memref<1x128xi32, #tpu.memory_space<vmem>>
        %dma_start3A_116 = tpu.memref_squeeze %dma_start3A_115 : memref<1x128xi32, #tpu.memory_space<vmem>> -> memref<128xi32, #tpu.memory_space<vmem>>
        %dma_start3A_117 = arith.constant 0 : i32
        %dma_start3A_118 = tpu.memref_slice %arg2[%arg1, %add3A_107, %dma_start3A_117] : memref<16x80x128xi32, #tpu.memory_space<hbm>> -> memref<1x1x128xi32, #tpu.memory_space<hbm>>
        %dma_start3A_119 = tpu.memref_squeeze %dma_start3A_118 : memref<1x1x128xi32, #tpu.memory_space<hbm>> -> memref<128xi32, #tpu.memory_space<hbm>>
        tpu.enqueue_dma source(%dma_start3A_119 : memref<128xi32, #tpu.memory_space<hbm>>) target(%dma_start3A_116 : memref<128xi32, #tpu.memory_space<vmem>>) target_semaphore(%arg8 : memref<!tpu.dma_semaphore, #tpu.memory_space<semaphore_mem>>)
      } else {
      }
    }
    %scan3A_12 = arith.constant 20 : i32
    "tpu.region"() ({
      %run_scoped3A_13 = tpu.sem_alloc : memref<!tpu.dma_semaphore, #tpu.memory_space<semaphore_mem>>
      %dma_start3A = arith.constant 0 : i32
      %dma_start3A_14 = tpu.memref_slice %arg3[%arg0, %arg1, %dma_start3A] : memref<2x16x10240xf32, #tpu.memory_space<hbm>> -> memref<1x1x10240xf32, #tpu.memory_space<hbm>>
      %dma_start3A_15 = tpu.memref_squeeze %dma_start3A_14 : memref<1x1x10240xf32, #tpu.memory_space<hbm>> -> memref<10240xf32, #tpu.memory_space<hbm>>
      %dma_start3A_16 = arith.constant 0 : i32
      %dma_start3A_17 = tpu.memref_slice %arg3[%arg0, %arg1, %dma_start3A_16] : memref<2x16x10240xf32, #tpu.memory_space<hbm>> -> memref<1x1x10240xf32, #tpu.memory_space<hbm>>
      %dma_start3A_18 = tpu.memref_squeeze %dma_start3A_17 : memref<1x1x10240xf32, #tpu.memory_space<hbm>> -> memref<10240xf32, #tpu.memory_space<hbm>>
      tpu.enqueue_dma source(%arg4 : memref<10240xf32, #tpu.memory_space<vmem>>) target(%dma_start3A_18 : memref<10240xf32, #tpu.memory_space<hbm>>) target_semaphore(%run_scoped3A_13 : memref<!tpu.dma_semaphore, #tpu.memory_space<semaphore_mem>>)
      %dma_wait3A = arith.constant 0 : i32
      %dma_wait3A_19 = tpu.memref_slice %arg3[%arg0, %arg1, %dma_wait3A] : memref<2x16x10240xf32, #tpu.memory_space<hbm>> -> memref<1x1x10240xf32, #tpu.memory_space<hbm>>
      %dma_wait3A_20 = tpu.memref_squeeze %dma_wait3A_19 : memref<1x1x10240xf32, #tpu.memory_space<hbm>> -> memref<10240xf32, #tpu.memory_space<hbm>>
      %dma_wait3A_21 = arith.constant 0 : i32
      %dma_wait3A_22 = tpu.memref_slice %arg3[%arg0, %arg1, %dma_wait3A_21] : memref<2x16x10240xf32, #tpu.memory_space<hbm>> -> memref<1x1x10240xf32, #tpu.memory_space<hbm>>
      %dma_wait3A_23 = tpu.memref_squeeze %dma_wait3A_22 : memref<1x1x10240xf32, #tpu.memory_space<hbm>> -> memref<10240xf32, #tpu.memory_space<hbm>>
      tpu.wait_dma2 semaphore(%run_scoped3A_13 : memref<!tpu.dma_semaphore, #tpu.memory_space<semaphore_mem>>) src(%arg4 : memref<10240xf32, #tpu.memory_space<vmem>>) dst(%dma_wait3A_23 : memref<10240xf32, #tpu.memory_space<hbm>>)
      tpu.yield
    }) : () -> ()
    return
  }
}

#map = affine_map<(d0, d1) -> (0, 0)>
#map1 = affine_map<(d0, d1) -> (0, 0, 0, 0)>
#map2 = affine_map<(d0, d1) -> (0, 0, 0)>
module attributes {stable_mosaic.version = 14 : i64} {
  func.func @body(%arg0: i32, %arg1: i32, %arg2: memref<20480x128xf32, #tpu.memory_space<hbm>>, %arg3: memref<2x16x80x128xi32, #tpu.memory_space<hbm>>, %arg4: memref<16x80x128xi32, #tpu.memory_space<hbm>>, %arg5: memref<2x10240x128xf32, #tpu.memory_space<hbm>>, %arg6: memref<10240x128xf32, #tpu.memory_space<vmem_shared>>, %arg7: memref<128xi32, #tpu.memory_space<vmem>>, %arg8: memref<128xi32, #tpu.memory_space<vmem>>, %arg9: memref<1x128xi32, #tpu.memory_space<vmem>>, %arg10: memref<1x128xi32, #tpu.memory_space<vmem>>, %arg11: memref<128x128xf32, #tpu.memory_space<vmem>>, %arg12: memref<128x128xf32, #tpu.memory_space<vmem>>, %arg13: memref<!tpu.dma_semaphore, #tpu.memory_space<semaphore_mem>>, %arg14: memref<!tpu.dma_semaphore, #tpu.memory_space<semaphore_mem>>, %arg15: memref<!tpu.dma_semaphore, #tpu.memory_space<semaphore_mem>>, %arg16: memref<!tpu.dma_semaphore, #tpu.memory_space<semaphore_mem>>, %arg17: memref<!tpu.dma_semaphore, #tpu.memory_space<semaphore_mem>>, %arg18: memref<!tpu.dma_semaphore, #tpu.memory_space<semaphore_mem>>) attributes {dimension_semantics = [#tpu.dimension_semantics<core_parallel>, #tpu.dimension_semantics<subcore_parallel>], iteration_bounds = array<i64: 2, 16>, scalar_prefetch = 0 : i64, scratch_operands = 13 : i64, tpu.core_type = #tpu.core_type<sc_vector_subcore>, window_params = [{transform_indices = #map}, {transform_indices = #map1}, {transform_indices = #map2}, {transform_indices = #map2}]} {
    %scan3A = arith.constant 0 : i32
    %scan3A_0 = arith.constant 128 : i32
    %scan3A_1 = arith.addi %scan3A, %scan3A_0 : i32
    %scan3A_2 = arith.constant 1 : i32
    scf.for %scan3A_42 = %scan3A to %scan3A_1 step %scan3A_2  : i32 {
      %broadcast_in_dim3A = arith.constant 0.000000e+00 : f32
      %broadcast_in_dim3A_43 = vector.broadcast %broadcast_in_dim3A : f32 to vector<16xf32>
      %swap3A = arith.index_cast %scan3A_42 : i32 to index
      %swap3A_44 = arith.constant 0 : index
      %swap3A_45 = tpu.vector_load %arg11[%swap3A, %swap3A_44] {strides = array<i32>} : memref<128x128xf32, #tpu.memory_space<vmem>>, vector<16xf32>,
      tpu.vector_store %arg11[%swap3A, %swap3A_44], %broadcast_in_dim3A_43 {strides = array<i32>} : memref<128x128xf32, #tpu.memory_space<vmem>>, vector<16xf32>,
      %broadcast_in_dim3A_46 = arith.constant 0.000000e+00 : f32
      %broadcast_in_dim3A_47 = vector.broadcast %broadcast_in_dim3A_46 : f32 to vector<16xf32>
      %swap3A_48 = arith.index_cast %scan3A_42 : i32 to index
      %swap3A_49 = arith.constant 16 : index
      %swap3A_50 = tpu.vector_load %arg11[%swap3A_48, %swap3A_49] {strides = array<i32>} : memref<128x128xf32, #tpu.memory_space<vmem>>, vector<16xf32>,
      tpu.vector_store %arg11[%swap3A_48, %swap3A_49], %broadcast_in_dim3A_47 {strides = array<i32>} : memref<128x128xf32, #tpu.memory_space<vmem>>, vector<16xf32>,
      %broadcast_in_dim3A_51 = arith.constant 0.000000e+00 : f32
      %broadcast_in_dim3A_52 = vector.broadcast %broadcast_in_dim3A_51 : f32 to vector<16xf32>
      %swap3A_53 = arith.index_cast %scan3A_42 : i32 to index
      %swap3A_54 = arith.constant 32 : index
      %swap3A_55 = tpu.vector_load %arg11[%swap3A_53, %swap3A_54] {strides = array<i32>} : memref<128x128xf32, #tpu.memory_space<vmem>>, vector<16xf32>,
      tpu.vector_store %arg11[%swap3A_53, %swap3A_54], %broadcast_in_dim3A_52 {strides = array<i32>} : memref<128x128xf32, #tpu.memory_space<vmem>>, vector<16xf32>,
      %broadcast_in_dim3A_56 = arith.constant 0.000000e+00 : f32
      %broadcast_in_dim3A_57 = vector.broadcast %broadcast_in_dim3A_56 : f32 to vector<16xf32>
      %swap3A_58 = arith.index_cast %scan3A_42 : i32 to index
      %swap3A_59 = arith.constant 48 : index
      %swap3A_60 = tpu.vector_load %arg11[%swap3A_58, %swap3A_59] {strides = array<i32>} : memref<128x128xf32, #tpu.memory_space<vmem>>, vector<16xf32>,
      tpu.vector_store %arg11[%swap3A_58, %swap3A_59], %broadcast_in_dim3A_57 {strides = array<i32>} : memref<128x128xf32, #tpu.memory_space<vmem>>, vector<16xf32>,
      %broadcast_in_dim3A_61 = arith.constant 0.000000e+00 : f32
      %broadcast_in_dim3A_62 = vector.broadcast %broadcast_in_dim3A_61 : f32 to vector<16xf32>
      %swap3A_63 = arith.index_cast %scan3A_42 : i32 to index
      %swap3A_64 = arith.constant 64 : index
      %swap3A_65 = tpu.vector_load %arg11[%swap3A_63, %swap3A_64] {strides = array<i32>} : memref<128x128xf32, #tpu.memory_space<vmem>>, vector<16xf32>,
      tpu.vector_store %arg11[%swap3A_63, %swap3A_64], %broadcast_in_dim3A_62 {strides = array<i32>} : memref<128x128xf32, #tpu.memory_space<vmem>>, vector<16xf32>,
      %broadcast_in_dim3A_66 = arith.constant 0.000000e+00 : f32
      %broadcast_in_dim3A_67 = vector.broadcast %broadcast_in_dim3A_66 : f32 to vector<16xf32>
      %swap3A_68 = arith.index_cast %scan3A_42 : i32 to index
      %swap3A_69 = arith.constant 80 : index
      %swap3A_70 = tpu.vector_load %arg11[%swap3A_68, %swap3A_69] {strides = array<i32>} : memref<128x128xf32, #tpu.memory_space<vmem>>, vector<16xf32>,
      tpu.vector_store %arg11[%swap3A_68, %swap3A_69], %broadcast_in_dim3A_67 {strides = array<i32>} : memref<128x128xf32, #tpu.memory_space<vmem>>, vector<16xf32>,
      %broadcast_in_dim3A_71 = arith.constant 0.000000e+00 : f32
      %broadcast_in_dim3A_72 = vector.broadcast %broadcast_in_dim3A_71 : f32 to vector<16xf32>
      %swap3A_73 = arith.index_cast %scan3A_42 : i32 to index
      %swap3A_74 = arith.constant 96 : index
      %swap3A_75 = tpu.vector_load %arg11[%swap3A_73, %swap3A_74] {strides = array<i32>} : memref<128x128xf32, #tpu.memory_space<vmem>>, vector<16xf32>,
      tpu.vector_store %arg11[%swap3A_73, %swap3A_74], %broadcast_in_dim3A_72 {strides = array<i32>} : memref<128x128xf32, #tpu.memory_space<vmem>>, vector<16xf32>,
      %broadcast_in_dim3A_76 = arith.constant 0.000000e+00 : f32
      %broadcast_in_dim3A_77 = vector.broadcast %broadcast_in_dim3A_76 : f32 to vector<16xf32>
      %swap3A_78 = arith.index_cast %scan3A_42 : i32 to index
      %swap3A_79 = arith.constant 112 : index
      %swap3A_80 = tpu.vector_load %arg11[%swap3A_78, %swap3A_79] {strides = array<i32>} : memref<128x128xf32, #tpu.memory_space<vmem>>, vector<16xf32>,
      tpu.vector_store %arg11[%swap3A_78, %swap3A_79], %broadcast_in_dim3A_77 {strides = array<i32>} : memref<128x128xf32, #tpu.memory_space<vmem>>, vector<16xf32>,
    }
    %scan3A_3 = arith.constant 128 : i32
    %mul3A = arith.constant 640 : i32
    %mul3A_4 = arith.muli %arg1, %mul3A : i32
    %add3A = arith.constant 0 : i32
    %add3A_5 = arith.addi %mul3A_4, %add3A : i32
    "tpu.region"() ({
      %run_scoped3A_42 = tpu.sem_alloc : memref<!tpu.dma_semaphore, #tpu.memory_space<semaphore_mem>>
      %dma_start3A_43 = arith.constant 0 : i32
      %dma_start3A_44 = tpu.memref_slice %arg6[%add3A_5, %dma_start3A_43] : memref<10240x128xf32, #tpu.memory_space<vmem_shared>> -> memref<128x128xf32, #tpu.memory_space<vmem_shared>>
      %dma_start3A_45 = arith.constant 0 : i32
      %dma_start3A_46 = tpu.memref_slice %arg6[%add3A_5, %dma_start3A_45] : memref<10240x128xf32, #tpu.memory_space<vmem_shared>> -> memref<128x128xf32, #tpu.memory_space<vmem_shared>>
      tpu.enqueue_dma source(%arg11 : memref<128x128xf32, #tpu.memory_space<vmem>>) target(%dma_start3A_46 : memref<128x128xf32, #tpu.memory_space<vmem_shared>>) target_semaphore(%run_scoped3A_42 : memref<!tpu.dma_semaphore, #tpu.memory_space<semaphore_mem>>)
      %dma_wait3A = arith.constant 0 : i32
      %dma_wait3A_47 = tpu.memref_slice %arg6[%add3A_5, %dma_wait3A] : memref<10240x128xf32, #tpu.memory_space<vmem_shared>> -> memref<128x128xf32, #tpu.memory_space<vmem_shared>>
      %dma_wait3A_48 = arith.constant 0 : i32
      %dma_wait3A_49 = tpu.memref_slice %arg6[%add3A_5, %dma_wait3A_48] : memref<10240x128xf32, #tpu.memory_space<vmem_shared>> -> memref<128x128xf32, #tpu.memory_space<vmem_shared>>
      tpu.wait_dma2 semaphore(%run_scoped3A_42 : memref<!tpu.dma_semaphore, #tpu.memory_space<semaphore_mem>>) src(%arg11 : memref<128x128xf32, #tpu.memory_space<vmem>>) dst(%dma_wait3A_49 : memref<128x128xf32, #tpu.memory_space<vmem_shared>>)
      tpu.yield
    }) : () -> ()
    %mul3A_6 = arith.constant 640 : i32
    %mul3A_7 = arith.muli %arg1, %mul3A_6 : i32
    %add3A_8 = arith.constant 128 : i32
    %add3A_9 = arith.addi %mul3A_7, %add3A_8 : i32
    "tpu.region"() ({
      %run_scoped3A_42 = tpu.sem_alloc : memref<!tpu.dma_semaphore, #tpu.memory_space<semaphore_mem>>
      %dma_start3A_43 = arith.constant 0 : i32
      %dma_start3A_44 = tpu.memref_slice %arg6[%add3A_9, %dma_start3A_43] : memref<10240x128xf32, #tpu.memory_space<vmem_shared>> -> memref<128x128xf32, #tpu.memory_space<vmem_shared>>
      %dma_start3A_45 = arith.constant 0 : i32
      %dma_start3A_46 = tpu.memref_slice %arg6[%add3A_9, %dma_start3A_45] : memref<10240x128xf32, #tpu.memory_space<vmem_shared>> -> memref<128x128xf32, #tpu.memory_space<vmem_shared>>
      tpu.enqueue_dma source(%arg11 : memref<128x128xf32, #tpu.memory_space<vmem>>) target(%dma_start3A_46 : memref<128x128xf32, #tpu.memory_space<vmem_shared>>) target_semaphore(%run_scoped3A_42 : memref<!tpu.dma_semaphore, #tpu.memory_space<semaphore_mem>>)
      %dma_wait3A = arith.constant 0 : i32
      %dma_wait3A_47 = tpu.memref_slice %arg6[%add3A_9, %dma_wait3A] : memref<10240x128xf32, #tpu.memory_space<vmem_shared>> -> memref<128x128xf32, #tpu.memory_space<vmem_shared>>
      %dma_wait3A_48 = arith.constant 0 : i32
      %dma_wait3A_49 = tpu.memref_slice %arg6[%add3A_9, %dma_wait3A_48] : memref<10240x128xf32, #tpu.memory_space<vmem_shared>> -> memref<128x128xf32, #tpu.memory_space<vmem_shared>>
      tpu.wait_dma2 semaphore(%run_scoped3A_42 : memref<!tpu.dma_semaphore, #tpu.memory_space<semaphore_mem>>) src(%arg11 : memref<128x128xf32, #tpu.memory_space<vmem>>) dst(%dma_wait3A_49 : memref<128x128xf32, #tpu.memory_space<vmem_shared>>)
      tpu.yield
    }) : () -> ()
    %mul3A_10 = arith.constant 640 : i32
    %mul3A_11 = arith.muli %arg1, %mul3A_10 : i32
    %add3A_12 = arith.constant 256 : i32
    %add3A_13 = arith.addi %mul3A_11, %add3A_12 : i32
    "tpu.region"() ({
      %run_scoped3A_42 = tpu.sem_alloc : memref<!tpu.dma_semaphore, #tpu.memory_space<semaphore_mem>>
      %dma_start3A_43 = arith.constant 0 : i32
      %dma_start3A_44 = tpu.memref_slice %arg6[%add3A_13, %dma_start3A_43] : memref<10240x128xf32, #tpu.memory_space<vmem_shared>> -> memref<128x128xf32, #tpu.memory_space<vmem_shared>>
      %dma_start3A_45 = arith.constant 0 : i32
      %dma_start3A_46 = tpu.memref_slice %arg6[%add3A_13, %dma_start3A_45] : memref<10240x128xf32, #tpu.memory_space<vmem_shared>> -> memref<128x128xf32, #tpu.memory_space<vmem_shared>>
      tpu.enqueue_dma source(%arg11 : memref<128x128xf32, #tpu.memory_space<vmem>>) target(%dma_start3A_46 : memref<128x128xf32, #tpu.memory_space<vmem_shared>>) target_semaphore(%run_scoped3A_42 : memref<!tpu.dma_semaphore, #tpu.memory_space<semaphore_mem>>)
      %dma_wait3A = arith.constant 0 : i32
      %dma_wait3A_47 = tpu.memref_slice %arg6[%add3A_13, %dma_wait3A] : memref<10240x128xf32, #tpu.memory_space<vmem_shared>> -> memref<128x128xf32, #tpu.memory_space<vmem_shared>>
      %dma_wait3A_48 = arith.constant 0 : i32
      %dma_wait3A_49 = tpu.memref_slice %arg6[%add3A_13, %dma_wait3A_48] : memref<10240x128xf32, #tpu.memory_space<vmem_shared>> -> memref<128x128xf32, #tpu.memory_space<vmem_shared>>
      tpu.wait_dma2 semaphore(%run_scoped3A_42 : memref<!tpu.dma_semaphore, #tpu.memory_space<semaphore_mem>>) src(%arg11 : memref<128x128xf32, #tpu.memory_space<vmem>>) dst(%dma_wait3A_49 : memref<128x128xf32, #tpu.memory_space<vmem_shared>>)
      tpu.yield
    }) : () -> ()
    %mul3A_14 = arith.constant 640 : i32
    %mul3A_15 = arith.muli %arg1, %mul3A_14 : i32
    %add3A_16 = arith.constant 384 : i32
    %add3A_17 = arith.addi %mul3A_15, %add3A_16 : i32
    "tpu.region"() ({
      %run_scoped3A_42 = tpu.sem_alloc : memref<!tpu.dma_semaphore, #tpu.memory_space<semaphore_mem>>
      %dma_start3A_43 = arith.constant 0 : i32
      %dma_start3A_44 = tpu.memref_slice %arg6[%add3A_17, %dma_start3A_43] : memref<10240x128xf32, #tpu.memory_space<vmem_shared>> -> memref<128x128xf32, #tpu.memory_space<vmem_shared>>
      %dma_start3A_45 = arith.constant 0 : i32
      %dma_start3A_46 = tpu.memref_slice %arg6[%add3A_17, %dma_start3A_45] : memref<10240x128xf32, #tpu.memory_space<vmem_shared>> -> memref<128x128xf32, #tpu.memory_space<vmem_shared>>
      tpu.enqueue_dma source(%arg11 : memref<128x128xf32, #tpu.memory_space<vmem>>) target(%dma_start3A_46 : memref<128x128xf32, #tpu.memory_space<vmem_shared>>) target_semaphore(%run_scoped3A_42 : memref<!tpu.dma_semaphore, #tpu.memory_space<semaphore_mem>>)
      %dma_wait3A = arith.constant 0 : i32
      %dma_wait3A_47 = tpu.memref_slice %arg6[%add3A_17, %dma_wait3A] : memref<10240x128xf32, #tpu.memory_space<vmem_shared>> -> memref<128x128xf32, #tpu.memory_space<vmem_shared>>
      %dma_wait3A_48 = arith.constant 0 : i32
      %dma_wait3A_49 = tpu.memref_slice %arg6[%add3A_17, %dma_wait3A_48] : memref<10240x128xf32, #tpu.memory_space<vmem_shared>> -> memref<128x128xf32, #tpu.memory_space<vmem_shared>>
      tpu.wait_dma2 semaphore(%run_scoped3A_42 : memref<!tpu.dma_semaphore, #tpu.memory_space<semaphore_mem>>) src(%arg11 : memref<128x128xf32, #tpu.memory_space<vmem>>) dst(%dma_wait3A_49 : memref<128x128xf32, #tpu.memory_space<vmem_shared>>)
      tpu.yield
    }) : () -> ()
    %mul3A_18 = arith.constant 640 : i32
    %mul3A_19 = arith.muli %arg1, %mul3A_18 : i32
    %add3A_20 = arith.constant 512 : i32
    %add3A_21 = arith.addi %mul3A_19, %add3A_20 : i32
    "tpu.region"() ({
      %run_scoped3A_42 = tpu.sem_alloc : memref<!tpu.dma_semaphore, #tpu.memory_space<semaphore_mem>>
      %dma_start3A_43 = arith.constant 0 : i32
      %dma_start3A_44 = tpu.memref_slice %arg6[%add3A_21, %dma_start3A_43] : memref<10240x128xf32, #tpu.memory_space<vmem_shared>> -> memref<128x128xf32, #tpu.memory_space<vmem_shared>>
      %dma_start3A_45 = arith.constant 0 : i32
      %dma_start3A_46 = tpu.memref_slice %arg6[%add3A_21, %dma_start3A_45] : memref<10240x128xf32, #tpu.memory_space<vmem_shared>> -> memref<128x128xf32, #tpu.memory_space<vmem_shared>>
      tpu.enqueue_dma source(%arg11 : memref<128x128xf32, #tpu.memory_space<vmem>>) target(%dma_start3A_46 : memref<128x128xf32, #tpu.memory_space<vmem_shared>>) target_semaphore(%run_scoped3A_42 : memref<!tpu.dma_semaphore, #tpu.memory_space<semaphore_mem>>)
      %dma_wait3A = arith.constant 0 : i32
      %dma_wait3A_47 = tpu.memref_slice %arg6[%add3A_21, %dma_wait3A] : memref<10240x128xf32, #tpu.memory_space<vmem_shared>> -> memref<128x128xf32, #tpu.memory_space<vmem_shared>>
      %dma_wait3A_48 = arith.constant 0 : i32
      %dma_wait3A_49 = tpu.memref_slice %arg6[%add3A_21, %dma_wait3A_48] : memref<10240x128xf32, #tpu.memory_space<vmem_shared>> -> memref<128x128xf32, #tpu.memory_space<vmem_shared>>
      tpu.wait_dma2 semaphore(%run_scoped3A_42 : memref<!tpu.dma_semaphore, #tpu.memory_space<semaphore_mem>>) src(%arg11 : memref<128x128xf32, #tpu.memory_space<vmem>>) dst(%dma_wait3A_49 : memref<128x128xf32, #tpu.memory_space<vmem_shared>>)
      tpu.yield
    }) : () -> ()
    %barrier3A = arith.constant 0 : index
    tpu.barrier barrier_id(%barrier3A)
    %run_scoped3A = arith.constant 0 : i32
    "tpu.region"() ({
      %run_scoped3A_42 = tpu.sem_alloc : memref<!tpu.dma_semaphore, #tpu.memory_space<semaphore_mem>>
      %dma_start3A_43 = arith.constant 0 : i32
      %dma_start3A_44 = tpu.memref_slice %arg3[%arg0, %arg1, %run_scoped3A, %dma_start3A_43] : memref<2x16x80x128xi32, #tpu.memory_space<hbm>> -> memref<1x1x1x128xi32, #tpu.memory_space<hbm>>
      %dma_start3A_45 = tpu.memref_squeeze %dma_start3A_44 : memref<1x1x1x128xi32, #tpu.memory_space<hbm>> -> memref<128xi32, #tpu.memory_space<hbm>>
      %dma_start3A_46 = arith.constant 0 : i32
      %dma_start3A_47 = tpu.memref_slice %arg3[%arg0, %arg1, %run_scoped3A, %dma_start3A_46] : memref<2x16x80x128xi32, #tpu.memory_space<hbm>> -> memref<1x1x1x128xi32, #tpu.memory_space<hbm>>
      %dma_start3A_48 = tpu.memref_squeeze %dma_start3A_47 : memref<1x1x1x128xi32, #tpu.memory_space<hbm>> -> memref<128xi32, #tpu.memory_space<hbm>>
      tpu.enqueue_dma source(%dma_start3A_48 : memref<128xi32, #tpu.memory_space<hbm>>) target(%arg7 : memref<128xi32, #tpu.memory_space<vmem>>) target_semaphore(%run_scoped3A_42 : memref<!tpu.dma_semaphore, #tpu.memory_space<semaphore_mem>>)
      %dma_wait3A = arith.constant 0 : i32
      %dma_wait3A_49 = tpu.memref_slice %arg3[%arg0, %arg1, %run_scoped3A, %dma_wait3A] : memref<2x16x80x128xi32, #tpu.memory_space<hbm>> -> memref<1x1x1x128xi32, #tpu.memory_space<hbm>>
      %dma_wait3A_50 = tpu.memref_squeeze %dma_wait3A_49 : memref<1x1x1x128xi32, #tpu.memory_space<hbm>> -> memref<128xi32, #tpu.memory_space<hbm>>
      %dma_wait3A_51 = arith.constant 0 : i32
      %dma_wait3A_52 = tpu.memref_slice %arg3[%arg0, %arg1, %run_scoped3A, %dma_wait3A_51] : memref<2x16x80x128xi32, #tpu.memory_space<hbm>> -> memref<1x1x1x128xi32, #tpu.memory_space<hbm>>
      %dma_wait3A_53 = tpu.memref_squeeze %dma_wait3A_52 : memref<1x1x1x128xi32, #tpu.memory_space<hbm>> -> memref<128xi32, #tpu.memory_space<hbm>>
      tpu.wait_dma2 semaphore(%run_scoped3A_42 : memref<!tpu.dma_semaphore, #tpu.memory_space<semaphore_mem>>) src(%dma_wait3A_53 : memref<128xi32, #tpu.memory_space<hbm>>) dst(%arg7 : memref<128xi32, #tpu.memory_space<vmem>>)
      tpu.yield
    }) : () -> ()
    %run_scoped3A_22 = arith.constant 0 : i32
    %run_scoped3A_23 = arith.constant 0 : i32
    "tpu.region"() ({
      %run_scoped3A_42 = tpu.sem_alloc : memref<!tpu.dma_semaphore, #tpu.memory_space<semaphore_mem>>
      %dma_start3A_43 = arith.constant 0 : i32
      %dma_start3A_44 = tpu.memref_slice %arg9[%run_scoped3A_23, %dma_start3A_43] : memref<1x128xi32, #tpu.memory_space<vmem>> -> memref<1x128xi32, #tpu.memory_space<vmem>>
      %dma_start3A_45 = tpu.memref_squeeze %dma_start3A_44 : memref<1x128xi32, #tpu.memory_space<vmem>> -> memref<128xi32, #tpu.memory_space<vmem>>
      %dma_start3A_46 = arith.constant 0 : i32
      %dma_start3A_47 = tpu.memref_slice %arg4[%arg1, %run_scoped3A_22, %dma_start3A_46] : memref<16x80x128xi32, #tpu.memory_space<hbm>> -> memref<1x1x128xi32, #tpu.memory_space<hbm>>
      %dma_start3A_48 = tpu.memref_squeeze %dma_start3A_47 : memref<1x1x128xi32, #tpu.memory_space<hbm>> -> memref<128xi32, #tpu.memory_space<hbm>>
      %dma_start3A_49 = arith.constant 0 : i32
      %dma_start3A_50 = tpu.memref_slice %arg9[%run_scoped3A_23, %dma_start3A_49] : memref<1x128xi32, #tpu.memory_space<vmem>> -> memref<1x128xi32, #tpu.memory_space<vmem>>
      %dma_start3A_51 = tpu.memref_squeeze %dma_start3A_50 : memref<1x128xi32, #tpu.memory_space<vmem>> -> memref<128xi32, #tpu.memory_space<vmem>>
      %dma_start3A_52 = arith.constant 0 : i32
      %dma_start3A_53 = tpu.memref_slice %arg4[%arg1, %run_scoped3A_22, %dma_start3A_52] : memref<16x80x128xi32, #tpu.memory_space<hbm>> -> memref<1x1x128xi32, #tpu.memory_space<hbm>>
      %dma_start3A_54 = tpu.memref_squeeze %dma_start3A_53 : memref<1x1x128xi32, #tpu.memory_space<hbm>> -> memref<128xi32, #tpu.memory_space<hbm>>
      tpu.enqueue_dma source(%dma_start3A_54 : memref<128xi32, #tpu.memory_space<hbm>>) target(%dma_start3A_51 : memref<128xi32, #tpu.memory_space<vmem>>) target_semaphore(%run_scoped3A_42 : memref<!tpu.dma_semaphore, #tpu.memory_space<semaphore_mem>>)
      %dma_wait3A = arith.constant 0 : i32
      %dma_wait3A_55 = tpu.memref_slice %arg9[%run_scoped3A_23, %dma_wait3A] : memref<1x128xi32, #tpu.memory_space<vmem>> -> memref<1x128xi32, #tpu.memory_space<vmem>>
      %dma_wait3A_56 = tpu.memref_squeeze %dma_wait3A_55 : memref<1x128xi32, #tpu.memory_space<vmem>> -> memref<128xi32, #tpu.memory_space<vmem>>
      %dma_wait3A_57 = arith.constant 0 : i32
      %dma_wait3A_58 = tpu.memref_slice %arg4[%arg1, %run_scoped3A_22, %dma_wait3A_57] : memref<16x80x128xi32, #tpu.memory_space<hbm>> -> memref<1x1x128xi32, #tpu.memory_space<hbm>>
      %dma_wait3A_59 = tpu.memref_squeeze %dma_wait3A_58 : memref<1x1x128xi32, #tpu.memory_space<hbm>> -> memref<128xi32, #tpu.memory_space<hbm>>
      %dma_wait3A_60 = arith.constant 0 : i32
      %dma_wait3A_61 = tpu.memref_slice %arg9[%run_scoped3A_23, %dma_wait3A_60] : memref<1x128xi32, #tpu.memory_space<vmem>> -> memref<1x128xi32, #tpu.memory_space<vmem>>
      %dma_wait3A_62 = tpu.memref_squeeze %dma_wait3A_61 : memref<1x128xi32, #tpu.memory_space<vmem>> -> memref<128xi32, #tpu.memory_space<vmem>>
      %dma_wait3A_63 = arith.constant 0 : i32
      %dma_wait3A_64 = tpu.memref_slice %arg4[%arg1, %run_scoped3A_22, %dma_wait3A_63] : memref<16x80x128xi32, #tpu.memory_space<hbm>> -> memref<1x1x128xi32, #tpu.memory_space<hbm>>
      %dma_wait3A_65 = tpu.memref_squeeze %dma_wait3A_64 : memref<1x1x128xi32, #tpu.memory_space<hbm>> -> memref<128xi32, #tpu.memory_space<hbm>>
      tpu.wait_dma2 semaphore(%run_scoped3A_42 : memref<!tpu.dma_semaphore, #tpu.memory_space<semaphore_mem>>) src(%dma_wait3A_65 : memref<128xi32, #tpu.memory_space<hbm>>) dst(%dma_wait3A_62 : memref<128xi32, #tpu.memory_space<vmem>>)
      tpu.yield
    }) : () -> ()
    %run_scoped3A_24 = arith.constant 1 : i32
    "tpu.region"() ({
      %run_scoped3A_42 = tpu.sem_alloc : memref<!tpu.dma_semaphore, #tpu.memory_space<semaphore_mem>>
      %dma_start3A_43 = arith.constant 0 : i32
      %dma_start3A_44 = tpu.memref_slice %arg3[%arg0, %arg1, %run_scoped3A_24, %dma_start3A_43] : memref<2x16x80x128xi32, #tpu.memory_space<hbm>> -> memref<1x1x1x128xi32, #tpu.memory_space<hbm>>
      %dma_start3A_45 = tpu.memref_squeeze %dma_start3A_44 : memref<1x1x1x128xi32, #tpu.memory_space<hbm>> -> memref<128xi32, #tpu.memory_space<hbm>>
      %dma_start3A_46 = arith.constant 0 : i32
      %dma_start3A_47 = tpu.memref_slice %arg3[%arg0, %arg1, %run_scoped3A_24, %dma_start3A_46] : memref<2x16x80x128xi32, #tpu.memory_space<hbm>> -> memref<1x1x1x128xi32, #tpu.memory_space<hbm>>
      %dma_start3A_48 = tpu.memref_squeeze %dma_start3A_47 : memref<1x1x1x128xi32, #tpu.memory_space<hbm>> -> memref<128xi32, #tpu.memory_space<hbm>>
      tpu.enqueue_dma source(%dma_start3A_48 : memref<128xi32, #tpu.memory_space<hbm>>) target(%arg8 : memref<128xi32, #tpu.memory_space<vmem>>) target_semaphore(%run_scoped3A_42 : memref<!tpu.dma_semaphore, #tpu.memory_space<semaphore_mem>>)
      %dma_wait3A = arith.constant 0 : i32
      %dma_wait3A_49 = tpu.memref_slice %arg3[%arg0, %arg1, %run_scoped3A_24, %dma_wait3A] : memref<2x16x80x128xi32, #tpu.memory_space<hbm>> -> memref<1x1x1x128xi32, #tpu.memory_space<hbm>>
      %dma_wait3A_50 = tpu.memref_squeeze %dma_wait3A_49 : memref<1x1x1x128xi32, #tpu.memory_space<hbm>> -> memref<128xi32, #tpu.memory_space<hbm>>
      %dma_wait3A_51 = arith.constant 0 : i32
      %dma_wait3A_52 = tpu.memref_slice %arg3[%arg0, %arg1, %run_scoped3A_24, %dma_wait3A_51] : memref<2x16x80x128xi32, #tpu.memory_space<hbm>> -> memref<1x1x1x128xi32, #tpu.memory_space<hbm>>
      %dma_wait3A_53 = tpu.memref_squeeze %dma_wait3A_52 : memref<1x1x1x128xi32, #tpu.memory_space<hbm>> -> memref<128xi32, #tpu.memory_space<hbm>>
      tpu.wait_dma2 semaphore(%run_scoped3A_42 : memref<!tpu.dma_semaphore, #tpu.memory_space<semaphore_mem>>) src(%dma_wait3A_53 : memref<128xi32, #tpu.memory_space<hbm>>) dst(%arg8 : memref<128xi32, #tpu.memory_space<vmem>>)
      tpu.yield
    }) : () -> ()
    %run_scoped3A_25 = arith.constant 1 : i32
    %run_scoped3A_26 = arith.constant 0 : i32
    "tpu.region"() ({
      %run_scoped3A_42 = tpu.sem_alloc : memref<!tpu.dma_semaphore, #tpu.memory_space<semaphore_mem>>
      %dma_start3A_43 = arith.constant 0 : i32
      %dma_start3A_44 = tpu.memref_slice %arg10[%run_scoped3A_26, %dma_start3A_43] : memref<1x128xi32, #tpu.memory_space<vmem>> -> memref<1x128xi32, #tpu.memory_space<vmem>>
      %dma_start3A_45 = tpu.memref_squeeze %dma_start3A_44 : memref<1x128xi32, #tpu.memory_space<vmem>> -> memref<128xi32, #tpu.memory_space<vmem>>
      %dma_start3A_46 = arith.constant 0 : i32
      %dma_start3A_47 = tpu.memref_slice %arg4[%arg1, %run_scoped3A_25, %dma_start3A_46] : memref<16x80x128xi32, #tpu.memory_space<hbm>> -> memref<1x1x128xi32, #tpu.memory_space<hbm>>
      %dma_start3A_48 = tpu.memref_squeeze %dma_start3A_47 : memref<1x1x128xi32, #tpu.memory_space<hbm>> -> memref<128xi32, #tpu.memory_space<hbm>>
      %dma_start3A_49 = arith.constant 0 : i32
      %dma_start3A_50 = tpu.memref_slice %arg10[%run_scoped3A_26, %dma_start3A_49] : memref<1x128xi32, #tpu.memory_space<vmem>> -> memref<1x128xi32, #tpu.memory_space<vmem>>
      %dma_start3A_51 = tpu.memref_squeeze %dma_start3A_50 : memref<1x128xi32, #tpu.memory_space<vmem>> -> memref<128xi32, #tpu.memory_space<vmem>>
      %dma_start3A_52 = arith.constant 0 : i32
      %dma_start3A_53 = tpu.memref_slice %arg4[%arg1, %run_scoped3A_25, %dma_start3A_52] : memref<16x80x128xi32, #tpu.memory_space<hbm>> -> memref<1x1x128xi32, #tpu.memory_space<hbm>>
      %dma_start3A_54 = tpu.memref_squeeze %dma_start3A_53 : memref<1x1x128xi32, #tpu.memory_space<hbm>> -> memref<128xi32, #tpu.memory_space<hbm>>
      tpu.enqueue_dma source(%dma_start3A_54 : memref<128xi32, #tpu.memory_space<hbm>>) target(%dma_start3A_51 : memref<128xi32, #tpu.memory_space<vmem>>) target_semaphore(%run_scoped3A_42 : memref<!tpu.dma_semaphore, #tpu.memory_space<semaphore_mem>>)
      %dma_wait3A = arith.constant 0 : i32
      %dma_wait3A_55 = tpu.memref_slice %arg10[%run_scoped3A_26, %dma_wait3A] : memref<1x128xi32, #tpu.memory_space<vmem>> -> memref<1x128xi32, #tpu.memory_space<vmem>>
      %dma_wait3A_56 = tpu.memref_squeeze %dma_wait3A_55 : memref<1x128xi32, #tpu.memory_space<vmem>> -> memref<128xi32, #tpu.memory_space<vmem>>
      %dma_wait3A_57 = arith.constant 0 : i32
      %dma_wait3A_58 = tpu.memref_slice %arg4[%arg1, %run_scoped3A_25, %dma_wait3A_57] : memref<16x80x128xi32, #tpu.memory_space<hbm>> -> memref<1x1x128xi32, #tpu.memory_space<hbm>>
      %dma_wait3A_59 = tpu.memref_squeeze %dma_wait3A_58 : memref<1x1x128xi32, #tpu.memory_space<hbm>> -> memref<128xi32, #tpu.memory_space<hbm>>
      %dma_wait3A_60 = arith.constant 0 : i32
      %dma_wait3A_61 = tpu.memref_slice %arg10[%run_scoped3A_26, %dma_wait3A_60] : memref<1x128xi32, #tpu.memory_space<vmem>> -> memref<1x128xi32, #tpu.memory_space<vmem>>
      %dma_wait3A_62 = tpu.memref_squeeze %dma_wait3A_61 : memref<1x128xi32, #tpu.memory_space<vmem>> -> memref<128xi32, #tpu.memory_space<vmem>>
      %dma_wait3A_63 = arith.constant 0 : i32
      %dma_wait3A_64 = tpu.memref_slice %arg4[%arg1, %run_scoped3A_25, %dma_wait3A_63] : memref<16x80x128xi32, #tpu.memory_space<hbm>> -> memref<1x1x128xi32, #tpu.memory_space<hbm>>
      %dma_wait3A_65 = tpu.memref_squeeze %dma_wait3A_64 : memref<1x1x128xi32, #tpu.memory_space<hbm>> -> memref<128xi32, #tpu.memory_space<hbm>>
      tpu.wait_dma2 semaphore(%run_scoped3A_42 : memref<!tpu.dma_semaphore, #tpu.memory_space<semaphore_mem>>) src(%dma_wait3A_65 : memref<128xi32, #tpu.memory_space<hbm>>) dst(%dma_wait3A_62 : memref<128xi32, #tpu.memory_space<vmem>>)
      tpu.yield
    }) : () -> ()
    %dma_start3A = arith.constant 0 : i32
    %dma_start3A_27 = arith.constant 0 : i32
    %dma_start3A_28 = tpu.memref_slice %arg2[%dma_start3A, %dma_start3A_27] : memref<20480x128xf32, #tpu.memory_space<hbm>> -> memref<20480x128xf32, #tpu.memory_space<hbm>>
    tpu.enqueue_indirect_dma source(%dma_start3A_28 : memref<20480x128xf32, #tpu.memory_space<hbm>>) target(%arg11 : memref<128x128xf32, #tpu.memory_space<vmem>>) offsets(%arg7 : memref<128xi32, #tpu.memory_space<vmem>>) semaphore(%arg13 : memref<!tpu.dma_semaphore, #tpu.memory_space<semaphore_mem>>)
    %dma_start3A_29 = arith.constant 0 : i32
    %dma_start3A_30 = arith.constant 0 : i32
    %dma_start3A_31 = tpu.memref_slice %arg2[%dma_start3A_29, %dma_start3A_30] : memref<20480x128xf32, #tpu.memory_space<hbm>> -> memref<20480x128xf32, #tpu.memory_space<hbm>>
    tpu.enqueue_indirect_dma source(%dma_start3A_31 : memref<20480x128xf32, #tpu.memory_space<hbm>>) target(%arg12 : memref<128x128xf32, #tpu.memory_space<vmem>>) offsets(%arg8 : memref<128xi32, #tpu.memory_space<vmem>>) semaphore(%arg14 : memref<!tpu.dma_semaphore, #tpu.memory_space<semaphore_mem>>)
    %scan3A_32 = arith.constant 0 : i32
    %scan3A_33 = arith.constant 40 : i32
    %scan3A_34 = arith.addi %scan3A_32, %scan3A_33 : i32
    %scan3A_35 = arith.constant 1 : i32
    scf.for %scan3A_42 = %scan3A_32 to %scan3A_34 step %scan3A_35  : i32 {
      %mul3A_43 = arith.constant 2 : i32
      %mul3A_44 = arith.muli %mul3A_43, %scan3A_42 : i32
      %add3A_45 = arith.constant 0 : i32
      %add3A_46 = arith.addi %mul3A_44, %add3A_45 : i32
      %dma_wait3A = arith.constant 0 : i32
      %dma_wait3A_47 = arith.constant 0 : i32
      %dma_wait3A_48 = tpu.memref_slice %arg2[%dma_wait3A, %dma_wait3A_47] : memref<20480x128xf32, #tpu.memory_space<hbm>> -> memref<20480x128xf32, #tpu.memory_space<hbm>>
      tpu.wait_indirect_dma semaphore(%arg13 : memref<!tpu.dma_semaphore, #tpu.memory_space<semaphore_mem>>) src(%dma_wait3A_48 : memref<20480x128xf32, #tpu.memory_space<hbm>>) dst(%arg11 : memref<128x128xf32, #tpu.memory_space<vmem>>)
      %add3A_49 = arith.constant 2 : i32
      %add3A_50 = arith.addi %add3A_46, %add3A_49 : i32
      %lt3A = arith.constant 80 : i32
      %lt3A_51 = arith.cmpi slt, %add3A_50, %lt3A : i32
      %convert_element_type3A = arith.extui %lt3A_51 : i1 to i32
      %cond3A = arith.constant 0 : i32
      %cond3A_52 = arith.cmpi ne, %convert_element_type3A, %cond3A : i32
      scf.if %cond3A_52 {
        %add3A_92 = arith.constant 2 : i32
        %add3A_93 = arith.addi %add3A_46, %add3A_92 : i32
        %dma_start3A_94 = arith.constant 0 : i32
        %dma_start3A_95 = tpu.memref_slice %arg3[%arg0, %arg1, %add3A_93, %dma_start3A_94] : memref<2x16x80x128xi32, #tpu.memory_space<hbm>> -> memref<1x1x1x128xi32, #tpu.memory_space<hbm>>
        %dma_start3A_96 = tpu.memref_squeeze %dma_start3A_95 : memref<1x1x1x128xi32, #tpu.memory_space<hbm>> -> memref<128xi32, #tpu.memory_space<hbm>>
        %dma_start3A_97 = arith.constant 0 : i32
        %dma_start3A_98 = tpu.memref_slice %arg3[%arg0, %arg1, %add3A_93, %dma_start3A_97] : memref<2x16x80x128xi32, #tpu.memory_space<hbm>> -> memref<1x1x1x128xi32, #tpu.memory_space<hbm>>
        %dma_start3A_99 = tpu.memref_squeeze %dma_start3A_98 : memref<1x1x1x128xi32, #tpu.memory_space<hbm>> -> memref<128xi32, #tpu.memory_space<hbm>>
        tpu.enqueue_dma source(%dma_start3A_99 : memref<128xi32, #tpu.memory_space<hbm>>) target(%arg7 : memref<128xi32, #tpu.memory_space<vmem>>) target_semaphore(%arg15 : memref<!tpu.dma_semaphore, #tpu.memory_space<semaphore_mem>>)
      } else {
      }
      %ge3A = arith.constant 2 : i32
      %ge3A_53 = arith.cmpi sge, %add3A_46, %ge3A : i32
      %convert_element_type3A_54 = arith.extui %ge3A_53 : i1 to i32
      %cond3A_55 = arith.constant 0 : i32
      %cond3A_56 = arith.cmpi ne, %convert_element_type3A_54, %cond3A_55 : i32
      scf.if %cond3A_56 {
        %dma_wait3A_92 = arith.constant 0 : i32
        %dma_wait3A_93 = arith.constant 0 : i32
        %dma_wait3A_94 = tpu.memref_slice %arg9[%dma_wait3A_92, %dma_wait3A_93] : memref<1x128xi32, #tpu.memory_space<vmem>> -> memref<1x128xi32, #tpu.memory_space<vmem>>
        %dma_wait3A_95 = tpu.memref_squeeze %dma_wait3A_94 : memref<1x128xi32, #tpu.memory_space<vmem>> -> memref<128xi32, #tpu.memory_space<vmem>>
        %dma_wait3A_96 = arith.constant 0 : i32
        %dma_wait3A_97 = tpu.memref_slice %arg4[%arg1, %add3A_46, %dma_wait3A_96] : memref<16x80x128xi32, #tpu.memory_space<hbm>> -> memref<1x1x128xi32, #tpu.memory_space<hbm>>
        %dma_wait3A_98 = tpu.memref_squeeze %dma_wait3A_97 : memref<1x1x128xi32, #tpu.memory_space<hbm>> -> memref<128xi32, #tpu.memory_space<hbm>>
        %dma_wait3A_99 = arith.constant 0 : i32
        %dma_wait3A_100 = tpu.memref_slice %arg9[%dma_wait3A_92, %dma_wait3A_99] : memref<1x128xi32, #tpu.memory_space<vmem>> -> memref<1x128xi32, #tpu.memory_space<vmem>>
        %dma_wait3A_101 = tpu.memref_squeeze %dma_wait3A_100 : memref<1x128xi32, #tpu.memory_space<vmem>> -> memref<128xi32, #tpu.memory_space<vmem>>
        %dma_wait3A_102 = arith.constant 0 : i32
        %dma_wait3A_103 = tpu.memref_slice %arg4[%arg1, %add3A_46, %dma_wait3A_102] : memref<16x80x128xi32, #tpu.memory_space<hbm>> -> memref<1x1x128xi32, #tpu.memory_space<hbm>>
        %dma_wait3A_104 = tpu.memref_squeeze %dma_wait3A_103 : memref<1x1x128xi32, #tpu.memory_space<hbm>> -> memref<128xi32, #tpu.memory_space<hbm>>
        tpu.wait_dma2 semaphore(%arg17 : memref<!tpu.dma_semaphore, #tpu.memory_space<semaphore_mem>>) src(%dma_wait3A_104 : memref<128xi32, #tpu.memory_space<hbm>>) dst(%dma_wait3A_101 : memref<128xi32, #tpu.memory_space<vmem>>)
      } else {
      }
      %run_scoped3A_57 = arith.constant 0 : i32
      "tpu.region"() ({
        %run_scoped3A_92 = tpu.sem_alloc : memref<!tpu.dma_semaphore, #tpu.memory_space<semaphore_mem>>
        %dma_start3A_93 = arith.constant 0 : i32
        %dma_start3A_94 = tpu.memref_slice %arg9[%run_scoped3A_57, %dma_start3A_93] : memref<1x128xi32, #tpu.memory_space<vmem>> -> memref<1x128xi32, #tpu.memory_space<vmem>>
        %dma_start3A_95 = tpu.memref_squeeze %dma_start3A_94 : memref<1x128xi32, #tpu.memory_space<vmem>> -> memref<128xi32, #tpu.memory_space<vmem>>
        %dma_start3A_96 = arith.constant 0 : i32
        %dma_start3A_97 = arith.constant 0 : i32
        %dma_start3A_98 = tpu.memref_slice %arg6[%dma_start3A_96, %dma_start3A_97] : memref<10240x128xf32, #tpu.memory_space<vmem_shared>> -> memref<10240x128xf32, #tpu.memory_space<vmem_shared>>
        tpu.enqueue_indirect_dma source(%arg11 : memref<128x128xf32, #tpu.memory_space<vmem>>) target(%dma_start3A_98 : memref<10240x128xf32, #tpu.memory_space<vmem_shared>>) offsets(%dma_start3A_95 : memref<128xi32, #tpu.memory_space<vmem>>) semaphore(%run_scoped3A_92 : memref<!tpu.dma_semaphore, #tpu.memory_space<semaphore_mem>>) {add = true}
        %dma_wait3A_99 = arith.constant 0 : i32
        %dma_wait3A_100 = tpu.memref_slice %arg9[%run_scoped3A_57, %dma_wait3A_99] : memref<1x128xi32, #tpu.memory_space<vmem>> -> memref<1x128xi32, #tpu.memory_space<vmem>>
        %dma_wait3A_101 = tpu.memref_squeeze %dma_wait3A_100 : memref<1x128xi32, #tpu.memory_space<vmem>> -> memref<128xi32, #tpu.memory_space<vmem>>
        %dma_wait3A_102 = arith.constant 0 : i32
        %dma_wait3A_103 = arith.constant 0 : i32
        %dma_wait3A_104 = tpu.memref_slice %arg6[%dma_wait3A_102, %dma_wait3A_103] : memref<10240x128xf32, #tpu.memory_space<vmem_shared>> -> memref<10240x128xf32, #tpu.memory_space<vmem_shared>>
        tpu.wait_indirect_dma semaphore(%run_scoped3A_92 : memref<!tpu.dma_semaphore, #tpu.memory_space<semaphore_mem>>) src(%arg11 : memref<128x128xf32, #tpu.memory_space<vmem>>) dst(%dma_wait3A_104 : memref<10240x128xf32, #tpu.memory_space<vmem_shared>>)
        tpu.yield
      }) : () -> ()
      %add3A_58 = arith.constant 2 : i32
      %add3A_59 = arith.addi %add3A_46, %add3A_58 : i32
      %lt3A_60 = arith.constant 80 : i32
      %lt3A_61 = arith.cmpi slt, %add3A_59, %lt3A_60 : i32
      %convert_element_type3A_62 = arith.extui %lt3A_61 : i1 to i32
      %cond3A_63 = arith.constant 0 : i32
      %cond3A_64 = arith.cmpi ne, %convert_element_type3A_62, %cond3A_63 : i32
      scf.if %cond3A_64 {
        %add3A_92 = arith.constant 2 : i32
        %add3A_93 = arith.addi %add3A_46, %add3A_92 : i32
        %dma_start3A_94 = arith.constant 0 : i32
        %dma_start3A_95 = arith.constant 0 : i32
        %dma_start3A_96 = tpu.memref_slice %arg9[%dma_start3A_94, %dma_start3A_95] : memref<1x128xi32, #tpu.memory_space<vmem>> -> memref<1x128xi32, #tpu.memory_space<vmem>>
        %dma_start3A_97 = tpu.memref_squeeze %dma_start3A_96 : memref<1x128xi32, #tpu.memory_space<vmem>> -> memref<128xi32, #tpu.memory_space<vmem>>
        %dma_start3A_98 = arith.constant 0 : i32
        %dma_start3A_99 = tpu.memref_slice %arg4[%arg1, %add3A_93, %dma_start3A_98] : memref<16x80x128xi32, #tpu.memory_space<hbm>> -> memref<1x1x128xi32, #tpu.memory_space<hbm>>
        %dma_start3A_100 = tpu.memref_squeeze %dma_start3A_99 : memref<1x1x128xi32, #tpu.memory_space<hbm>> -> memref<128xi32, #tpu.memory_space<hbm>>
        %dma_start3A_101 = arith.constant 0 : i32
        %dma_start3A_102 = tpu.memref_slice %arg9[%dma_start3A_94, %dma_start3A_101] : memref<1x128xi32, #tpu.memory_space<vmem>> -> memref<1x128xi32, #tpu.memory_space<vmem>>
        %dma_start3A_103 = tpu.memref_squeeze %dma_start3A_102 : memref<1x128xi32, #tpu.memory_space<vmem>> -> memref<128xi32, #tpu.memory_space<vmem>>
        %dma_start3A_104 = arith.constant 0 : i32
        %dma_start3A_105 = tpu.memref_slice %arg4[%arg1, %add3A_93, %dma_start3A_104] : memref<16x80x128xi32, #tpu.memory_space<hbm>> -> memref<1x1x128xi32, #tpu.memory_space<hbm>>
        %dma_start3A_106 = tpu.memref_squeeze %dma_start3A_105 : memref<1x1x128xi32, #tpu.memory_space<hbm>> -> memref<128xi32, #tpu.memory_space<hbm>>
        tpu.enqueue_dma source(%dma_start3A_106 : memref<128xi32, #tpu.memory_space<hbm>>) target(%dma_start3A_103 : memref<128xi32, #tpu.memory_space<vmem>>) target_semaphore(%arg17 : memref<!tpu.dma_semaphore, #tpu.memory_space<semaphore_mem>>)
        %add3A_107 = arith.constant 2 : i32
        %add3A_108 = arith.addi %add3A_46, %add3A_107 : i32
        %dma_wait3A_109 = arith.constant 0 : i32
        %dma_wait3A_110 = tpu.memref_slice %arg3[%arg0, %arg1, %add3A_108, %dma_wait3A_109] : memref<2x16x80x128xi32, #tpu.memory_space<hbm>> -> memref<1x1x1x128xi32, #tpu.memory_space<hbm>>
        %dma_wait3A_111 = tpu.memref_squeeze %dma_wait3A_110 : memref<1x1x1x128xi32, #tpu.memory_space<hbm>> -> memref<128xi32, #tpu.memory_space<hbm>>
        %dma_wait3A_112 = arith.constant 0 : i32
        %dma_wait3A_113 = tpu.memref_slice %arg3[%arg0, %arg1, %add3A_108, %dma_wait3A_112] : memref<2x16x80x128xi32, #tpu.memory_space<hbm>> -> memref<1x1x1x128xi32, #tpu.memory_space<hbm>>
        %dma_wait3A_114 = tpu.memref_squeeze %dma_wait3A_113 : memref<1x1x1x128xi32, #tpu.memory_space<hbm>> -> memref<128xi32, #tpu.memory_space<hbm>>
        tpu.wait_dma2 semaphore(%arg15 : memref<!tpu.dma_semaphore, #tpu.memory_space<semaphore_mem>>) src(%dma_wait3A_114 : memref<128xi32, #tpu.memory_space<hbm>>) dst(%arg7 : memref<128xi32, #tpu.memory_space<vmem>>)
        %dma_start3A_115 = arith.constant 0 : i32
        %dma_start3A_116 = arith.constant 0 : i32
        %dma_start3A_117 = tpu.memref_slice %arg2[%dma_start3A_115, %dma_start3A_116] : memref<20480x128xf32, #tpu.memory_space<hbm>> -> memref<20480x128xf32, #tpu.memory_space<hbm>>
        tpu.enqueue_indirect_dma source(%dma_start3A_117 : memref<20480x128xf32, #tpu.memory_space<hbm>>) target(%arg11 : memref<128x128xf32, #tpu.memory_space<vmem>>) offsets(%arg7 : memref<128xi32, #tpu.memory_space<vmem>>) semaphore(%arg13 : memref<!tpu.dma_semaphore, #tpu.memory_space<semaphore_mem>>)
      } else {
      }
      %mul3A_65 = arith.constant 2 : i32
      %mul3A_66 = arith.muli %mul3A_65, %scan3A_42 : i32
      %add3A_67 = arith.constant 1 : i32
      %add3A_68 = arith.addi %mul3A_66, %add3A_67 : i32
      %dma_wait3A_69 = arith.constant 0 : i32
      %dma_wait3A_70 = arith.constant 0 : i32
      %dma_wait3A_71 = tpu.memref_slice %arg2[%dma_wait3A_69, %dma_wait3A_70] : memref<20480x128xf32, #tpu.memory_space<hbm>> -> memref<20480x128xf32, #tpu.memory_space<hbm>>
      tpu.wait_indirect_dma semaphore(%arg14 : memref<!tpu.dma_semaphore, #tpu.memory_space<semaphore_mem>>) src(%dma_wait3A_71 : memref<20480x128xf32, #tpu.memory_space<hbm>>) dst(%arg12 : memref<128x128xf32, #tpu.memory_space<vmem>>)
      %add3A_72 = arith.constant 2 : i32
      %add3A_73 = arith.addi %add3A_68, %add3A_72 : i32
      %lt3A_74 = arith.constant 80 : i32
      %lt3A_75 = arith.cmpi slt, %add3A_73, %lt3A_74 : i32
      %convert_element_type3A_76 = arith.extui %lt3A_75 : i1 to i32
      %cond3A_77 = arith.constant 0 : i32
      %cond3A_78 = arith.cmpi ne, %convert_element_type3A_76, %cond3A_77 : i32
      scf.if %cond3A_78 {
        %add3A_92 = arith.constant 2 : i32
        %add3A_93 = arith.addi %add3A_68, %add3A_92 : i32
        %dma_start3A_94 = arith.constant 0 : i32
        %dma_start3A_95 = tpu.memref_slice %arg3[%arg0, %arg1, %add3A_93, %dma_start3A_94] : memref<2x16x80x128xi32, #tpu.memory_space<hbm>> -> memref<1x1x1x128xi32, #tpu.memory_space<hbm>>
        %dma_start3A_96 = tpu.memref_squeeze %dma_start3A_95 : memref<1x1x1x128xi32, #tpu.memory_space<hbm>> -> memref<128xi32, #tpu.memory_space<hbm>>
        %dma_start3A_97 = arith.constant 0 : i32
        %dma_start3A_98 = tpu.memref_slice %arg3[%arg0, %arg1, %add3A_93, %dma_start3A_97] : memref<2x16x80x128xi32, #tpu.memory_space<hbm>> -> memref<1x1x1x128xi32, #tpu.memory_space<hbm>>
        %dma_start3A_99 = tpu.memref_squeeze %dma_start3A_98 : memref<1x1x1x128xi32, #tpu.memory_space<hbm>> -> memref<128xi32, #tpu.memory_space<hbm>>
        tpu.enqueue_dma source(%dma_start3A_99 : memref<128xi32, #tpu.memory_space<hbm>>) target(%arg8 : memref<128xi32, #tpu.memory_space<vmem>>) target_semaphore(%arg16 : memref<!tpu.dma_semaphore, #tpu.memory_space<semaphore_mem>>)
      } else {
      }
      %ge3A_79 = arith.constant 2 : i32
      %ge3A_80 = arith.cmpi sge, %add3A_68, %ge3A_79 : i32
      %convert_element_type3A_81 = arith.extui %ge3A_80 : i1 to i32
      %cond3A_82 = arith.constant 0 : i32
      %cond3A_83 = arith.cmpi ne, %convert_element_type3A_81, %cond3A_82 : i32
      scf.if %cond3A_83 {
        %dma_wait3A_92 = arith.constant 0 : i32
        %dma_wait3A_93 = arith.constant 0 : i32
        %dma_wait3A_94 = tpu.memref_slice %arg10[%dma_wait3A_92, %dma_wait3A_93] : memref<1x128xi32, #tpu.memory_space<vmem>> -> memref<1x128xi32, #tpu.memory_space<vmem>>
        %dma_wait3A_95 = tpu.memref_squeeze %dma_wait3A_94 : memref<1x128xi32, #tpu.memory_space<vmem>> -> memref<128xi32, #tpu.memory_space<vmem>>
        %dma_wait3A_96 = arith.constant 0 : i32
        %dma_wait3A_97 = tpu.memref_slice %arg4[%arg1, %add3A_68, %dma_wait3A_96] : memref<16x80x128xi32, #tpu.memory_space<hbm>> -> memref<1x1x128xi32, #tpu.memory_space<hbm>>
        %dma_wait3A_98 = tpu.memref_squeeze %dma_wait3A_97 : memref<1x1x128xi32, #tpu.memory_space<hbm>> -> memref<128xi32, #tpu.memory_space<hbm>>
        %dma_wait3A_99 = arith.constant 0 : i32
        %dma_wait3A_100 = tpu.memref_slice %arg10[%dma_wait3A_92, %dma_wait3A_99] : memref<1x128xi32, #tpu.memory_space<vmem>> -> memref<1x128xi32, #tpu.memory_space<vmem>>
        %dma_wait3A_101 = tpu.memref_squeeze %dma_wait3A_100 : memref<1x128xi32, #tpu.memory_space<vmem>> -> memref<128xi32, #tpu.memory_space<vmem>>
        %dma_wait3A_102 = arith.constant 0 : i32
        %dma_wait3A_103 = tpu.memref_slice %arg4[%arg1, %add3A_68, %dma_wait3A_102] : memref<16x80x128xi32, #tpu.memory_space<hbm>> -> memref<1x1x128xi32, #tpu.memory_space<hbm>>
        %dma_wait3A_104 = tpu.memref_squeeze %dma_wait3A_103 : memref<1x1x128xi32, #tpu.memory_space<hbm>> -> memref<128xi32, #tpu.memory_space<hbm>>
        tpu.wait_dma2 semaphore(%arg18 : memref<!tpu.dma_semaphore, #tpu.memory_space<semaphore_mem>>) src(%dma_wait3A_104 : memref<128xi32, #tpu.memory_space<hbm>>) dst(%dma_wait3A_101 : memref<128xi32, #tpu.memory_space<vmem>>)
      } else {
      }
      %run_scoped3A_84 = arith.constant 0 : i32
      "tpu.region"() ({
        %run_scoped3A_92 = tpu.sem_alloc : memref<!tpu.dma_semaphore, #tpu.memory_space<semaphore_mem>>
        %dma_start3A_93 = arith.constant 0 : i32
        %dma_start3A_94 = tpu.memref_slice %arg10[%run_scoped3A_84, %dma_start3A_93] : memref<1x128xi32, #tpu.memory_space<vmem>> -> memref<1x128xi32, #tpu.memory_space<vmem>>
        %dma_start3A_95 = tpu.memref_squeeze %dma_start3A_94 : memref<1x128xi32, #tpu.memory_space<vmem>> -> memref<128xi32, #tpu.memory_space<vmem>>
        %dma_start3A_96 = arith.constant 0 : i32
        %dma_start3A_97 = arith.constant 0 : i32
        %dma_start3A_98 = tpu.memref_slice %arg6[%dma_start3A_96, %dma_start3A_97] : memref<10240x128xf32, #tpu.memory_space<vmem_shared>> -> memref<10240x128xf32, #tpu.memory_space<vmem_shared>>
        tpu.enqueue_indirect_dma source(%arg12 : memref<128x128xf32, #tpu.memory_space<vmem>>) target(%dma_start3A_98 : memref<10240x128xf32, #tpu.memory_space<vmem_shared>>) offsets(%dma_start3A_95 : memref<128xi32, #tpu.memory_space<vmem>>) semaphore(%run_scoped3A_92 : memref<!tpu.dma_semaphore, #tpu.memory_space<semaphore_mem>>) {add = true}
        %dma_wait3A_99 = arith.constant 0 : i32
        %dma_wait3A_100 = tpu.memref_slice %arg10[%run_scoped3A_84, %dma_wait3A_99] : memref<1x128xi32, #tpu.memory_space<vmem>> -> memref<1x128xi32, #tpu.memory_space<vmem>>
        %dma_wait3A_101 = tpu.memref_squeeze %dma_wait3A_100 : memref<1x128xi32, #tpu.memory_space<vmem>> -> memref<128xi32, #tpu.memory_space<vmem>>
        %dma_wait3A_102 = arith.constant 0 : i32
        %dma_wait3A_103 = arith.constant 0 : i32
        %dma_wait3A_104 = tpu.memref_slice %arg6[%dma_wait3A_102, %dma_wait3A_103] : memref<10240x128xf32, #tpu.memory_space<vmem_shared>> -> memref<10240x128xf32, #tpu.memory_space<vmem_shared>>
        tpu.wait_indirect_dma semaphore(%run_scoped3A_92 : memref<!tpu.dma_semaphore, #tpu.memory_space<semaphore_mem>>) src(%arg12 : memref<128x128xf32, #tpu.memory_space<vmem>>) dst(%dma_wait3A_104 : memref<10240x128xf32, #tpu.memory_space<vmem_shared>>)
        tpu.yield
      }) : () -> ()
      %add3A_85 = arith.constant 2 : i32
      %add3A_86 = arith.addi %add3A_68, %add3A_85 : i32
      %lt3A_87 = arith.constant 80 : i32
      %lt3A_88 = arith.cmpi slt, %add3A_86, %lt3A_87 : i32
      %convert_element_type3A_89 = arith.extui %lt3A_88 : i1 to i32
      %cond3A_90 = arith.constant 0 : i32
      %cond3A_91 = arith.cmpi ne, %convert_element_type3A_89, %cond3A_90 : i32
      scf.if %cond3A_91 {
        %add3A_92 = arith.constant 2 : i32
        %add3A_93 = arith.addi %add3A_68, %add3A_92 : i32
        %dma_start3A_94 = arith.constant 0 : i32
        %dma_start3A_95 = arith.constant 0 : i32
        %dma_start3A_96 = tpu.memref_slice %arg10[%dma_start3A_94, %dma_start3A_95] : memref<1x128xi32, #tpu.memory_space<vmem>> -> memref<1x128xi32, #tpu.memory_space<vmem>>
        %dma_start3A_97 = tpu.memref_squeeze %dma_start3A_96 : memref<1x128xi32, #tpu.memory_space<vmem>> -> memref<128xi32, #tpu.memory_space<vmem>>
        %dma_start3A_98 = arith.constant 0 : i32
        %dma_start3A_99 = tpu.memref_slice %arg4[%arg1, %add3A_93, %dma_start3A_98] : memref<16x80x128xi32, #tpu.memory_space<hbm>> -> memref<1x1x128xi32, #tpu.memory_space<hbm>>
        %dma_start3A_100 = tpu.memref_squeeze %dma_start3A_99 : memref<1x1x128xi32, #tpu.memory_space<hbm>> -> memref<128xi32, #tpu.memory_space<hbm>>
        %dma_start3A_101 = arith.constant 0 : i32
        %dma_start3A_102 = tpu.memref_slice %arg10[%dma_start3A_94, %dma_start3A_101] : memref<1x128xi32, #tpu.memory_space<vmem>> -> memref<1x128xi32, #tpu.memory_space<vmem>>
        %dma_start3A_103 = tpu.memref_squeeze %dma_start3A_102 : memref<1x128xi32, #tpu.memory_space<vmem>> -> memref<128xi32, #tpu.memory_space<vmem>>
        %dma_start3A_104 = arith.constant 0 : i32
        %dma_start3A_105 = tpu.memref_slice %arg4[%arg1, %add3A_93, %dma_start3A_104] : memref<16x80x128xi32, #tpu.memory_space<hbm>> -> memref<1x1x128xi32, #tpu.memory_space<hbm>>
        %dma_start3A_106 = tpu.memref_squeeze %dma_start3A_105 : memref<1x1x128xi32, #tpu.memory_space<hbm>> -> memref<128xi32, #tpu.memory_space<hbm>>
        tpu.enqueue_dma source(%dma_start3A_106 : memref<128xi32, #tpu.memory_space<hbm>>) target(%dma_start3A_103 : memref<128xi32, #tpu.memory_space<vmem>>) target_semaphore(%arg18 : memref<!tpu.dma_semaphore, #tpu.memory_space<semaphore_mem>>)
        %add3A_107 = arith.constant 2 : i32
        %add3A_108 = arith.addi %add3A_68, %add3A_107 : i32
        %dma_wait3A_109 = arith.constant 0 : i32
        %dma_wait3A_110 = tpu.memref_slice %arg3[%arg0, %arg1, %add3A_108, %dma_wait3A_109] : memref<2x16x80x128xi32, #tpu.memory_space<hbm>> -> memref<1x1x1x128xi32, #tpu.memory_space<hbm>>
        %dma_wait3A_111 = tpu.memref_squeeze %dma_wait3A_110 : memref<1x1x1x128xi32, #tpu.memory_space<hbm>> -> memref<128xi32, #tpu.memory_space<hbm>>
        %dma_wait3A_112 = arith.constant 0 : i32
        %dma_wait3A_113 = tpu.memref_slice %arg3[%arg0, %arg1, %add3A_108, %dma_wait3A_112] : memref<2x16x80x128xi32, #tpu.memory_space<hbm>> -> memref<1x1x1x128xi32, #tpu.memory_space<hbm>>
        %dma_wait3A_114 = tpu.memref_squeeze %dma_wait3A_113 : memref<1x1x1x128xi32, #tpu.memory_space<hbm>> -> memref<128xi32, #tpu.memory_space<hbm>>
        tpu.wait_dma2 semaphore(%arg16 : memref<!tpu.dma_semaphore, #tpu.memory_space<semaphore_mem>>) src(%dma_wait3A_114 : memref<128xi32, #tpu.memory_space<hbm>>) dst(%arg8 : memref<128xi32, #tpu.memory_space<vmem>>)
        %dma_start3A_115 = arith.constant 0 : i32
        %dma_start3A_116 = arith.constant 0 : i32
        %dma_start3A_117 = tpu.memref_slice %arg2[%dma_start3A_115, %dma_start3A_116] : memref<20480x128xf32, #tpu.memory_space<hbm>> -> memref<20480x128xf32, #tpu.memory_space<hbm>>
        tpu.enqueue_indirect_dma source(%dma_start3A_117 : memref<20480x128xf32, #tpu.memory_space<hbm>>) target(%arg12 : memref<128x128xf32, #tpu.memory_space<vmem>>) offsets(%arg8 : memref<128xi32, #tpu.memory_space<vmem>>) semaphore(%arg14 : memref<!tpu.dma_semaphore, #tpu.memory_space<semaphore_mem>>)
      } else {
      }
    }
    %scan3A_36 = arith.constant 40 : i32
    %barrier3A_37 = arith.constant 0 : index
    tpu.barrier barrier_id(%barrier3A_37)
    %mul3A_38 = arith.constant 640 : i32
    %mul3A_39 = arith.muli %arg1, %mul3A_38 : i32
    %mul3A_40 = arith.constant 640 : i32
    %mul3A_41 = arith.muli %arg1, %mul3A_40 : i32
    "tpu.region"() ({
      %run_scoped3A_42 = tpu.sem_alloc : memref<!tpu.dma_semaphore, #tpu.memory_space<semaphore_mem>>
      %dma_start3A_43 = arith.constant 0 : i32
      %dma_start3A_44 = tpu.memref_slice %arg5[%arg0, %mul3A_41, %dma_start3A_43] : memref<2x10240x128xf32, #tpu.memory_space<hbm>> -> memref<1x640x128xf32, #tpu.memory_space<hbm>>
      %dma_start3A_45 = tpu.memref_squeeze %dma_start3A_44 : memref<1x640x128xf32, #tpu.memory_space<hbm>> -> memref<640x128xf32, #tpu.memory_space<hbm>>
      %dma_start3A_46 = arith.constant 0 : i32
      %dma_start3A_47 = tpu.memref_slice %arg6[%mul3A_39, %dma_start3A_46] : memref<10240x128xf32, #tpu.memory_space<vmem_shared>> -> memref<640x128xf32, #tpu.memory_space<vmem_shared>>
      tpu.enqueue_dma source(%dma_start3A_47 : memref<640x128xf32, #tpu.memory_space<vmem_shared>>) target(%dma_start3A_45 : memref<640x128xf32, #tpu.memory_space<hbm>>) target_semaphore(%run_scoped3A_42 : memref<!tpu.dma_semaphore, #tpu.memory_space<semaphore_mem>>)
      %dma_wait3A = arith.constant 0 : i32
      %dma_wait3A_48 = tpu.memref_slice %arg5[%arg0, %mul3A_41, %dma_wait3A] : memref<2x10240x128xf32, #tpu.memory_space<hbm>> -> memref<1x640x128xf32, #tpu.memory_space<hbm>>
      %dma_wait3A_49 = tpu.memref_squeeze %dma_wait3A_48 : memref<1x640x128xf32, #tpu.memory_space<hbm>> -> memref<640x128xf32, #tpu.memory_space<hbm>>
      %dma_wait3A_50 = arith.constant 0 : i32
      %dma_wait3A_51 = tpu.memref_slice %arg6[%mul3A_39, %dma_wait3A_50] : memref<10240x128xf32, #tpu.memory_space<vmem_shared>> -> memref<640x128xf32, #tpu.memory_space<vmem_shared>>
      tpu.wait_dma2 semaphore(%run_scoped3A_42 : memref<!tpu.dma_semaphore, #tpu.memory_space<semaphore_mem>>) src(%dma_wait3A_51 : memref<640x128xf32, #tpu.memory_space<vmem_shared>>) dst(%dma_wait3A_49 : memref<640x128xf32, #tpu.memory_space<hbm>>)
      tpu.yield
    }) : () -> ()
    return
  }
}

#map = affine_map<(d0, d1) -> (0, 0)>
#map1 = affine_map<(d0, d1) -> (0, 0, 0, 0)>
#map2 = affine_map<(d0, d1) -> (0, 0, 0)>
module attributes {stable_mosaic.version = 14 : i64} {
  func.func @body(%arg0: i32, %arg1: i32, %arg2: memref<10240x128xf32, #tpu.memory_space<hbm>>, %arg3: memref<2x16x80x128xi32, #tpu.memory_space<hbm>>, %arg4: memref<16x80x128xi32, #tpu.memory_space<hbm>>, %arg5: memref<2x10240x128xf32, #tpu.memory_space<hbm>>, %arg6: memref<10240x128xf32, #tpu.memory_space<vmem_shared>>, %arg7: memref<128xi32, #tpu.memory_space<vmem>>, %arg8: memref<128xi32, #tpu.memory_space<vmem>>, %arg9: memref<1x128xi32, #tpu.memory_space<vmem>>, %arg10: memref<1x128xi32, #tpu.memory_space<vmem>>, %arg11: memref<128x128xf32, #tpu.memory_space<vmem>>, %arg12: memref<128x128xf32, #tpu.memory_space<vmem>>, %arg13: memref<!tpu.dma_semaphore, #tpu.memory_space<semaphore_mem>>, %arg14: memref<!tpu.dma_semaphore, #tpu.memory_space<semaphore_mem>>, %arg15: memref<!tpu.dma_semaphore, #tpu.memory_space<semaphore_mem>>, %arg16: memref<!tpu.dma_semaphore, #tpu.memory_space<semaphore_mem>>, %arg17: memref<!tpu.dma_semaphore, #tpu.memory_space<semaphore_mem>>, %arg18: memref<!tpu.dma_semaphore, #tpu.memory_space<semaphore_mem>>) attributes {dimension_semantics = [#tpu.dimension_semantics<core_parallel>, #tpu.dimension_semantics<subcore_parallel>], iteration_bounds = array<i64: 2, 16>, scalar_prefetch = 0 : i64, scratch_operands = 13 : i64, tpu.core_type = #tpu.core_type<sc_vector_subcore>, window_params = [{transform_indices = #map}, {transform_indices = #map1}, {transform_indices = #map2}, {transform_indices = #map2}]} {
    %mul3A = arith.constant 40 : i32
    %mul3A_0 = arith.muli %arg0, %mul3A : i32
    %scan3A = arith.constant 0 : i32
    %scan3A_1 = arith.constant 128 : i32
    %scan3A_2 = arith.addi %scan3A, %scan3A_1 : i32
    %scan3A_3 = arith.constant 1 : i32
    scf.for %scan3A_46 = %scan3A to %scan3A_2 step %scan3A_3  : i32 {
      %broadcast_in_dim3A = arith.constant 0.000000e+00 : f32
      %broadcast_in_dim3A_47 = vector.broadcast %broadcast_in_dim3A : f32 to vector<16xf32>
      %swap3A = arith.index_cast %scan3A_46 : i32 to index
      %swap3A_48 = arith.constant 0 : index
      %swap3A_49 = tpu.vector_load %arg11[%swap3A, %swap3A_48] {strides = array<i32>} : memref<128x128xf32, #tpu.memory_space<vmem>>, vector<16xf32>,
      tpu.vector_store %arg11[%swap3A, %swap3A_48], %broadcast_in_dim3A_47 {strides = array<i32>} : memref<128x128xf32, #tpu.memory_space<vmem>>, vector<16xf32>,
      %broadcast_in_dim3A_50 = arith.constant 0.000000e+00 : f32
      %broadcast_in_dim3A_51 = vector.broadcast %broadcast_in_dim3A_50 : f32 to vector<16xf32>
      %swap3A_52 = arith.index_cast %scan3A_46 : i32 to index
      %swap3A_53 = arith.constant 16 : index
      %swap3A_54 = tpu.vector_load %arg11[%swap3A_52, %swap3A_53] {strides = array<i32>} : memref<128x128xf32, #tpu.memory_space<vmem>>, vector<16xf32>,
      tpu.vector_store %arg11[%swap3A_52, %swap3A_53], %broadcast_in_dim3A_51 {strides = array<i32>} : memref<128x128xf32, #tpu.memory_space<vmem>>, vector<16xf32>,
      %broadcast_in_dim3A_55 = arith.constant 0.000000e+00 : f32
      %broadcast_in_dim3A_56 = vector.broadcast %broadcast_in_dim3A_55 : f32 to vector<16xf32>
      %swap3A_57 = arith.index_cast %scan3A_46 : i32 to index
      %swap3A_58 = arith.constant 32 : index
      %swap3A_59 = tpu.vector_load %arg11[%swap3A_57, %swap3A_58] {strides = array<i32>} : memref<128x128xf32, #tpu.memory_space<vmem>>, vector<16xf32>,
      tpu.vector_store %arg11[%swap3A_57, %swap3A_58], %broadcast_in_dim3A_56 {strides = array<i32>} : memref<128x128xf32, #tpu.memory_space<vmem>>, vector<16xf32>,
      %broadcast_in_dim3A_60 = arith.constant 0.000000e+00 : f32
      %broadcast_in_dim3A_61 = vector.broadcast %broadcast_in_dim3A_60 : f32 to vector<16xf32>
      %swap3A_62 = arith.index_cast %scan3A_46 : i32 to index
      %swap3A_63 = arith.constant 48 : index
      %swap3A_64 = tpu.vector_load %arg11[%swap3A_62, %swap3A_63] {strides = array<i32>} : memref<128x128xf32, #tpu.memory_space<vmem>>, vector<16xf32>,
      tpu.vector_store %arg11[%swap3A_62, %swap3A_63], %broadcast_in_dim3A_61 {strides = array<i32>} : memref<128x128xf32, #tpu.memory_space<vmem>>, vector<16xf32>,
      %broadcast_in_dim3A_65 = arith.constant 0.000000e+00 : f32
      %broadcast_in_dim3A_66 = vector.broadcast %broadcast_in_dim3A_65 : f32 to vector<16xf32>
      %swap3A_67 = arith.index_cast %scan3A_46 : i32 to index
      %swap3A_68 = arith.constant 64 : index
      %swap3A_69 = tpu.vector_load %arg11[%swap3A_67, %swap3A_68] {strides = array<i32>} : memref<128x128xf32, #tpu.memory_space<vmem>>, vector<16xf32>,
      tpu.vector_store %arg11[%swap3A_67, %swap3A_68], %broadcast_in_dim3A_66 {strides = array<i32>} : memref<128x128xf32, #tpu.memory_space<vmem>>, vector<16xf32>,
      %broadcast_in_dim3A_70 = arith.constant 0.000000e+00 : f32
      %broadcast_in_dim3A_71 = vector.broadcast %broadcast_in_dim3A_70 : f32 to vector<16xf32>
      %swap3A_72 = arith.index_cast %scan3A_46 : i32 to index
      %swap3A_73 = arith.constant 80 : index
      %swap3A_74 = tpu.vector_load %arg11[%swap3A_72, %swap3A_73] {strides = array<i32>} : memref<128x128xf32, #tpu.memory_space<vmem>>, vector<16xf32>,
      tpu.vector_store %arg11[%swap3A_72, %swap3A_73], %broadcast_in_dim3A_71 {strides = array<i32>} : memref<128x128xf32, #tpu.memory_space<vmem>>, vector<16xf32>,
      %broadcast_in_dim3A_75 = arith.constant 0.000000e+00 : f32
      %broadcast_in_dim3A_76 = vector.broadcast %broadcast_in_dim3A_75 : f32 to vector<16xf32>
      %swap3A_77 = arith.index_cast %scan3A_46 : i32 to index
      %swap3A_78 = arith.constant 96 : index
      %swap3A_79 = tpu.vector_load %arg11[%swap3A_77, %swap3A_78] {strides = array<i32>} : memref<128x128xf32, #tpu.memory_space<vmem>>, vector<16xf32>,
      tpu.vector_store %arg11[%swap3A_77, %swap3A_78], %broadcast_in_dim3A_76 {strides = array<i32>} : memref<128x128xf32, #tpu.memory_space<vmem>>, vector<16xf32>,
      %broadcast_in_dim3A_80 = arith.constant 0.000000e+00 : f32
      %broadcast_in_dim3A_81 = vector.broadcast %broadcast_in_dim3A_80 : f32 to vector<16xf32>
      %swap3A_82 = arith.index_cast %scan3A_46 : i32 to index
      %swap3A_83 = arith.constant 112 : index
      %swap3A_84 = tpu.vector_load %arg11[%swap3A_82, %swap3A_83] {strides = array<i32>} : memref<128x128xf32, #tpu.memory_space<vmem>>, vector<16xf32>,
      tpu.vector_store %arg11[%swap3A_82, %swap3A_83], %broadcast_in_dim3A_81 {strides = array<i32>} : memref<128x128xf32, #tpu.memory_space<vmem>>, vector<16xf32>,
    }
    %scan3A_4 = arith.constant 128 : i32
    %mul3A_5 = arith.constant 640 : i32
    %mul3A_6 = arith.muli %arg1, %mul3A_5 : i32
    %add3A = arith.constant 0 : i32
    %add3A_7 = arith.addi %mul3A_6, %add3A : i32
    "tpu.region"() ({
      %run_scoped3A_46 = tpu.sem_alloc : memref<!tpu.dma_semaphore, #tpu.memory_space<semaphore_mem>>
      %dma_start3A_47 = arith.constant 0 : i32
      %dma_start3A_48 = tpu.memref_slice %arg6[%add3A_7, %dma_start3A_47] : memref<10240x128xf32, #tpu.memory_space<vmem_shared>> -> memref<128x128xf32, #tpu.memory_space<vmem_shared>>
      %dma_start3A_49 = arith.constant 0 : i32
      %dma_start3A_50 = tpu.memref_slice %arg6[%add3A_7, %dma_start3A_49] : memref<10240x128xf32, #tpu.memory_space<vmem_shared>> -> memref<128x128xf32, #tpu.memory_space<vmem_shared>>
      tpu.enqueue_dma source(%arg11 : memref<128x128xf32, #tpu.memory_space<vmem>>) target(%dma_start3A_50 : memref<128x128xf32, #tpu.memory_space<vmem_shared>>) target_semaphore(%run_scoped3A_46 : memref<!tpu.dma_semaphore, #tpu.memory_space<semaphore_mem>>)
      %dma_wait3A = arith.constant 0 : i32
      %dma_wait3A_51 = tpu.memref_slice %arg6[%add3A_7, %dma_wait3A] : memref<10240x128xf32, #tpu.memory_space<vmem_shared>> -> memref<128x128xf32, #tpu.memory_space<vmem_shared>>
      %dma_wait3A_52 = arith.constant 0 : i32
      %dma_wait3A_53 = tpu.memref_slice %arg6[%add3A_7, %dma_wait3A_52] : memref<10240x128xf32, #tpu.memory_space<vmem_shared>> -> memref<128x128xf32, #tpu.memory_space<vmem_shared>>
      tpu.wait_dma2 semaphore(%run_scoped3A_46 : memref<!tpu.dma_semaphore, #tpu.memory_space<semaphore_mem>>) src(%arg11 : memref<128x128xf32, #tpu.memory_space<vmem>>) dst(%dma_wait3A_53 : memref<128x128xf32, #tpu.memory_space<vmem_shared>>)
      tpu.yield
    }) : () -> ()
    %mul3A_8 = arith.constant 640 : i32
    %mul3A_9 = arith.muli %arg1, %mul3A_8 : i32
    %add3A_10 = arith.constant 128 : i32
    %add3A_11 = arith.addi %mul3A_9, %add3A_10 : i32
    "tpu.region"() ({
      %run_scoped3A_46 = tpu.sem_alloc : memref<!tpu.dma_semaphore, #tpu.memory_space<semaphore_mem>>
      %dma_start3A_47 = arith.constant 0 : i32
      %dma_start3A_48 = tpu.memref_slice %arg6[%add3A_11, %dma_start3A_47] : memref<10240x128xf32, #tpu.memory_space<vmem_shared>> -> memref<128x128xf32, #tpu.memory_space<vmem_shared>>
      %dma_start3A_49 = arith.constant 0 : i32
      %dma_start3A_50 = tpu.memref_slice %arg6[%add3A_11, %dma_start3A_49] : memref<10240x128xf32, #tpu.memory_space<vmem_shared>> -> memref<128x128xf32, #tpu.memory_space<vmem_shared>>
      tpu.enqueue_dma source(%arg11 : memref<128x128xf32, #tpu.memory_space<vmem>>) target(%dma_start3A_50 : memref<128x128xf32, #tpu.memory_space<vmem_shared>>) target_semaphore(%run_scoped3A_46 : memref<!tpu.dma_semaphore, #tpu.memory_space<semaphore_mem>>)
      %dma_wait3A = arith.constant 0 : i32
      %dma_wait3A_51 = tpu.memref_slice %arg6[%add3A_11, %dma_wait3A] : memref<10240x128xf32, #tpu.memory_space<vmem_shared>> -> memref<128x128xf32, #tpu.memory_space<vmem_shared>>
      %dma_wait3A_52 = arith.constant 0 : i32
      %dma_wait3A_53 = tpu.memref_slice %arg6[%add3A_11, %dma_wait3A_52] : memref<10240x128xf32, #tpu.memory_space<vmem_shared>> -> memref<128x128xf32, #tpu.memory_space<vmem_shared>>
      tpu.wait_dma2 semaphore(%run_scoped3A_46 : memref<!tpu.dma_semaphore, #tpu.memory_space<semaphore_mem>>) src(%arg11 : memref<128x128xf32, #tpu.memory_space<vmem>>) dst(%dma_wait3A_53 : memref<128x128xf32, #tpu.memory_space<vmem_shared>>)
      tpu.yield
    }) : () -> ()
    %mul3A_12 = arith.constant 640 : i32
    %mul3A_13 = arith.muli %arg1, %mul3A_12 : i32
    %add3A_14 = arith.constant 256 : i32
    %add3A_15 = arith.addi %mul3A_13, %add3A_14 : i32
    "tpu.region"() ({
      %run_scoped3A_46 = tpu.sem_alloc : memref<!tpu.dma_semaphore, #tpu.memory_space<semaphore_mem>>
      %dma_start3A_47 = arith.constant 0 : i32
      %dma_start3A_48 = tpu.memref_slice %arg6[%add3A_15, %dma_start3A_47] : memref<10240x128xf32, #tpu.memory_space<vmem_shared>> -> memref<128x128xf32, #tpu.memory_space<vmem_shared>>
      %dma_start3A_49 = arith.constant 0 : i32
      %dma_start3A_50 = tpu.memref_slice %arg6[%add3A_15, %dma_start3A_49] : memref<10240x128xf32, #tpu.memory_space<vmem_shared>> -> memref<128x128xf32, #tpu.memory_space<vmem_shared>>
      tpu.enqueue_dma source(%arg11 : memref<128x128xf32, #tpu.memory_space<vmem>>) target(%dma_start3A_50 : memref<128x128xf32, #tpu.memory_space<vmem_shared>>) target_semaphore(%run_scoped3A_46 : memref<!tpu.dma_semaphore, #tpu.memory_space<semaphore_mem>>)
      %dma_wait3A = arith.constant 0 : i32
      %dma_wait3A_51 = tpu.memref_slice %arg6[%add3A_15, %dma_wait3A] : memref<10240x128xf32, #tpu.memory_space<vmem_shared>> -> memref<128x128xf32, #tpu.memory_space<vmem_shared>>
      %dma_wait3A_52 = arith.constant 0 : i32
      %dma_wait3A_53 = tpu.memref_slice %arg6[%add3A_15, %dma_wait3A_52] : memref<10240x128xf32, #tpu.memory_space<vmem_shared>> -> memref<128x128xf32, #tpu.memory_space<vmem_shared>>
      tpu.wait_dma2 semaphore(%run_scoped3A_46 : memref<!tpu.dma_semaphore, #tpu.memory_space<semaphore_mem>>) src(%arg11 : memref<128x128xf32, #tpu.memory_space<vmem>>) dst(%dma_wait3A_53 : memref<128x128xf32, #tpu.memory_space<vmem_shared>>)
      tpu.yield
    }) : () -> ()
    %mul3A_16 = arith.constant 640 : i32
    %mul3A_17 = arith.muli %arg1, %mul3A_16 : i32
    %add3A_18 = arith.constant 384 : i32
    %add3A_19 = arith.addi %mul3A_17, %add3A_18 : i32
    "tpu.region"() ({
      %run_scoped3A_46 = tpu.sem_alloc : memref<!tpu.dma_semaphore, #tpu.memory_space<semaphore_mem>>
      %dma_start3A_47 = arith.constant 0 : i32
      %dma_start3A_48 = tpu.memref_slice %arg6[%add3A_19, %dma_start3A_47] : memref<10240x128xf32, #tpu.memory_space<vmem_shared>> -> memref<128x128xf32, #tpu.memory_space<vmem_shared>>
      %dma_start3A_49 = arith.constant 0 : i32
      %dma_start3A_50 = tpu.memref_slice %arg6[%add3A_19, %dma_start3A_49] : memref<10240x128xf32, #tpu.memory_space<vmem_shared>> -> memref<128x128xf32, #tpu.memory_space<vmem_shared>>
      tpu.enqueue_dma source(%arg11 : memref<128x128xf32, #tpu.memory_space<vmem>>) target(%dma_start3A_50 : memref<128x128xf32, #tpu.memory_space<vmem_shared>>) target_semaphore(%run_scoped3A_46 : memref<!tpu.dma_semaphore, #tpu.memory_space<semaphore_mem>>)
      %dma_wait3A = arith.constant 0 : i32
      %dma_wait3A_51 = tpu.memref_slice %arg6[%add3A_19, %dma_wait3A] : memref<10240x128xf32, #tpu.memory_space<vmem_shared>> -> memref<128x128xf32, #tpu.memory_space<vmem_shared>>
      %dma_wait3A_52 = arith.constant 0 : i32
      %dma_wait3A_53 = tpu.memref_slice %arg6[%add3A_19, %dma_wait3A_52] : memref<10240x128xf32, #tpu.memory_space<vmem_shared>> -> memref<128x128xf32, #tpu.memory_space<vmem_shared>>
      tpu.wait_dma2 semaphore(%run_scoped3A_46 : memref<!tpu.dma_semaphore, #tpu.memory_space<semaphore_mem>>) src(%arg11 : memref<128x128xf32, #tpu.memory_space<vmem>>) dst(%dma_wait3A_53 : memref<128x128xf32, #tpu.memory_space<vmem_shared>>)
      tpu.yield
    }) : () -> ()
    %mul3A_20 = arith.constant 640 : i32
    %mul3A_21 = arith.muli %arg1, %mul3A_20 : i32
    %add3A_22 = arith.constant 512 : i32
    %add3A_23 = arith.addi %mul3A_21, %add3A_22 : i32
    "tpu.region"() ({
      %run_scoped3A_46 = tpu.sem_alloc : memref<!tpu.dma_semaphore, #tpu.memory_space<semaphore_mem>>
      %dma_start3A_47 = arith.constant 0 : i32
      %dma_start3A_48 = tpu.memref_slice %arg6[%add3A_23, %dma_start3A_47] : memref<10240x128xf32, #tpu.memory_space<vmem_shared>> -> memref<128x128xf32, #tpu.memory_space<vmem_shared>>
      %dma_start3A_49 = arith.constant 0 : i32
      %dma_start3A_50 = tpu.memref_slice %arg6[%add3A_23, %dma_start3A_49] : memref<10240x128xf32, #tpu.memory_space<vmem_shared>> -> memref<128x128xf32, #tpu.memory_space<vmem_shared>>
      tpu.enqueue_dma source(%arg11 : memref<128x128xf32, #tpu.memory_space<vmem>>) target(%dma_start3A_50 : memref<128x128xf32, #tpu.memory_space<vmem_shared>>) target_semaphore(%run_scoped3A_46 : memref<!tpu.dma_semaphore, #tpu.memory_space<semaphore_mem>>)
      %dma_wait3A = arith.constant 0 : i32
      %dma_wait3A_51 = tpu.memref_slice %arg6[%add3A_23, %dma_wait3A] : memref<10240x128xf32, #tpu.memory_space<vmem_shared>> -> memref<128x128xf32, #tpu.memory_space<vmem_shared>>
      %dma_wait3A_52 = arith.constant 0 : i32
      %dma_wait3A_53 = tpu.memref_slice %arg6[%add3A_23, %dma_wait3A_52] : memref<10240x128xf32, #tpu.memory_space<vmem_shared>> -> memref<128x128xf32, #tpu.memory_space<vmem_shared>>
      tpu.wait_dma2 semaphore(%run_scoped3A_46 : memref<!tpu.dma_semaphore, #tpu.memory_space<semaphore_mem>>) src(%arg11 : memref<128x128xf32, #tpu.memory_space<vmem>>) dst(%dma_wait3A_53 : memref<128x128xf32, #tpu.memory_space<vmem_shared>>)
      tpu.yield
    }) : () -> ()
    %barrier3A = arith.constant 0 : index
    tpu.barrier barrier_id(%barrier3A)
    %run_scoped3A = arith.constant 0 : i32
    "tpu.region"() ({
      %run_scoped3A_46 = tpu.sem_alloc : memref<!tpu.dma_semaphore, #tpu.memory_space<semaphore_mem>>
      %dma_start3A_47 = arith.constant 0 : i32
      %dma_start3A_48 = tpu.memref_slice %arg3[%run_scoped3A, %arg1, %mul3A_0, %dma_start3A_47] : memref<2x16x80x128xi32, #tpu.memory_space<hbm>> -> memref<1x1x1x128xi32, #tpu.memory_space<hbm>>
      %dma_start3A_49 = tpu.memref_squeeze %dma_start3A_48 : memref<1x1x1x128xi32, #tpu.memory_space<hbm>> -> memref<128xi32, #tpu.memory_space<hbm>>
      %dma_start3A_50 = arith.constant 0 : i32
      %dma_start3A_51 = tpu.memref_slice %arg3[%run_scoped3A, %arg1, %mul3A_0, %dma_start3A_50] : memref<2x16x80x128xi32, #tpu.memory_space<hbm>> -> memref<1x1x1x128xi32, #tpu.memory_space<hbm>>
      %dma_start3A_52 = tpu.memref_squeeze %dma_start3A_51 : memref<1x1x1x128xi32, #tpu.memory_space<hbm>> -> memref<128xi32, #tpu.memory_space<hbm>>
      tpu.enqueue_dma source(%dma_start3A_52 : memref<128xi32, #tpu.memory_space<hbm>>) target(%arg7 : memref<128xi32, #tpu.memory_space<vmem>>) target_semaphore(%run_scoped3A_46 : memref<!tpu.dma_semaphore, #tpu.memory_space<semaphore_mem>>)
      %dma_wait3A = arith.constant 0 : i32
      %dma_wait3A_53 = tpu.memref_slice %arg3[%run_scoped3A, %arg1, %mul3A_0, %dma_wait3A] : memref<2x16x80x128xi32, #tpu.memory_space<hbm>> -> memref<1x1x1x128xi32, #tpu.memory_space<hbm>>
      %dma_wait3A_54 = tpu.memref_squeeze %dma_wait3A_53 : memref<1x1x1x128xi32, #tpu.memory_space<hbm>> -> memref<128xi32, #tpu.memory_space<hbm>>
      %dma_wait3A_55 = arith.constant 0 : i32
      %dma_wait3A_56 = tpu.memref_slice %arg3[%run_scoped3A, %arg1, %mul3A_0, %dma_wait3A_55] : memref<2x16x80x128xi32, #tpu.memory_space<hbm>> -> memref<1x1x1x128xi32, #tpu.memory_space<hbm>>
      %dma_wait3A_57 = tpu.memref_squeeze %dma_wait3A_56 : memref<1x1x1x128xi32, #tpu.memory_space<hbm>> -> memref<128xi32, #tpu.memory_space<hbm>>
      tpu.wait_dma2 semaphore(%run_scoped3A_46 : memref<!tpu.dma_semaphore, #tpu.memory_space<semaphore_mem>>) src(%dma_wait3A_57 : memref<128xi32, #tpu.memory_space<hbm>>) dst(%arg7 : memref<128xi32, #tpu.memory_space<vmem>>)
      tpu.yield
    }) : () -> ()
    %run_scoped3A_24 = arith.constant 0 : i32
    "tpu.region"() ({
      %run_scoped3A_46 = tpu.sem_alloc : memref<!tpu.dma_semaphore, #tpu.memory_space<semaphore_mem>>
      %dma_start3A_47 = arith.constant 0 : i32
      %dma_start3A_48 = tpu.memref_slice %arg9[%run_scoped3A_24, %dma_start3A_47] : memref<1x128xi32, #tpu.memory_space<vmem>> -> memref<1x128xi32, #tpu.memory_space<vmem>>
      %dma_start3A_49 = tpu.memref_squeeze %dma_start3A_48 : memref<1x128xi32, #tpu.memory_space<vmem>> -> memref<128xi32, #tpu.memory_space<vmem>>
      %dma_start3A_50 = arith.constant 0 : i32
      %dma_start3A_51 = tpu.memref_slice %arg4[%arg1, %mul3A_0, %dma_start3A_50] : memref<16x80x128xi32, #tpu.memory_space<hbm>> -> memref<1x1x128xi32, #tpu.memory_space<hbm>>
      %dma_start3A_52 = tpu.memref_squeeze %dma_start3A_51 : memref<1x1x128xi32, #tpu.memory_space<hbm>> -> memref<128xi32, #tpu.memory_space<hbm>>
      %dma_start3A_53 = arith.constant 0 : i32
      %dma_start3A_54 = tpu.memref_slice %arg9[%run_scoped3A_24, %dma_start3A_53] : memref<1x128xi32, #tpu.memory_space<vmem>> -> memref<1x128xi32, #tpu.memory_space<vmem>>
      %dma_start3A_55 = tpu.memref_squeeze %dma_start3A_54 : memref<1x128xi32, #tpu.memory_space<vmem>> -> memref<128xi32, #tpu.memory_space<vmem>>
      %dma_start3A_56 = arith.constant 0 : i32
      %dma_start3A_57 = tpu.memref_slice %arg4[%arg1, %mul3A_0, %dma_start3A_56] : memref<16x80x128xi32, #tpu.memory_space<hbm>> -> memref<1x1x128xi32, #tpu.memory_space<hbm>>
      %dma_start3A_58 = tpu.memref_squeeze %dma_start3A_57 : memref<1x1x128xi32, #tpu.memory_space<hbm>> -> memref<128xi32, #tpu.memory_space<hbm>>
      tpu.enqueue_dma source(%dma_start3A_58 : memref<128xi32, #tpu.memory_space<hbm>>) target(%dma_start3A_55 : memref<128xi32, #tpu.memory_space<vmem>>) target_semaphore(%run_scoped3A_46 : memref<!tpu.dma_semaphore, #tpu.memory_space<semaphore_mem>>)
      %dma_wait3A = arith.constant 0 : i32
      %dma_wait3A_59 = tpu.memref_slice %arg9[%run_scoped3A_24, %dma_wait3A] : memref<1x128xi32, #tpu.memory_space<vmem>> -> memref<1x128xi32, #tpu.memory_space<vmem>>
      %dma_wait3A_60 = tpu.memref_squeeze %dma_wait3A_59 : memref<1x128xi32, #tpu.memory_space<vmem>> -> memref<128xi32, #tpu.memory_space<vmem>>
      %dma_wait3A_61 = arith.constant 0 : i32
      %dma_wait3A_62 = tpu.memref_slice %arg4[%arg1, %mul3A_0, %dma_wait3A_61] : memref<16x80x128xi32, #tpu.memory_space<hbm>> -> memref<1x1x128xi32, #tpu.memory_space<hbm>>
      %dma_wait3A_63 = tpu.memref_squeeze %dma_wait3A_62 : memref<1x1x128xi32, #tpu.memory_space<hbm>> -> memref<128xi32, #tpu.memory_space<hbm>>
      %dma_wait3A_64 = arith.constant 0 : i32
      %dma_wait3A_65 = tpu.memref_slice %arg9[%run_scoped3A_24, %dma_wait3A_64] : memref<1x128xi32, #tpu.memory_space<vmem>> -> memref<1x128xi32, #tpu.memory_space<vmem>>
      %dma_wait3A_66 = tpu.memref_squeeze %dma_wait3A_65 : memref<1x128xi32, #tpu.memory_space<vmem>> -> memref<128xi32, #tpu.memory_space<vmem>>
      %dma_wait3A_67 = arith.constant 0 : i32
      %dma_wait3A_68 = tpu.memref_slice %arg4[%arg1, %mul3A_0, %dma_wait3A_67] : memref<16x80x128xi32, #tpu.memory_space<hbm>> -> memref<1x1x128xi32, #tpu.memory_space<hbm>>
      %dma_wait3A_69 = tpu.memref_squeeze %dma_wait3A_68 : memref<1x1x128xi32, #tpu.memory_space<hbm>> -> memref<128xi32, #tpu.memory_space<hbm>>
      tpu.wait_dma2 semaphore(%run_scoped3A_46 : memref<!tpu.dma_semaphore, #tpu.memory_space<semaphore_mem>>) src(%dma_wait3A_69 : memref<128xi32, #tpu.memory_space<hbm>>) dst(%dma_wait3A_66 : memref<128xi32, #tpu.memory_space<vmem>>)
      tpu.yield
    }) : () -> ()
    %add3A_25 = arith.constant 1 : i32
    %add3A_26 = arith.addi %mul3A_0, %add3A_25 : i32
    %run_scoped3A_27 = arith.constant 0 : i32
    "tpu.region"() ({
      %run_scoped3A_46 = tpu.sem_alloc : memref<!tpu.dma_semaphore, #tpu.memory_space<semaphore_mem>>
      %dma_start3A_47 = arith.constant 0 : i32
      %dma_start3A_48 = tpu.memref_slice %arg3[%run_scoped3A_27, %arg1, %add3A_26, %dma_start3A_47] : memref<2x16x80x128xi32, #tpu.memory_space<hbm>> -> memref<1x1x1x128xi32, #tpu.memory_space<hbm>>
      %dma_start3A_49 = tpu.memref_squeeze %dma_start3A_48 : memref<1x1x1x128xi32, #tpu.memory_space<hbm>> -> memref<128xi32, #tpu.memory_space<hbm>>
      %dma_start3A_50 = arith.constant 0 : i32
      %dma_start3A_51 = tpu.memref_slice %arg3[%run_scoped3A_27, %arg1, %add3A_26, %dma_start3A_50] : memref<2x16x80x128xi32, #tpu.memory_space<hbm>> -> memref<1x1x1x128xi32, #tpu.memory_space<hbm>>
      %dma_start3A_52 = tpu.memref_squeeze %dma_start3A_51 : memref<1x1x1x128xi32, #tpu.memory_space<hbm>> -> memref<128xi32, #tpu.memory_space<hbm>>
      tpu.enqueue_dma source(%dma_start3A_52 : memref<128xi32, #tpu.memory_space<hbm>>) target(%arg8 : memref<128xi32, #tpu.memory_space<vmem>>) target_semaphore(%run_scoped3A_46 : memref<!tpu.dma_semaphore, #tpu.memory_space<semaphore_mem>>)
      %dma_wait3A = arith.constant 0 : i32
      %dma_wait3A_53 = tpu.memref_slice %arg3[%run_scoped3A_27, %arg1, %add3A_26, %dma_wait3A] : memref<2x16x80x128xi32, #tpu.memory_space<hbm>> -> memref<1x1x1x128xi32, #tpu.memory_space<hbm>>
      %dma_wait3A_54 = tpu.memref_squeeze %dma_wait3A_53 : memref<1x1x1x128xi32, #tpu.memory_space<hbm>> -> memref<128xi32, #tpu.memory_space<hbm>>
      %dma_wait3A_55 = arith.constant 0 : i32
      %dma_wait3A_56 = tpu.memref_slice %arg3[%run_scoped3A_27, %arg1, %add3A_26, %dma_wait3A_55] : memref<2x16x80x128xi32, #tpu.memory_space<hbm>> -> memref<1x1x1x128xi32, #tpu.memory_space<hbm>>
      %dma_wait3A_57 = tpu.memref_squeeze %dma_wait3A_56 : memref<1x1x1x128xi32, #tpu.memory_space<hbm>> -> memref<128xi32, #tpu.memory_space<hbm>>
      tpu.wait_dma2 semaphore(%run_scoped3A_46 : memref<!tpu.dma_semaphore, #tpu.memory_space<semaphore_mem>>) src(%dma_wait3A_57 : memref<128xi32, #tpu.memory_space<hbm>>) dst(%arg8 : memref<128xi32, #tpu.memory_space<vmem>>)
      tpu.yield
    }) : () -> ()
    %add3A_28 = arith.constant 1 : i32
    %add3A_29 = arith.addi %mul3A_0, %add3A_28 : i32
    %run_scoped3A_30 = arith.constant 0 : i32
    "tpu.region"() ({
      %run_scoped3A_46 = tpu.sem_alloc : memref<!tpu.dma_semaphore, #tpu.memory_space<semaphore_mem>>
      %dma_start3A_47 = arith.constant 0 : i32
      %dma_start3A_48 = tpu.memref_slice %arg10[%run_scoped3A_30, %dma_start3A_47] : memref<1x128xi32, #tpu.memory_space<vmem>> -> memref<1x128xi32, #tpu.memory_space<vmem>>
      %dma_start3A_49 = tpu.memref_squeeze %dma_start3A_48 : memref<1x128xi32, #tpu.memory_space<vmem>> -> memref<128xi32, #tpu.memory_space<vmem>>
      %dma_start3A_50 = arith.constant 0 : i32
      %dma_start3A_51 = tpu.memref_slice %arg4[%arg1, %add3A_29, %dma_start3A_50] : memref<16x80x128xi32, #tpu.memory_space<hbm>> -> memref<1x1x128xi32, #tpu.memory_space<hbm>>
      %dma_start3A_52 = tpu.memref_squeeze %dma_start3A_51 : memref<1x1x128xi32, #tpu.memory_space<hbm>> -> memref<128xi32, #tpu.memory_space<hbm>>
      %dma_start3A_53 = arith.constant 0 : i32
      %dma_start3A_54 = tpu.memref_slice %arg10[%run_scoped3A_30, %dma_start3A_53] : memref<1x128xi32, #tpu.memory_space<vmem>> -> memref<1x128xi32, #tpu.memory_space<vmem>>
      %dma_start3A_55 = tpu.memref_squeeze %dma_start3A_54 : memref<1x128xi32, #tpu.memory_space<vmem>> -> memref<128xi32, #tpu.memory_space<vmem>>
      %dma_start3A_56 = arith.constant 0 : i32
      %dma_start3A_57 = tpu.memref_slice %arg4[%arg1, %add3A_29, %dma_start3A_56] : memref<16x80x128xi32, #tpu.memory_space<hbm>> -> memref<1x1x128xi32, #tpu.memory_space<hbm>>
      %dma_start3A_58 = tpu.memref_squeeze %dma_start3A_57 : memref<1x1x128xi32, #tpu.memory_space<hbm>> -> memref<128xi32, #tpu.memory_space<hbm>>
      tpu.enqueue_dma source(%dma_start3A_58 : memref<128xi32, #tpu.memory_space<hbm>>) target(%dma_start3A_55 : memref<128xi32, #tpu.memory_space<vmem>>) target_semaphore(%run_scoped3A_46 : memref<!tpu.dma_semaphore, #tpu.memory_space<semaphore_mem>>)
      %dma_wait3A = arith.constant 0 : i32
      %dma_wait3A_59 = tpu.memref_slice %arg10[%run_scoped3A_30, %dma_wait3A] : memref<1x128xi32, #tpu.memory_space<vmem>> -> memref<1x128xi32, #tpu.memory_space<vmem>>
      %dma_wait3A_60 = tpu.memref_squeeze %dma_wait3A_59 : memref<1x128xi32, #tpu.memory_space<vmem>> -> memref<128xi32, #tpu.memory_space<vmem>>
      %dma_wait3A_61 = arith.constant 0 : i32
      %dma_wait3A_62 = tpu.memref_slice %arg4[%arg1, %add3A_29, %dma_wait3A_61] : memref<16x80x128xi32, #tpu.memory_space<hbm>> -> memref<1x1x128xi32, #tpu.memory_space<hbm>>
      %dma_wait3A_63 = tpu.memref_squeeze %dma_wait3A_62 : memref<1x1x128xi32, #tpu.memory_space<hbm>> -> memref<128xi32, #tpu.memory_space<hbm>>
      %dma_wait3A_64 = arith.constant 0 : i32
      %dma_wait3A_65 = tpu.memref_slice %arg10[%run_scoped3A_30, %dma_wait3A_64] : memref<1x128xi32, #tpu.memory_space<vmem>> -> memref<1x128xi32, #tpu.memory_space<vmem>>
      %dma_wait3A_66 = tpu.memref_squeeze %dma_wait3A_65 : memref<1x128xi32, #tpu.memory_space<vmem>> -> memref<128xi32, #tpu.memory_space<vmem>>
      %dma_wait3A_67 = arith.constant 0 : i32
      %dma_wait3A_68 = tpu.memref_slice %arg4[%arg1, %add3A_29, %dma_wait3A_67] : memref<16x80x128xi32, #tpu.memory_space<hbm>> -> memref<1x1x128xi32, #tpu.memory_space<hbm>>
      %dma_wait3A_69 = tpu.memref_squeeze %dma_wait3A_68 : memref<1x1x128xi32, #tpu.memory_space<hbm>> -> memref<128xi32, #tpu.memory_space<hbm>>
      tpu.wait_dma2 semaphore(%run_scoped3A_46 : memref<!tpu.dma_semaphore, #tpu.memory_space<semaphore_mem>>) src(%dma_wait3A_69 : memref<128xi32, #tpu.memory_space<hbm>>) dst(%dma_wait3A_66 : memref<128xi32, #tpu.memory_space<vmem>>)
      tpu.yield
    }) : () -> ()
    %dma_start3A = arith.constant 0 : i32
    %dma_start3A_31 = arith.constant 0 : i32
    %dma_start3A_32 = tpu.memref_slice %arg2[%dma_start3A, %dma_start3A_31] : memref<10240x128xf32, #tpu.memory_space<hbm>> -> memref<10240x128xf32, #tpu.memory_space<hbm>>
    tpu.enqueue_indirect_dma source(%dma_start3A_32 : memref<10240x128xf32, #tpu.memory_space<hbm>>) target(%arg11 : memref<128x128xf32, #tpu.memory_space<vmem>>) offsets(%arg7 : memref<128xi32, #tpu.memory_space<vmem>>) semaphore(%arg13 : memref<!tpu.dma_semaphore, #tpu.memory_space<semaphore_mem>>)
    %dma_start3A_33 = arith.constant 0 : i32
    %dma_start3A_34 = arith.constant 0 : i32
    %dma_start3A_35 = tpu.memref_slice %arg2[%dma_start3A_33, %dma_start3A_34] : memref<10240x128xf32, #tpu.memory_space<hbm>> -> memref<10240x128xf32, #tpu.memory_space<hbm>>
    tpu.enqueue_indirect_dma source(%dma_start3A_35 : memref<10240x128xf32, #tpu.memory_space<hbm>>) target(%arg12 : memref<128x128xf32, #tpu.memory_space<vmem>>) offsets(%arg8 : memref<128xi32, #tpu.memory_space<vmem>>) semaphore(%arg14 : memref<!tpu.dma_semaphore, #tpu.memory_space<semaphore_mem>>)
    %scan3A_36 = arith.constant 0 : i32
    %scan3A_37 = arith.constant 20 : i32
    %scan3A_38 = arith.addi %scan3A_36, %scan3A_37 : i32
    %scan3A_39 = arith.constant 1 : i32
    scf.for %scan3A_46 = %scan3A_36 to %scan3A_38 step %scan3A_39  : i32 {
      %mul3A_47 = arith.constant 2 : i32
      %mul3A_48 = arith.muli %mul3A_47, %scan3A_46 : i32
      %add3A_49 = arith.constant 0 : i32
      %add3A_50 = arith.addi %mul3A_48, %add3A_49 : i32
      %add3A_51 = arith.addi %mul3A_0, %add3A_50 : i32
      %dma_wait3A = arith.constant 0 : i32
      %dma_wait3A_52 = arith.constant 0 : i32
      %dma_wait3A_53 = tpu.memref_slice %arg2[%dma_wait3A, %dma_wait3A_52] : memref<10240x128xf32, #tpu.memory_space<hbm>> -> memref<10240x128xf32, #tpu.memory_space<hbm>>
      tpu.wait_indirect_dma semaphore(%arg13 : memref<!tpu.dma_semaphore, #tpu.memory_space<semaphore_mem>>) src(%dma_wait3A_53 : memref<10240x128xf32, #tpu.memory_space<hbm>>) dst(%arg11 : memref<128x128xf32, #tpu.memory_space<vmem>>)
      %add3A_54 = arith.constant 2 : i32
      %add3A_55 = arith.addi %add3A_50, %add3A_54 : i32
      %lt3A = arith.constant 40 : i32
      %lt3A_56 = arith.cmpi slt, %add3A_55, %lt3A : i32
      %convert_element_type3A = arith.extui %lt3A_56 : i1 to i32
      %cond3A = arith.constant 0 : i32
      %cond3A_57 = arith.cmpi ne, %convert_element_type3A, %cond3A : i32
      scf.if %cond3A_57 {
        %add3A_98 = arith.constant 2 : i32
        %add3A_99 = arith.addi %add3A_51, %add3A_98 : i32
        %dma_start3A_100 = arith.constant 0 : i32
        %dma_start3A_101 = arith.constant 0 : i32
        %dma_start3A_102 = tpu.memref_slice %arg3[%dma_start3A_100, %arg1, %add3A_99, %dma_start3A_101] : memref<2x16x80x128xi32, #tpu.memory_space<hbm>> -> memref<1x1x1x128xi32, #tpu.memory_space<hbm>>
        %dma_start3A_103 = tpu.memref_squeeze %dma_start3A_102 : memref<1x1x1x128xi32, #tpu.memory_space<hbm>> -> memref<128xi32, #tpu.memory_space<hbm>>
        %dma_start3A_104 = arith.constant 0 : i32
        %dma_start3A_105 = tpu.memref_slice %arg3[%dma_start3A_100, %arg1, %add3A_99, %dma_start3A_104] : memref<2x16x80x128xi32, #tpu.memory_space<hbm>> -> memref<1x1x1x128xi32, #tpu.memory_space<hbm>>
        %dma_start3A_106 = tpu.memref_squeeze %dma_start3A_105 : memref<1x1x1x128xi32, #tpu.memory_space<hbm>> -> memref<128xi32, #tpu.memory_space<hbm>>
        tpu.enqueue_dma source(%dma_start3A_106 : memref<128xi32, #tpu.memory_space<hbm>>) target(%arg7 : memref<128xi32, #tpu.memory_space<vmem>>) target_semaphore(%arg15 : memref<!tpu.dma_semaphore, #tpu.memory_space<semaphore_mem>>)
      } else {
      }
      %ge3A = arith.constant 2 : i32
      %ge3A_58 = arith.cmpi sge, %add3A_50, %ge3A : i32
      %convert_element_type3A_59 = arith.extui %ge3A_58 : i1 to i32
      %cond3A_60 = arith.constant 0 : i32
      %cond3A_61 = arith.cmpi ne, %convert_element_type3A_59, %cond3A_60 : i32
      scf.if %cond3A_61 {
        %dma_wait3A_98 = arith.constant 0 : i32
        %dma_wait3A_99 = arith.constant 0 : i32
        %dma_wait3A_100 = tpu.memref_slice %arg9[%dma_wait3A_98, %dma_wait3A_99] : memref<1x128xi32, #tpu.memory_space<vmem>> -> memref<1x128xi32, #tpu.memory_space<vmem>>
        %dma_wait3A_101 = tpu.memref_squeeze %dma_wait3A_100 : memref<1x128xi32, #tpu.memory_space<vmem>> -> memref<128xi32, #tpu.memory_space<vmem>>
        %dma_wait3A_102 = arith.constant 0 : i32
        %dma_wait3A_103 = tpu.memref_slice %arg4[%arg1, %add3A_51, %dma_wait3A_102] : memref<16x80x128xi32, #tpu.memory_space<hbm>> -> memref<1x1x128xi32, #tpu.memory_space<hbm>>
        %dma_wait3A_104 = tpu.memref_squeeze %dma_wait3A_103 : memref<1x1x128xi32, #tpu.memory_space<hbm>> -> memref<128xi32, #tpu.memory_space<hbm>>
        %dma_wait3A_105 = arith.constant 0 : i32
        %dma_wait3A_106 = tpu.memref_slice %arg9[%dma_wait3A_98, %dma_wait3A_105] : memref<1x128xi32, #tpu.memory_space<vmem>> -> memref<1x128xi32, #tpu.memory_space<vmem>>
        %dma_wait3A_107 = tpu.memref_squeeze %dma_wait3A_106 : memref<1x128xi32, #tpu.memory_space<vmem>> -> memref<128xi32, #tpu.memory_space<vmem>>
        %dma_wait3A_108 = arith.constant 0 : i32
        %dma_wait3A_109 = tpu.memref_slice %arg4[%arg1, %add3A_51, %dma_wait3A_108] : memref<16x80x128xi32, #tpu.memory_space<hbm>> -> memref<1x1x128xi32, #tpu.memory_space<hbm>>
        %dma_wait3A_110 = tpu.memref_squeeze %dma_wait3A_109 : memref<1x1x128xi32, #tpu.memory_space<hbm>> -> memref<128xi32, #tpu.memory_space<hbm>>
        tpu.wait_dma2 semaphore(%arg17 : memref<!tpu.dma_semaphore, #tpu.memory_space<semaphore_mem>>) src(%dma_wait3A_110 : memref<128xi32, #tpu.memory_space<hbm>>) dst(%dma_wait3A_107 : memref<128xi32, #tpu.memory_space<vmem>>)
      } else {
      }
      %run_scoped3A_62 = arith.constant 0 : i32
      "tpu.region"() ({
        %run_scoped3A_98 = tpu.sem_alloc : memref<!tpu.dma_semaphore, #tpu.memory_space<semaphore_mem>>
        %dma_start3A_99 = arith.constant 0 : i32
        %dma_start3A_100 = tpu.memref_slice %arg9[%run_scoped3A_62, %dma_start3A_99] : memref<1x128xi32, #tpu.memory_space<vmem>> -> memref<1x128xi32, #tpu.memory_space<vmem>>
        %dma_start3A_101 = tpu.memref_squeeze %dma_start3A_100 : memref<1x128xi32, #tpu.memory_space<vmem>> -> memref<128xi32, #tpu.memory_space<vmem>>
        %dma_start3A_102 = arith.constant 0 : i32
        %dma_start3A_103 = arith.constant 0 : i32
        %dma_start3A_104 = tpu.memref_slice %arg6[%dma_start3A_102, %dma_start3A_103] : memref<10240x128xf32, #tpu.memory_space<vmem_shared>> -> memref<10240x128xf32, #tpu.memory_space<vmem_shared>>
        tpu.enqueue_indirect_dma source(%arg11 : memref<128x128xf32, #tpu.memory_space<vmem>>) target(%dma_start3A_104 : memref<10240x128xf32, #tpu.memory_space<vmem_shared>>) offsets(%dma_start3A_101 : memref<128xi32, #tpu.memory_space<vmem>>) semaphore(%run_scoped3A_98 : memref<!tpu.dma_semaphore, #tpu.memory_space<semaphore_mem>>) {add = true}
        %dma_wait3A_105 = arith.constant 0 : i32
        %dma_wait3A_106 = tpu.memref_slice %arg9[%run_scoped3A_62, %dma_wait3A_105] : memref<1x128xi32, #tpu.memory_space<vmem>> -> memref<1x128xi32, #tpu.memory_space<vmem>>
        %dma_wait3A_107 = tpu.memref_squeeze %dma_wait3A_106 : memref<1x128xi32, #tpu.memory_space<vmem>> -> memref<128xi32, #tpu.memory_space<vmem>>
        %dma_wait3A_108 = arith.constant 0 : i32
        %dma_wait3A_109 = arith.constant 0 : i32
        %dma_wait3A_110 = tpu.memref_slice %arg6[%dma_wait3A_108, %dma_wait3A_109] : memref<10240x128xf32, #tpu.memory_space<vmem_shared>> -> memref<10240x128xf32, #tpu.memory_space<vmem_shared>>
        tpu.wait_indirect_dma semaphore(%run_scoped3A_98 : memref<!tpu.dma_semaphore, #tpu.memory_space<semaphore_mem>>) src(%arg11 : memref<128x128xf32, #tpu.memory_space<vmem>>) dst(%dma_wait3A_110 : memref<10240x128xf32, #tpu.memory_space<vmem_shared>>)
        tpu.yield
      }) : () -> ()
      %add3A_63 = arith.constant 2 : i32
      %add3A_64 = arith.addi %add3A_50, %add3A_63 : i32
      %lt3A_65 = arith.constant 40 : i32
      %lt3A_66 = arith.cmpi slt, %add3A_64, %lt3A_65 : i32
      %convert_element_type3A_67 = arith.extui %lt3A_66 : i1 to i32
      %cond3A_68 = arith.constant 0 : i32
      %cond3A_69 = arith.cmpi ne, %convert_element_type3A_67, %cond3A_68 : i32
      scf.if %cond3A_69 {
        %add3A_98 = arith.constant 2 : i32
        %add3A_99 = arith.addi %add3A_51, %add3A_98 : i32
        %dma_start3A_100 = arith.constant 0 : i32
        %dma_start3A_101 = arith.constant 0 : i32
        %dma_start3A_102 = tpu.memref_slice %arg9[%dma_start3A_100, %dma_start3A_101] : memref<1x128xi32, #tpu.memory_space<vmem>> -> memref<1x128xi32, #tpu.memory_space<vmem>>
        %dma_start3A_103 = tpu.memref_squeeze %dma_start3A_102 : memref<1x128xi32, #tpu.memory_space<vmem>> -> memref<128xi32, #tpu.memory_space<vmem>>
        %dma_start3A_104 = arith.constant 0 : i32
        %dma_start3A_105 = tpu.memref_slice %arg4[%arg1, %add3A_99, %dma_start3A_104] : memref<16x80x128xi32, #tpu.memory_space<hbm>> -> memref<1x1x128xi32, #tpu.memory_space<hbm>>
        %dma_start3A_106 = tpu.memref_squeeze %dma_start3A_105 : memref<1x1x128xi32, #tpu.memory_space<hbm>> -> memref<128xi32, #tpu.memory_space<hbm>>
        %dma_start3A_107 = arith.constant 0 : i32
        %dma_start3A_108 = tpu.memref_slice %arg9[%dma_start3A_100, %dma_start3A_107] : memref<1x128xi32, #tpu.memory_space<vmem>> -> memref<1x128xi32, #tpu.memory_space<vmem>>
        %dma_start3A_109 = tpu.memref_squeeze %dma_start3A_108 : memref<1x128xi32, #tpu.memory_space<vmem>> -> memref<128xi32, #tpu.memory_space<vmem>>
        %dma_start3A_110 = arith.constant 0 : i32
        %dma_start3A_111 = tpu.memref_slice %arg4[%arg1, %add3A_99, %dma_start3A_110] : memref<16x80x128xi32, #tpu.memory_space<hbm>> -> memref<1x1x128xi32, #tpu.memory_space<hbm>>
        %dma_start3A_112 = tpu.memref_squeeze %dma_start3A_111 : memref<1x1x128xi32, #tpu.memory_space<hbm>> -> memref<128xi32, #tpu.memory_space<hbm>>
        tpu.enqueue_dma source(%dma_start3A_112 : memref<128xi32, #tpu.memory_space<hbm>>) target(%dma_start3A_109 : memref<128xi32, #tpu.memory_space<vmem>>) target_semaphore(%arg17 : memref<!tpu.dma_semaphore, #tpu.memory_space<semaphore_mem>>)
        %add3A_113 = arith.constant 2 : i32
        %add3A_114 = arith.addi %add3A_51, %add3A_113 : i32
        %dma_wait3A_115 = arith.constant 0 : i32
        %dma_wait3A_116 = arith.constant 0 : i32
        %dma_wait3A_117 = tpu.memref_slice %arg3[%dma_wait3A_115, %arg1, %add3A_114, %dma_wait3A_116] : memref<2x16x80x128xi32, #tpu.memory_space<hbm>> -> memref<1x1x1x128xi32, #tpu.memory_space<hbm>>
        %dma_wait3A_118 = tpu.memref_squeeze %dma_wait3A_117 : memref<1x1x1x128xi32, #tpu.memory_space<hbm>> -> memref<128xi32, #tpu.memory_space<hbm>>
        %dma_wait3A_119 = arith.constant 0 : i32
        %dma_wait3A_120 = tpu.memref_slice %arg3[%dma_wait3A_115, %arg1, %add3A_114, %dma_wait3A_119] : memref<2x16x80x128xi32, #tpu.memory_space<hbm>> -> memref<1x1x1x128xi32, #tpu.memory_space<hbm>>
        %dma_wait3A_121 = tpu.memref_squeeze %dma_wait3A_120 : memref<1x1x1x128xi32, #tpu.memory_space<hbm>> -> memref<128xi32, #tpu.memory_space<hbm>>
        tpu.wait_dma2 semaphore(%arg15 : memref<!tpu.dma_semaphore, #tpu.memory_space<semaphore_mem>>) src(%dma_wait3A_121 : memref<128xi32, #tpu.memory_space<hbm>>) dst(%arg7 : memref<128xi32, #tpu.memory_space<vmem>>)
        %dma_start3A_122 = arith.constant 0 : i32
        %dma_start3A_123 = arith.constant 0 : i32
        %dma_start3A_124 = tpu.memref_slice %arg2[%dma_start3A_122, %dma_start3A_123] : memref<10240x128xf32, #tpu.memory_space<hbm>> -> memref<10240x128xf32, #tpu.memory_space<hbm>>
        tpu.enqueue_indirect_dma source(%dma_start3A_124 : memref<10240x128xf32, #tpu.memory_space<hbm>>) target(%arg11 : memref<128x128xf32, #tpu.memory_space<vmem>>) offsets(%arg7 : memref<128xi32, #tpu.memory_space<vmem>>) semaphore(%arg13 : memref<!tpu.dma_semaphore, #tpu.memory_space<semaphore_mem>>)
      } else {
      }
      %mul3A_70 = arith.constant 2 : i32
      %mul3A_71 = arith.muli %mul3A_70, %scan3A_46 : i32
      %add3A_72 = arith.constant 1 : i32
      %add3A_73 = arith.addi %mul3A_71, %add3A_72 : i32
      %add3A_74 = arith.addi %mul3A_0, %add3A_73 : i32
      %dma_wait3A_75 = arith.constant 0 : i32
      %dma_wait3A_76 = arith.constant 0 : i32
      %dma_wait3A_77 = tpu.memref_slice %arg2[%dma_wait3A_75, %dma_wait3A_76] : memref<10240x128xf32, #tpu.memory_space<hbm>> -> memref<10240x128xf32, #tpu.memory_space<hbm>>
      tpu.wait_indirect_dma semaphore(%arg14 : memref<!tpu.dma_semaphore, #tpu.memory_space<semaphore_mem>>) src(%dma_wait3A_77 : memref<10240x128xf32, #tpu.memory_space<hbm>>) dst(%arg12 : memref<128x128xf32, #tpu.memory_space<vmem>>)
      %add3A_78 = arith.constant 2 : i32
      %add3A_79 = arith.addi %add3A_73, %add3A_78 : i32
      %lt3A_80 = arith.constant 40 : i32
      %lt3A_81 = arith.cmpi slt, %add3A_79, %lt3A_80 : i32
      %convert_element_type3A_82 = arith.extui %lt3A_81 : i1 to i32
      %cond3A_83 = arith.constant 0 : i32
      %cond3A_84 = arith.cmpi ne, %convert_element_type3A_82, %cond3A_83 : i32
      scf.if %cond3A_84 {
        %add3A_98 = arith.constant 2 : i32
        %add3A_99 = arith.addi %add3A_74, %add3A_98 : i32
        %dma_start3A_100 = arith.constant 0 : i32
        %dma_start3A_101 = arith.constant 0 : i32
        %dma_start3A_102 = tpu.memref_slice %arg3[%dma_start3A_100, %arg1, %add3A_99, %dma_start3A_101] : memref<2x16x80x128xi32, #tpu.memory_space<hbm>> -> memref<1x1x1x128xi32, #tpu.memory_space<hbm>>
        %dma_start3A_103 = tpu.memref_squeeze %dma_start3A_102 : memref<1x1x1x128xi32, #tpu.memory_space<hbm>> -> memref<128xi32, #tpu.memory_space<hbm>>
        %dma_start3A_104 = arith.constant 0 : i32
        %dma_start3A_105 = tpu.memref_slice %arg3[%dma_start3A_100, %arg1, %add3A_99, %dma_start3A_104] : memref<2x16x80x128xi32, #tpu.memory_space<hbm>> -> memref<1x1x1x128xi32, #tpu.memory_space<hbm>>
        %dma_start3A_106 = tpu.memref_squeeze %dma_start3A_105 : memref<1x1x1x128xi32, #tpu.memory_space<hbm>> -> memref<128xi32, #tpu.memory_space<hbm>>
        tpu.enqueue_dma source(%dma_start3A_106 : memref<128xi32, #tpu.memory_space<hbm>>) target(%arg8 : memref<128xi32, #tpu.memory_space<vmem>>) target_semaphore(%arg16 : memref<!tpu.dma_semaphore, #tpu.memory_space<semaphore_mem>>)
      } else {
      }
      %ge3A_85 = arith.constant 2 : i32
      %ge3A_86 = arith.cmpi sge, %add3A_73, %ge3A_85 : i32
      %convert_element_type3A_87 = arith.extui %ge3A_86 : i1 to i32
      %cond3A_88 = arith.constant 0 : i32
      %cond3A_89 = arith.cmpi ne, %convert_element_type3A_87, %cond3A_88 : i32
      scf.if %cond3A_89 {
        %dma_wait3A_98 = arith.constant 0 : i32
        %dma_wait3A_99 = arith.constant 0 : i32
        %dma_wait3A_100 = tpu.memref_slice %arg10[%dma_wait3A_98, %dma_wait3A_99] : memref<1x128xi32, #tpu.memory_space<vmem>> -> memref<1x128xi32, #tpu.memory_space<vmem>>
        %dma_wait3A_101 = tpu.memref_squeeze %dma_wait3A_100 : memref<1x128xi32, #tpu.memory_space<vmem>> -> memref<128xi32, #tpu.memory_space<vmem>>
        %dma_wait3A_102 = arith.constant 0 : i32
        %dma_wait3A_103 = tpu.memref_slice %arg4[%arg1, %add3A_74, %dma_wait3A_102] : memref<16x80x128xi32, #tpu.memory_space<hbm>> -> memref<1x1x128xi32, #tpu.memory_space<hbm>>
        %dma_wait3A_104 = tpu.memref_squeeze %dma_wait3A_103 : memref<1x1x128xi32, #tpu.memory_space<hbm>> -> memref<128xi32, #tpu.memory_space<hbm>>
        %dma_wait3A_105 = arith.constant 0 : i32
        %dma_wait3A_106 = tpu.memref_slice %arg10[%dma_wait3A_98, %dma_wait3A_105] : memref<1x128xi32, #tpu.memory_space<vmem>> -> memref<1x128xi32, #tpu.memory_space<vmem>>
        %dma_wait3A_107 = tpu.memref_squeeze %dma_wait3A_106 : memref<1x128xi32, #tpu.memory_space<vmem>> -> memref<128xi32, #tpu.memory_space<vmem>>
        %dma_wait3A_108 = arith.constant 0 : i32
        %dma_wait3A_109 = tpu.memref_slice %arg4[%arg1, %add3A_74, %dma_wait3A_108] : memref<16x80x128xi32, #tpu.memory_space<hbm>> -> memref<1x1x128xi32, #tpu.memory_space<hbm>>
        %dma_wait3A_110 = tpu.memref_squeeze %dma_wait3A_109 : memref<1x1x128xi32, #tpu.memory_space<hbm>> -> memref<128xi32, #tpu.memory_space<hbm>>
        tpu.wait_dma2 semaphore(%arg18 : memref<!tpu.dma_semaphore, #tpu.memory_space<semaphore_mem>>) src(%dma_wait3A_110 : memref<128xi32, #tpu.memory_space<hbm>>) dst(%dma_wait3A_107 : memref<128xi32, #tpu.memory_space<vmem>>)
      } else {
      }
      %run_scoped3A_90 = arith.constant 0 : i32
      "tpu.region"() ({
        %run_scoped3A_98 = tpu.sem_alloc : memref<!tpu.dma_semaphore, #tpu.memory_space<semaphore_mem>>
        %dma_start3A_99 = arith.constant 0 : i32
        %dma_start3A_100 = tpu.memref_slice %arg10[%run_scoped3A_90, %dma_start3A_99] : memref<1x128xi32, #tpu.memory_space<vmem>> -> memref<1x128xi32, #tpu.memory_space<vmem>>
        %dma_start3A_101 = tpu.memref_squeeze %dma_start3A_100 : memref<1x128xi32, #tpu.memory_space<vmem>> -> memref<128xi32, #tpu.memory_space<vmem>>
        %dma_start3A_102 = arith.constant 0 : i32
        %dma_start3A_103 = arith.constant 0 : i32
        %dma_start3A_104 = tpu.memref_slice %arg6[%dma_start3A_102, %dma_start3A_103] : memref<10240x128xf32, #tpu.memory_space<vmem_shared>> -> memref<10240x128xf32, #tpu.memory_space<vmem_shared>>
        tpu.enqueue_indirect_dma source(%arg12 : memref<128x128xf32, #tpu.memory_space<vmem>>) target(%dma_start3A_104 : memref<10240x128xf32, #tpu.memory_space<vmem_shared>>) offsets(%dma_start3A_101 : memref<128xi32, #tpu.memory_space<vmem>>) semaphore(%run_scoped3A_98 : memref<!tpu.dma_semaphore, #tpu.memory_space<semaphore_mem>>) {add = true}
        %dma_wait3A_105 = arith.constant 0 : i32
        %dma_wait3A_106 = tpu.memref_slice %arg10[%run_scoped3A_90, %dma_wait3A_105] : memref<1x128xi32, #tpu.memory_space<vmem>> -> memref<1x128xi32, #tpu.memory_space<vmem>>
        %dma_wait3A_107 = tpu.memref_squeeze %dma_wait3A_106 : memref<1x128xi32, #tpu.memory_space<vmem>> -> memref<128xi32, #tpu.memory_space<vmem>>
        %dma_wait3A_108 = arith.constant 0 : i32
        %dma_wait3A_109 = arith.constant 0 : i32
        %dma_wait3A_110 = tpu.memref_slice %arg6[%dma_wait3A_108, %dma_wait3A_109] : memref<10240x128xf32, #tpu.memory_space<vmem_shared>> -> memref<10240x128xf32, #tpu.memory_space<vmem_shared>>
        tpu.wait_indirect_dma semaphore(%run_scoped3A_98 : memref<!tpu.dma_semaphore, #tpu.memory_space<semaphore_mem>>) src(%arg12 : memref<128x128xf32, #tpu.memory_space<vmem>>) dst(%dma_wait3A_110 : memref<10240x128xf32, #tpu.memory_space<vmem_shared>>)
        tpu.yield
      }) : () -> ()
      %add3A_91 = arith.constant 2 : i32
      %add3A_92 = arith.addi %add3A_73, %add3A_91 : i32
      %lt3A_93 = arith.constant 40 : i32
      %lt3A_94 = arith.cmpi slt, %add3A_92, %lt3A_93 : i32
      %convert_element_type3A_95 = arith.extui %lt3A_94 : i1 to i32
      %cond3A_96 = arith.constant 0 : i32
      %cond3A_97 = arith.cmpi ne, %convert_element_type3A_95, %cond3A_96 : i32
      scf.if %cond3A_97 {
        %add3A_98 = arith.constant 2 : i32
        %add3A_99 = arith.addi %add3A_74, %add3A_98 : i32
        %dma_start3A_100 = arith.constant 0 : i32
        %dma_start3A_101 = arith.constant 0 : i32
        %dma_start3A_102 = tpu.memref_slice %arg10[%dma_start3A_100, %dma_start3A_101] : memref<1x128xi32, #tpu.memory_space<vmem>> -> memref<1x128xi32, #tpu.memory_space<vmem>>
        %dma_start3A_103 = tpu.memref_squeeze %dma_start3A_102 : memref<1x128xi32, #tpu.memory_space<vmem>> -> memref<128xi32, #tpu.memory_space<vmem>>
        %dma_start3A_104 = arith.constant 0 : i32
        %dma_start3A_105 = tpu.memref_slice %arg4[%arg1, %add3A_99, %dma_start3A_104] : memref<16x80x128xi32, #tpu.memory_space<hbm>> -> memref<1x1x128xi32, #tpu.memory_space<hbm>>
        %dma_start3A_106 = tpu.memref_squeeze %dma_start3A_105 : memref<1x1x128xi32, #tpu.memory_space<hbm>> -> memref<128xi32, #tpu.memory_space<hbm>>
        %dma_start3A_107 = arith.constant 0 : i32
        %dma_start3A_108 = tpu.memref_slice %arg10[%dma_start3A_100, %dma_start3A_107] : memref<1x128xi32, #tpu.memory_space<vmem>> -> memref<1x128xi32, #tpu.memory_space<vmem>>
        %dma_start3A_109 = tpu.memref_squeeze %dma_start3A_108 : memref<1x128xi32, #tpu.memory_space<vmem>> -> memref<128xi32, #tpu.memory_space<vmem>>
        %dma_start3A_110 = arith.constant 0 : i32
        %dma_start3A_111 = tpu.memref_slice %arg4[%arg1, %add3A_99, %dma_start3A_110] : memref<16x80x128xi32, #tpu.memory_space<hbm>> -> memref<1x1x128xi32, #tpu.memory_space<hbm>>
        %dma_start3A_112 = tpu.memref_squeeze %dma_start3A_111 : memref<1x1x128xi32, #tpu.memory_space<hbm>> -> memref<128xi32, #tpu.memory_space<hbm>>
        tpu.enqueue_dma source(%dma_start3A_112 : memref<128xi32, #tpu.memory_space<hbm>>) target(%dma_start3A_109 : memref<128xi32, #tpu.memory_space<vmem>>) target_semaphore(%arg18 : memref<!tpu.dma_semaphore, #tpu.memory_space<semaphore_mem>>)
        %add3A_113 = arith.constant 2 : i32
        %add3A_114 = arith.addi %add3A_74, %add3A_113 : i32
        %dma_wait3A_115 = arith.constant 0 : i32
        %dma_wait3A_116 = arith.constant 0 : i32
        %dma_wait3A_117 = tpu.memref_slice %arg3[%dma_wait3A_115, %arg1, %add3A_114, %dma_wait3A_116] : memref<2x16x80x128xi32, #tpu.memory_space<hbm>> -> memref<1x1x1x128xi32, #tpu.memory_space<hbm>>
        %dma_wait3A_118 = tpu.memref_squeeze %dma_wait3A_117 : memref<1x1x1x128xi32, #tpu.memory_space<hbm>> -> memref<128xi32, #tpu.memory_space<hbm>>
        %dma_wait3A_119 = arith.constant 0 : i32
        %dma_wait3A_120 = tpu.memref_slice %arg3[%dma_wait3A_115, %arg1, %add3A_114, %dma_wait3A_119] : memref<2x16x80x128xi32, #tpu.memory_space<hbm>> -> memref<1x1x1x128xi32, #tpu.memory_space<hbm>>
        %dma_wait3A_121 = tpu.memref_squeeze %dma_wait3A_120 : memref<1x1x1x128xi32, #tpu.memory_space<hbm>> -> memref<128xi32, #tpu.memory_space<hbm>>
        tpu.wait_dma2 semaphore(%arg16 : memref<!tpu.dma_semaphore, #tpu.memory_space<semaphore_mem>>) src(%dma_wait3A_121 : memref<128xi32, #tpu.memory_space<hbm>>) dst(%arg8 : memref<128xi32, #tpu.memory_space<vmem>>)
        %dma_start3A_122 = arith.constant 0 : i32
        %dma_start3A_123 = arith.constant 0 : i32
        %dma_start3A_124 = tpu.memref_slice %arg2[%dma_start3A_122, %dma_start3A_123] : memref<10240x128xf32, #tpu.memory_space<hbm>> -> memref<10240x128xf32, #tpu.memory_space<hbm>>
        tpu.enqueue_indirect_dma source(%dma_start3A_124 : memref<10240x128xf32, #tpu.memory_space<hbm>>) target(%arg12 : memref<128x128xf32, #tpu.memory_space<vmem>>) offsets(%arg8 : memref<128xi32, #tpu.memory_space<vmem>>) semaphore(%arg14 : memref<!tpu.dma_semaphore, #tpu.memory_space<semaphore_mem>>)
      } else {
      }
    }
    %scan3A_40 = arith.constant 20 : i32
    %barrier3A_41 = arith.constant 0 : index
    tpu.barrier barrier_id(%barrier3A_41)
    %mul3A_42 = arith.constant 640 : i32
    %mul3A_43 = arith.muli %arg1, %mul3A_42 : i32
    %mul3A_44 = arith.constant 640 : i32
    %mul3A_45 = arith.muli %arg1, %mul3A_44 : i32
    "tpu.region"() ({
      %run_scoped3A_46 = tpu.sem_alloc : memref<!tpu.dma_semaphore, #tpu.memory_space<semaphore_mem>>
      %dma_start3A_47 = arith.constant 0 : i32
      %dma_start3A_48 = tpu.memref_slice %arg5[%arg0, %mul3A_45, %dma_start3A_47] : memref<2x10240x128xf32, #tpu.memory_space<hbm>> -> memref<1x640x128xf32, #tpu.memory_space<hbm>>
      %dma_start3A_49 = tpu.memref_squeeze %dma_start3A_48 : memref<1x640x128xf32, #tpu.memory_space<hbm>> -> memref<640x128xf32, #tpu.memory_space<hbm>>
      %dma_start3A_50 = arith.constant 0 : i32
      %dma_start3A_51 = tpu.memref_slice %arg6[%mul3A_43, %dma_start3A_50] : memref<10240x128xf32, #tpu.memory_space<vmem_shared>> -> memref<640x128xf32, #tpu.memory_space<vmem_shared>>
      tpu.enqueue_dma source(%dma_start3A_51 : memref<640x128xf32, #tpu.memory_space<vmem_shared>>) target(%dma_start3A_49 : memref<640x128xf32, #tpu.memory_space<hbm>>) target_semaphore(%run_scoped3A_46 : memref<!tpu.dma_semaphore, #tpu.memory_space<semaphore_mem>>)
      %dma_wait3A = arith.constant 0 : i32
      %dma_wait3A_52 = tpu.memref_slice %arg5[%arg0, %mul3A_45, %dma_wait3A] : memref<2x10240x128xf32, #tpu.memory_space<hbm>> -> memref<1x640x128xf32, #tpu.memory_space<hbm>>
      %dma_wait3A_53 = tpu.memref_squeeze %dma_wait3A_52 : memref<1x640x128xf32, #tpu.memory_space<hbm>> -> memref<640x128xf32, #tpu.memory_space<hbm>>
      %dma_wait3A_54 = arith.constant 0 : i32
      %dma_wait3A_55 = tpu.memref_slice %arg6[%mul3A_43, %dma_wait3A_54] : memref<10240x128xf32, #tpu.memory_space<vmem_shared>> -> memref<640x128xf32, #tpu.memory_space<vmem_shared>>
      tpu.wait_dma2 semaphore(%run_scoped3A_46 : memref<!tpu.dma_semaphore, #tpu.memory_space<semaphore_mem>>) src(%dma_wait3A_55 : memref<640x128xf32, #tpu.memory_space<vmem_shared>>) dst(%dma_wait3A_53 : memref<640x128xf32, #tpu.memory_space<hbm>>)
      tpu.yield
    }) : () -> ()
    return
  }
}

#map = affine_map<(d0, d1) -> (0, 0)>
#map1 = affine_map<(d0, d1) -> (0, 0, 0, 0)>
#map2 = affine_map<(d0, d1) -> (0)>
module attributes {stable_mosaic.version = 14 : i64} {
  func.func @body(%arg0: i32, %arg1: i32, %arg2: memref<20480x128xf32, #tpu.memory_space<hbm>>, %arg3: memref<2x32x26x128xi32, #tpu.memory_space<hbm>>, %arg4: memref<128xf32, #tpu.memory_space<hbm>>, %arg5: memref<16xf32, #tpu.memory_space<hbm>>, %arg6: memref<106496xf32, #tpu.memory_space<hbm>>, %arg7: memref<26x128xi32, #tpu.memory_space<vmem>>, %arg8: memref<26x128xi32, #tpu.memory_space<vmem>>, %arg9: memref<128x128xf32, #tpu.memory_space<vmem>>, %arg10: memref<128x128xf32, #tpu.memory_space<vmem>>, %arg11: memref<128x128xf32, #tpu.memory_space<vmem>>, %arg12: memref<128x128xf32, #tpu.memory_space<vmem>>, %arg13: memref<3328xf32, #tpu.memory_space<vmem>>, %arg14: memref<272xf32, #tpu.memory_space<vmem>>, %arg15: memref<128xf32, #tpu.memory_space<vmem>>, %arg16: memref<16xf32, #tpu.memory_space<vmem>>, %arg17: memref<!tpu.dma_semaphore, #tpu.memory_space<semaphore_mem>>, %arg18: memref<!tpu.dma_semaphore, #tpu.memory_space<semaphore_mem>>, %arg19: memref<!tpu.dma_semaphore, #tpu.memory_space<semaphore_mem>>, %arg20: memref<!tpu.dma_semaphore, #tpu.memory_space<semaphore_mem>>) attributes {dimension_semantics = [#tpu.dimension_semantics<core_parallel>, #tpu.dimension_semantics<subcore_parallel>], iteration_bounds = array<i64: 2, 16>, scalar_prefetch = 0 : i64, scratch_operands = 14 : i64, tpu.core_type = #tpu.core_type<sc_vector_subcore>, window_params = [{transform_indices = #map}, {transform_indices = #map1}, {transform_indices = #map2}, {transform_indices = #map2}, {transform_indices = #map2}]} {
    %mul3A = arith.constant 16 : i32
    %mul3A_0 = arith.muli %arg0, %mul3A : i32
    %add3A = arith.addi %mul3A_0, %arg1 : i32
    %mul3A_1 = arith.constant 3328 : i32
    %mul3A_2 = arith.muli %add3A, %mul3A_1 : i32
    %run_scoped3A = arith.constant 0 : i32
    "tpu.region"() ({
      %run_scoped3A_55 = tpu.sem_alloc : memref<!tpu.dma_semaphore, #tpu.memory_space<semaphore_mem>>
      %dma_start3A_56 = arith.constant 0 : i32
      %dma_start3A_57 = arith.constant 0 : i32
      %dma_start3A_58 = tpu.memref_slice %arg3[%run_scoped3A, %add3A, %dma_start3A_56, %dma_start3A_57] : memref<2x32x26x128xi32, #tpu.memory_space<hbm>> -> memref<1x1x26x128xi32, #tpu.memory_space<hbm>>
      %dma_start3A_59 = tpu.memref_squeeze %dma_start3A_58 : memref<1x1x26x128xi32, #tpu.memory_space<hbm>> -> memref<26x128xi32, #tpu.memory_space<hbm>>
      %dma_start3A_60 = arith.constant 0 : i32
      %dma_start3A_61 = arith.constant 0 : i32
      %dma_start3A_62 = tpu.memref_slice %arg3[%run_scoped3A, %add3A, %dma_start3A_60, %dma_start3A_61] : memref<2x32x26x128xi32, #tpu.memory_space<hbm>> -> memref<1x1x26x128xi32, #tpu.memory_space<hbm>>
      %dma_start3A_63 = tpu.memref_squeeze %dma_start3A_62 : memref<1x1x26x128xi32, #tpu.memory_space<hbm>> -> memref<26x128xi32, #tpu.memory_space<hbm>>
      tpu.enqueue_dma source(%dma_start3A_63 : memref<26x128xi32, #tpu.memory_space<hbm>>) target(%arg7 : memref<26x128xi32, #tpu.memory_space<vmem>>) target_semaphore(%run_scoped3A_55 : memref<!tpu.dma_semaphore, #tpu.memory_space<semaphore_mem>>)
      %dma_wait3A = arith.constant 0 : i32
      %dma_wait3A_64 = arith.constant 0 : i32
      %dma_wait3A_65 = tpu.memref_slice %arg3[%run_scoped3A, %add3A, %dma_wait3A, %dma_wait3A_64] : memref<2x32x26x128xi32, #tpu.memory_space<hbm>> -> memref<1x1x26x128xi32, #tpu.memory_space<hbm>>
      %dma_wait3A_66 = tpu.memref_squeeze %dma_wait3A_65 : memref<1x1x26x128xi32, #tpu.memory_space<hbm>> -> memref<26x128xi32, #tpu.memory_space<hbm>>
      %dma_wait3A_67 = arith.constant 0 : i32
      %dma_wait3A_68 = arith.constant 0 : i32
      %dma_wait3A_69 = tpu.memref_slice %arg3[%run_scoped3A, %add3A, %dma_wait3A_67, %dma_wait3A_68] : memref<2x32x26x128xi32, #tpu.memory_space<hbm>> -> memref<1x1x26x128xi32, #tpu.memory_space<hbm>>
      %dma_wait3A_70 = tpu.memref_squeeze %dma_wait3A_69 : memref<1x1x26x128xi32, #tpu.memory_space<hbm>> -> memref<26x128xi32, #tpu.memory_space<hbm>>
      tpu.wait_dma2 semaphore(%run_scoped3A_55 : memref<!tpu.dma_semaphore, #tpu.memory_space<semaphore_mem>>) src(%dma_wait3A_70 : memref<26x128xi32, #tpu.memory_space<hbm>>) dst(%arg7 : memref<26x128xi32, #tpu.memory_space<vmem>>)
      tpu.yield
    }) : () -> ()
    %run_scoped3A_3 = arith.constant 1 : i32
    "tpu.region"() ({
      %run_scoped3A_55 = tpu.sem_alloc : memref<!tpu.dma_semaphore, #tpu.memory_space<semaphore_mem>>
      %dma_start3A_56 = arith.constant 0 : i32
      %dma_start3A_57 = arith.constant 0 : i32
      %dma_start3A_58 = tpu.memref_slice %arg3[%run_scoped3A_3, %add3A, %dma_start3A_56, %dma_start3A_57] : memref<2x32x26x128xi32, #tpu.memory_space<hbm>> -> memref<1x1x26x128xi32, #tpu.memory_space<hbm>>
      %dma_start3A_59 = tpu.memref_squeeze %dma_start3A_58 : memref<1x1x26x128xi32, #tpu.memory_space<hbm>> -> memref<26x128xi32, #tpu.memory_space<hbm>>
      %dma_start3A_60 = arith.constant 0 : i32
      %dma_start3A_61 = arith.constant 0 : i32
      %dma_start3A_62 = tpu.memref_slice %arg3[%run_scoped3A_3, %add3A, %dma_start3A_60, %dma_start3A_61] : memref<2x32x26x128xi32, #tpu.memory_space<hbm>> -> memref<1x1x26x128xi32, #tpu.memory_space<hbm>>
      %dma_start3A_63 = tpu.memref_squeeze %dma_start3A_62 : memref<1x1x26x128xi32, #tpu.memory_space<hbm>> -> memref<26x128xi32, #tpu.memory_space<hbm>>
      tpu.enqueue_dma source(%dma_start3A_63 : memref<26x128xi32, #tpu.memory_space<hbm>>) target(%arg8 : memref<26x128xi32, #tpu.memory_space<vmem>>) target_semaphore(%run_scoped3A_55 : memref<!tpu.dma_semaphore, #tpu.memory_space<semaphore_mem>>)
      %dma_wait3A = arith.constant 0 : i32
      %dma_wait3A_64 = arith.constant 0 : i32
      %dma_wait3A_65 = tpu.memref_slice %arg3[%run_scoped3A_3, %add3A, %dma_wait3A, %dma_wait3A_64] : memref<2x32x26x128xi32, #tpu.memory_space<hbm>> -> memref<1x1x26x128xi32, #tpu.memory_space<hbm>>
      %dma_wait3A_66 = tpu.memref_squeeze %dma_wait3A_65 : memref<1x1x26x128xi32, #tpu.memory_space<hbm>> -> memref<26x128xi32, #tpu.memory_space<hbm>>
      %dma_wait3A_67 = arith.constant 0 : i32
      %dma_wait3A_68 = arith.constant 0 : i32
      %dma_wait3A_69 = tpu.memref_slice %arg3[%run_scoped3A_3, %add3A, %dma_wait3A_67, %dma_wait3A_68] : memref<2x32x26x128xi32, #tpu.memory_space<hbm>> -> memref<1x1x26x128xi32, #tpu.memory_space<hbm>>
      %dma_wait3A_70 = tpu.memref_squeeze %dma_wait3A_69 : memref<1x1x26x128xi32, #tpu.memory_space<hbm>> -> memref<26x128xi32, #tpu.memory_space<hbm>>
      tpu.wait_dma2 semaphore(%run_scoped3A_55 : memref<!tpu.dma_semaphore, #tpu.memory_space<semaphore_mem>>) src(%dma_wait3A_70 : memref<26x128xi32, #tpu.memory_space<hbm>>) dst(%arg8 : memref<26x128xi32, #tpu.memory_space<vmem>>)
      tpu.yield
    }) : () -> ()
    "tpu.region"() ({
      %run_scoped3A_55 = tpu.sem_alloc : memref<!tpu.dma_semaphore, #tpu.memory_space<semaphore_mem>>
      tpu.enqueue_dma source(%arg4 : memref<128xf32, #tpu.memory_space<hbm>>) target(%arg15 : memref<128xf32, #tpu.memory_space<vmem>>) target_semaphore(%run_scoped3A_55 : memref<!tpu.dma_semaphore, #tpu.memory_space<semaphore_mem>>)
      tpu.wait_dma2 semaphore(%run_scoped3A_55 : memref<!tpu.dma_semaphore, #tpu.memory_space<semaphore_mem>>) src(%arg4 : memref<128xf32, #tpu.memory_space<hbm>>) dst(%arg15 : memref<128xf32, #tpu.memory_space<vmem>>)
      tpu.yield
    }) : () -> ()
    "tpu.region"() ({
      %run_scoped3A_55 = tpu.sem_alloc : memref<!tpu.dma_semaphore, #tpu.memory_space<semaphore_mem>>
      tpu.enqueue_dma source(%arg5 : memref<16xf32, #tpu.memory_space<hbm>>) target(%arg16 : memref<16xf32, #tpu.memory_space<vmem>>) target_semaphore(%run_scoped3A_55 : memref<!tpu.dma_semaphore, #tpu.memory_space<semaphore_mem>>)
      tpu.wait_dma2 semaphore(%run_scoped3A_55 : memref<!tpu.dma_semaphore, #tpu.memory_space<semaphore_mem>>) src(%arg5 : memref<16xf32, #tpu.memory_space<hbm>>) dst(%arg16 : memref<16xf32, #tpu.memory_space<vmem>>)
      tpu.yield
    }) : () -> ()
    %dma_start3A = arith.constant 0 : i32
    %dma_start3A_4 = arith.constant 0 : i32
    %dma_start3A_5 = tpu.memref_slice %arg7[%dma_start3A, %dma_start3A_4] : memref<26x128xi32, #tpu.memory_space<vmem>> -> memref<1x128xi32, #tpu.memory_space<vmem>>
    %dma_start3A_6 = tpu.memref_squeeze %dma_start3A_5 : memref<1x128xi32, #tpu.memory_space<vmem>> -> memref<128xi32, #tpu.memory_space<vmem>>
    %dma_start3A_7 = arith.constant 0 : i32
    %dma_start3A_8 = arith.constant 0 : i32
    %dma_start3A_9 = tpu.memref_slice %arg2[%dma_start3A_7, %dma_start3A_8] : memref<20480x128xf32, #tpu.memory_space<hbm>> -> memref<20480x128xf32, #tpu.memory_space<hbm>>
    tpu.enqueue_indirect_dma source(%dma_start3A_9 : memref<20480x128xf32, #tpu.memory_space<hbm>>) target(%arg9 : memref<128x128xf32, #tpu.memory_space<vmem>>) offsets(%dma_start3A_6 : memref<128xi32, #tpu.memory_space<vmem>>) semaphore(%arg17 : memref<!tpu.dma_semaphore, #tpu.memory_space<semaphore_mem>>)
    %dma_start3A_10 = arith.constant 0 : i32
    %dma_start3A_11 = arith.constant 0 : i32
    %dma_start3A_12 = tpu.memref_slice %arg8[%dma_start3A_10, %dma_start3A_11] : memref<26x128xi32, #tpu.memory_space<vmem>> -> memref<1x128xi32, #tpu.memory_space<vmem>>
    %dma_start3A_13 = tpu.memref_squeeze %dma_start3A_12 : memref<1x128xi32, #tpu.memory_space<vmem>> -> memref<128xi32, #tpu.memory_space<vmem>>
    %dma_start3A_14 = arith.constant 0 : i32
    %dma_start3A_15 = arith.constant 0 : i32
    %dma_start3A_16 = tpu.memref_slice %arg2[%dma_start3A_14, %dma_start3A_15] : memref<20480x128xf32, #tpu.memory_space<hbm>> -> memref<20480x128xf32, #tpu.memory_space<hbm>>
    tpu.enqueue_indirect_dma source(%dma_start3A_16 : memref<20480x128xf32, #tpu.memory_space<hbm>>) target(%arg11 : memref<128x128xf32, #tpu.memory_space<vmem>>) offsets(%dma_start3A_13 : memref<128xi32, #tpu.memory_space<vmem>>) semaphore(%arg19 : memref<!tpu.dma_semaphore, #tpu.memory_space<semaphore_mem>>)
    %dma_start3A_17 = arith.constant 1 : i32
    %dma_start3A_18 = arith.constant 0 : i32
    %dma_start3A_19 = tpu.memref_slice %arg7[%dma_start3A_17, %dma_start3A_18] : memref<26x128xi32, #tpu.memory_space<vmem>> -> memref<1x128xi32, #tpu.memory_space<vmem>>
    %dma_start3A_20 = tpu.memref_squeeze %dma_start3A_19 : memref<1x128xi32, #tpu.memory_space<vmem>> -> memref<128xi32, #tpu.memory_space<vmem>>
    %dma_start3A_21 = arith.constant 0 : i32
    %dma_start3A_22 = arith.constant 0 : i32
    %dma_start3A_23 = tpu.memref_slice %arg2[%dma_start3A_21, %dma_start3A_22] : memref<20480x128xf32, #tpu.memory_space<hbm>> -> memref<20480x128xf32, #tpu.memory_space<hbm>>
    tpu.enqueue_indirect_dma source(%dma_start3A_23 : memref<20480x128xf32, #tpu.memory_space<hbm>>) target(%arg10 : memref<128x128xf32, #tpu.memory_space<vmem>>) offsets(%dma_start3A_20 : memref<128xi32, #tpu.memory_space<vmem>>) semaphore(%arg18 : memref<!tpu.dma_semaphore, #tpu.memory_space<semaphore_mem>>)
    %dma_start3A_24 = arith.constant 1 : i32
    %dma_start3A_25 = arith.constant 0 : i32
    %dma_start3A_26 = tpu.memref_slice %arg8[%dma_start3A_24, %dma_start3A_25] : memref<26x128xi32, #tpu.memory_space<vmem>> -> memref<1x128xi32, #tpu.memory_space<vmem>>
    %dma_start3A_27 = tpu.memref_squeeze %dma_start3A_26 : memref<1x128xi32, #tpu.memory_space<vmem>> -> memref<128xi32, #tpu.memory_space<vmem>>
    %dma_start3A_28 = arith.constant 0 : i32
    %dma_start3A_29 = arith.constant 0 : i32
    %dma_start3A_30 = tpu.memref_slice %arg2[%dma_start3A_28, %dma_start3A_29] : memref<20480x128xf32, #tpu.memory_space<hbm>> -> memref<20480x128xf32, #tpu.memory_space<hbm>>
    tpu.enqueue_indirect_dma source(%dma_start3A_30 : memref<20480x128xf32, #tpu.memory_space<hbm>>) target(%arg12 : memref<128x128xf32, #tpu.memory_space<vmem>>) offsets(%dma_start3A_27 : memref<128xi32, #tpu.memory_space<vmem>>) semaphore(%arg20 : memref<!tpu.dma_semaphore, #tpu.memory_space<semaphore_mem>>)
    %get3A = arith.constant 0 : index
    %get3A_31 = tpu.vector_load %arg15[%get3A] {strides = array<i32>} : memref<128xf32, #tpu.memory_space<vmem>>, vector<16xf32>,
    %get3A_32 = arith.constant 16 : index
    %get3A_33 = tpu.vector_load %arg15[%get3A_32] {strides = array<i32>} : memref<128xf32, #tpu.memory_space<vmem>>, vector<16xf32>,
    %get3A_34 = arith.constant 32 : index
    %get3A_35 = tpu.vector_load %arg15[%get3A_34] {strides = array<i32>} : memref<128xf32, #tpu.memory_space<vmem>>, vector<16xf32>,
    %get3A_36 = arith.constant 48 : index
    %get3A_37 = tpu.vector_load %arg15[%get3A_36] {strides = array<i32>} : memref<128xf32, #tpu.memory_space<vmem>>, vector<16xf32>,
    %get3A_38 = arith.constant 64 : index
    %get3A_39 = tpu.vector_load %arg15[%get3A_38] {strides = array<i32>} : memref<128xf32, #tpu.memory_space<vmem>>, vector<16xf32>,
    %get3A_40 = arith.constant 80 : index
    %get3A_41 = tpu.vector_load %arg15[%get3A_40] {strides = array<i32>} : memref<128xf32, #tpu.memory_space<vmem>>, vector<16xf32>,
    %get3A_42 = arith.constant 96 : index
    %get3A_43 = tpu.vector_load %arg15[%get3A_42] {strides = array<i32>} : memref<128xf32, #tpu.memory_space<vmem>>, vector<16xf32>,
    %get3A_44 = arith.constant 112 : index
    %get3A_45 = tpu.vector_load %arg15[%get3A_44] {strides = array<i32>} : memref<128xf32, #tpu.memory_space<vmem>>, vector<16xf32>,
    %get3A_46 = arith.constant 0 : index
    %get3A_47 = tpu.vector_load %arg16[%get3A_46] {strides = array<i32>} : memref<16xf32, #tpu.memory_space<vmem>>, vector<16xf32>,
    %iota3A = tpu.iota {dimensions = array<i32: 0>} : vector<16xi32>
    %mul3A_48 = arith.constant 17 : i32
    %mul3A_49 = vector.broadcast %mul3A_48 : i32 to vector<16xi32>
    %mul3A_50 = arith.muli %iota3A, %mul3A_49 : vector<16xi32>
    %scan3A = arith.constant 0 : i32
    %scan3A_51 = arith.constant 13 : i32
    %scan3A_52 = arith.addi %scan3A, %scan3A_51 : i32
    %scan3A_53 = arith.constant 1 : i32
    scf.for %scan3A_55 = %scan3A to %scan3A_52 step %scan3A_53  : i32 {
      %mul3A_56 = arith.constant 2 : i32
      %mul3A_57 = arith.muli %mul3A_56, %scan3A_55 : i32
      %add3A_58 = arith.constant 0 : i32
      %add3A_59 = arith.addi %mul3A_57, %add3A_58 : i32
      %dma_wait3A = arith.constant 0 : i32
      %dma_wait3A_60 = tpu.memref_slice %arg7[%add3A_59, %dma_wait3A] : memref<26x128xi32, #tpu.memory_space<vmem>> -> memref<1x128xi32, #tpu.memory_space<vmem>>
      %dma_wait3A_61 = tpu.memref_squeeze %dma_wait3A_60 : memref<1x128xi32, #tpu.memory_space<vmem>> -> memref<128xi32, #tpu.memory_space<vmem>>
      %dma_wait3A_62 = arith.constant 0 : i32
      %dma_wait3A_63 = arith.constant 0 : i32
      %dma_wait3A_64 = tpu.memref_slice %arg2[%dma_wait3A_62, %dma_wait3A_63] : memref<20480x128xf32, #tpu.memory_space<hbm>> -> memref<20480x128xf32, #tpu.memory_space<hbm>>
      tpu.wait_indirect_dma semaphore(%arg17 : memref<!tpu.dma_semaphore, #tpu.memory_space<semaphore_mem>>) src(%dma_wait3A_64 : memref<20480x128xf32, #tpu.memory_space<hbm>>) dst(%arg9 : memref<128x128xf32, #tpu.memory_space<vmem>>)
      %dma_wait3A_65 = arith.constant 0 : i32
      %dma_wait3A_66 = tpu.memref_slice %arg8[%add3A_59, %dma_wait3A_65] : memref<26x128xi32, #tpu.memory_space<vmem>> -> memref<1x128xi32, #tpu.memory_space<vmem>>
      %dma_wait3A_67 = tpu.memref_squeeze %dma_wait3A_66 : memref<1x128xi32, #tpu.memory_space<vmem>> -> memref<128xi32, #tpu.memory_space<vmem>>
      %dma_wait3A_68 = arith.constant 0 : i32
      %dma_wait3A_69 = arith.constant 0 : i32
      %dma_wait3A_70 = tpu.memref_slice %arg2[%dma_wait3A_68, %dma_wait3A_69] : memref<20480x128xf32, #tpu.memory_space<hbm>> -> memref<20480x128xf32, #tpu.memory_space<hbm>>
      tpu.wait_indirect_dma semaphore(%arg19 : memref<!tpu.dma_semaphore, #tpu.memory_space<semaphore_mem>>) src(%dma_wait3A_70 : memref<20480x128xf32, #tpu.memory_space<hbm>>) dst(%arg11 : memref<128x128xf32, #tpu.memory_space<vmem>>)
      %scan3A_71 = arith.constant 0 : i32
      %scan3A_72 = arith.constant 8 : i32
      %scan3A_73 = arith.addi %scan3A_71, %scan3A_72 : i32
      %scan3A_74 = arith.constant 1 : i32
      scf.for %scan3A_108 = %scan3A_71 to %scan3A_73 step %scan3A_74  : i32 {
        %scan3A_109 = arith.constant 0 : i32
        %scan3A_110 = arith.constant 16 : i32
        %scan3A_111 = arith.addi %scan3A_109, %scan3A_110 : i32
        %scan3A_112 = arith.constant 1 : i32
        scf.for %scan3A_175 = %scan3A_109 to %scan3A_111 step %scan3A_112  : i32 {
          %mul3A_176 = arith.constant 16 : i32
          %mul3A_177 = arith.muli %scan3A_108, %mul3A_176 : i32
          %add3A_178 = arith.addi %mul3A_177, %scan3A_175 : i32
          %broadcast_in_dim3A = arith.constant 0.000000e+00 : f32
          %broadcast_in_dim3A_179 = vector.broadcast %broadcast_in_dim3A : f32 to vector<16xf32>
          %get3A_180 = arith.index_cast %add3A_178 : i32 to index
          %get3A_181 = arith.constant 0 : index
          %get3A_182 = tpu.vector_load %arg9[%get3A_180, %get3A_181] {strides = array<i32>} : memref<128x128xf32, #tpu.memory_space<vmem>>, vector<16xf32>,
          %get3A_183 = arith.index_cast %add3A_178 : i32 to index
          %get3A_184 = arith.constant 0 : index
          %get3A_185 = tpu.vector_load %arg11[%get3A_183, %get3A_184] {strides = array<i32>} : memref<128x128xf32, #tpu.memory_space<vmem>>, vector<16xf32>,
          %add3A_186 = arith.addf %get3A_182, %get3A_185 : vector<16xf32>
          %max3A = arith.constant 0.000000e+00 : f32
          %max3A_187 = vector.broadcast %max3A : f32 to vector<16xf32>
          %max3A_188 = arith.maximumf %add3A_186, %max3A_187 : vector<16xf32>
          %mul3A_189 = arith.mulf %max3A_188, %get3A_31 : vector<16xf32>
          %add3A_190 = arith.addf %broadcast_in_dim3A_179, %mul3A_189 : vector<16xf32>
          %get3A_191 = arith.index_cast %add3A_178 : i32 to index
          %get3A_192 = arith.constant 16 : index
          %get3A_193 = tpu.vector_load %arg9[%get3A_191, %get3A_192] {strides = array<i32>} : memref<128x128xf32, #tpu.memory_space<vmem>>, vector<16xf32>,
          %get3A_194 = arith.index_cast %add3A_178 : i32 to index
          %get3A_195 = arith.constant 16 : index
          %get3A_196 = tpu.vector_load %arg11[%get3A_194, %get3A_195] {strides = array<i32>} : memref<128x128xf32, #tpu.memory_space<vmem>>, vector<16xf32>,
          %add3A_197 = arith.addf %get3A_193, %get3A_196 : vector<16xf32>
          %max3A_198 = arith.constant 0.000000e+00 : f32
          %max3A_199 = vector.broadcast %max3A_198 : f32 to vector<16xf32>
          %max3A_200 = arith.maximumf %add3A_197, %max3A_199 : vector<16xf32>
          %mul3A_201 = arith.mulf %max3A_200, %get3A_33 : vector<16xf32>
          %add3A_202 = arith.addf %add3A_190, %mul3A_201 : vector<16xf32>
          %get3A_203 = arith.index_cast %add3A_178 : i32 to index
          %get3A_204 = arith.constant 32 : index
          %get3A_205 = tpu.vector_load %arg9[%get3A_203, %get3A_204] {strides = array<i32>} : memref<128x128xf32, #tpu.memory_space<vmem>>, vector<16xf32>,
          %get3A_206 = arith.index_cast %add3A_178 : i32 to index
          %get3A_207 = arith.constant 32 : index
          %get3A_208 = tpu.vector_load %arg11[%get3A_206, %get3A_207] {strides = array<i32>} : memref<128x128xf32, #tpu.memory_space<vmem>>, vector<16xf32>,
          %add3A_209 = arith.addf %get3A_205, %get3A_208 : vector<16xf32>
          %max3A_210 = arith.constant 0.000000e+00 : f32
          %max3A_211 = vector.broadcast %max3A_210 : f32 to vector<16xf32>
          %max3A_212 = arith.maximumf %add3A_209, %max3A_211 : vector<16xf32>
          %mul3A_213 = arith.mulf %max3A_212, %get3A_35 : vector<16xf32>
          %add3A_214 = arith.addf %add3A_202, %mul3A_213 : vector<16xf32>
          %get3A_215 = arith.index_cast %add3A_178 : i32 to index
          %get3A_216 = arith.constant 48 : index
          %get3A_217 = tpu.vector_load %arg9[%get3A_215, %get3A_216] {strides = array<i32>} : memref<128x128xf32, #tpu.memory_space<vmem>>, vector<16xf32>,
          %get3A_218 = arith.index_cast %add3A_178 : i32 to index
          %get3A_219 = arith.constant 48 : index
          %get3A_220 = tpu.vector_load %arg11[%get3A_218, %get3A_219] {strides = array<i32>} : memref<128x128xf32, #tpu.memory_space<vmem>>, vector<16xf32>,
          %add3A_221 = arith.addf %get3A_217, %get3A_220 : vector<16xf32>
          %max3A_222 = arith.constant 0.000000e+00 : f32
          %max3A_223 = vector.broadcast %max3A_222 : f32 to vector<16xf32>
          %max3A_224 = arith.maximumf %add3A_221, %max3A_223 : vector<16xf32>
          %mul3A_225 = arith.mulf %max3A_224, %get3A_37 : vector<16xf32>
          %add3A_226 = arith.addf %add3A_214, %mul3A_225 : vector<16xf32>
          %get3A_227 = arith.index_cast %add3A_178 : i32 to index
          %get3A_228 = arith.constant 64 : index
          %get3A_229 = tpu.vector_load %arg9[%get3A_227, %get3A_228] {strides = array<i32>} : memref<128x128xf32, #tpu.memory_space<vmem>>, vector<16xf32>,
          %get3A_230 = arith.index_cast %add3A_178 : i32 to index
          %get3A_231 = arith.constant 64 : index
          %get3A_232 = tpu.vector_load %arg11[%get3A_230, %get3A_231] {strides = array<i32>} : memref<128x128xf32, #tpu.memory_space<vmem>>, vector<16xf32>,
          %add3A_233 = arith.addf %get3A_229, %get3A_232 : vector<16xf32>
          %max3A_234 = arith.constant 0.000000e+00 : f32
          %max3A_235 = vector.broadcast %max3A_234 : f32 to vector<16xf32>
          %max3A_236 = arith.maximumf %add3A_233, %max3A_235 : vector<16xf32>
          %mul3A_237 = arith.mulf %max3A_236, %get3A_39 : vector<16xf32>
          %add3A_238 = arith.addf %add3A_226, %mul3A_237 : vector<16xf32>
          %get3A_239 = arith.index_cast %add3A_178 : i32 to index
          %get3A_240 = arith.constant 80 : index
          %get3A_241 = tpu.vector_load %arg9[%get3A_239, %get3A_240] {strides = array<i32>} : memref<128x128xf32, #tpu.memory_space<vmem>>, vector<16xf32>,
          %get3A_242 = arith.index_cast %add3A_178 : i32 to index
          %get3A_243 = arith.constant 80 : index
          %get3A_244 = tpu.vector_load %arg11[%get3A_242, %get3A_243] {strides = array<i32>} : memref<128x128xf32, #tpu.memory_space<vmem>>, vector<16xf32>,
          %add3A_245 = arith.addf %get3A_241, %get3A_244 : vector<16xf32>
          %max3A_246 = arith.constant 0.000000e+00 : f32
          %max3A_247 = vector.broadcast %max3A_246 : f32 to vector<16xf32>
          %max3A_248 = arith.maximumf %add3A_245, %max3A_247 : vector<16xf32>
          %mul3A_249 = arith.mulf %max3A_248, %get3A_41 : vector<16xf32>
          %add3A_250 = arith.addf %add3A_238, %mul3A_249 : vector<16xf32>
          %get3A_251 = arith.index_cast %add3A_178 : i32 to index
          %get3A_252 = arith.constant 96 : index
          %get3A_253 = tpu.vector_load %arg9[%get3A_251, %get3A_252] {strides = array<i32>} : memref<128x128xf32, #tpu.memory_space<vmem>>, vector<16xf32>,
          %get3A_254 = arith.index_cast %add3A_178 : i32 to index
          %get3A_255 = arith.constant 96 : index
          %get3A_256 = tpu.vector_load %arg11[%get3A_254, %get3A_255] {strides = array<i32>} : memref<128x128xf32, #tpu.memory_space<vmem>>, vector<16xf32>,
          %add3A_257 = arith.addf %get3A_253, %get3A_256 : vector<16xf32>
          %max3A_258 = arith.constant 0.000000e+00 : f32
          %max3A_259 = vector.broadcast %max3A_258 : f32 to vector<16xf32>
          %max3A_260 = arith.maximumf %add3A_257, %max3A_259 : vector<16xf32>
          %mul3A_261 = arith.mulf %max3A_260, %get3A_43 : vector<16xf32>
          %add3A_262 = arith.addf %add3A_250, %mul3A_261 : vector<16xf32>
          %get3A_263 = arith.index_cast %add3A_178 : i32 to index
          %get3A_264 = arith.constant 112 : index
          %get3A_265 = tpu.vector_load %arg9[%get3A_263, %get3A_264] {strides = array<i32>} : memref<128x128xf32, #tpu.memory_space<vmem>>, vector<16xf32>,
          %get3A_266 = arith.index_cast %add3A_178 : i32 to index
          %get3A_267 = arith.constant 112 : index
          %get3A_268 = tpu.vector_load %arg11[%get3A_266, %get3A_267] {strides = array<i32>} : memref<128x128xf32, #tpu.memory_space<vmem>>, vector<16xf32>,
          %add3A_269 = arith.addf %get3A_265, %get3A_268 : vector<16xf32>
          %max3A_270 = arith.constant 0.000000e+00 : f32
          %max3A_271 = vector.broadcast %max3A_270 : f32 to vector<16xf32>
          %max3A_272 = arith.maximumf %add3A_269, %max3A_271 : vector<16xf32>
          %mul3A_273 = arith.mulf %max3A_272, %get3A_45 : vector<16xf32>
          %add3A_274 = arith.addf %add3A_262, %mul3A_273 : vector<16xf32>
          %add3A_275 = vector.broadcast %scan3A_175 : i32 to vector<16xi32>
          %add3A_276 = arith.addi %mul3A_50, %add3A_275 : vector<16xi32>
          tpu.vector_store_idx %arg14[%add3A_276], %add3A_274 : memref<272xf32, #tpu.memory_space<vmem>>[vector<16xi32>], vector<16xf32>,
        }
        %scan3A_113 = arith.constant 16 : i32
        %get3A_114 = arith.constant 0 : index
        %get3A_115 = tpu.vector_load %arg14[%get3A_114] {strides = array<i32>} : memref<272xf32, #tpu.memory_space<vmem>>, vector<16xf32>,
        %get3A_116 = arith.constant 17 : index
        %get3A_117 = tpu.vector_load %arg14[%get3A_116] {strides = array<i32>} : memref<272xf32, #tpu.memory_space<vmem>>, vector<16xf32>,
        %add3A_118 = arith.addf %get3A_115, %get3A_117 : vector<16xf32>
        %get3A_119 = arith.constant 34 : index
        %get3A_120 = tpu.vector_load %arg14[%get3A_119] {strides = array<i32>} : memref<272xf32, #tpu.memory_space<vmem>>, vector<16xf32>,
        %add3A_121 = arith.addf %add3A_118, %get3A_120 : vector<16xf32>
        %get3A_122 = arith.constant 51 : index
        %get3A_123 = tpu.vector_load %arg14[%get3A_122] {strides = array<i32>} : memref<272xf32, #tpu.memory_space<vmem>>, vector<16xf32>,
        %add3A_124 = arith.addf %add3A_121, %get3A_123 : vector<16xf32>
        %get3A_125 = arith.constant 68 : index
        %get3A_126 = tpu.vector_load %arg14[%get3A_125] {strides = array<i32>} : memref<272xf32, #tpu.memory_space<vmem>>, vector<16xf32>,
        %add3A_127 = arith.addf %add3A_124, %get3A_126 : vector<16xf32>
        %get3A_128 = arith.constant 85 : index
        %get3A_129 = tpu.vector_load %arg14[%get3A_128] {strides = array<i32>} : memref<272xf32, #tpu.memory_space<vmem>>, vector<16xf32>,
        %add3A_130 = arith.addf %add3A_127, %get3A_129 : vector<16xf32>
        %get3A_131 = arith.constant 102 : index
        %get3A_132 = tpu.vector_load %arg14[%get3A_131] {strides = array<i32>} : memref<272xf32, #tpu.memory_space<vmem>>, vector<16xf32>,
        %add3A_133 = arith.addf %add3A_130, %get3A_132 : vector<16xf32>
        %get3A_134 = arith.constant 119 : index
        %get3A_135 = tpu.vector_load %arg14[%get3A_134] {strides = array<i32>} : memref<272xf32, #tpu.memory_space<vmem>>, vector<16xf32>,
        %add3A_136 = arith.addf %add3A_133, %get3A_135 : vector<16xf32>
        %get3A_137 = arith.constant 136 : index
        %get3A_138 = tpu.vector_load %arg14[%get3A_137] {strides = array<i32>} : memref<272xf32, #tpu.memory_space<vmem>>, vector<16xf32>,
        %add3A_139 = arith.addf %add3A_136, %get3A_138 : vector<16xf32>
        %get3A_140 = arith.constant 153 : index
        %get3A_141 = tpu.vector_load %arg14[%get3A_140] {strides = array<i32>} : memref<272xf32, #tpu.memory_space<vmem>>, vector<16xf32>,
        %add3A_142 = arith.addf %add3A_139, %get3A_141 : vector<16xf32>
        %get3A_143 = arith.constant 170 : index
        %get3A_144 = tpu.vector_load %arg14[%get3A_143] {strides = array<i32>} : memref<272xf32, #tpu.memory_space<vmem>>, vector<16xf32>,
        %add3A_145 = arith.addf %add3A_142, %get3A_144 : vector<16xf32>
        %get3A_146 = arith.constant 187 : index
        %get3A_147 = tpu.vector_load %arg14[%get3A_146] {strides = array<i32>} : memref<272xf32, #tpu.memory_space<vmem>>, vector<16xf32>,
        %add3A_148 = arith.addf %add3A_145, %get3A_147 : vector<16xf32>
        %get3A_149 = arith.constant 204 : index
        %get3A_150 = tpu.vector_load %arg14[%get3A_149] {strides = array<i32>} : memref<272xf32, #tpu.memory_space<vmem>>, vector<16xf32>,
        %add3A_151 = arith.addf %add3A_148, %get3A_150 : vector<16xf32>
        %get3A_152 = arith.constant 221 : index
        %get3A_153 = tpu.vector_load %arg14[%get3A_152] {strides = array<i32>} : memref<272xf32, #tpu.memory_space<vmem>>, vector<16xf32>,
        %add3A_154 = arith.addf %add3A_151, %get3A_153 : vector<16xf32>
        %get3A_155 = arith.constant 238 : index
        %get3A_156 = tpu.vector_load %arg14[%get3A_155] {strides = array<i32>} : memref<272xf32, #tpu.memory_space<vmem>>, vector<16xf32>,
        %add3A_157 = arith.addf %add3A_154, %get3A_156 : vector<16xf32>
        %get3A_158 = arith.constant 255 : index
        %get3A_159 = tpu.vector_load %arg14[%get3A_158] {strides = array<i32>} : memref<272xf32, #tpu.memory_space<vmem>>, vector<16xf32>,
        %add3A_160 = arith.addf %add3A_157, %get3A_159 : vector<16xf32>
        %add3A_161 = arith.addf %add3A_160, %get3A_47 : vector<16xf32>
        %neg3A = arith.constant 0.000000e+00 : f32
        %neg3A_162 = vector.broadcast %neg3A : f32 to vector<16xf32>
        %neg3A_163 = arith.subf %neg3A_162, %add3A_161 : vector<16xf32>
        %exp3A = math.exp %neg3A_163 : vector<16xf32>
        %add3A_164 = arith.constant 1.000000e+00 : f32
        %add3A_165 = vector.broadcast %add3A_164 : f32 to vector<16xf32>
        %add3A_166 = arith.addf %add3A_165, %exp3A : vector<16xf32>
        %div3A = arith.constant 1.000000e+00 : f32
        %div3A_167 = vector.broadcast %div3A : f32 to vector<16xf32>
        %div3A_168 = arith.divf %div3A_167, %add3A_166 : vector<16xf32>
        %mul3A_169 = arith.constant 128 : i32
        %mul3A_170 = arith.muli %add3A_59, %mul3A_169 : i32
        %mul3A_171 = arith.constant 16 : i32
        %mul3A_172 = arith.muli %scan3A_108, %mul3A_171 : i32
        %add3A_173 = arith.addi %mul3A_170, %mul3A_172 : i32
        %swap3A = arith.index_cast %add3A_173 : i32 to index
        %swap3A_174 = tpu.vector_load %arg13[%swap3A] {strides = array<i32>} : memref<3328xf32, #tpu.memory_space<vmem>>, vector<16xf32>,
        tpu.vector_store %arg13[%swap3A], %div3A_168 {strides = array<i32>} : memref<3328xf32, #tpu.memory_space<vmem>>, vector<16xf32>,
      }
      %scan3A_75 = arith.constant 8 : i32
      %add3A_76 = arith.constant 2 : i32
      %add3A_77 = arith.addi %add3A_59, %add3A_76 : i32
      %lt3A = arith.constant 26 : i32
      %lt3A_78 = arith.cmpi slt, %add3A_77, %lt3A : i32
      %convert_element_type3A = arith.extui %lt3A_78 : i1 to i32
      %cond3A = arith.constant 0 : i32
      %cond3A_79 = arith.cmpi ne, %convert_element_type3A, %cond3A : i32
      scf.if %cond3A_79 {
        %add3A_108 = arith.constant 2 : i32
        %add3A_109 = arith.addi %add3A_59, %add3A_108 : i32
        %dma_start3A_110 = arith.constant 0 : i32
        %dma_start3A_111 = tpu.memref_slice %arg7[%add3A_109, %dma_start3A_110] : memref<26x128xi32, #tpu.memory_space<vmem>> -> memref<1x128xi32, #tpu.memory_space<vmem>>
        %dma_start3A_112 = tpu.memref_squeeze %dma_start3A_111 : memref<1x128xi32, #tpu.memory_space<vmem>> -> memref<128xi32, #tpu.memory_space<vmem>>
        %dma_start3A_113 = arith.constant 0 : i32
        %dma_start3A_114 = arith.constant 0 : i32
        %dma_start3A_115 = tpu.memref_slice %arg2[%dma_start3A_113, %dma_start3A_114] : memref<20480x128xf32, #tpu.memory_space<hbm>> -> memref<20480x128xf32, #tpu.memory_space<hbm>>
        tpu.enqueue_indirect_dma source(%dma_start3A_115 : memref<20480x128xf32, #tpu.memory_space<hbm>>) target(%arg9 : memref<128x128xf32, #tpu.memory_space<vmem>>) offsets(%dma_start3A_112 : memref<128xi32, #tpu.memory_space<vmem>>) semaphore(%arg17 : memref<!tpu.dma_semaphore, #tpu.memory_space<semaphore_mem>>)
        %add3A_116 = arith.constant 2 : i32
        %add3A_117 = arith.addi %add3A_59, %add3A_116 : i32
        %dma_start3A_118 = arith.constant 0 : i32
        %dma_start3A_119 = tpu.memref_slice %arg8[%add3A_117, %dma_start3A_118] : memref<26x128xi32, #tpu.memory_space<vmem>> -> memref<1x128xi32, #tpu.memory_space<vmem>>
        %dma_start3A_120 = tpu.memref_squeeze %dma_start3A_119 : memref<1x128xi32, #tpu.memory_space<vmem>> -> memref<128xi32, #tpu.memory_space<vmem>>
        %dma_start3A_121 = arith.constant 0 : i32
        %dma_start3A_122 = arith.constant 0 : i32
        %dma_start3A_123 = tpu.memref_slice %arg2[%dma_start3A_121, %dma_start3A_122] : memref<20480x128xf32, #tpu.memory_space<hbm>> -> memref<20480x128xf32, #tpu.memory_space<hbm>>
        tpu.enqueue_indirect_dma source(%dma_start3A_123 : memref<20480x128xf32, #tpu.memory_space<hbm>>) target(%arg11 : memref<128x128xf32, #tpu.memory_space<vmem>>) offsets(%dma_start3A_120 : memref<128xi32, #tpu.memory_space<vmem>>) semaphore(%arg19 : memref<!tpu.dma_semaphore, #tpu.memory_space<semaphore_mem>>)
      } else {
      }
      %mul3A_80 = arith.constant 2 : i32
      %mul3A_81 = arith.muli %mul3A_80, %scan3A_55 : i32
      %add3A_82 = arith.constant 1 : i32
      %add3A_83 = arith.addi %mul3A_81, %add3A_82 : i32
      %dma_wait3A_84 = arith.constant 0 : i32
      %dma_wait3A_85 = tpu.memref_slice %arg7[%add3A_83, %dma_wait3A_84] : memref<26x128xi32, #tpu.memory_space<vmem>> -> memref<1x128xi32, #tpu.memory_space<vmem>>
      %dma_wait3A_86 = tpu.memref_squeeze %dma_wait3A_85 : memref<1x128xi32, #tpu.memory_space<vmem>> -> memref<128xi32, #tpu.memory_space<vmem>>
      %dma_wait3A_87 = arith.constant 0 : i32
      %dma_wait3A_88 = arith.constant 0 : i32
      %dma_wait3A_89 = tpu.memref_slice %arg2[%dma_wait3A_87, %dma_wait3A_88] : memref<20480x128xf32, #tpu.memory_space<hbm>> -> memref<20480x128xf32, #tpu.memory_space<hbm>>
      tpu.wait_indirect_dma semaphore(%arg18 : memref<!tpu.dma_semaphore, #tpu.memory_space<semaphore_mem>>) src(%dma_wait3A_89 : memref<20480x128xf32, #tpu.memory_space<hbm>>) dst(%arg10 : memref<128x128xf32, #tpu.memory_space<vmem>>)
      %dma_wait3A_90 = arith.constant 0 : i32
      %dma_wait3A_91 = tpu.memref_slice %arg8[%add3A_83, %dma_wait3A_90] : memref<26x128xi32, #tpu.memory_space<vmem>> -> memref<1x128xi32, #tpu.memory_space<vmem>>
      %dma_wait3A_92 = tpu.memref_squeeze %dma_wait3A_91 : memref<1x128xi32, #tpu.memory_space<vmem>> -> memref<128xi32, #tpu.memory_space<vmem>>
      %dma_wait3A_93 = arith.constant 0 : i32
      %dma_wait3A_94 = arith.constant 0 : i32
      %dma_wait3A_95 = tpu.memref_slice %arg2[%dma_wait3A_93, %dma_wait3A_94] : memref<20480x128xf32, #tpu.memory_space<hbm>> -> memref<20480x128xf32, #tpu.memory_space<hbm>>
      tpu.wait_indirect_dma semaphore(%arg20 : memref<!tpu.dma_semaphore, #tpu.memory_space<semaphore_mem>>) src(%dma_wait3A_95 : memref<20480x128xf32, #tpu.memory_space<hbm>>) dst(%arg12 : memref<128x128xf32, #tpu.memory_space<vmem>>)
      %scan3A_96 = arith.constant 0 : i32
      %scan3A_97 = arith.constant 8 : i32
      %scan3A_98 = arith.addi %scan3A_96, %scan3A_97 : i32
      %scan3A_99 = arith.constant 1 : i32
      scf.for %scan3A_108 = %scan3A_96 to %scan3A_98 step %scan3A_99  : i32 {
        %scan3A_109 = arith.constant 0 : i32
        %scan3A_110 = arith.constant 16 : i32
        %scan3A_111 = arith.addi %scan3A_109, %scan3A_110 : i32
        %scan3A_112 = arith.constant 1 : i32
        scf.for %scan3A_175 = %scan3A_109 to %scan3A_111 step %scan3A_112  : i32 {
          %mul3A_176 = arith.constant 16 : i32
          %mul3A_177 = arith.muli %scan3A_108, %mul3A_176 : i32
          %add3A_178 = arith.addi %mul3A_177, %scan3A_175 : i32
          %broadcast_in_dim3A = arith.constant 0.000000e+00 : f32
          %broadcast_in_dim3A_179 = vector.broadcast %broadcast_in_dim3A : f32 to vector<16xf32>
          %get3A_180 = arith.index_cast %add3A_178 : i32 to index
          %get3A_181 = arith.constant 0 : index
          %get3A_182 = tpu.vector_load %arg10[%get3A_180, %get3A_181] {strides = array<i32>} : memref<128x128xf32, #tpu.memory_space<vmem>>, vector<16xf32>,
          %get3A_183 = arith.index_cast %add3A_178 : i32 to index
          %get3A_184 = arith.constant 0 : index
          %get3A_185 = tpu.vector_load %arg12[%get3A_183, %get3A_184] {strides = array<i32>} : memref<128x128xf32, #tpu.memory_space<vmem>>, vector<16xf32>,
          %add3A_186 = arith.addf %get3A_182, %get3A_185 : vector<16xf32>
          %max3A = arith.constant 0.000000e+00 : f32
          %max3A_187 = vector.broadcast %max3A : f32 to vector<16xf32>
          %max3A_188 = arith.maximumf %add3A_186, %max3A_187 : vector<16xf32>
          %mul3A_189 = arith.mulf %max3A_188, %get3A_31 : vector<16xf32>
          %add3A_190 = arith.addf %broadcast_in_dim3A_179, %mul3A_189 : vector<16xf32>
          %get3A_191 = arith.index_cast %add3A_178 : i32 to index
          %get3A_192 = arith.constant 16 : index
          %get3A_193 = tpu.vector_load %arg10[%get3A_191, %get3A_192] {strides = array<i32>} : memref<128x128xf32, #tpu.memory_space<vmem>>, vector<16xf32>,
          %get3A_194 = arith.index_cast %add3A_178 : i32 to index
          %get3A_195 = arith.constant 16 : index
          %get3A_196 = tpu.vector_load %arg12[%get3A_194, %get3A_195] {strides = array<i32>} : memref<128x128xf32, #tpu.memory_space<vmem>>, vector<16xf32>,
          %add3A_197 = arith.addf %get3A_193, %get3A_196 : vector<16xf32>
          %max3A_198 = arith.constant 0.000000e+00 : f32
          %max3A_199 = vector.broadcast %max3A_198 : f32 to vector<16xf32>
          %max3A_200 = arith.maximumf %add3A_197, %max3A_199 : vector<16xf32>
          %mul3A_201 = arith.mulf %max3A_200, %get3A_33 : vector<16xf32>
          %add3A_202 = arith.addf %add3A_190, %mul3A_201 : vector<16xf32>
          %get3A_203 = arith.index_cast %add3A_178 : i32 to index
          %get3A_204 = arith.constant 32 : index
          %get3A_205 = tpu.vector_load %arg10[%get3A_203, %get3A_204] {strides = array<i32>} : memref<128x128xf32, #tpu.memory_space<vmem>>, vector<16xf32>,
          %get3A_206 = arith.index_cast %add3A_178 : i32 to index
          %get3A_207 = arith.constant 32 : index
          %get3A_208 = tpu.vector_load %arg12[%get3A_206, %get3A_207] {strides = array<i32>} : memref<128x128xf32, #tpu.memory_space<vmem>>, vector<16xf32>,
          %add3A_209 = arith.addf %get3A_205, %get3A_208 : vector<16xf32>
          %max3A_210 = arith.constant 0.000000e+00 : f32
          %max3A_211 = vector.broadcast %max3A_210 : f32 to vector<16xf32>
          %max3A_212 = arith.maximumf %add3A_209, %max3A_211 : vector<16xf32>
          %mul3A_213 = arith.mulf %max3A_212, %get3A_35 : vector<16xf32>
          %add3A_214 = arith.addf %add3A_202, %mul3A_213 : vector<16xf32>
          %get3A_215 = arith.index_cast %add3A_178 : i32 to index
          %get3A_216 = arith.constant 48 : index
          %get3A_217 = tpu.vector_load %arg10[%get3A_215, %get3A_216] {strides = array<i32>} : memref<128x128xf32, #tpu.memory_space<vmem>>, vector<16xf32>,
          %get3A_218 = arith.index_cast %add3A_178 : i32 to index
          %get3A_219 = arith.constant 48 : index
          %get3A_220 = tpu.vector_load %arg12[%get3A_218, %get3A_219] {strides = array<i32>} : memref<128x128xf32, #tpu.memory_space<vmem>>, vector<16xf32>,
          %add3A_221 = arith.addf %get3A_217, %get3A_220 : vector<16xf32>
          %max3A_222 = arith.constant 0.000000e+00 : f32
          %max3A_223 = vector.broadcast %max3A_222 : f32 to vector<16xf32>
          %max3A_224 = arith.maximumf %add3A_221, %max3A_223 : vector<16xf32>
          %mul3A_225 = arith.mulf %max3A_224, %get3A_37 : vector<16xf32>
          %add3A_226 = arith.addf %add3A_214, %mul3A_225 : vector<16xf32>
          %get3A_227 = arith.index_cast %add3A_178 : i32 to index
          %get3A_228 = arith.constant 64 : index
          %get3A_229 = tpu.vector_load %arg10[%get3A_227, %get3A_228] {strides = array<i32>} : memref<128x128xf32, #tpu.memory_space<vmem>>, vector<16xf32>,
          %get3A_230 = arith.index_cast %add3A_178 : i32 to index
          %get3A_231 = arith.constant 64 : index
          %get3A_232 = tpu.vector_load %arg12[%get3A_230, %get3A_231] {strides = array<i32>} : memref<128x128xf32, #tpu.memory_space<vmem>>, vector<16xf32>,
          %add3A_233 = arith.addf %get3A_229, %get3A_232 : vector<16xf32>
          %max3A_234 = arith.constant 0.000000e+00 : f32
          %max3A_235 = vector.broadcast %max3A_234 : f32 to vector<16xf32>
          %max3A_236 = arith.maximumf %add3A_233, %max3A_235 : vector<16xf32>
          %mul3A_237 = arith.mulf %max3A_236, %get3A_39 : vector<16xf32>
          %add3A_238 = arith.addf %add3A_226, %mul3A_237 : vector<16xf32>
          %get3A_239 = arith.index_cast %add3A_178 : i32 to index
          %get3A_240 = arith.constant 80 : index
          %get3A_241 = tpu.vector_load %arg10[%get3A_239, %get3A_240] {strides = array<i32>} : memref<128x128xf32, #tpu.memory_space<vmem>>, vector<16xf32>,
          %get3A_242 = arith.index_cast %add3A_178 : i32 to index
          %get3A_243 = arith.constant 80 : index
          %get3A_244 = tpu.vector_load %arg12[%get3A_242, %get3A_243] {strides = array<i32>} : memref<128x128xf32, #tpu.memory_space<vmem>>, vector<16xf32>,
          %add3A_245 = arith.addf %get3A_241, %get3A_244 : vector<16xf32>
          %max3A_246 = arith.constant 0.000000e+00 : f32
          %max3A_247 = vector.broadcast %max3A_246 : f32 to vector<16xf32>
          %max3A_248 = arith.maximumf %add3A_245, %max3A_247 : vector<16xf32>
          %mul3A_249 = arith.mulf %max3A_248, %get3A_41 : vector<16xf32>
          %add3A_250 = arith.addf %add3A_238, %mul3A_249 : vector<16xf32>
          %get3A_251 = arith.index_cast %add3A_178 : i32 to index
          %get3A_252 = arith.constant 96 : index
          %get3A_253 = tpu.vector_load %arg10[%get3A_251, %get3A_252] {strides = array<i32>} : memref<128x128xf32, #tpu.memory_space<vmem>>, vector<16xf32>,
          %get3A_254 = arith.index_cast %add3A_178 : i32 to index
          %get3A_255 = arith.constant 96 : index
          %get3A_256 = tpu.vector_load %arg12[%get3A_254, %get3A_255] {strides = array<i32>} : memref<128x128xf32, #tpu.memory_space<vmem>>, vector<16xf32>,
          %add3A_257 = arith.addf %get3A_253, %get3A_256 : vector<16xf32>
          %max3A_258 = arith.constant 0.000000e+00 : f32
          %max3A_259 = vector.broadcast %max3A_258 : f32 to vector<16xf32>
          %max3A_260 = arith.maximumf %add3A_257, %max3A_259 : vector<16xf32>
          %mul3A_261 = arith.mulf %max3A_260, %get3A_43 : vector<16xf32>
          %add3A_262 = arith.addf %add3A_250, %mul3A_261 : vector<16xf32>
          %get3A_263 = arith.index_cast %add3A_178 : i32 to index
          %get3A_264 = arith.constant 112 : index
          %get3A_265 = tpu.vector_load %arg10[%get3A_263, %get3A_264] {strides = array<i32>} : memref<128x128xf32, #tpu.memory_space<vmem>>, vector<16xf32>,
          %get3A_266 = arith.index_cast %add3A_178 : i32 to index
          %get3A_267 = arith.constant 112 : index
          %get3A_268 = tpu.vector_load %arg12[%get3A_266, %get3A_267] {strides = array<i32>} : memref<128x128xf32, #tpu.memory_space<vmem>>, vector<16xf32>,
          %add3A_269 = arith.addf %get3A_265, %get3A_268 : vector<16xf32>
          %max3A_270 = arith.constant 0.000000e+00 : f32
          %max3A_271 = vector.broadcast %max3A_270 : f32 to vector<16xf32>
          %max3A_272 = arith.maximumf %add3A_269, %max3A_271 : vector<16xf32>
          %mul3A_273 = arith.mulf %max3A_272, %get3A_45 : vector<16xf32>
          %add3A_274 = arith.addf %add3A_262, %mul3A_273 : vector<16xf32>
          %add3A_275 = vector.broadcast %scan3A_175 : i32 to vector<16xi32>
          %add3A_276 = arith.addi %mul3A_50, %add3A_275 : vector<16xi32>
          tpu.vector_store_idx %arg14[%add3A_276], %add3A_274 : memref<272xf32, #tpu.memory_space<vmem>>[vector<16xi32>], vector<16xf32>,
        }
        %scan3A_113 = arith.constant 16 : i32
        %get3A_114 = arith.constant 0 : index
        %get3A_115 = tpu.vector_load %arg14[%get3A_114] {strides = array<i32>} : memref<272xf32, #tpu.memory_space<vmem>>, vector<16xf32>,
        %get3A_116 = arith.constant 17 : index
        %get3A_117 = tpu.vector_load %arg14[%get3A_116] {strides = array<i32>} : memref<272xf32, #tpu.memory_space<vmem>>, vector<16xf32>,
        %add3A_118 = arith.addf %get3A_115, %get3A_117 : vector<16xf32>
        %get3A_119 = arith.constant 34 : index
        %get3A_120 = tpu.vector_load %arg14[%get3A_119] {strides = array<i32>} : memref<272xf32, #tpu.memory_space<vmem>>, vector<16xf32>,
        %add3A_121 = arith.addf %add3A_118, %get3A_120 : vector<16xf32>
        %get3A_122 = arith.constant 51 : index
        %get3A_123 = tpu.vector_load %arg14[%get3A_122] {strides = array<i32>} : memref<272xf32, #tpu.memory_space<vmem>>, vector<16xf32>,
        %add3A_124 = arith.addf %add3A_121, %get3A_123 : vector<16xf32>
        %get3A_125 = arith.constant 68 : index
        %get3A_126 = tpu.vector_load %arg14[%get3A_125] {strides = array<i32>} : memref<272xf32, #tpu.memory_space<vmem>>, vector<16xf32>,
        %add3A_127 = arith.addf %add3A_124, %get3A_126 : vector<16xf32>
        %get3A_128 = arith.constant 85 : index
        %get3A_129 = tpu.vector_load %arg14[%get3A_128] {strides = array<i32>} : memref<272xf32, #tpu.memory_space<vmem>>, vector<16xf32>,
        %add3A_130 = arith.addf %add3A_127, %get3A_129 : vector<16xf32>
        %get3A_131 = arith.constant 102 : index
        %get3A_132 = tpu.vector_load %arg14[%get3A_131] {strides = array<i32>} : memref<272xf32, #tpu.memory_space<vmem>>, vector<16xf32>,
        %add3A_133 = arith.addf %add3A_130, %get3A_132 : vector<16xf32>
        %get3A_134 = arith.constant 119 : index
        %get3A_135 = tpu.vector_load %arg14[%get3A_134] {strides = array<i32>} : memref<272xf32, #tpu.memory_space<vmem>>, vector<16xf32>,
        %add3A_136 = arith.addf %add3A_133, %get3A_135 : vector<16xf32>
        %get3A_137 = arith.constant 136 : index
        %get3A_138 = tpu.vector_load %arg14[%get3A_137] {strides = array<i32>} : memref<272xf32, #tpu.memory_space<vmem>>, vector<16xf32>,
        %add3A_139 = arith.addf %add3A_136, %get3A_138 : vector<16xf32>
        %get3A_140 = arith.constant 153 : index
        %get3A_141 = tpu.vector_load %arg14[%get3A_140] {strides = array<i32>} : memref<272xf32, #tpu.memory_space<vmem>>, vector<16xf32>,
        %add3A_142 = arith.addf %add3A_139, %get3A_141 : vector<16xf32>
        %get3A_143 = arith.constant 170 : index
        %get3A_144 = tpu.vector_load %arg14[%get3A_143] {strides = array<i32>} : memref<272xf32, #tpu.memory_space<vmem>>, vector<16xf32>,
        %add3A_145 = arith.addf %add3A_142, %get3A_144 : vector<16xf32>
        %get3A_146 = arith.constant 187 : index
        %get3A_147 = tpu.vector_load %arg14[%get3A_146] {strides = array<i32>} : memref<272xf32, #tpu.memory_space<vmem>>, vector<16xf32>,
        %add3A_148 = arith.addf %add3A_145, %get3A_147 : vector<16xf32>
        %get3A_149 = arith.constant 204 : index
        %get3A_150 = tpu.vector_load %arg14[%get3A_149] {strides = array<i32>} : memref<272xf32, #tpu.memory_space<vmem>>, vector<16xf32>,
        %add3A_151 = arith.addf %add3A_148, %get3A_150 : vector<16xf32>
        %get3A_152 = arith.constant 221 : index
        %get3A_153 = tpu.vector_load %arg14[%get3A_152] {strides = array<i32>} : memref<272xf32, #tpu.memory_space<vmem>>, vector<16xf32>,
        %add3A_154 = arith.addf %add3A_151, %get3A_153 : vector<16xf32>
        %get3A_155 = arith.constant 238 : index
        %get3A_156 = tpu.vector_load %arg14[%get3A_155] {strides = array<i32>} : memref<272xf32, #tpu.memory_space<vmem>>, vector<16xf32>,
        %add3A_157 = arith.addf %add3A_154, %get3A_156 : vector<16xf32>
        %get3A_158 = arith.constant 255 : index
        %get3A_159 = tpu.vector_load %arg14[%get3A_158] {strides = array<i32>} : memref<272xf32, #tpu.memory_space<vmem>>, vector<16xf32>,
        %add3A_160 = arith.addf %add3A_157, %get3A_159 : vector<16xf32>
        %add3A_161 = arith.addf %add3A_160, %get3A_47 : vector<16xf32>
        %neg3A = arith.constant 0.000000e+00 : f32
        %neg3A_162 = vector.broadcast %neg3A : f32 to vector<16xf32>
        %neg3A_163 = arith.subf %neg3A_162, %add3A_161 : vector<16xf32>
        %exp3A = math.exp %neg3A_163 : vector<16xf32>
        %add3A_164 = arith.constant 1.000000e+00 : f32
        %add3A_165 = vector.broadcast %add3A_164 : f32 to vector<16xf32>
        %add3A_166 = arith.addf %add3A_165, %exp3A : vector<16xf32>
        %div3A = arith.constant 1.000000e+00 : f32
        %div3A_167 = vector.broadcast %div3A : f32 to vector<16xf32>
        %div3A_168 = arith.divf %div3A_167, %add3A_166 : vector<16xf32>
        %mul3A_169 = arith.constant 128 : i32
        %mul3A_170 = arith.muli %add3A_83, %mul3A_169 : i32
        %mul3A_171 = arith.constant 16 : i32
        %mul3A_172 = arith.muli %scan3A_108, %mul3A_171 : i32
        %add3A_173 = arith.addi %mul3A_170, %mul3A_172 : i32
        %swap3A = arith.index_cast %add3A_173 : i32 to index
        %swap3A_174 = tpu.vector_load %arg13[%swap3A] {strides = array<i32>} : memref<3328xf32, #tpu.memory_space<vmem>>, vector<16xf32>,
        tpu.vector_store %arg13[%swap3A], %div3A_168 {strides = array<i32>} : memref<3328xf32, #tpu.memory_space<vmem>>, vector<16xf32>,
      }
      %scan3A_100 = arith.constant 8 : i32
      %add3A_101 = arith.constant 2 : i32
      %add3A_102 = arith.addi %add3A_83, %add3A_101 : i32
      %lt3A_103 = arith.constant 26 : i32
      %lt3A_104 = arith.cmpi slt, %add3A_102, %lt3A_103 : i32
      %convert_element_type3A_105 = arith.extui %lt3A_104 : i1 to i32
      %cond3A_106 = arith.constant 0 : i32
      %cond3A_107 = arith.cmpi ne, %convert_element_type3A_105, %cond3A_106 : i32
      scf.if %cond3A_107 {
        %add3A_108 = arith.constant 2 : i32
        %add3A_109 = arith.addi %add3A_83, %add3A_108 : i32
        %dma_start3A_110 = arith.constant 0 : i32
        %dma_start3A_111 = tpu.memref_slice %arg7[%add3A_109, %dma_start3A_110] : memref<26x128xi32, #tpu.memory_space<vmem>> -> memref<1x128xi32, #tpu.memory_space<vmem>>
        %dma_start3A_112 = tpu.memref_squeeze %dma_start3A_111 : memref<1x128xi32, #tpu.memory_space<vmem>> -> memref<128xi32, #tpu.memory_space<vmem>>
        %dma_start3A_113 = arith.constant 0 : i32
        %dma_start3A_114 = arith.constant 0 : i32
        %dma_start3A_115 = tpu.memref_slice %arg2[%dma_start3A_113, %dma_start3A_114] : memref<20480x128xf32, #tpu.memory_space<hbm>> -> memref<20480x128xf32, #tpu.memory_space<hbm>>
        tpu.enqueue_indirect_dma source(%dma_start3A_115 : memref<20480x128xf32, #tpu.memory_space<hbm>>) target(%arg10 : memref<128x128xf32, #tpu.memory_space<vmem>>) offsets(%dma_start3A_112 : memref<128xi32, #tpu.memory_space<vmem>>) semaphore(%arg18 : memref<!tpu.dma_semaphore, #tpu.memory_space<semaphore_mem>>)
        %add3A_116 = arith.constant 2 : i32
        %add3A_117 = arith.addi %add3A_83, %add3A_116 : i32
        %dma_start3A_118 = arith.constant 0 : i32
        %dma_start3A_119 = tpu.memref_slice %arg8[%add3A_117, %dma_start3A_118] : memref<26x128xi32, #tpu.memory_space<vmem>> -> memref<1x128xi32, #tpu.memory_space<vmem>>
        %dma_start3A_120 = tpu.memref_squeeze %dma_start3A_119 : memref<1x128xi32, #tpu.memory_space<vmem>> -> memref<128xi32, #tpu.memory_space<vmem>>
        %dma_start3A_121 = arith.constant 0 : i32
        %dma_start3A_122 = arith.constant 0 : i32
        %dma_start3A_123 = tpu.memref_slice %arg2[%dma_start3A_121, %dma_start3A_122] : memref<20480x128xf32, #tpu.memory_space<hbm>> -> memref<20480x128xf32, #tpu.memory_space<hbm>>
        tpu.enqueue_indirect_dma source(%dma_start3A_123 : memref<20480x128xf32, #tpu.memory_space<hbm>>) target(%arg12 : memref<128x128xf32, #tpu.memory_space<vmem>>) offsets(%dma_start3A_120 : memref<128xi32, #tpu.memory_space<vmem>>) semaphore(%arg20 : memref<!tpu.dma_semaphore, #tpu.memory_space<semaphore_mem>>)
      } else {
      }
    }
    %scan3A_54 = arith.constant 13 : i32
    "tpu.region"() ({
      %run_scoped3A_55 = tpu.sem_alloc : memref<!tpu.dma_semaphore, #tpu.memory_space<semaphore_mem>>
      %dma_start3A_56 = tpu.memref_slice %arg6[%mul3A_2] : memref<106496xf32, #tpu.memory_space<hbm>> -> memref<3328xf32, #tpu.memory_space<hbm>>
      %dma_start3A_57 = tpu.memref_slice %arg6[%mul3A_2] : memref<106496xf32, #tpu.memory_space<hbm>> -> memref<3328xf32, #tpu.memory_space<hbm>>
      tpu.enqueue_dma source(%arg13 : memref<3328xf32, #tpu.memory_space<vmem>>) target(%dma_start3A_57 : memref<3328xf32, #tpu.memory_space<hbm>>) target_semaphore(%run_scoped3A_55 : memref<!tpu.dma_semaphore, #tpu.memory_space<semaphore_mem>>)
      %dma_wait3A = tpu.memref_slice %arg6[%mul3A_2] : memref<106496xf32, #tpu.memory_space<hbm>> -> memref<3328xf32, #tpu.memory_space<hbm>>
      %dma_wait3A_58 = tpu.memref_slice %arg6[%mul3A_2] : memref<106496xf32, #tpu.memory_space<hbm>> -> memref<3328xf32, #tpu.memory_space<hbm>>
      tpu.wait_dma2 semaphore(%run_scoped3A_55 : memref<!tpu.dma_semaphore, #tpu.memory_space<semaphore_mem>>) src(%arg13 : memref<3328xf32, #tpu.memory_space<vmem>>) dst(%dma_wait3A_58 : memref<3328xf32, #tpu.memory_space<hbm>>)
      tpu.yield
    }) : () -> ()
    return
  }
}

module attributes {stable_mosaic.version = 14 : i64} {
  func.func @body(%arg0: i32, %arg1: memref<1x256x128xf32, #tpu.memory_space<vmem>>, %arg2: memref<1x256x128xf32, #tpu.memory_space<vmem>>, %arg3: memref<32x256xf32, #tpu.memory_space<vmem>>, %arg4: memref<256x256xf32, #tpu.memory_space<vmem>>, %arg5: memref<1x256xf32, #tpu.memory_space<vmem>>, %arg6: memref<256x64xf32, #tpu.memory_space<vmem>>, %arg7: memref<256x64xf32, #tpu.memory_space<vmem>>, %arg8: memref<256x128xf32, #tpu.memory_space<vmem>>, %arg9: memref<256x64xf32, #tpu.memory_space<vmem>>) attributes {dimension_semantics = [#tpu.dimension_semantics<arbitrary>], iteration_bounds = array<i64: 40>, scalar_prefetch = 0 : i64, scratch_operands = 0 : i64, tpu.core_type = #tpu.core_type<tc>, window_params = [{transform_indices = @transform_0, window_bounds = array<i64: 1, 256, 128>}, {transform_indices = @transform_1, window_bounds = array<i64: 1, 256, 128>}, {transform_indices = @transform_2, window_bounds = array<i64: 32, 256>}, {transform_indices = @transform_3, window_bounds = array<i64: 256, 256>}, {pipeline_mode = #tpu.pipeline_mode<synchronous>, transform_indices = @transform_4, window_bounds = array<i64: 1, 256>}, {pipeline_mode = #tpu.pipeline_mode<synchronous>, transform_indices = @transform_5, window_bounds = array<i64: 256, 64>}, {pipeline_mode = #tpu.pipeline_mode<synchronous>, transform_indices = @transform_6, window_bounds = array<i64: 256, 64>}, {transform_indices = @transform_7, window_bounds = array<i64: 256, 128>}, {transform_indices = @transform_8, window_bounds = array<i64: 256, 64>}]} {
    %get3A = arith.constant 0 : index
    %get3A_0 = arith.constant 0 : index
    %get3A_1 = arith.constant 0 : index
    %get3A_2 = vector.load %arg1[%get3A, %get3A_0, %get3A_1] : memref<1x256x128xf32, #tpu.memory_space<vmem>>, vector<1x256x128xf32>
    %get3A_3 = vector.shape_cast %get3A_2 : vector<1x256x128xf32> to vector<256x128xf32>
    %get3A_4 = arith.constant 0 : index
    %get3A_5 = arith.constant 0 : index
    %get3A_6 = arith.constant 0 : index
    %get3A_7 = vector.load %arg2[%get3A_4, %get3A_5, %get3A_6] : memref<1x256x128xf32, #tpu.memory_space<vmem>>, vector<1x256x128xf32>
    %get3A_8 = vector.shape_cast %get3A_7 : vector<1x256x128xf32> to vector<256x128xf32>
    %concatenate3A = tpu.concatenate %get3A_3, %get3A_8 in 1 : vector<256x128xf32>, vector<256x128xf32> -> vector<256x256xf32>
    %get3A_9 = arith.constant 0 : index
    %get3A_10 = arith.constant 0 : index
    %get3A_11 = vector.load %arg3[%get3A_9, %get3A_10] : memref<32x256xf32, #tpu.memory_space<vmem>>, vector<32x256xf32>
    %reduce_sum3A = arith.constant dense<0.000000e+00> : vector<256xf32>
    %reduce_sum3A_12 = vector.multi_reduction <add>, %get3A_11, %reduce_sum3A [0] : vector<32x256xf32> to vector<256xf32>
    %broadcast_in_dim3A = vector.shape_cast %reduce_sum3A_12 : vector<256xf32> to vector<256x1xf32>
    %max3A = arith.constant 1.000000e+00 : f32
    %max3A_13 = vector.broadcast %max3A : f32 to vector<256x1xf32>
    %max3A_14 = arith.maximumf %broadcast_in_dim3A, %max3A_13 : vector<256x1xf32>
    %div3A = arith.constant 1.000000e+00 : f32
    %div3A_15 = vector.broadcast %div3A : f32 to vector<256x1xf32>
    %div3A_16 = arith.divf %div3A_15, %max3A_14 : vector<256x1xf32>
    %mul3A = vector.broadcast %div3A_16 : vector<256x1xf32> to vector<256x256xf32>
    %mul3A_17 = arith.mulf %concatenate3A, %mul3A : vector<256x256xf32>
    %get3A_18 = arith.constant 0 : index
    %get3A_19 = arith.constant 0 : index
    %get3A_20 = vector.load %arg5[%get3A_18, %get3A_19] : memref<1x256xf32, #tpu.memory_space<vmem>>, vector<1x256xf32>
    %add3A = vector.broadcast %get3A_20 : vector<1x256xf32> to vector<256x256xf32>
    %add3A_21 = arith.addf %mul3A_17, %add3A : vector<256x256xf32>
    %get3A_22 = arith.constant 0 : index
    %get3A_23 = arith.constant 0 : index
    %get3A_24 = vector.load %arg4[%get3A_22, %get3A_23] : memref<256x256xf32, #tpu.memory_space<vmem>>, vector<256x256xf32>
    %add3A_25 = arith.addf %add3A_21, %get3A_24 : vector<256x256xf32>
    %max3A_26 = arith.constant 0.000000e+00 : f32
    %max3A_27 = vector.broadcast %max3A_26 : f32 to vector<256x256xf32>
    %max3A_28 = arith.maximumf %add3A_25, %max3A_27 : vector<256x256xf32>
    %get3A_29 = arith.constant 0 : index
    %get3A_30 = arith.constant 0 : index
    %get3A_31 = vector.load %arg6[%get3A_29, %get3A_30] : memref<256x64xf32, #tpu.memory_space<vmem>>, vector<256x64xf32>
    %dot_general3A = arith.constant dense<0.000000e+00> : vector<256x64xf32>
    %dot_general3A_32 = tpu.matmul %max3A_28, %get3A_31, %dot_general3A {dimension_numbers = #tpu.dot_dimension_numbers<[1], [0], [0], [1], [0, 0, 1, 1], [], []>, transpose_lhs_hint = false} : vector<256x256xf32>, vector<256x64xf32>, vector<256x64xf32> -> vector<256x64xf32>
    %broadcast_in_dim3A_33 = arith.constant 0.000000e+00 : f32
    %broadcast_in_dim3A_34 = vector.broadcast %broadcast_in_dim3A_33 : f32 to vector<256x64xf32>
    %concatenate3A_35 = tpu.concatenate %dot_general3A_32, %broadcast_in_dim3A_34 in 1 : vector<256x64xf32>, vector<256x64xf32> -> vector<256x128xf32>
    %swap3A = arith.constant 0 : index
    %swap3A_36 = arith.constant 0 : index
    %swap3A_37 = vector.load %arg8[%swap3A, %swap3A_36] : memref<256x128xf32, #tpu.memory_space<vmem>>, vector<256x128xf32>
    tpu.vector_store %arg8[%swap3A, %swap3A_36], %concatenate3A_35 {strides = array<i32>} : memref<256x128xf32, #tpu.memory_space<vmem>>, vector<256x128xf32>,
    %get3A_38 = arith.constant 0 : index
    %get3A_39 = arith.constant 0 : index
    %get3A_40 = vector.load %arg7[%get3A_38, %get3A_39] : memref<256x64xf32, #tpu.memory_space<vmem>>, vector<256x64xf32>
    %dot_general3A_41 = arith.constant dense<0.000000e+00> : vector<256x64xf32>
    %dot_general3A_42 = tpu.matmul %max3A_28, %get3A_40, %dot_general3A_41 {dimension_numbers = #tpu.dot_dimension_numbers<[1], [0], [0], [1], [0, 0, 1, 1], [], []>, transpose_lhs_hint = false} : vector<256x256xf32>, vector<256x64xf32>, vector<256x64xf32> -> vector<256x64xf32>
    %swap3A_43 = arith.constant 0 : index
    %swap3A_44 = arith.constant 0 : index
    %swap3A_45 = vector.load %arg9[%swap3A_43, %swap3A_44] : memref<256x64xf32, #tpu.memory_space<vmem>>, vector<256x64xf32>
    tpu.vector_store %arg9[%swap3A_43, %swap3A_44], %dot_general3A_42 {strides = array<i32>} : memref<256x64xf32, #tpu.memory_space<vmem>>, vector<256x64xf32>,
    return
  }
  func.func @transform_0(%arg0: i32) -> (i32, i32, i32) {
    %c0_i32 = arith.constant 0 : i32
    %c0_i32_0 = arith.constant 0 : i32
    %c0_i32_1 = arith.constant 0 : i32
    return %c0_i32, %arg0, %c0_i32_0 : i32, i32, i32
  }
  func.func @transform_1(%arg0: i32) -> (i32, i32, i32) {
    %c1_i32 = arith.constant 1 : i32
    %c0_i32 = arith.constant 0 : i32
    %c0_i32_0 = arith.constant 0 : i32
    return %c1_i32, %arg0, %c0_i32 : i32, i32, i32
  }
  func.func @transform_2(%arg0: i32) -> (i32, i32) {
    %c0_i32 = arith.constant 0 : i32
    %c0_i32_0 = arith.constant 0 : i32
    return %c0_i32, %arg0 : i32, i32
  }
  func.func @transform_3(%arg0: i32) -> (i32, i32) {
    %c0_i32 = arith.constant 0 : i32
    %c0_i32_0 = arith.constant 0 : i32
    return %arg0, %c0_i32 : i32, i32
  }
  func.func @transform_4(%arg0: i32) -> (i32, i32) {
    %c0_i32 = arith.constant 0 : i32
    %c0_i32_0 = arith.constant 0 : i32
    %c0_i32_1 = arith.constant 0 : i32
    return %c0_i32, %c0_i32_0 : i32, i32
  }
  func.func @transform_5(%arg0: i32) -> (i32, i32) {
    %c0_i32 = arith.constant 0 : i32
    %c0_i32_0 = arith.constant 0 : i32
    %c0_i32_1 = arith.constant 0 : i32
    return %c0_i32, %c0_i32_0 : i32, i32
  }
  func.func @transform_6(%arg0: i32) -> (i32, i32) {
    %c0_i32 = arith.constant 0 : i32
    %c0_i32_0 = arith.constant 0 : i32
    %c0_i32_1 = arith.constant 0 : i32
    return %c0_i32, %c0_i32_0 : i32, i32
  }
  func.func @transform_7(%arg0: i32) -> (i32, i32) {
    %c0_i32 = arith.constant 0 : i32
    %c0_i32_0 = arith.constant 0 : i32
    return %arg0, %c0_i32 : i32, i32
  }
  func.func @transform_8(%arg0: i32) -> (i32, i32) {
    %c0_i32 = arith.constant 0 : i32
    %c0_i32_0 = arith.constant 0 : i32
    return %arg0, %c0_i32 : i32, i32
  }
}

module attributes {stable_mosaic.version = 14 : i64} {
  func.func @body(%arg0: i32, %arg1: memref<980x256xf32, #tpu.memory_space<vmem>>, %arg2: memref<980x256xf32, #tpu.memory_space<vmem>>, %arg3: memref<980x256xf32, #tpu.memory_space<vmem>>, %arg4: memref<2x256x128xf32, #tpu.memory_space<vmem>>, %arg5: memref<256x256xf32, #tpu.memory_space<vmem>>) attributes {dimension_semantics = [#tpu.dimension_semantics<arbitrary>], iteration_bounds = array<i64: 40>, scalar_prefetch = 0 : i64, scratch_operands = 0 : i64, tpu.core_type = #tpu.core_type<tc>, window_params = [{transform_indices = @transform_0, window_bounds = array<i64: 980, 256>}, {pipeline_mode = #tpu.pipeline_mode<synchronous>, transform_indices = @transform_1, window_bounds = array<i64: 980, 256>}, {pipeline_mode = #tpu.pipeline_mode<synchronous>, transform_indices = @transform_2, window_bounds = array<i64: 980, 256>}, {transform_indices = @transform_3, window_bounds = array<i64: 2, 256, 128>}, {transform_indices = @transform_4, window_bounds = array<i64: 256, 256>}]} {
    %get3A = arith.constant 0 : index
    %get3A_0 = arith.constant 0 : index
    %get3A_1 = vector.load %arg1[%get3A, %get3A_0] : memref<980x256xf32, #tpu.memory_space<vmem>>, vector<980x256xf32>
    %get3A_2 = arith.constant 0 : index
    %get3A_3 = arith.constant 0 : index
    %get3A_4 = vector.load %arg2[%get3A_2, %get3A_3] : memref<980x256xf32, #tpu.memory_space<vmem>>, vector<980x256xf32>
    %dot_general3A = arith.constant dense<0.000000e+00> : vector<256x256xf32>
    %dot_general3A_5 = tpu.matmul %get3A_1, %get3A_4, %dot_general3A {dimension_numbers = #tpu.dot_dimension_numbers<[0], [0], [1], [1], [0, 1, 1, 1], [], []>, transpose_lhs_hint = false} : vector<980x256xf32>, vector<980x256xf32>, vector<256x256xf32> -> vector<256x256xf32>
    %slice3A = vector.extract_strided_slice %dot_general3A_5 {offsets = [0, 0], sizes = [256, 128], strides = [1, 1]} : vector<256x256xf32> to vector<256x128xf32>
    %slice3A_6 = vector.extract_strided_slice %dot_general3A_5 {offsets = [0, 128], sizes = [256, 128], strides = [1, 1]} : vector<256x256xf32> to vector<256x128xf32>
    %stack3A = vector.shape_cast %slice3A : vector<256x128xf32> to vector<1x256x128xf32>
    %stack3A_7 = vector.shape_cast %slice3A_6 : vector<256x128xf32> to vector<1x256x128xf32>
    %stack3A_8 = tpu.concatenate %stack3A, %stack3A_7 in 0 : vector<1x256x128xf32>, vector<1x256x128xf32> -> vector<2x256x128xf32>
    %swap3A = arith.constant 0 : index
    %swap3A_9 = arith.constant 0 : index
    %swap3A_10 = arith.constant 0 : index
    %swap3A_11 = vector.load %arg4[%swap3A, %swap3A_9, %swap3A_10] : memref<2x256x128xf32, #tpu.memory_space<vmem>>, vector<2x256x128xf32>
    tpu.vector_store %arg4[%swap3A, %swap3A_9, %swap3A_10], %stack3A_8 {strides = array<i32>} : memref<2x256x128xf32, #tpu.memory_space<vmem>>, vector<2x256x128xf32>,
    %get3A_12 = arith.constant 0 : index
    %get3A_13 = arith.constant 0 : index
    %get3A_14 = vector.load %arg3[%get3A_12, %get3A_13] : memref<980x256xf32, #tpu.memory_space<vmem>>, vector<980x256xf32>
    %dot_general3A_15 = arith.constant dense<0.000000e+00> : vector<256x256xf32>
    %dot_general3A_16 = tpu.matmul %get3A_1, %get3A_14, %dot_general3A_15 {dimension_numbers = #tpu.dot_dimension_numbers<[0], [0], [1], [1], [0, 1, 1, 1], [], []>, transpose_lhs_hint = false} : vector<980x256xf32>, vector<980x256xf32>, vector<256x256xf32> -> vector<256x256xf32>
    %swap3A_17 = arith.constant 0 : index
    %swap3A_18 = arith.constant 0 : index
    %swap3A_19 = vector.load %arg5[%swap3A_17, %swap3A_18] : memref<256x256xf32, #tpu.memory_space<vmem>>, vector<256x256xf32>
    tpu.vector_store %arg5[%swap3A_17, %swap3A_18], %dot_general3A_16 {strides = array<i32>} : memref<256x256xf32, #tpu.memory_space<vmem>>, vector<256x256xf32>,
    return
  }
  func.func @transform_0(%arg0: i32) -> (i32, i32) {
    %c0_i32 = arith.constant 0 : i32
    %c0_i32_0 = arith.constant 0 : i32
    return %c0_i32, %arg0 : i32, i32
  }
  func.func @transform_1(%arg0: i32) -> (i32, i32) {
    %c0_i32 = arith.constant 0 : i32
    %c0_i32_0 = arith.constant 0 : i32
    %c0_i32_1 = arith.constant 0 : i32
    return %c0_i32, %c0_i32_0 : i32, i32
  }
  func.func @transform_2(%arg0: i32) -> (i32, i32) {
    %c0_i32 = arith.constant 0 : i32
    %c0_i32_0 = arith.constant 0 : i32
    %c0_i32_1 = arith.constant 0 : i32
    return %c0_i32, %c0_i32_0 : i32, i32
  }
  func.func @transform_3(%arg0: i32) -> (i32, i32, i32) {
    %c0_i32 = arith.constant 0 : i32
    %c0_i32_0 = arith.constant 0 : i32
    %c0_i32_1 = arith.constant 0 : i32
    return %c0_i32, %arg0, %c0_i32_0 : i32, i32, i32
  }
  func.func @transform_4(%arg0: i32) -> (i32, i32) {
    %c0_i32 = arith.constant 0 : i32
    %c0_i32_0 = arith.constant 0 : i32
    return %arg0, %c0_i32 : i32, i32
  }
}

module attributes {stable_mosaic.version = 14 : i64} {
  func.func @body(%arg0: i32, %arg1: memref<1x256x128xf32, #tpu.memory_space<vmem>>, %arg2: memref<1x256x128xf32, #tpu.memory_space<vmem>>, %arg3: memref<32x256xf32, #tpu.memory_space<vmem>>, %arg4: memref<256x256xf32, #tpu.memory_space<vmem>>, %arg5: memref<1x256xf32, #tpu.memory_space<vmem>>, %arg6: memref<256x256xf32, #tpu.memory_space<vmem>>, %arg7: memref<256x256xf32, #tpu.memory_space<vmem>>, %arg8: memref<2x256x128xf32, #tpu.memory_space<vmem>>, %arg9: memref<256x256xf32, #tpu.memory_space<vmem>>) attributes {dimension_semantics = [#tpu.dimension_semantics<arbitrary>], iteration_bounds = array<i64: 40>, scalar_prefetch = 0 : i64, scratch_operands = 0 : i64, tpu.core_type = #tpu.core_type<tc>, window_params = [{transform_indices = @transform_0, window_bounds = array<i64: 1, 256, 128>}, {transform_indices = @transform_1, window_bounds = array<i64: 1, 256, 128>}, {transform_indices = @transform_2, window_bounds = array<i64: 32, 256>}, {transform_indices = @transform_3, window_bounds = array<i64: 256, 256>}, {pipeline_mode = #tpu.pipeline_mode<synchronous>, transform_indices = @transform_4, window_bounds = array<i64: 1, 256>}, {pipeline_mode = #tpu.pipeline_mode<synchronous>, transform_indices = @transform_5, window_bounds = array<i64: 256, 256>}, {pipeline_mode = #tpu.pipeline_mode<synchronous>, transform_indices = @transform_6, window_bounds = array<i64: 256, 256>}, {transform_indices = @transform_7, window_bounds = array<i64: 2, 256, 128>}, {transform_indices = @transform_8, window_bounds = array<i64: 256, 256>}]} {
    %get3A = arith.constant 0 : index
    %get3A_0 = arith.constant 0 : index
    %get3A_1 = arith.constant 0 : index
    %get3A_2 = vector.load %arg1[%get3A, %get3A_0, %get3A_1] : memref<1x256x128xf32, #tpu.memory_space<vmem>>, vector<1x256x128xf32>
    %get3A_3 = vector.shape_cast %get3A_2 : vector<1x256x128xf32> to vector<256x128xf32>
    %get3A_4 = arith.constant 0 : index
    %get3A_5 = arith.constant 0 : index
    %get3A_6 = arith.constant 0 : index
    %get3A_7 = vector.load %arg2[%get3A_4, %get3A_5, %get3A_6] : memref<1x256x128xf32, #tpu.memory_space<vmem>>, vector<1x256x128xf32>
    %get3A_8 = vector.shape_cast %get3A_7 : vector<1x256x128xf32> to vector<256x128xf32>
    %concatenate3A = tpu.concatenate %get3A_3, %get3A_8 in 1 : vector<256x128xf32>, vector<256x128xf32> -> vector<256x256xf32>
    %get3A_9 = arith.constant 0 : index
    %get3A_10 = arith.constant 0 : index
    %get3A_11 = vector.load %arg3[%get3A_9, %get3A_10] : memref<32x256xf32, #tpu.memory_space<vmem>>, vector<32x256xf32>
    %reduce_sum3A = arith.constant dense<0.000000e+00> : vector<256xf32>
    %reduce_sum3A_12 = vector.multi_reduction <add>, %get3A_11, %reduce_sum3A [0] : vector<32x256xf32> to vector<256xf32>
    %broadcast_in_dim3A = vector.shape_cast %reduce_sum3A_12 : vector<256xf32> to vector<256x1xf32>
    %max3A = arith.constant 1.000000e+00 : f32
    %max3A_13 = vector.broadcast %max3A : f32 to vector<256x1xf32>
    %max3A_14 = arith.maximumf %broadcast_in_dim3A, %max3A_13 : vector<256x1xf32>
    %div3A = arith.constant 1.000000e+00 : f32
    %div3A_15 = vector.broadcast %div3A : f32 to vector<256x1xf32>
    %div3A_16 = arith.divf %div3A_15, %max3A_14 : vector<256x1xf32>
    %mul3A = vector.broadcast %div3A_16 : vector<256x1xf32> to vector<256x256xf32>
    %mul3A_17 = arith.mulf %concatenate3A, %mul3A : vector<256x256xf32>
    %get3A_18 = arith.constant 0 : index
    %get3A_19 = arith.constant 0 : index
    %get3A_20 = vector.load %arg5[%get3A_18, %get3A_19] : memref<1x256xf32, #tpu.memory_space<vmem>>, vector<1x256xf32>
    %add3A = vector.broadcast %get3A_20 : vector<1x256xf32> to vector<256x256xf32>
    %add3A_21 = arith.addf %mul3A_17, %add3A : vector<256x256xf32>
    %get3A_22 = arith.constant 0 : index
    %get3A_23 = arith.constant 0 : index
    %get3A_24 = vector.load %arg4[%get3A_22, %get3A_23] : memref<256x256xf32, #tpu.memory_space<vmem>>, vector<256x256xf32>
    %add3A_25 = arith.addf %add3A_21, %get3A_24 : vector<256x256xf32>
    %max3A_26 = arith.constant 0.000000e+00 : f32
    %max3A_27 = vector.broadcast %max3A_26 : f32 to vector<256x256xf32>
    %max3A_28 = arith.maximumf %add3A_25, %max3A_27 : vector<256x256xf32>
    %get3A_29 = arith.constant 0 : index
    %get3A_30 = arith.constant 0 : index
    %get3A_31 = vector.load %arg6[%get3A_29, %get3A_30] : memref<256x256xf32, #tpu.memory_space<vmem>>, vector<256x256xf32>
    %dot_general3A = arith.constant dense<0.000000e+00> : vector<256x256xf32>
    %dot_general3A_32 = tpu.matmul %max3A_28, %get3A_31, %dot_general3A {dimension_numbers = #tpu.dot_dimension_numbers<[1], [0], [0], [1], [0, 0, 1, 1], [], []>, transpose_lhs_hint = false} : vector<256x256xf32>, vector<256x256xf32>, vector<256x256xf32> -> vector<256x256xf32>
    %slice3A = vector.extract_strided_slice %dot_general3A_32 {offsets = [0, 0], sizes = [256, 128], strides = [1, 1]} : vector<256x256xf32> to vector<256x128xf32>
    %slice3A_33 = vector.extract_strided_slice %dot_general3A_32 {offsets = [0, 128], sizes = [256, 128], strides = [1, 1]} : vector<256x256xf32> to vector<256x128xf32>
    %stack3A = vector.shape_cast %slice3A : vector<256x128xf32> to vector<1x256x128xf32>
    %stack3A_34 = vector.shape_cast %slice3A_33 : vector<256x128xf32> to vector<1x256x128xf32>
    %stack3A_35 = tpu.concatenate %stack3A, %stack3A_34 in 0 : vector<1x256x128xf32>, vector<1x256x128xf32> -> vector<2x256x128xf32>
    %swap3A = arith.constant 0 : index
    %swap3A_36 = arith.constant 0 : index
    %swap3A_37 = arith.constant 0 : index
    %swap3A_38 = vector.load %arg8[%swap3A, %swap3A_36, %swap3A_37] : memref<2x256x128xf32, #tpu.memory_space<vmem>>, vector<2x256x128xf32>
    tpu.vector_store %arg8[%swap3A, %swap3A_36, %swap3A_37], %stack3A_35 {strides = array<i32>} : memref<2x256x128xf32, #tpu.memory_space<vmem>>, vector<2x256x128xf32>,
    %get3A_39 = arith.constant 0 : index
    %get3A_40 = arith.constant 0 : index
    %get3A_41 = vector.load %arg7[%get3A_39, %get3A_40] : memref<256x256xf32, #tpu.memory_space<vmem>>, vector<256x256xf32>
    %dot_general3A_42 = arith.constant dense<0.000000e+00> : vector<256x256xf32>
    %dot_general3A_43 = tpu.matmul %max3A_28, %get3A_41, %dot_general3A_42 {dimension_numbers = #tpu.dot_dimension_numbers<[1], [0], [0], [1], [0, 0, 1, 1], [], []>, transpose_lhs_hint = false} : vector<256x256xf32>, vector<256x256xf32>, vector<256x256xf32> -> vector<256x256xf32>
    %swap3A_44 = arith.constant 0 : index
    %swap3A_45 = arith.constant 0 : index
    %swap3A_46 = vector.load %arg9[%swap3A_44, %swap3A_45] : memref<256x256xf32, #tpu.memory_space<vmem>>, vector<256x256xf32>
    tpu.vector_store %arg9[%swap3A_44, %swap3A_45], %dot_general3A_43 {strides = array<i32>} : memref<256x256xf32, #tpu.memory_space<vmem>>, vector<256x256xf32>,
    return
  }
  func.func @transform_0(%arg0: i32) -> (i32, i32, i32) {
    %c0_i32 = arith.constant 0 : i32
    %c0_i32_0 = arith.constant 0 : i32
    %c0_i32_1 = arith.constant 0 : i32
    return %c0_i32, %arg0, %c0_i32_0 : i32, i32, i32
  }
  func.func @transform_1(%arg0: i32) -> (i32, i32, i32) {
    %c1_i32 = arith.constant 1 : i32
    %c0_i32 = arith.constant 0 : i32
    %c0_i32_0 = arith.constant 0 : i32
    return %c1_i32, %arg0, %c0_i32 : i32, i32, i32
  }
  func.func @transform_2(%arg0: i32) -> (i32, i32) {
    %c0_i32 = arith.constant 0 : i32
    %c0_i32_0 = arith.constant 0 : i32
    return %c0_i32, %arg0 : i32, i32
  }
  func.func @transform_3(%arg0: i32) -> (i32, i32) {
    %c0_i32 = arith.constant 0 : i32
    %c0_i32_0 = arith.constant 0 : i32
    return %arg0, %c0_i32 : i32, i32
  }
  func.func @transform_4(%arg0: i32) -> (i32, i32) {
    %c0_i32 = arith.constant 0 : i32
    %c0_i32_0 = arith.constant 0 : i32
    %c0_i32_1 = arith.constant 0 : i32
    return %c0_i32, %c0_i32_0 : i32, i32
  }
  func.func @transform_5(%arg0: i32) -> (i32, i32) {
    %c0_i32 = arith.constant 0 : i32
    %c0_i32_0 = arith.constant 0 : i32
    %c0_i32_1 = arith.constant 0 : i32
    return %c0_i32, %c0_i32_0 : i32, i32
  }
  func.func @transform_6(%arg0: i32) -> (i32, i32) {
    %c0_i32 = arith.constant 0 : i32
    %c0_i32_0 = arith.constant 0 : i32
    %c0_i32_1 = arith.constant 0 : i32
    return %c0_i32, %c0_i32_0 : i32, i32
  }
  func.func @transform_7(%arg0: i32) -> (i32, i32, i32) {
    %c0_i32 = arith.constant 0 : i32
    %c0_i32_0 = arith.constant 0 : i32
    %c0_i32_1 = arith.constant 0 : i32
    return %c0_i32, %arg0, %c0_i32_0 : i32, i32, i32
  }
  func.func @transform_8(%arg0: i32) -> (i32, i32) {
    %c0_i32 = arith.constant 0 : i32
    %c0_i32_0 = arith.constant 0 : i32
    return %arg0, %c0_i32 : i32, i32
  }
}

module attributes {stable_mosaic.version = 14 : i64} {
  func.func @body(%arg0: i32, %arg1: memref<1x256x128xf32, #tpu.memory_space<vmem>>, %arg2: memref<1x256x128xf32, #tpu.memory_space<vmem>>, %arg3: memref<32x256xf32, #tpu.memory_space<vmem>>, %arg4: memref<256x64xf32, #tpu.memory_space<vmem>>, %arg5: memref<1x64xf32, #tpu.memory_space<vmem>>, %arg6: memref<128x128xf32, #tpu.memory_space<vmem>>, %arg7: memref<1x128xf32, #tpu.memory_space<vmem>>, %arg8: memref<2x256x128xf32, #tpu.memory_space<vmem>>) attributes {dimension_semantics = [#tpu.dimension_semantics<arbitrary>], iteration_bounds = array<i64: 40>, scalar_prefetch = 0 : i64, scratch_operands = 0 : i64, tpu.core_type = #tpu.core_type<tc>, window_params = [{transform_indices = @transform_0, window_bounds = array<i64: 1, 256, 128>}, {transform_indices = @transform_1, window_bounds = array<i64: 1, 256, 128>}, {transform_indices = @transform_2, window_bounds = array<i64: 32, 256>}, {transform_indices = @transform_3, window_bounds = array<i64: 256, 64>}, {pipeline_mode = #tpu.pipeline_mode<synchronous>, transform_indices = @transform_4, window_bounds = array<i64: 1, 64>}, {pipeline_mode = #tpu.pipeline_mode<synchronous>, transform_indices = @transform_5, window_bounds = array<i64: 128, 128>}, {pipeline_mode = #tpu.pipeline_mode<synchronous>, transform_indices = @transform_6, window_bounds = array<i64: 1, 128>}, {transform_indices = @transform_7, window_bounds = array<i64: 2, 256, 128>}]} {
    %get3A = arith.constant 0 : index
    %get3A_0 = arith.constant 0 : index
    %get3A_1 = arith.constant 0 : index
    %get3A_2 = vector.load %arg1[%get3A, %get3A_0, %get3A_1] : memref<1x256x128xf32, #tpu.memory_space<vmem>>, vector<1x256x128xf32>
    %get3A_3 = vector.shape_cast %get3A_2 : vector<1x256x128xf32> to vector<256x128xf32>
    %get3A_4 = arith.constant 0 : index
    %get3A_5 = arith.constant 0 : index
    %get3A_6 = arith.constant 0 : index
    %get3A_7 = vector.load %arg2[%get3A_4, %get3A_5, %get3A_6] : memref<1x256x128xf32, #tpu.memory_space<vmem>>, vector<1x256x128xf32>
    %get3A_8 = vector.shape_cast %get3A_7 : vector<1x256x128xf32> to vector<256x128xf32>
    %add3A = arith.addf %get3A_3, %get3A_8 : vector<256x128xf32>
    %slice3A = vector.extract_strided_slice %add3A {offsets = [0, 0], sizes = [256, 64], strides = [1, 1]} : vector<256x128xf32> to vector<256x64xf32>
    %get3A_9 = arith.constant 0 : index
    %get3A_10 = arith.constant 0 : index
    %get3A_11 = vector.load %arg3[%get3A_9, %get3A_10] : memref<32x256xf32, #tpu.memory_space<vmem>>, vector<32x256xf32>
    %reduce_sum3A = arith.constant dense<0.000000e+00> : vector<256xf32>
    %reduce_sum3A_12 = vector.multi_reduction <add>, %get3A_11, %reduce_sum3A [0] : vector<32x256xf32> to vector<256xf32>
    %broadcast_in_dim3A = vector.shape_cast %reduce_sum3A_12 : vector<256xf32> to vector<256x1xf32>
    %max3A = arith.constant 1.000000e+00 : f32
    %max3A_13 = vector.broadcast %max3A : f32 to vector<256x1xf32>
    %max3A_14 = arith.maximumf %broadcast_in_dim3A, %max3A_13 : vector<256x1xf32>
    %div3A = arith.constant 1.000000e+00 : f32
    %div3A_15 = vector.broadcast %div3A : f32 to vector<256x1xf32>
    %div3A_16 = arith.divf %div3A_15, %max3A_14 : vector<256x1xf32>
    %mul3A = vector.broadcast %div3A_16 : vector<256x1xf32> to vector<256x64xf32>
    %mul3A_17 = arith.mulf %slice3A, %mul3A : vector<256x64xf32>
    %get3A_18 = arith.constant 0 : index
    %get3A_19 = arith.constant 0 : index
    %get3A_20 = vector.load %arg5[%get3A_18, %get3A_19] : memref<1x64xf32, #tpu.memory_space<vmem>>, vector<1x64xf32>
    %add3A_21 = vector.broadcast %get3A_20 : vector<1x64xf32> to vector<256x64xf32>
    %add3A_22 = arith.addf %mul3A_17, %add3A_21 : vector<256x64xf32>
    %get3A_23 = arith.constant 0 : index
    %get3A_24 = arith.constant 0 : index
    %get3A_25 = vector.load %arg4[%get3A_23, %get3A_24] : memref<256x64xf32, #tpu.memory_space<vmem>>, vector<256x64xf32>
    %add3A_26 = arith.addf %add3A_22, %get3A_25 : vector<256x64xf32>
    %get3A_27 = arith.constant 0 : index
    %get3A_28 = arith.constant 0 : index
    %get3A_29 = vector.load %arg6[%get3A_27, %get3A_28] : memref<128x128xf32, #tpu.memory_space<vmem>>, vector<128x128xf32>
    %slice3A_30 = vector.extract_strided_slice %get3A_29 {offsets = [0, 0], sizes = [64, 128], strides = [1, 1]} : vector<128x128xf32> to vector<64x128xf32>
    %dot_general3A = arith.constant dense<0.000000e+00> : vector<256x128xf32>
    %dot_general3A_31 = tpu.matmul %add3A_26, %slice3A_30, %dot_general3A {dimension_numbers = #tpu.dot_dimension_numbers<[1], [0], [0], [1], [0, 0, 1, 1], [], []>, transpose_lhs_hint = false} : vector<256x64xf32>, vector<64x128xf32>, vector<256x128xf32> -> vector<256x128xf32>
    %get3A_32 = arith.constant 0 : index
    %get3A_33 = arith.constant 0 : index
    %get3A_34 = vector.load %arg7[%get3A_32, %get3A_33] : memref<1x128xf32, #tpu.memory_space<vmem>>, vector<1x128xf32>
    %add3A_35 = vector.broadcast %get3A_34 : vector<1x128xf32> to vector<256x128xf32>
    %add3A_36 = arith.addf %dot_general3A_31, %add3A_35 : vector<256x128xf32>
    %slice3A_37 = vector.extract_strided_slice %get3A_29 {offsets = [64, 0], sizes = [64, 128], strides = [1, 1]} : vector<128x128xf32> to vector<64x128xf32>
    %dot_general3A_38 = arith.constant dense<0.000000e+00> : vector<256x128xf32>
    %dot_general3A_39 = tpu.matmul %add3A_26, %slice3A_37, %dot_general3A_38 {dimension_numbers = #tpu.dot_dimension_numbers<[1], [0], [0], [1], [0, 0, 1, 1], [], []>, transpose_lhs_hint = false} : vector<256x64xf32>, vector<64x128xf32>, vector<256x128xf32> -> vector<256x128xf32>
    %stack3A = vector.shape_cast %add3A_36 : vector<256x128xf32> to vector<1x256x128xf32>
    %stack3A_40 = vector.shape_cast %dot_general3A_39 : vector<256x128xf32> to vector<1x256x128xf32>
    %stack3A_41 = tpu.concatenate %stack3A, %stack3A_40 in 0 : vector<1x256x128xf32>, vector<1x256x128xf32> -> vector<2x256x128xf32>
    %swap3A = arith.constant 0 : index
    %swap3A_42 = arith.constant 0 : index
    %swap3A_43 = arith.constant 0 : index
    %swap3A_44 = vector.load %arg8[%swap3A, %swap3A_42, %swap3A_43] : memref<2x256x128xf32, #tpu.memory_space<vmem>>, vector<2x256x128xf32>
    tpu.vector_store %arg8[%swap3A, %swap3A_42, %swap3A_43], %stack3A_41 {strides = array<i32>} : memref<2x256x128xf32, #tpu.memory_space<vmem>>, vector<2x256x128xf32>,
    return
  }
  func.func @transform_0(%arg0: i32) -> (i32, i32, i32) {
    %c0_i32 = arith.constant 0 : i32
    %c0_i32_0 = arith.constant 0 : i32
    %c0_i32_1 = arith.constant 0 : i32
    return %c0_i32, %arg0, %c0_i32_0 : i32, i32, i32
  }
  func.func @transform_1(%arg0: i32) -> (i32, i32, i32) {
    %c1_i32 = arith.constant 1 : i32
    %c0_i32 = arith.constant 0 : i32
    %c0_i32_0 = arith.constant 0 : i32
    return %c1_i32, %arg0, %c0_i32 : i32, i32, i32
  }
  func.func @transform_2(%arg0: i32) -> (i32, i32) {
    %c0_i32 = arith.constant 0 : i32
    %c0_i32_0 = arith.constant 0 : i32
    return %c0_i32, %arg0 : i32, i32
  }
  func.func @transform_3(%arg0: i32) -> (i32, i32) {
    %c0_i32 = arith.constant 0 : i32
    %c0_i32_0 = arith.constant 0 : i32
    return %arg0, %c0_i32 : i32, i32
  }
  func.func @transform_4(%arg0: i32) -> (i32, i32) {
    %c0_i32 = arith.constant 0 : i32
    %c0_i32_0 = arith.constant 0 : i32
    %c0_i32_1 = arith.constant 0 : i32
    return %c0_i32, %c0_i32_0 : i32, i32
  }
  func.func @transform_5(%arg0: i32) -> (i32, i32) {
    %c0_i32 = arith.constant 0 : i32
    %c0_i32_0 = arith.constant 0 : i32
    %c0_i32_1 = arith.constant 0 : i32
    return %c0_i32, %c0_i32_0 : i32, i32
  }
  func.func @transform_6(%arg0: i32) -> (i32, i32) {
    %c0_i32 = arith.constant 0 : i32
    %c0_i32_0 = arith.constant 0 : i32
    %c0_i32_1 = arith.constant 0 : i32
    return %c0_i32, %c0_i32_0 : i32, i32
  }
  func.func @transform_7(%arg0: i32) -> (i32, i32, i32) {
    %c0_i32 = arith.constant 0 : i32
    %c0_i32_0 = arith.constant 0 : i32
    %c0_i32_1 = arith.constant 0 : i32
    return %c0_i32, %arg0, %c0_i32_0 : i32, i32, i32
  }
}

</mosaic_0001>

<sc_bundles>
// kernel: kernel.11.cloned.1.call-start
scs
__scs_entry_jumppad:
0x0: {  	(pc) =	sbr.rel $0x88, $3  }
0x1: {  	(tag) =	ssettag $0x0;
	lr =	simm.s32 $0x1  }
0x2: {  	[smem:$0x3F91] =	sst lr;
	_ =	strace $0xD0000000  }
0x3: {  	_ = 	snop  }
0x4: {  	_ = 	snop  }
0x5: {  	_ = 	snop  }
0x6: {  	_ = 	snop  }
0x7: {  	_ = 	snop  }
__scs_overlays_trampoline_lowered:
0x8: {  	[smem:$0x3FA0] =	sst s0  }
0x9: {  	[smem:$0x3FA1] =	sst s1  }
0xa: {  	[smem:$0x3FA2] =	sst s2  }
0xb: {  	[smem:$0x3FA3] =	sst s3  }
0xc: {  	[smem:$0x3FA4] =	sst s4  }
0xd: {  	[smem:$0x3FA5] =	sst s5  }
0xe: {  	[smem:$0x3FA6] =	sst s6  }
0xf: {  	[smem:$0x3FA7] =	sst s7  }
0x10: {  	[smem:$0x3FA8] =	sst s8  }
0x11: {  	[smem:$0x3FA9] =	sst s9;
	s0 =	simm.s32 @!p0 $0x0  }
0x12: {  	s1 =	sld [smem:$0x3F8F];
	s0 =	simm.s32 @p0 $0x1  }
0x13: {  	[smem:$0x3FAA] =	sst s0;
	s0 =	simm.s32 @!p1 $0x0  }
0x14: {  	s2 =	sld [smem:$0x3F8E];
	s0 =	simm.s32 @p1 $0x1  }
0x15: {  	[smem:$0x3FAB] =	sst s0;
	s0 =	simm.s32 @!p2 $0x0  }
0x16: {  	s3 =	sld [smem:$0x3FDB];
	s0 =	simm.s32 @p2 $0x1  }
0x17: {  	s4 =	simm.s32 $0x1BF5;
	[smem:$0x3FAD] =	sst s0  }
0x18: {  	s0 =	sld [smem:$0x3F90];
	_ =	swait.ge [sflag:s4], $0x0  }
0x19: {  	s7 =	sld [smem:$0x3F91]  }
0x1a: {  	s8 =	sadd.s32 $0xFFFFE003, lr  }
0x1b: {  	s9 =	sadd.s32 $0xFFFFFEF7, lr;
	s5 =	simm.s32 $0xFFFFFFFF;
	p2 =	slt.u32 s8, $0xFFFFF086  }
0x1c: {  	p1 =	slt.u32 s9, $0xF7A;
	s5 =	simm.s32 @!p2 $0x0  }
0x1d: {  	s5 =	simm.s32 @p1 $0x1;
	p0 =	seq.s32 s7, s2  }
0x1e: {  	s7 =	smul.u32 @!p0 $0xF7A, s2;
	p2 =	seq.s32 @!p0 s5, $0x0  }
0x1f: {  	s9 =	smul.u32 $0xF7A, s1;
	s8 =	simm.s32 @!p0 $0x1BF5;
	p2 =	por !p2, p0  }
0x20: {  	[sflag:s8] =	ssyncset.s32 @!p0 $0xFFFFF086;
	s6 =	sadd.s32 @!p0 s3, s7;
	s7 =	simm.s32 @!p0 $0x108  }
0x21: {  	s3 =	sadd.s32 s3, s9;
	s6 =	sadd.s32 @!p0 $0x88, s6;
	s7 =	simm.s32 @p2 $0x1082  }
0x22: {  	[simem:s7], [sflag:s8] =	dma.local @!p0 [hbm:s6], $0xF7A  }
0x23: {  	s9 =	sor.u32 $0xD0000000, s2;
	s6 =	simm.s32 $0x108;
	_ =	swait.ge @!p0 [sflag:s8], $0x0  }
0x24: {  	s3 =	sadd.s32 $0x88, s3;
	s6 =	simm.s32 @!p1 $0x1082;
	[sflag:s4] =	ssyncset.s32 $0xFFFFF086  }
0x25: {  	[simem:s6], [sflag:s4] =	dma.local [hbm:s3], $0xF7A  }
0x26: {  	[smem:$0x3F91] =	sst s1;
	(tag) =	ssettag s2;
	_ =	strace s9  }
0x27: {  	s1 =	sld [smem:$0x3FA1]  }
0x28: {  	s2 =	sld [smem:$0x3FA2]  }
0x29: {  	s4 =	sld [smem:$0x3FA4]  }
0x2a: {  	p0 =	seq.s32 s5, $0x0;
	s5 =	sld [smem:$0x3FA5]  }
0x2b: {  	s6 =	sld [smem:$0x3FA6]  }
0x2c: {  	s7 =	sld [smem:$0x3FA7]  }
0x2d: {  	s3 =	simm.s32 $0x108;
	s8 =	sld [smem:$0x3FA8]  }
0x2e: {  	s3 =	simm.s32 @!p0 $0x1082;
	s9 =	sld [smem:$0x3FA9]  }
0x2f: {  	lr =	sadd.s32 s0, s3;
	s0 =	sld [smem:$0x3FA0]  }
0x30: {  	s3 =	sld [smem:$0x3FA3]  }
0x31: {  	[smem:$0x3FAC] =	sst s10  }
0x32: {  	s10 =	sld [smem:$0x3FAA];
	_ =	sdelay $0x3  }
0x33: {  	p0 =	seq.s32 s10, $0x1;
	s10 =	sld [smem:$0x3FAC];
	_ =	sdelay $0x3  }
0x34: {  	[smem:$0x3FAC] =	sst s10  }
0x35: {  	s10 =	sld [smem:$0x3FAB];
	_ =	sdelay $0x3  }
0x36: {  	p1 =	seq.s32 s10, $0x1;
	s10 =	sld [smem:$0x3FAC];
	_ =	sdelay $0x3  }
0x37: {  	[smem:$0x3FAC] =	sst s10  }
0x38: {  	s10 =	sld [smem:$0x3FAD]  }
0x39: {  	_ = 	snop;
	(pc) =	sbr.ind lr, $3  }
0x3a: {  	_ = 	snop  }
0x3b: {  	_ = 	snop  }
0x3c: {  	p2 =	seq.s32 s10, $0x1;
	s10 =	sld [smem:$0x3FAC]  }
0x3d: {  	_ =	shalt  }
0x3e: {  	_ =	shalt  }
0x3f: {  	_ =	shalt  }
0x40: {  	_ =	shalt  }
0x41: {  	_ =	shalt  }
0x42: {  	_ =	shalt  }
0x43: {  	_ =	shalt  }
0x44: {  	_ =	shalt  }
0x45: {  	_ =	shalt  }
0x46: {  	_ =	shalt  }
0x47: {  	_ =	shalt  }
0x48: {  	_ =	shalt  }
0x49: {  	_ =	shalt  }
0x4a: {  	_ =	shalt  }
0x4b: {  	_ =	shalt  }
0x4c: {  	_ =	shalt  }
0x4d: {  	_ =	shalt  }
0x4e: {  	_ =	shalt  }
0x4f: {  	_ =	shalt  }
0x50: {  	_ =	shalt  }
0x51: {  	_ =	shalt  }
0x52: {  	_ =	shalt  }
0x53: {  	_ =	shalt  }
0x54: {  	_ =	shalt  }
0x55: {  	_ =	shalt  }
0x56: {  	_ =	shalt  }
0x57: {  	_ =	shalt  }
0x58: {  	_ =	shalt  }
0x59: {  	_ =	shalt  }
0x5a: {  	_ =	shalt  }
0x5b: {  	_ =	shalt  }
0x5c: {  	_ =	shalt  }
0x5d: {  	_ =	shalt  }
0x5e: {  	_ =	shalt  }
0x5f: {  	_ =	shalt  }
0x60: {  	_ =	shalt  }
0x61: {  	_ =	shalt  }
0x62: {  	_ =	shalt  }
0x63: {  	_ =	shalt  }
0x64: {  	_ =	shalt  }
0x65: {  	_ =	shalt  }
0x66: {  	_ =	shalt  }
0x67: {  	_ =	shalt  }
0x68: {  	_ =	shalt  }
0x69: {  	_ =	shalt  }
0x6a: {  	_ =	shalt  }
0x6b: {  	_ =	shalt  }
0x6c: {  	_ =	shalt  }
0x6d: {  	_ =	shalt  }
0x6e: {  	_ =	shalt  }
0x6f: {  	_ =	shalt  }
0x70: {  	_ =	shalt  }
0x71: {  	_ =	shalt  }
0x72: {  	_ =	shalt  }
0x73: {  	_ =	shalt  }
0x74: {  	_ =	shalt  }
0x75: {  	_ =	shalt  }
0x76: {  	_ =	shalt  }
0x77: {  	_ =	shalt  }
0x78: {  	_ =	shalt  }
0x79: {  	_ =	shalt  }
0x7a: {  	_ =	shalt  }
0x7b: {  	_ =	shalt  }
0x7c: {  	_ =	shalt  }
0x7d: {  	_ =	shalt  }
0x7e: {  	_ =	shalt  }
0x7f: {  	_ =	shalt  }
0x80: {  	_ =	shalt  }
0x81: {  	_ =	shalt  }
0x82: {  	_ =	shalt  }
0x83: {  	_ =	shalt  }
0x84: {  	_ =	shalt  }
0x85: {  	_ =	shalt  }
0x86: {  	_ =	shalt  }
0x87: {  	_ =	shalt  }
.Lfunc_end0:
.L_simem_size_0:
called_computation_lowered:
.L_overlay_start_0:
0x88: {  	s2 =	sld [smem:$0x3FD9]  }
0x89: {  	s3 =	sld [smem:$0x3FFE];
	_ =	sdelay $0x1  }
0x8a: {  	s1 =	srdreg.scid  }
0x8b: {  	s0 =	sand.u32 $0x1, s1  }
0x8c: {  	s17 =	sshll.u32 s0, $0xA;
	s2 =	sadd.s32 s3, s2  }
0x8d: {  	s2 =	sadd.s32 s2, s17  }
0x8e: {  	[smem:$0x3FB8] =	sst s2  }
0x8f: {  	_ = 	snop  }
0x90: {  	(tm) =	ssettm $0x1  }
0x91: {  	s18 =	sld [smem:$0x3FFB];
	_ =	sdelay $0x3  }
0x92: {  	_ =	strace s18  }
0x93: {  	s2 =	sld [smem:$0x3FFC];
	_ =	sdelay $0x3  }
0x94: {  	_ =	strace s2  }
0x95: {  	s2 =	sld [smem:$0x3FFD];
	_ =	sdelay $0x3  }
0x96: {  	_ =	strace s2  }
0x97: {  	_ =	strace $0x8FFFFFFF  }
0x98: {  	s19 =	sld [smem:$0x3FDB];
	_ =	sdelay $0x1  }
0x99: {  	s20 =	simm.s32 $_scs_section_size  }
0x9a: {  	s4 =	simm.s32 $_size__tile_overlayer_lowered;
	s5 =	simm.s32 $_tile_overlayer_lowered  }
0x9b: {  	s6 =	simm.s32 $0x1BFF;
	s21 =	sshll.u32 s5, $0x1;
	s3 =	sadd.s32 s20, s19  }
0x9c: {  	s22 =	simm.s32 $0x0;
	s4 =	sshll.u32 s4, $0x1;
	s5 =	sadd.s32 s21, s3  }
0x9d: {  	[timem:s22], [sflag:s6] =	dma.local [hbm:s5], s4  }
0x9e: {  	_ =	swait.ge [sflag:s6], s4  }
0x9f: {  	s4 =	ssub.s32 $0x0, s4;
	[sflag:s6] =	ssyncset.done $0x0  }
0xa0: {  	[sflag:s6] =	ssyncadd.s32 s4;
	_ =	sdelay $0x1  }
0xa1: {  	s23 =	simm.s32 $0x1B8B  }
0xa2: {  	_ =	swait.ge [sflag:s23], $0x1  }
0xa3: {  	[sflag:s23] =	ssyncset.done $0x0  }
0xa4: {  	[sflag:s23] =	ssyncadd.s32 $0xFFFFFFFF  }
0xa5: {  	s4 =	sld [smem:$0x0]  }
0xa6: {  	s5 =	sand.u32 $0xFFFFFFFE, s1  }
0xa7: {  	p0 =	sne.s32 s1, s5  }
0xa8: {  	s5 =	sshll.u32 @p0 s5, $0xE  }
0xa9: {  	s5 =	sadd.s32 @p0 $0x11B8D, s5;
	s6 =	sshll.u32 @p0 s4, $0x11  }
0xaa: {  	s5 =	sor.u32 @p0 s6, s5  }
0xab: {  	[sflag:s5] =	ssyncadd.remote.s32 @p0 $0x1;
	_ =	sdelay $0x1  }
0xac: {  	s5 =	simm.s32 @p0 $0x1B8D  }
0xad: {  	_ =	swait.eq @p0 [sflag:s5], $0x1  }
0xae: {  	[sflag:s5] =	ssyncadd.s32 @p0 $0xFFFFFFFF  }
0xaf: {  	s6 =	sshll.u32 @!p0 s1, $0xE  }
0xb0: {  	s6 =	sor.u32 @!p0 $0x4000, s6;
	s5 =	simm.s32 @!p0 $0x1B8D  }
0xb1: {  	s4 =	sshll.u32 @!p0 s4, $0x11;
	s6 =	sadd.s32 @!p0 $0x11B8D, s6;
	_ =	swait.eq @!p0 [sflag:s5], $0x1  }
0xb2: {  	s4 =	sor.u32 @!p0 s4, s6;
	[sflag:s5] =	ssyncadd.s32 @!p0 $0xFFFFFFFF  }
0xb3: {  	s25 =	simm.s32 $0x1B8E;
	s24 =	sld [smem:$0x3FFE];
	[sflag:s4] =	ssyncadd.remote.s32 @!p0 $0x1  }
0xb4: {  	s26 =	simm.s32 $execute0_lowered;
	[smem:$0x3FD2] =	sst s25  }
0xb5: {  	s5 =	sshll.u32 s26, $0x1;
	_ =	strace $0x80000049;
	[dreg:$0x1] =	wrdreg $0xFFFFFFFF  }
0xb6: {  	s28 =	simm.s32 $_size_execute0_lowered;
	s3 =	sadd.s32 s3, s5;
	[dreg:$0x0] =	wrdreg $0x0  }
0xb7: {  	s5 =	sshll.u32 s28, $0x1;
	[dreg:$0x2] =	wrdreg s3  }
0xb8: {  	[dreg:$0x3] =	wrdreg s5  }
0xb9: {  	[dreg:$0x4] =	wrdreg $0xC0  }
0xba: {  	_ =	task [dreg:s22], $0x5FFFF  }
0xbb: {  	[dreg:$0x1] =	wrdreg $0xFFFFFFFF  }
0xbc: {  	[dreg:$0x0] =	wrdreg $0x60  }
0xbd: {  	[dreg:$0x2] =	wrdreg s24  }
0xbe: {  	[dreg:$0x3] =	wrdreg $0x9  }
0xbf: {  	_ =	task.clear_ibuf [dreg:s22], $0x4FFFF;
	_ =	strace $0x90000049  }
0xc0: {  	s29 =	simm.s32 $0x9;
	_ =	strace $0x8000004B  }
0xc1: {  	_ =	swait.ge [sflag:s29], $0x1  }
0xc2: {  	[sflag:s29] =	ssyncadd.s32 $0xFFFFFFFF  }
0xc3: {  	_ =	strace $0x9000004B  }
0xc4: {  	_ =	sfence  }
0xc5: {  	s30 =	sld [smem:$0x0];
	_ =	sdelay $0x2  }
0xc6: {  	s31 =	sshll.u32 s1, $0xD;
	s1 =	sshrl.u32 s1, $0x2  }
0xc7: {  	s4 =	sand.u32 $0x4000, s31;
	s1 =	sadd.s32 s1, s30  }
0xc8: {  	s0 =	sor.u32 s4, s0;
	s1 =	sshll.u32 s1, $0x11  }
0xc9: {  	s0 =	sor.u32 s1, s0  }
0xca: {  	s0 =	sadd.s32 $0x8F2B, s0  }
0xcb: {  	[sflag:s0] =	ssyncadd.remote.s32 $0x1  }
0xcc: {  	_ =	sfence.sel $0xFFFF  }
0xcd: {  	[dreg:$0x0] =	wrdreg $0xFFFFFFFF;
	(pc) =	sbr.abs _section_cstart, $3  }
0xce: {  	[dreg:$0x1] =	wrdreg $0xFFFFFFFF  }
0xcf: {  	_ =	task.clear_ibuf [dreg:s22], $0x2FFFF;
	_ =	strace $0x9FFFFFFF  }
0xd0: {  	(tm) =	ssettm $0x7FFFFFFF  }
0xd1: {  	_ =	shalt  }
tec
execute0_lowered:
.L_overlay_start_1:
0x0: {  	(tag) =	ssettag $0x1  }
0x1: {  	s1 =	srdreg.scid  }
0x2: {  	s0 =	stileid.u32;
	s5 =	rddreg [dreg:$0x0]  }
0x3: {  	s2 =	simm.s32 $0x0;
	s13 =	simm.s32 $0x2880;
	s14 =	simm.s32 $0x80  }
0x4: {  	s15 =	simm.s32 $0x400;
	s16 =	simm.s32 $0x2;
	s6 =	sand.u32 $0x1, s1  }
0x5: {  	s3 =	sshrl.u32 s0, $0x3;
	s1 =	rddreg [dreg:$0x1];
	s7 =	smul.u32 $0x28000, s6  }
0x6: {  	s17 =	simm.s32 $0x0;
	[smem:$0x7FF] =	sst s2;
	s8 =	smul.u32 $0x14000, s3  }
0x7: {  	s9 =	sshll.u32 s0, $0x7;
	s4 =	sadd.s32 $0xD000, s5;
	s3 =	smul.u32 $0x2800, s0  }
0x8: {  	_ =	strace $0x8000004A;
	s10 =	smul.u32 $0x1400, s6;
	s29 =	sand.u32 $0x380, s9  }
0x9: {  	s30 =	ssub.s32 $0x2, s6;
	s6 =	smul.u32 $0x28, s6;
	s7 =	sadd.s32 s7, s8  }
.Ltmp0:
0xa: {  	s11 =	sshrl.u32 s30, $0x1;
	s7 =	sor.u32 s29, s7;
	(pc) =	sbr.rel .LBB2_1-.Ltmp0, $4  }
0xb: {  	s31 =	sadd.s32 s10, s3;
	s11 =	ssub.s32 s30, s11;
	s7 =	sshrl.u32 s7, $0x3  }
0xc: {  	s10 =	sor.u32 $0x100, s10;
	s9 =	sshrl.u32 s31, $0x3;
	s12 =	sadd.s32 s7, s5  }
0xd: {  	s5 =	sadd.s32 s4, s9;
	s9 =	smax.u32 s11, $0x1;
	s11 =	simm.s32 $0x2800  }
0xe: {  	v0 =	vimm.f32 $0.0e+00;
	v1 =	vimm.f32 $1.000000000e+00;
	s7 =	sadd.s32 $0x10, s5;
	s8 =	sadd.s32 $0x102000, s12;
	s12 =	simm.s32 $0x3  }
.LBB2_8:
0xf: {  	s17 =	sadd.s32 $0x1, s17  }
0x10: {  	p0 =	sne.s32 s17, s9  }
.Ltmp1:
0x11: {  	_ = 	snop;
	(pc) =	sbr.rel @!p0 .LBB2_9-.Ltmp1, $4  }
0x12: {  	[hbm4b:s8+s14] =	stream.strided.scatter [tilespmem:s2], [sflag:$0x3], $0x2800, s15, s14, $0x38;
	[tilespmem:$0x2900] =	vst v63  }
0x13: {  	_ =	swait.ge [sflag:s12], $0x2800  }
0x14: {  	[sflag:s12] =	ssyncset.done $0x0  }
0x15: {  	[sflag:s12] =	ssyncadd.s32 $0xFFFFD800  }
.LBB2_1:
0x16: {  	s18 =	simm.s32 $0x40;
	s19 =	simm.s32 $0x0  }
.LBB2_2:
0x17: {  	p0 =	sne.s32 s18, $0x9FC0;
	[tilespmem:s19+$0x0] =	vst v0;
	s19 =	smov.u32 s18;
	s18 =	sadd.s32 $0x40, s18  }
.Ltmp2:
0x18: {  	(pc) =	sbr.rel @p0 .LBB2_2-.Ltmp2, $2  }
0x19: {  	_ =	sdelay $0x2  }
0x1a: {  	s19 =	sshra.s32 s19, $0x2  }
0x1b: {  	[tilespmem:s19+$0x0] =	vst v0  }
0x1c: {  	[tilespmem:s11], [sflag:$0x3] =	stream.linear.gather [hbm4b:s5+s2], $0x80, $0x38;
	[tilespmem:$0x2900] =	vst v63  }
0x1d: {  	_ =	swait.ge [sflag:s12], $0x80  }
0x1e: {  	[sflag:s12] =	ssyncset.done $0x0  }
0x1f: {  	[sflag:s12] =	ssyncadd.s32 $0xFFFFFF80  }
0x20: {  	[tilespmem:s13], [sflag:$0x3] =	stream.linear.gather [hbm4b:s7+s2], $0x80, $0x38;
	[tilespmem:$0x2900] =	vst v63  }
0x21: {  	_ =	swait.ge [sflag:s12], $0x80  }
0x22: {  	[sflag:s12] =	ssyncset.done $0x0  }
0x23: {  	s18 =	simm.s32 $0x1;
	s19 =	smov.u32 s10;
	[sflag:s12] =	ssyncadd.s32 $0xFFFFFF80  }
.LBB2_4:
0x24: {  	p0 =	seq.s32 s18, $0x1  }
0x25: {  	s20 =	simm.s32 @!p0 $0x1  }
0x26: {  	_ =	swait.ge @!p0 [sflag:s20], $0x80  }
0x27: {  	[sflag:s20] =	ssyncset.done @!p0 $0x0  }
0x28: {  	[sflag:s20] =	ssyncadd.s32 @!p0 $0xFFFFFF80  }
0x29: {  	v2 =	vld [tilespmem:$0x2800];
	_ =	sdelay $0x7  }
0x2a: {  	[tilespmem:v2+s2+$0x0] =	vst.idx.add.f32.msk $0xffff, v1  }
0x2b: {  	v2 =	vld [tilespmem:$0x2810];
	_ =	sdelay $0x7  }
0x2c: {  	[tilespmem:v2+s2+$0x0] =	vst.idx.add.f32.msk $0xffff, v1  }
0x2d: {  	v2 =	vld [tilespmem:$0x2820];
	_ =	sdelay $0x7  }
0x2e: {  	[tilespmem:v2+s2+$0x0] =	vst.idx.add.f32.msk $0xffff, v1  }
0x2f: {  	v2 =	vld [tilespmem:$0x2830];
	_ =	sdelay $0x7  }
0x30: {  	[tilespmem:v2+s2+$0x0] =	vst.idx.add.f32.msk $0xffff, v1  }
0x31: {  	v2 =	vld [tilespmem:$0x2840];
	_ =	sdelay $0x7  }
0x32: {  	[tilespmem:v2+s2+$0x0] =	vst.idx.add.f32.msk $0xffff, v1  }
0x33: {  	v2 =	vld [tilespmem:$0x2850];
	_ =	sdelay $0x7  }
0x34: {  	[tilespmem:v2+s2+$0x0] =	vst.idx.add.f32.msk $0xffff, v1  }
0x35: {  	v2 =	vld [tilespmem:$0x2860];
	_ =	sdelay $0x7  }
0x36: {  	[tilespmem:v2+s2+$0x0] =	vst.idx.add.f32.msk $0xffff, v1  }
0x37: {  	v2 =	vld [tilespmem:$0x2870];
	_ =	sdelay $0x2  }
0x38: {  	p0 =	seq.s32 s18, $0x27  }
0x39: {  	s20 =	sand.u32 @!p0 $0x7C00, s19;
	p1 =	seq.s32 @!p0 s18, $0x1  }
0x3a: {  	s21 =	sand.u32 @!p0 $0x300, s19;
	s20 =	sadd.s32 @!p0 s3, s20;
	p1 =	por p0, !p1  }
.Ltmp3:
0x3b: {  	s20 =	sor.u32 @!p0 s21, s20;
	(pc) =	sbr.rel @!p1 .LBB2_6-.Ltmp3, $4  }
0x3c: {  	s20 =	sshrl.u32 @!p0 s20, $0x3  }
0x3d: {  	s22 =	simm.s32 @!p0 $0x2800;
	s21 =	simm.s32 @!p0 $0x0;
	s20 =	sadd.s32 @!p0 s4, s20;
	[tilespmem:v2+s2+$0x0] =	vst.idx.add.f32.msk $0xffff, v1  }
0x3e: {  	[tilespmem:s22], [sflag:$0x1] =	stream.linear.gather @!p0 [hbm4b:s20+s21], $0x80, $0x38;
	[tilespmem:$0x2900] =	vst v63  }
0x3f: {  	s20 =	smov.u32 s18  }
0x40: {  	_ =	swait.ge [sflag:s16], $0x80  }
0x41: {  	s20 =	smov.u32 s18;
	[sflag:s16] =	ssyncset.done $0x0  }
0x42: {  	s20 =	simm.s32 @p0 $0x27;
	[sflag:s16] =	ssyncadd.s32 $0xFFFFFF80  }
.LBB2_6:
0x43: {  	v2 =	vld [tilespmem:$0x2880];
	_ =	sdelay $0x7  }
0x44: {  	[tilespmem:v2+s2+$0x0] =	vst.idx.add.f32.msk $0xffff, v1  }
0x45: {  	v2 =	vld [tilespmem:$0x2890];
	_ =	sdelay $0x7  }
0x46: {  	[tilespmem:v2+s2+$0x0] =	vst.idx.add.f32.msk $0xffff, v1  }
0x47: {  	v2 =	vld [tilespmem:$0x28A0];
	_ =	sdelay $0x7  }
0x48: {  	[tilespmem:v2+s2+$0x0] =	vst.idx.add.f32.msk $0xffff, v1  }
0x49: {  	v2 =	vld [tilespmem:$0x28B0];
	_ =	sdelay $0x7  }
0x4a: {  	[tilespmem:v2+s2+$0x0] =	vst.idx.add.f32.msk $0xffff, v1  }
0x4b: {  	v2 =	vld [tilespmem:$0x28C0];
	_ =	sdelay $0x7  }
0x4c: {  	[tilespmem:v2+s2+$0x0] =	vst.idx.add.f32.msk $0xffff, v1  }
0x4d: {  	v2 =	vld [tilespmem:$0x28D0];
	_ =	sdelay $0x7  }
0x4e: {  	[tilespmem:v2+s2+$0x0] =	vst.idx.add.f32.msk $0xffff, v1  }
0x4f: {  	v2 =	vld [tilespmem:$0x28E0];
	_ =	sdelay $0x7  }
0x50: {  	[tilespmem:v2+s2+$0x0] =	vst.idx.add.f32.msk $0xffff, v1  }
0x51: {  	v2 =	vld [tilespmem:$0x28F0];
	_ =	sdelay $0x3  }
.Ltmp4:
0x52: {  	_ = 	snop;
	(pc) =	sbr.rel @p0 .LBB2_8-.Ltmp4, $2  }
0x53: {  	_ =	sdelay $0x2  }
0x54: {  	[tilespmem:v2+s2+$0x0] =	vst.idx.add.f32.msk $0xffff, v1  }
0x55: {  	s20 =	sadd.s32 s6, s20  }
0x56: {  	s20 =	sshll.u32 s20, $0x7  }
0x57: {  	s20 =	sadd.s32 $0x100, s20  }
0x58: {  	s21 =	sand.u32 $0x7FFFFC00, s20  }
.Ltmp5:
0x59: {  	s20 =	sand.u32 $0x380, s20;
	s21 =	sadd.s32 s3, s21;
	(pc) =	sbr.rel .LBB2_4-.Ltmp5, $4  }
0x5a: {  	s20 =	sor.u32 s20, s21  }
0x5b: {  	s20 =	sshrl.u32 s20, $0x3  }
0x5c: {  	s18 =	sadd.s32 $0x2, s18;
	s19 =	sadd.s32 $0x100, s19;
	s20 =	sadd.s32 s4, s20  }
0x5d: {  	[tilespmem:s13], [sflag:$0x2] =	stream.linear.gather [hbm4b:s20+s2], $0x80, $0x38;
	[tilespmem:$0x2900] =	vst v63  }
.LBB2_9:
0x5e: {  	_ =	sfence.sel $0x180000  }
0x5f: {  	[bflag:$0x0] =	sbarrier.arrive $0xFFFF  }
0x60: {  	p0 =	sne.s32 s0, $0x0;
	_ =	strace $0x9000004A  }
0x61: {  	s0 =	sadd.s32 @!p0 $0x100000, s1;
	[bflag:$0x2] =	sbarrier.arrive $0xFFFF  }
0x62: {  	[sflag:s0] =	ssyncadd.tile.s32 @!p0 $0x1;
	_ =	shalt  }
.Lfunc_end2:
_tile_overlayer_lowered:
.L_overlay_start_2:
0x63: {  	(tag) =	ssettag $0x2  }
0x64: {  	s0 =	rddreg [dreg:$0x0];
	s2 =	stileid.u32  }
0x65: {  	s1 =	rddreg [dreg:$0x1];
	p0 =	sne.s32 s2, $0x0  }
0x66: {  	s3 =	rddreg [dreg:$0x2];
	[bflag:$0x3] =	sbarrier.arrive $0xFFFF;
	s2 =	simm.s32 @!p0 $0x1C03  }
0x67: {  	[timem:s3], [sflag:s2] =	dma.local @!p0 [hbm:s0], s1  }
0x68: {  	s0 =	simm.s32 @!p0 $0x3  }
0x69: {  	_ =	swait.ge @!p0 [sflag:s0], s1  }
0x6a: {  	s1 =	ssub.s32 @!p0 $0x0, s1;
	[sflag:s0] =	ssyncset.done @!p0 $0x0  }
0x6b: {  	[sflag:s0] =	ssyncadd.s32 @!p0 s1  }
0x6c: {  	[bflag:$0x3] =	sbarrier.arrive $0xFFFF  }
0x6d: {  	_ =	shalt  }

// kernel: kernel.14.cloned.1.call-start
scs
__scs_entry_jumppad:
0x0: {  	(pc) =	sbr.rel $0x88, $3  }
0x1: {  	(tag) =	ssettag $0x0;
	lr =	simm.s32 $0x1  }
0x2: {  	[smem:$0x3F91] =	sst lr;
	_ =	strace $0xD0000000  }
0x3: {  	_ = 	snop  }
0x4: {  	_ = 	snop  }
0x5: {  	_ = 	snop  }
0x6: {  	_ = 	snop  }
0x7: {  	_ = 	snop  }
__scs_overlays_trampoline_lowered:
0x8: {  	[smem:$0x3FA0] =	sst s0  }
0x9: {  	[smem:$0x3FA1] =	sst s1  }
0xa: {  	[smem:$0x3FA2] =	sst s2  }
0xb: {  	[smem:$0x3FA3] =	sst s3  }
0xc: {  	[smem:$0x3FA4] =	sst s4  }
0xd: {  	[smem:$0x3FA5] =	sst s5  }
0xe: {  	[smem:$0x3FA6] =	sst s6  }
0xf: {  	[smem:$0x3FA7] =	sst s7  }
0x10: {  	[smem:$0x3FA8] =	sst s8  }
0x11: {  	[smem:$0x3FA9] =	sst s9;
	s0 =	simm.s32 @!p0 $0x0  }
0x12: {  	s1 =	sld [smem:$0x3F8F];
	s0 =	simm.s32 @p0 $0x1  }
0x13: {  	[smem:$0x3FAA] =	sst s0;
	s0 =	simm.s32 @!p1 $0x0  }
0x14: {  	s2 =	sld [smem:$0x3F8E];
	s0 =	simm.s32 @p1 $0x1  }
0x15: {  	[smem:$0x3FAB] =	sst s0;
	s0 =	simm.s32 @!p2 $0x0  }
0x16: {  	s3 =	sld [smem:$0x3FDB];
	s0 =	simm.s32 @p2 $0x1  }
0x17: {  	s4 =	simm.s32 $0x1BF5;
	[smem:$0x3FAD] =	sst s0  }
0x18: {  	s0 =	sld [smem:$0x3F90];
	_ =	swait.ge [sflag:s4], $0x0  }
0x19: {  	s7 =	sld [smem:$0x3F91]  }
0x1a: {  	s8 =	sadd.s32 $0xFFFFE003, lr  }
0x1b: {  	s9 =	sadd.s32 $0xFFFFFEF7, lr;
	s5 =	simm.s32 $0xFFFFFFFF;
	p2 =	slt.u32 s8, $0xFFFFF086  }
0x1c: {  	p1 =	slt.u32 s9, $0xF7A;
	s5 =	simm.s32 @!p2 $0x0  }
0x1d: {  	s5 =	simm.s32 @p1 $0x1;
	p0 =	seq.s32 s7, s2  }
0x1e: {  	s7 =	smul.u32 @!p0 $0xF7A, s2;
	p2 =	seq.s32 @!p0 s5, $0x0  }
0x1f: {  	s9 =	smul.u32 $0xF7A, s1;
	s8 =	simm.s32 @!p0 $0x1BF5;
	p2 =	por !p2, p0  }
0x20: {  	[sflag:s8] =	ssyncset.s32 @!p0 $0xFFFFF086;
	s6 =	sadd.s32 @!p0 s3, s7;
	s7 =	simm.s32 @!p0 $0x108  }
0x21: {  	s3 =	sadd.s32 s3, s9;
	s6 =	sadd.s32 @!p0 $0x88, s6;
	s7 =	simm.s32 @p2 $0x1082  }
0x22: {  	[simem:s7], [sflag:s8] =	dma.local @!p0 [hbm:s6], $0xF7A  }
0x23: {  	s9 =	sor.u32 $0xD0000000, s2;
	s6 =	simm.s32 $0x108;
	_ =	swait.ge @!p0 [sflag:s8], $0x0  }
0x24: {  	s3 =	sadd.s32 $0x88, s3;
	s6 =	simm.s32 @!p1 $0x1082;
	[sflag:s4] =	ssyncset.s32 $0xFFFFF086  }
0x25: {  	[simem:s6], [sflag:s4] =	dma.local [hbm:s3], $0xF7A  }
0x26: {  	[smem:$0x3F91] =	sst s1;
	(tag) =	ssettag s2;
	_ =	strace s9  }
0x27: {  	s1 =	sld [smem:$0x3FA1]  }
0x28: {  	s2 =	sld [smem:$0x3FA2]  }
0x29: {  	s4 =	sld [smem:$0x3FA4]  }
0x2a: {  	p0 =	seq.s32 s5, $0x0;
	s5 =	sld [smem:$0x3FA5]  }
0x2b: {  	s6 =	sld [smem:$0x3FA6]  }
0x2c: {  	s7 =	sld [smem:$0x3FA7]  }
0x2d: {  	s3 =	simm.s32 $0x108;
	s8 =	sld [smem:$0x3FA8]  }
0x2e: {  	s3 =	simm.s32 @!p0 $0x1082;
	s9 =	sld [smem:$0x3FA9]  }
0x2f: {  	lr =	sadd.s32 s0, s3;
	s0 =	sld [smem:$0x3FA0]  }
0x30: {  	s3 =	sld [smem:$0x3FA3]  }
0x31: {  	[smem:$0x3FAC] =	sst s10  }
0x32: {  	s10 =	sld [smem:$0x3FAA];
	_ =	sdelay $0x3  }
0x33: {  	p0 =	seq.s32 s10, $0x1;
	s10 =	sld [smem:$0x3FAC];
	_ =	sdelay $0x3  }
0x34: {  	[smem:$0x3FAC] =	sst s10  }
0x35: {  	s10 =	sld [smem:$0x3FAB];
	_ =	sdelay $0x3  }
0x36: {  	p1 =	seq.s32 s10, $0x1;
	s10 =	sld [smem:$0x3FAC];
	_ =	sdelay $0x3  }
0x37: {  	[smem:$0x3FAC] =	sst s10  }
0x38: {  	s10 =	sld [smem:$0x3FAD]  }
0x39: {  	_ = 	snop;
	(pc) =	sbr.ind lr, $3  }
0x3a: {  	_ = 	snop  }
0x3b: {  	_ = 	snop  }
0x3c: {  	p2 =	seq.s32 s10, $0x1;
	s10 =	sld [smem:$0x3FAC]  }
0x3d: {  	_ =	shalt  }
0x3e: {  	_ =	shalt  }
0x3f: {  	_ =	shalt  }
0x40: {  	_ =	shalt  }
0x41: {  	_ =	shalt  }
0x42: {  	_ =	shalt  }
0x43: {  	_ =	shalt  }
0x44: {  	_ =	shalt  }
0x45: {  	_ =	shalt  }
0x46: {  	_ =	shalt  }
0x47: {  	_ =	shalt  }
0x48: {  	_ =	shalt  }
0x49: {  	_ =	shalt  }
0x4a: {  	_ =	shalt  }
0x4b: {  	_ =	shalt  }
0x4c: {  	_ =	shalt  }
0x4d: {  	_ =	shalt  }
0x4e: {  	_ =	shalt  }
0x4f: {  	_ =	shalt  }
0x50: {  	_ =	shalt  }
0x51: {  	_ =	shalt  }
0x52: {  	_ =	shalt  }
0x53: {  	_ =	shalt  }
0x54: {  	_ =	shalt  }
0x55: {  	_ =	shalt  }
0x56: {  	_ =	shalt  }
0x57: {  	_ =	shalt  }
0x58: {  	_ =	shalt  }
0x59: {  	_ =	shalt  }
0x5a: {  	_ =	shalt  }
0x5b: {  	_ =	shalt  }
0x5c: {  	_ =	shalt  }
0x5d: {  	_ =	shalt  }
0x5e: {  	_ =	shalt  }
0x5f: {  	_ =	shalt  }
0x60: {  	_ =	shalt  }
0x61: {  	_ =	shalt  }
0x62: {  	_ =	shalt  }
0x63: {  	_ =	shalt  }
0x64: {  	_ =	shalt  }
0x65: {  	_ =	shalt  }
0x66: {  	_ =	shalt  }
0x67: {  	_ =	shalt  }
0x68: {  	_ =	shalt  }
0x69: {  	_ =	shalt  }
0x6a: {  	_ =	shalt  }
0x6b: {  	_ =	shalt  }
0x6c: {  	_ =	shalt  }
0x6d: {  	_ =	shalt  }
0x6e: {  	_ =	shalt  }
0x6f: {  	_ =	shalt  }
0x70: {  	_ =	shalt  }
0x71: {  	_ =	shalt  }
0x72: {  	_ =	shalt  }
0x73: {  	_ =	shalt  }
0x74: {  	_ =	shalt  }
0x75: {  	_ =	shalt  }
0x76: {  	_ =	shalt  }
0x77: {  	_ =	shalt  }
0x78: {  	_ =	shalt  }
0x79: {  	_ =	shalt  }
0x7a: {  	_ =	shalt  }
0x7b: {  	_ =	shalt  }
0x7c: {  	_ =	shalt  }
0x7d: {  	_ =	shalt  }
0x7e: {  	_ =	shalt  }
0x7f: {  	_ =	shalt  }
0x80: {  	_ =	shalt  }
0x81: {  	_ =	shalt  }
0x82: {  	_ =	shalt  }
0x83: {  	_ =	shalt  }
0x84: {  	_ =	shalt  }
0x85: {  	_ =	shalt  }
0x86: {  	_ =	shalt  }
0x87: {  	_ =	shalt  }
.Lfunc_end0:
.L_simem_size_0:
called_computation.1_lowered:
.L_overlay_start_0:
0x88: {  	s2 =	sld [smem:$0x3FD9]  }
0x89: {  	s3 =	sld [smem:$0x3FFE];
	_ =	sdelay $0x1  }
0x8a: {  	s1 =	srdreg.scid  }
0x8b: {  	s0 =	sand.u32 $0x1, s1  }
0x8c: {  	s16 =	sshll.u32 s0, $0xA;
	s2 =	sadd.s32 s3, s2  }
0x8d: {  	s2 =	sadd.s32 s2, s16  }
0x8e: {  	[smem:$0x3FB8] =	sst s2  }
0x8f: {  	_ = 	snop  }
0x90: {  	(tm) =	ssettm $0x1  }
0x91: {  	s17 =	sld [smem:$0x3FFB];
	_ =	sdelay $0x3  }
0x92: {  	_ =	strace s17  }
0x93: {  	s2 =	sld [smem:$0x3FFC];
	_ =	sdelay $0x3  }
0x94: {  	_ =	strace s2  }
0x95: {  	s2 =	sld [smem:$0x3FFD];
	_ =	sdelay $0x3  }
0x96: {  	_ =	strace s2  }
0x97: {  	_ =	strace $0x8FFFFFFF  }
0x98: {  	s18 =	sld [smem:$0x3FDB];
	_ =	sdelay $0x1  }
0x99: {  	s19 =	simm.s32 $_scs_section_size  }
0x9a: {  	s4 =	simm.s32 $_size__tile_overlayer_lowered;
	s5 =	simm.s32 $_tile_overlayer_lowered  }
0x9b: {  	s22 =	simm.s32 $0x1BFF;
	s21 =	sshll.u32 s5, $0x1;
	s2 =	sadd.s32 s19, s18  }
0x9c: {  	s6 =	simm.s32 $0x0;
	s20 =	sshll.u32 s4, $0x1;
	s4 =	sadd.s32 s21, s2  }
0x9d: {  	[timem:s6], [sflag:s22] =	dma.local [hbm:s4], s20  }
0x9e: {  	_ =	swait.ge [sflag:s22], s20  }
0x9f: {  	s3 =	ssub.s32 $0x0, s20;
	[sflag:s22] =	ssyncset.done $0x0  }
0xa0: {  	[sflag:s22] =	ssyncadd.s32 s3;
	_ =	sdelay $0x1  }
0xa1: {  	s23 =	simm.s32 $0x1B8B  }
0xa2: {  	_ =	swait.ge [sflag:s23], $0x1  }
0xa3: {  	[sflag:s23] =	ssyncset.done $0x0  }
0xa4: {  	s25 =	simm.s32 $0x1B8E;
	s24 =	sld [smem:$0x3FFE];
	[sflag:s23] =	ssyncadd.s32 $0xFFFFFFFF  }
0xa5: {  	s26 =	simm.s32 $execute0_lowered;
	[smem:$0x3FD2] =	sst s25  }
0xa6: {  	s4 =	sshll.u32 s26, $0x1;
	_ =	strace $0x80000046;
	[dreg:$0x1] =	wrdreg $0xFFFFFFFF  }
0xa7: {  	s28 =	simm.s32 $_size_execute0_lowered;
	s2 =	sadd.s32 s2, s4;
	[dreg:$0x0] =	wrdreg $0x0  }
0xa8: {  	s4 =	sshll.u32 s28, $0x1;
	[dreg:$0x2] =	wrdreg s2  }
0xa9: {  	[dreg:$0x3] =	wrdreg s4  }
0xaa: {  	[dreg:$0x4] =	wrdreg $0xC0  }
0xab: {  	_ =	task [dreg:s6], $0x5FFFF  }
0xac: {  	[dreg:$0x1] =	wrdreg $0xFFFFFFFF  }
0xad: {  	[dreg:$0x0] =	wrdreg $0x60  }
0xae: {  	[dreg:$0x2] =	wrdreg s24  }
0xaf: {  	[dreg:$0x3] =	wrdreg $0x0  }
0xb0: {  	[dreg:$0x4] =	wrdreg $0xA  }
0xb1: {  	_ =	task.clear_ibuf [dreg:s6], $0x5FFFF;
	_ =	strace $0x90000046  }
0xb2: {  	s29 =	simm.s32 $0xA;
	_ =	strace $0x80000048  }
0xb3: {  	_ =	swait.ge [sflag:s29], $0x1  }
0xb4: {  	[sflag:s29] =	ssyncadd.s32 $0xFFFFFFFF  }
0xb5: {  	_ =	strace $0x90000048  }
0xb6: {  	_ =	sfence  }
0xb7: {  	s30 =	sld [smem:$0x0];
	_ =	sdelay $0x2  }
0xb8: {  	s31 =	sshll.u32 s1, $0xD;
	s1 =	sshrl.u32 s1, $0x2  }
0xb9: {  	s3 =	sand.u32 $0x4000, s31;
	s1 =	sadd.s32 s1, s30  }
0xba: {  	s0 =	sor.u32 s3, s0;
	s1 =	sshll.u32 s1, $0x11  }
0xbb: {  	s0 =	sor.u32 s1, s0  }
0xbc: {  	s0 =	sadd.s32 $0x8F2B, s0  }
0xbd: {  	[sflag:s0] =	ssyncadd.remote.s32 $0x1  }
0xbe: {  	_ =	sfence.sel $0xFFFF  }
0xbf: {  	[dreg:$0x0] =	wrdreg $0xFFFFFFFF;
	(pc) =	sbr.abs _section_cstart, $3  }
0xc0: {  	[dreg:$0x1] =	wrdreg $0xFFFFFFFF  }
0xc1: {  	_ =	task.clear_ibuf [dreg:s6], $0x2FFFF;
	_ =	strace $0x9FFFFFFF  }
0xc2: {  	(tm) =	ssettm $0x7FFFFFFF  }
0xc3: {  	_ =	shalt  }
tec
execute0_lowered:
.L_overlay_start_1:
0x0: {  	(tag) =	ssettag $0x1  }
0x1: {  	s0 =	rddreg [dreg:$0x0]  }
0x2: {  	s1 =	rddreg [dreg:$0x1];
	s2 =	srdreg.scid  }
0x3: {  	s3 =	simm.s32 $0x0;
	s11 =	stileid.u32;
	s28 =	simm.s32 $0x18200  }
0x4: {  	s29 =	simm.s32 $0x1;
	s30 =	simm.s32 $0x2;
	s7 =	smul.u32 $0x14000, s11  }
0x5: {  	s31 =	simm.s32 $0x4;
	s2 =	sand.u32 $0x1, s2;
	s8 =	smul.u32 $0x50000, s11  }
0x6: {  	[smem:$0x7FF] =	sst s3;
	s4 =	sadd.s32 $0x12000, s0;
	s6 =	smul.u32 $0x140000, s2  }
0x7: {  	s5 =	sadd.s32 $0x3000, s0;
	s10 =	smul.u32 $0x28000, s2;
	s2 =	ssub.s32 $0x2, s2  }
0x8: {  	_ =	strace $0x80000047;
	s8 =	sshrl.u32 s8, $0x2;
	s20 =	sshrl.u32 s2, $0x1  }
0x9: {  	s7 =	sadd.s32 s7, s6;
	s6 =	sadd.s32 $0xD000, s0;
	s8 =	sadd.s32 s8, s1  }
0xa: {  	s2 =	ssub.s32 s2, s20;
	s20 =	simm.s32 $0x14200;
	s21 =	sadd.s32 $0x4000, s8  }
0xb: {  	s9 =	sshrl.u32 s7, $0x3;
	s22 =	sadd.s32 $0x8000, s8;
	[dreg:$0x3] =	wrdreg s21  }
0xc: {  	s7 =	smul.u32 $0x2800, s11;
	s12 =	sadd.s32 $0xC000, s8;
	[dreg:$0x4] =	wrdreg s22  }
0xd: {  	s24 =	sadd.s32 $0x10000, s8;
	s19 =	smax.u32 s2, $0x1;
	[dreg:$0x5] =	wrdreg s12  }
0xe: {  	s2 =	simm.s32 $0x0;
	s0 =	sadd.s32 s9, s0;
	[dreg:$0x6] =	wrdreg s24  }
0xf: {  	s21 =	simm.s32 $0x7;
	s22 =	simm.s32 $0x14000;
	s24 =	simm.s32 $0x14080  }
.Ltmp0:
0x10: {  	s10 =	sadd.s32 s7, s10;
	s11 =	sshrl.u32 s7, $0x3;
	(pc) =	sbr.rel .LBB2_1-.Ltmp0, $4  }
0x11: {  	s18 =	sadd.s32 $0xB2000, s0;
	s23 =	sshrl.u32 s10, $0x3;
	s14 =	sadd.s32 s6, s11  }
0x12: {  	s0 =	simm.s32 $0x5;
	s13 =	sadd.s32 s5, s23;
	s26 =	sadd.s32 $0x10, s14  }
0x13: {  	s23 =	simm.s32 $0x14100;
	s25 =	sadd.s32 $0x10, s13;
	[dreg:$0x8] =	wrdreg s26  }
0x14: {  	v0 =	vimm.f32 $0.0e+00;
	s26 =	simm.s32 $0x80;
	[dreg:$0x7] =	wrdreg s25;
	s25 =	simm.s32 $0x14180  }
.LBB2_6:
0x15: {  	s9 =	stileid.u32;
	s2 =	sadd.s32 $0x1, s2  }
0x16: {  	[bflag:$0x0] =	sbarrier.arrive $0xFFFF;
	s9 =	sshll.u32 s9, $0x6;
	p0 =	sne.s32 s2, s19  }
.Ltmp1:
0x17: {  	s11 =	sshrl.u32 s8, $0x3;
	s9 =	sor.u32 $0x1C07, s9;
	(pc) =	sbr.rel @!p0 .LBB2_7-.Ltmp1, $4  }
0x18: {  	[hbm:s18], [sflag:s9] =	dma.local [spmem:s11], $0x2800  }
0x19: {  	_ =	swait.ge [sflag:s21], $0x2800  }
0x1a: {  	[sflag:s21] =	ssyncset.done $0x0  }
0x1b: {  	[sflag:s21] =	ssyncadd.s32 $0xFFFFD800  }
.LBB2_1:
0x1c: {  	s9 =	simm.s32 $0x0;
	s11 =	simm.s32 $0x200  }
.LBB2_2:
0x1d: {  	p0 =	sne.s32 s11, $0xFE00;
	[tilespmem:s9+$0x14270] =	vst v0  }
0x1e: {  	[tilespmem:s9+$0x14200] =	vst v0  }
0x1f: {  	[tilespmem:s9+$0x14210] =	vst v0  }
.Ltmp2:
0x20: {  	[tilespmem:s9+$0x14220] =	vst v0;
	(pc) =	sbr.rel @p0 .LBB2_2-.Ltmp2, $4  }
0x21: {  	[tilespmem:s9+$0x14230] =	vst v0  }
0x22: {  	[tilespmem:s9+$0x14240] =	vst v0  }
0x23: {  	[tilespmem:s9+$0x14250] =	vst v0  }
0x24: {  	[tilespmem:s9+$0x14260] =	vst v0;
	s9 =	sshra.s32 s11, $0x2;
	s11 =	sadd.s32 $0x200, s11  }
0x25: {  	[tilespmem:s9+$0x14270] =	vst v0  }
0x26: {  	[tilespmem:s9+$0x14200] =	vst v0  }
0x27: {  	[tilespmem:s9+$0x14210] =	vst v0  }
0x28: {  	[tilespmem:s9+$0x14220] =	vst v0  }
0x29: {  	[tilespmem:s9+$0x14230] =	vst v0  }
0x2a: {  	[tilespmem:s9+$0x14240] =	vst v0  }
0x2b: {  	[tilespmem:s9+$0x14250] =	vst v0  }
0x2c: {  	[tilespmem:s9+$0x14260] =	vst v0  }
0x2d: {  	[spmem:s8] =	stream.linear.scatter [tilespmem:s20], [sflag:$0x7], $0x4000, $0x38;
	[tilespmem:$0x1C200] =	vst v63  }
0x2e: {  	_ =	swait.ge [sflag:s21], $0x4000  }
0x2f: {  	[sflag:s21] =	ssyncset.done $0x0  }
0x30: {  	s17 =	rddreg [dreg:$0x3];
	[sflag:s21] =	ssyncadd.s32 $0xFFFFC000  }
0x31: {  	[spmem:s17] =	stream.linear.scatter [tilespmem:s20], [sflag:$0x7], $0x4000, $0x38;
	[tilespmem:$0x1C200] =	vst v63  }
0x32: {  	_ =	swait.ge [sflag:s21], $0x4000  }
0x33: {  	[sflag:s21] =	ssyncset.done $0x0  }
0x34: {  	s11 =	rddreg [dreg:$0x4];
	[sflag:s21] =	ssyncadd.s32 $0xFFFFC000  }
0x35: {  	[spmem:s11] =	stream.linear.scatter [tilespmem:s20], [sflag:$0x7], $0x4000, $0x38;
	[tilespmem:$0x1C200] =	vst v63  }
0x36: {  	_ =	swait.ge [sflag:s21], $0x4000  }
0x37: {  	[sflag:s21] =	ssyncset.done $0x0  }
0x38: {  	s12 =	rddreg [dreg:$0x5];
	[sflag:s21] =	ssyncadd.s32 $0xFFFFC000  }
0x39: {  	[spmem:s12] =	stream.linear.scatter [tilespmem:s20], [sflag:$0x7], $0x4000, $0x38;
	[tilespmem:$0x1C200] =	vst v63  }
0x3a: {  	_ =	swait.ge [sflag:s21], $0x4000  }
0x3b: {  	[sflag:s21] =	ssyncset.done $0x0  }
0x3c: {  	s15 =	rddreg [dreg:$0x6];
	[sflag:s21] =	ssyncadd.s32 $0xFFFFC000  }
0x3d: {  	[spmem:s15] =	stream.linear.scatter [tilespmem:s20], [sflag:$0x7], $0x4000, $0x38;
	[tilespmem:$0x1C200] =	vst v63  }
0x3e: {  	_ =	swait.ge [sflag:s21], $0x4000  }
0x3f: {  	[sflag:s21] =	ssyncset.done $0x0  }
0x40: {  	[sflag:s21] =	ssyncadd.s32 $0xFFFFC000  }
0x41: {  	[bflag:$0x0] =	sbarrier.arrive $0xFFFF  }
0x42: {  	[tilespmem:s22], [sflag:$0x7] =	stream.linear.gather [hbm4b:s13+s3], $0x80, $0x38;
	[tilespmem:$0x1C200] =	vst v63  }
0x43: {  	_ =	swait.ge [sflag:s21], $0x80  }
0x44: {  	[sflag:s21] =	ssyncset.done $0x0  }
0x45: {  	[sflag:s21] =	ssyncadd.s32 $0xFFFFFF80  }
0x46: {  	[tilespmem:s23], [sflag:$0x7] =	stream.linear.gather [hbm4b:s14+s3], $0x80, $0x38;
	[tilespmem:$0x1C200] =	vst v63  }
0x47: {  	_ =	swait.ge [sflag:s21], $0x80  }
0x48: {  	[sflag:s21] =	ssyncset.done $0x0  }
0x49: {  	s16 =	rddreg [dreg:$0x7];
	[sflag:s21] =	ssyncadd.s32 $0xFFFFFF80  }
0x4a: {  	[tilespmem:s24], [sflag:$0x7] =	stream.linear.gather [hbm4b:s16+s3], $0x80, $0x38;
	[tilespmem:$0x1C200] =	vst v63  }
0x4b: {  	_ =	swait.ge [sflag:s21], $0x80  }
0x4c: {  	[sflag:s21] =	ssyncset.done $0x0  }
0x4d: {  	s17 =	rddreg [dreg:$0x8];
	[sflag:s21] =	ssyncadd.s32 $0xFFFFFF80  }
0x4e: {  	[tilespmem:s25], [sflag:$0x7] =	stream.linear.gather [hbm4b:s17+s3], $0x80, $0x38;
	[tilespmem:$0x1C200] =	vst v63  }
0x4f: {  	_ =	swait.ge [sflag:s21], $0x80  }
0x50: {  	[sflag:s21] =	ssyncset.done $0x0  }
0x51: {  	[sflag:s21] =	ssyncadd.s32 $0xFFFFFF80  }
0x52: {  	[tilespmem:s20], [sflag:$0x1] =	stream.indirect.gather [hbm4b:s4+s26], $0x80, s22, s26, $0xb8;
	[tilespmem:$0x1C200] =	vst v63  }
0x53: {  	s9 =	simm.s32 $0x180  }
0x54: {  	[tilespmem:s28], [sflag:$0x2] =	stream.indirect.gather [hbm4b:s4+s26], $0x80, s24, s26, $0xb8;
	[tilespmem:$0x1C200] =	vst v63  }
.LBB2_4:
0x55: {  	p0 =	seq.s32 s9, $0x2880  }
0x56: {  	s11 =	sadd.s32 @!p0 $0xFFFFFF80, s9  }
0x57: {  	s15 =	sand.u32 @!p0 $0x7C00, s11  }
0x58: {  	_ =	swait.ge [sflag:s29], $0x4000;
	s16 =	sand.u32 @!p0 $0x300, s11;
	s12 =	sadd.s32 @!p0 s10, s15  }
0x59: {  	[sflag:s29] =	ssyncset.done $0x0;
	p1 =	seq.s32 @!p0 s9, $0x180;
	s11 =	sor.u32 @!p0 s16, s12  }
0x5a: {  	[sflag:s29] =	ssyncadd.s32 $0xFFFFC000;
	p2 =	por p0, !p1;
	s11 =	sshrl.u32 @!p0 s11, $0x3  }
0x5b: {  	s12 =	simm.s32 @!p0 $0x14000;
	s17 =	sadd.s32 @!p0 s5, s11;
	s11 =	simm.s32 @!p0 $0x0  }
0x5c: {  	[tilespmem:s12], [sflag:$0x3] =	stream.linear.gather @!p0 [hbm4b:s17+s11], $0x80, $0x38;
	[tilespmem:$0x1C200] =	vst v63  }
0x5d: {  	_ =	swait.ge @p2 [sflag:s0], $0x80  }
0x5e: {  	[sflag:s0] =	ssyncset.done @p2 $0x0  }
0x5f: {  	s15 =	sadd.s32 @!p0 s7, s15;
	[sflag:s0] =	ssyncadd.s32 @p2 $0xFFFFFF80  }
0x60: {  	[spmem:s1] =	stream.indirect.scatter.add.f32 [tilespmem:s20], [sflag:$0x7], $0x80, s23, s26, $0xb8;
	[tilespmem:$0x1C200] =	vst v63  }
0x61: {  	s15 =	sor.u32 @!p0 s16, s15;
	_ =	swait.ge [sflag:s21], $0x4000  }
0x62: {  	s15 =	sshrl.u32 @!p0 s15, $0x3;
	[sflag:s21] =	ssyncset.done $0x0  }
0x63: {  	s16 =	simm.s32 @!p0 $0x14100;
	s15 =	sadd.s32 @!p0 s6, s15;
	[sflag:s21] =	ssyncadd.s32 $0xFFFFC000  }
0x64: {  	[tilespmem:s16], [sflag:$0x5] =	stream.linear.gather @!p0 [hbm4b:s15+s11], $0x80, $0x38;
	[tilespmem:$0x1C200] =	vst v63  }
0x65: {  	s15 =	simm.s32 @!p0 $0x3  }
0x66: {  	_ =	swait.ge @!p0 [sflag:s15], $0x80  }
0x67: {  	[sflag:s15] =	ssyncset.done @!p0 $0x0  }
0x68: {  	s16 =	simm.s32 @!p0 $0x14200;
	[sflag:s15] =	ssyncadd.s32 @!p0 $0xFFFFFF80;
	s15 =	simm.s32 @!p0 $0x80  }
0x69: {  	[tilespmem:s16], [sflag:$0x1] =	stream.indirect.gather @!p0 [hbm4b:s4+s15], $0x80, s12, s15, $0xb8;
	[tilespmem:$0x1C200] =	vst v63  }
0x6a: {  	s12 =	sand.u32 @!p0 $0x7C00, s9  }
0x6b: {  	s15 =	sand.u32 @!p0 $0x380, s9;
	s12 =	sadd.s32 @!p0 s10, s12  }
0x6c: {  	p1 =	por @!p0 $0x1, $0x1;
	_ =	swait.ge [sflag:s30], $0x4000;
	s12 =	sor.u32 @!p0 s15, s12  }
0x6d: {  	p1 =	por @p2 $0x0, $0x0;
	[sflag:s30] =	ssyncset.done $0x0;
	s12 =	sshrl.u32 @!p0 s12, $0x3  }
0x6e: {  	s15 =	simm.s32 @!p0 $0x14080;
	[sflag:s30] =	ssyncadd.s32 $0xFFFFC000;
	s12 =	sadd.s32 @!p0 s5, s12  }
0x6f: {  	[tilespmem:s15], [sflag:$0x4] =	stream.linear.gather @!p0 [hbm4b:s12+s11], $0x80, $0x38;
	[tilespmem:$0x1C200] =	vst v63  }
0x70: {  	s11 =	simm.s32 @!p1 $0x6  }
0x71: {  	_ =	swait.ge @!p1 [sflag:s11], $0x80  }
0x72: {  	[sflag:s11] =	ssyncset.done @!p1 $0x0  }
.Ltmp3:
0x73: {  	[sflag:s11] =	ssyncadd.s32 @!p1 $0xFFFFFF80;
	(pc) =	sbr.rel @p0 .LBB2_6-.Ltmp3, $4  }
0x74: {  	[spmem:s1] =	stream.indirect.scatter.add.f32 [tilespmem:s28], [sflag:$0x7], $0x80, s25, s26, $0xb8;
	[tilespmem:$0x1C200] =	vst v63  }
0x75: {  	_ =	swait.ge [sflag:s21], $0x4000  }
0x76: {  	[sflag:s21] =	ssyncset.done $0x0  }
0x77: {  	[sflag:s21] =	ssyncadd.s32 $0xFFFFC000  }
0x78: {  	s11 =	sand.u32 $0x7C00, s9  }
0x79: {  	s12 =	sand.u32 $0x380, s9;
	s11 =	sadd.s32 s7, s11  }
0x7a: {  	s11 =	sor.u32 s12, s11  }
0x7b: {  	s11 =	sshrl.u32 s11, $0x3  }
0x7c: {  	s11 =	sadd.s32 s6, s11  }
0x7d: {  	[tilespmem:s25], [sflag:$0x6] =	stream.linear.gather [hbm4b:s11+s3], $0x80, $0x38;
	[tilespmem:$0x1C200] =	vst v63  }
.Ltmp4:
0x7e: {  	_ = 	snop;
	(pc) =	sbr.rel .LBB2_4-.Ltmp4, $4  }
0x7f: {  	_ =	swait.ge [sflag:s31], $0x80  }
0x80: {  	[sflag:s31] =	ssyncset.done $0x0  }
0x81: {  	s9 =	sadd.s32 $0x100, s9;
	[sflag:s31] =	ssyncadd.s32 $0xFFFFFF80  }
0x82: {  	[tilespmem:s28], [sflag:$0x2] =	stream.indirect.gather [hbm4b:s4+s26], $0x80, s24, s26, $0xb8;
	[tilespmem:$0x1C200] =	vst v63  }
.LBB2_7:
0x83: {  	_ =	sfence.sel $0x180000  }
0x84: {  	[bflag:$0x0] =	sbarrier.arrive $0xFFFF  }
0x85: {  	_ =	strace $0x90000047  }
0x86: {  	s0 =	stileid.u32;
	[bflag:$0x2] =	sbarrier.arrive $0xFFFF  }
0x87: {  	p0 =	sne.s32 s0, $0x0;
	s0 =	rddreg [dreg:$0x2]  }
0x88: {  	s0 =	sadd.s32 @!p0 $0x100000, s0  }
0x89: {  	[sflag:s0] =	ssyncadd.tile.s32 @!p0 $0x1;
	_ =	shalt  }
.Lfunc_end2:
_tile_overlayer_lowered:
.L_overlay_start_2:
0x8a: {  	(tag) =	ssettag $0x2  }
0x8b: {  	s0 =	rddreg [dreg:$0x0];
	s2 =	stileid.u32  }
0x8c: {  	s1 =	rddreg [dreg:$0x1];
	p0 =	sne.s32 s2, $0x0  }
0x8d: {  	s3 =	rddreg [dreg:$0x2];
	[bflag:$0x3] =	sbarrier.arrive $0xFFFF;
	s2 =	simm.s32 @!p0 $0x1C07  }
0x8e: {  	[timem:s3], [sflag:s2] =	dma.local @!p0 [hbm:s0], s1  }
0x8f: {  	s0 =	simm.s32 @!p0 $0x7  }
0x90: {  	_ =	swait.ge @!p0 [sflag:s0], s1  }
0x91: {  	s1 =	ssub.s32 @!p0 $0x0, s1;
	[sflag:s0] =	ssyncset.done @!p0 $0x0  }
0x92: {  	[sflag:s0] =	ssyncadd.s32 @!p0 s1  }
0x93: {  	[bflag:$0x3] =	sbarrier.arrive $0xFFFF  }
0x94: {  	_ =	shalt  }

// kernel: kernel.17.cloned.1.call-start
scs
__scs_entry_jumppad:
0x0: {  	(pc) =	sbr.rel $0x88, $3  }
0x1: {  	(tag) =	ssettag $0x0;
	lr =	simm.s32 $0x1  }
0x2: {  	[smem:$0x3F91] =	sst lr;
	_ =	strace $0xD0000000  }
0x3: {  	_ = 	snop  }
0x4: {  	_ = 	snop  }
0x5: {  	_ = 	snop  }
0x6: {  	_ = 	snop  }
0x7: {  	_ = 	snop  }
__scs_overlays_trampoline_lowered:
0x8: {  	[smem:$0x3FA0] =	sst s0  }
0x9: {  	[smem:$0x3FA1] =	sst s1  }
0xa: {  	[smem:$0x3FA2] =	sst s2  }
0xb: {  	[smem:$0x3FA3] =	sst s3  }
0xc: {  	[smem:$0x3FA4] =	sst s4  }
0xd: {  	[smem:$0x3FA5] =	sst s5  }
0xe: {  	[smem:$0x3FA6] =	sst s6  }
0xf: {  	[smem:$0x3FA7] =	sst s7  }
0x10: {  	[smem:$0x3FA8] =	sst s8  }
0x11: {  	[smem:$0x3FA9] =	sst s9;
	s0 =	simm.s32 @!p0 $0x0  }
0x12: {  	s1 =	sld [smem:$0x3F8F];
	s0 =	simm.s32 @p0 $0x1  }
0x13: {  	[smem:$0x3FAA] =	sst s0;
	s0 =	simm.s32 @!p1 $0x0  }
0x14: {  	s2 =	sld [smem:$0x3F8E];
	s0 =	simm.s32 @p1 $0x1  }
0x15: {  	[smem:$0x3FAB] =	sst s0;
	s0 =	simm.s32 @!p2 $0x0  }
0x16: {  	s3 =	sld [smem:$0x3FDB];
	s0 =	simm.s32 @p2 $0x1  }
0x17: {  	s4 =	simm.s32 $0x1BF5;
	[smem:$0x3FAD] =	sst s0  }
0x18: {  	s0 =	sld [smem:$0x3F90];
	_ =	swait.ge [sflag:s4], $0x0  }
0x19: {  	s7 =	sld [smem:$0x3F91]  }
0x1a: {  	s8 =	sadd.s32 $0xFFFFE003, lr  }
0x1b: {  	s9 =	sadd.s32 $0xFFFFFEF7, lr;
	s5 =	simm.s32 $0xFFFFFFFF;
	p2 =	slt.u32 s8, $0xFFFFF086  }
0x1c: {  	p1 =	slt.u32 s9, $0xF7A;
	s5 =	simm.s32 @!p2 $0x0  }
0x1d: {  	s5 =	simm.s32 @p1 $0x1;
	p0 =	seq.s32 s7, s2  }
0x1e: {  	s7 =	smul.u32 @!p0 $0xF7A, s2;
	p2 =	seq.s32 @!p0 s5, $0x0  }
0x1f: {  	s9 =	smul.u32 $0xF7A, s1;
	s8 =	simm.s32 @!p0 $0x1BF5;
	p2 =	por !p2, p0  }
0x20: {  	[sflag:s8] =	ssyncset.s32 @!p0 $0xFFFFF086;
	s6 =	sadd.s32 @!p0 s3, s7;
	s7 =	simm.s32 @!p0 $0x108  }
0x21: {  	s3 =	sadd.s32 s3, s9;
	s6 =	sadd.s32 @!p0 $0x88, s6;
	s7 =	simm.s32 @p2 $0x1082  }
0x22: {  	[simem:s7], [sflag:s8] =	dma.local @!p0 [hbm:s6], $0xF7A  }
0x23: {  	s9 =	sor.u32 $0xD0000000, s2;
	s6 =	simm.s32 $0x108;
	_ =	swait.ge @!p0 [sflag:s8], $0x0  }
0x24: {  	s3 =	sadd.s32 $0x88, s3;
	s6 =	simm.s32 @!p1 $0x1082;
	[sflag:s4] =	ssyncset.s32 $0xFFFFF086  }
0x25: {  	[simem:s6], [sflag:s4] =	dma.local [hbm:s3], $0xF7A  }
0x26: {  	[smem:$0x3F91] =	sst s1;
	(tag) =	ssettag s2;
	_ =	strace s9  }
0x27: {  	s1 =	sld [smem:$0x3FA1]  }
0x28: {  	s2 =	sld [smem:$0x3FA2]  }
0x29: {  	s4 =	sld [smem:$0x3FA4]  }
0x2a: {  	p0 =	seq.s32 s5, $0x0;
	s5 =	sld [smem:$0x3FA5]  }
0x2b: {  	s6 =	sld [smem:$0x3FA6]  }
0x2c: {  	s7 =	sld [smem:$0x3FA7]  }
0x2d: {  	s3 =	simm.s32 $0x108;
	s8 =	sld [smem:$0x3FA8]  }
0x2e: {  	s3 =	simm.s32 @!p0 $0x1082;
	s9 =	sld [smem:$0x3FA9]  }
0x2f: {  	lr =	sadd.s32 s0, s3;
	s0 =	sld [smem:$0x3FA0]  }
0x30: {  	s3 =	sld [smem:$0x3FA3]  }
0x31: {  	[smem:$0x3FAC] =	sst s10  }
0x32: {  	s10 =	sld [smem:$0x3FAA];
	_ =	sdelay $0x3  }
0x33: {  	p0 =	seq.s32 s10, $0x1;
	s10 =	sld [smem:$0x3FAC];
	_ =	sdelay $0x3  }
0x34: {  	[smem:$0x3FAC] =	sst s10  }
0x35: {  	s10 =	sld [smem:$0x3FAB];
	_ =	sdelay $0x3  }
0x36: {  	p1 =	seq.s32 s10, $0x1;
	s10 =	sld [smem:$0x3FAC];
	_ =	sdelay $0x3  }
0x37: {  	[smem:$0x3FAC] =	sst s10  }
0x38: {  	s10 =	sld [smem:$0x3FAD]  }
0x39: {  	_ = 	snop;
	(pc) =	sbr.ind lr, $3  }
0x3a: {  	_ = 	snop  }
0x3b: {  	_ = 	snop  }
0x3c: {  	p2 =	seq.s32 s10, $0x1;
	s10 =	sld [smem:$0x3FAC]  }
0x3d: {  	_ =	shalt  }
0x3e: {  	_ =	shalt  }
0x3f: {  	_ =	shalt  }
0x40: {  	_ =	shalt  }
0x41: {  	_ =	shalt  }
0x42: {  	_ =	shalt  }
0x43: {  	_ =	shalt  }
0x44: {  	_ =	shalt  }
0x45: {  	_ =	shalt  }
0x46: {  	_ =	shalt  }
0x47: {  	_ =	shalt  }
0x48: {  	_ =	shalt  }
0x49: {  	_ =	shalt  }
0x4a: {  	_ =	shalt  }
0x4b: {  	_ =	shalt  }
0x4c: {  	_ =	shalt  }
0x4d: {  	_ =	shalt  }
0x4e: {  	_ =	shalt  }
0x4f: {  	_ =	shalt  }
0x50: {  	_ =	shalt  }
0x51: {  	_ =	shalt  }
0x52: {  	_ =	shalt  }
0x53: {  	_ =	shalt  }
0x54: {  	_ =	shalt  }
0x55: {  	_ =	shalt  }
0x56: {  	_ =	shalt  }
0x57: {  	_ =	shalt  }
0x58: {  	_ =	shalt  }
0x59: {  	_ =	shalt  }
0x5a: {  	_ =	shalt  }
0x5b: {  	_ =	shalt  }
0x5c: {  	_ =	shalt  }
0x5d: {  	_ =	shalt  }
0x5e: {  	_ =	shalt  }
0x5f: {  	_ =	shalt  }
0x60: {  	_ =	shalt  }
0x61: {  	_ =	shalt  }
0x62: {  	_ =	shalt  }
0x63: {  	_ =	shalt  }
0x64: {  	_ =	shalt  }
0x65: {  	_ =	shalt  }
0x66: {  	_ =	shalt  }
0x67: {  	_ =	shalt  }
0x68: {  	_ =	shalt  }
0x69: {  	_ =	shalt  }
0x6a: {  	_ =	shalt  }
0x6b: {  	_ =	shalt  }
0x6c: {  	_ =	shalt  }
0x6d: {  	_ =	shalt  }
0x6e: {  	_ =	shalt  }
0x6f: {  	_ =	shalt  }
0x70: {  	_ =	shalt  }
0x71: {  	_ =	shalt  }
0x72: {  	_ =	shalt  }
0x73: {  	_ =	shalt  }
0x74: {  	_ =	shalt  }
0x75: {  	_ =	shalt  }
0x76: {  	_ =	shalt  }
0x77: {  	_ =	shalt  }
0x78: {  	_ =	shalt  }
0x79: {  	_ =	shalt  }
0x7a: {  	_ =	shalt  }
0x7b: {  	_ =	shalt  }
0x7c: {  	_ =	shalt  }
0x7d: {  	_ =	shalt  }
0x7e: {  	_ =	shalt  }
0x7f: {  	_ =	shalt  }
0x80: {  	_ =	shalt  }
0x81: {  	_ =	shalt  }
0x82: {  	_ =	shalt  }
0x83: {  	_ =	shalt  }
0x84: {  	_ =	shalt  }
0x85: {  	_ =	shalt  }
0x86: {  	_ =	shalt  }
0x87: {  	_ =	shalt  }
.Lfunc_end0:
.L_simem_size_0:
called_computation.2_lowered:
.L_overlay_start_0:
0x88: {  	s2 =	sld [smem:$0x3FD9]  }
0x89: {  	s3 =	sld [smem:$0x3FFE];
	_ =	sdelay $0x1  }
0x8a: {  	s1 =	srdreg.scid  }
0x8b: {  	s0 =	sand.u32 $0x1, s1  }
0x8c: {  	s16 =	sshll.u32 s0, $0xA;
	s2 =	sadd.s32 s3, s2  }
0x8d: {  	s2 =	sadd.s32 s2, s16  }
0x8e: {  	[smem:$0x3FB8] =	sst s2  }
0x8f: {  	_ = 	snop  }
0x90: {  	(tm) =	ssettm $0x1  }
0x91: {  	s17 =	sld [smem:$0x3FFB];
	_ =	sdelay $0x3  }
0x92: {  	_ =	strace s17  }
0x93: {  	s2 =	sld [smem:$0x3FFC];
	_ =	sdelay $0x3  }
0x94: {  	_ =	strace s2  }
0x95: {  	s2 =	sld [smem:$0x3FFD];
	_ =	sdelay $0x3  }
0x96: {  	_ =	strace s2  }
0x97: {  	_ =	strace $0x8FFFFFFF  }
0x98: {  	s18 =	sld [smem:$0x3FDB];
	_ =	sdelay $0x1  }
0x99: {  	s19 =	simm.s32 $_scs_section_size  }
0x9a: {  	s4 =	simm.s32 $_size__tile_overlayer_lowered;
	s5 =	simm.s32 $_tile_overlayer_lowered  }
0x9b: {  	s22 =	simm.s32 $0x1BFF;
	s21 =	sshll.u32 s5, $0x1;
	s2 =	sadd.s32 s19, s18  }
0x9c: {  	s6 =	simm.s32 $0x0;
	s20 =	sshll.u32 s4, $0x1;
	s4 =	sadd.s32 s21, s2  }
0x9d: {  	[timem:s6], [sflag:s22] =	dma.local [hbm:s4], s20  }
0x9e: {  	_ =	swait.ge [sflag:s22], s20  }
0x9f: {  	s3 =	ssub.s32 $0x0, s20;
	[sflag:s22] =	ssyncset.done $0x0  }
0xa0: {  	[sflag:s22] =	ssyncadd.s32 s3;
	_ =	sdelay $0x1  }
0xa1: {  	s23 =	simm.s32 $0x1B8B  }
0xa2: {  	_ =	swait.ge [sflag:s23], $0x1  }
0xa3: {  	[sflag:s23] =	ssyncset.done $0x0  }
0xa4: {  	s25 =	simm.s32 $0x1B8E;
	s24 =	sld [smem:$0x3FFE];
	[sflag:s23] =	ssyncadd.s32 $0xFFFFFFFF  }
0xa5: {  	s26 =	simm.s32 $execute0_lowered;
	[smem:$0x3FD2] =	sst s25  }
0xa6: {  	s4 =	sshll.u32 s26, $0x1;
	_ =	strace $0x8000004C;
	[dreg:$0x1] =	wrdreg $0xFFFFFFFF  }
0xa7: {  	s28 =	simm.s32 $_size_execute0_lowered;
	s2 =	sadd.s32 s2, s4;
	[dreg:$0x0] =	wrdreg $0x0  }
0xa8: {  	s4 =	sshll.u32 s28, $0x1;
	[dreg:$0x2] =	wrdreg s2  }
0xa9: {  	[dreg:$0x3] =	wrdreg s4  }
0xaa: {  	[dreg:$0x4] =	wrdreg $0xC0  }
0xab: {  	_ =	task [dreg:s6], $0x5FFFF  }
0xac: {  	[dreg:$0x1] =	wrdreg $0xFFFFFFFF  }
0xad: {  	[dreg:$0x0] =	wrdreg $0x60  }
0xae: {  	[dreg:$0x2] =	wrdreg s24  }
0xaf: {  	[dreg:$0x3] =	wrdreg $0x0  }
0xb0: {  	[dreg:$0x4] =	wrdreg $0x9  }
0xb1: {  	_ =	task.clear_ibuf [dreg:s6], $0x5FFFF;
	_ =	strace $0x9000004C  }
0xb2: {  	s29 =	simm.s32 $0x9;
	_ =	strace $0x8000004E  }
0xb3: {  	_ =	swait.ge [sflag:s29], $0x1  }
0xb4: {  	[sflag:s29] =	ssyncadd.s32 $0xFFFFFFFF  }
0xb5: {  	_ =	strace $0x9000004E  }
0xb6: {  	_ =	sfence  }
0xb7: {  	s30 =	sld [smem:$0x0];
	_ =	sdelay $0x2  }
0xb8: {  	s31 =	sshll.u32 s1, $0xD;
	s1 =	sshrl.u32 s1, $0x2  }
0xb9: {  	s3 =	sand.u32 $0x4000, s31;
	s1 =	sadd.s32 s1, s30  }
0xba: {  	s0 =	sor.u32 s3, s0;
	s1 =	sshll.u32 s1, $0x11  }
0xbb: {  	s0 =	sor.u32 s1, s0  }
0xbc: {  	s0 =	sadd.s32 $0x8F2B, s0  }
0xbd: {  	[sflag:s0] =	ssyncadd.remote.s32 $0x1  }
0xbe: {  	_ =	sfence.sel $0xFFFF  }
0xbf: {  	[dreg:$0x0] =	wrdreg $0xFFFFFFFF;
	(pc) =	sbr.abs _section_cstart, $3  }
0xc0: {  	[dreg:$0x1] =	wrdreg $0xFFFFFFFF  }
0xc1: {  	_ =	task.clear_ibuf [dreg:s6], $0x2FFFF;
	_ =	strace $0x9FFFFFFF  }
0xc2: {  	(tm) =	ssettm $0x7FFFFFFF  }
0xc3: {  	_ =	shalt  }
tec
execute0_lowered:
.L_overlay_start_1:
0x0: {  	(tag) =	ssettag $0x1  }
0x1: {  	s0 =	rddreg [dreg:$0x0]  }
0x2: {  	s1 =	rddreg [dreg:$0x1];
	s2 =	srdreg.scid  }
0x3: {  	s3 =	simm.s32 $0x0;
	s11 =	stileid.u32;
	s28 =	simm.s32 $0x18200  }
0x4: {  	s29 =	simm.s32 $0x1;
	s30 =	simm.s32 $0x2;
	s7 =	smul.u32 $0x14000, s11  }
0x5: {  	s31 =	simm.s32 $0x4;
	s2 =	sand.u32 $0x1, s2;
	s8 =	smul.u32 $0x50000, s11  }
0x6: {  	[smem:$0x7FF] =	sst s3;
	s4 =	sadd.s32 $0x12000, s0;
	s6 =	smul.u32 $0x140000, s2  }
0x7: {  	s5 =	sadd.s32 $0x3000, s0;
	s10 =	smul.u32 $0x28000, s2;
	s2 =	ssub.s32 $0x2, s2  }
0x8: {  	_ =	strace $0x8000004D;
	s8 =	sshrl.u32 s8, $0x2;
	s20 =	sshrl.u32 s2, $0x1  }
0x9: {  	s7 =	sadd.s32 s7, s6;
	s6 =	sadd.s32 $0xD000, s0;
	s8 =	sadd.s32 s8, s1  }
0xa: {  	s2 =	ssub.s32 s2, s20;
	s20 =	simm.s32 $0x14200;
	s21 =	sadd.s32 $0x4000, s8  }
0xb: {  	s9 =	sshrl.u32 s7, $0x3;
	s22 =	sadd.s32 $0x8000, s8;
	[dreg:$0x3] =	wrdreg s21  }
0xc: {  	s7 =	smul.u32 $0x2800, s11;
	s12 =	sadd.s32 $0xC000, s8;
	[dreg:$0x4] =	wrdreg s22  }
0xd: {  	s24 =	sadd.s32 $0x10000, s8;
	s19 =	smax.u32 s2, $0x1;
	[dreg:$0x5] =	wrdreg s12  }
0xe: {  	s2 =	simm.s32 $0x0;
	s0 =	sadd.s32 s9, s0;
	[dreg:$0x6] =	wrdreg s24  }
0xf: {  	s21 =	simm.s32 $0x7;
	s22 =	simm.s32 $0x14000;
	s24 =	simm.s32 $0x14080  }
.Ltmp0:
0x10: {  	s10 =	sadd.s32 s7, s10;
	s11 =	sshrl.u32 s7, $0x3;
	(pc) =	sbr.rel .LBB2_1-.Ltmp0, $4  }
0x11: {  	s18 =	sadd.s32 $0xB2000, s0;
	s23 =	sshrl.u32 s10, $0x3;
	s14 =	sadd.s32 s6, s11  }
0x12: {  	s0 =	simm.s32 $0x5;
	s13 =	sadd.s32 s5, s23;
	s26 =	sadd.s32 $0x10, s14  }
0x13: {  	s23 =	simm.s32 $0x14100;
	s25 =	sadd.s32 $0x10, s13;
	[dreg:$0x8] =	wrdreg s26  }
0x14: {  	v0 =	vimm.f32 $0.0e+00;
	s26 =	simm.s32 $0x80;
	[dreg:$0x7] =	wrdreg s25;
	s25 =	simm.s32 $0x14180  }
.LBB2_6:
0x15: {  	s9 =	stileid.u32;
	s2 =	sadd.s32 $0x1, s2  }
0x16: {  	[bflag:$0x0] =	sbarrier.arrive $0xFFFF;
	s9 =	sshll.u32 s9, $0x6;
	p0 =	sne.s32 s2, s19  }
.Ltmp1:
0x17: {  	s11 =	sshrl.u32 s8, $0x3;
	s9 =	sor.u32 $0x1C07, s9;
	(pc) =	sbr.rel @!p0 .LBB2_7-.Ltmp1, $4  }
0x18: {  	[hbm:s18], [sflag:s9] =	dma.local [spmem:s11], $0x2800  }
0x19: {  	_ =	swait.ge [sflag:s21], $0x2800  }
0x1a: {  	[sflag:s21] =	ssyncset.done $0x0  }
0x1b: {  	[sflag:s21] =	ssyncadd.s32 $0xFFFFD800  }
.LBB2_1:
0x1c: {  	s9 =	simm.s32 $0x0;
	s11 =	simm.s32 $0x200  }
.LBB2_2:
0x1d: {  	p0 =	sne.s32 s11, $0xFE00;
	[tilespmem:s9+$0x14270] =	vst v0  }
0x1e: {  	[tilespmem:s9+$0x14200] =	vst v0  }
0x1f: {  	[tilespmem:s9+$0x14210] =	vst v0  }
.Ltmp2:
0x20: {  	[tilespmem:s9+$0x14220] =	vst v0;
	(pc) =	sbr.rel @p0 .LBB2_2-.Ltmp2, $4  }
0x21: {  	[tilespmem:s9+$0x14230] =	vst v0  }
0x22: {  	[tilespmem:s9+$0x14240] =	vst v0  }
0x23: {  	[tilespmem:s9+$0x14250] =	vst v0  }
0x24: {  	[tilespmem:s9+$0x14260] =	vst v0;
	s9 =	sshra.s32 s11, $0x2;
	s11 =	sadd.s32 $0x200, s11  }
0x25: {  	[tilespmem:s9+$0x14270] =	vst v0  }
0x26: {  	[tilespmem:s9+$0x14200] =	vst v0  }
0x27: {  	[tilespmem:s9+$0x14210] =	vst v0  }
0x28: {  	[tilespmem:s9+$0x14220] =	vst v0  }
0x29: {  	[tilespmem:s9+$0x14230] =	vst v0  }
0x2a: {  	[tilespmem:s9+$0x14240] =	vst v0  }
0x2b: {  	[tilespmem:s9+$0x14250] =	vst v0  }
0x2c: {  	[tilespmem:s9+$0x14260] =	vst v0  }
0x2d: {  	[spmem:s8] =	stream.linear.scatter [tilespmem:s20], [sflag:$0x7], $0x4000, $0x38;
	[tilespmem:$0x1C200] =	vst v63  }
0x2e: {  	_ =	swait.ge [sflag:s21], $0x4000  }
0x2f: {  	[sflag:s21] =	ssyncset.done $0x0  }
0x30: {  	s17 =	rddreg [dreg:$0x3];
	[sflag:s21] =	ssyncadd.s32 $0xFFFFC000  }
0x31: {  	[spmem:s17] =	stream.linear.scatter [tilespmem:s20], [sflag:$0x7], $0x4000, $0x38;
	[tilespmem:$0x1C200] =	vst v63  }
0x32: {  	_ =	swait.ge [sflag:s21], $0x4000  }
0x33: {  	[sflag:s21] =	ssyncset.done $0x0  }
0x34: {  	s11 =	rddreg [dreg:$0x4];
	[sflag:s21] =	ssyncadd.s32 $0xFFFFC000  }
0x35: {  	[spmem:s11] =	stream.linear.scatter [tilespmem:s20], [sflag:$0x7], $0x4000, $0x38;
	[tilespmem:$0x1C200] =	vst v63  }
0x36: {  	_ =	swait.ge [sflag:s21], $0x4000  }
0x37: {  	[sflag:s21] =	ssyncset.done $0x0  }
0x38: {  	s12 =	rddreg [dreg:$0x5];
	[sflag:s21] =	ssyncadd.s32 $0xFFFFC000  }
0x39: {  	[spmem:s12] =	stream.linear.scatter [tilespmem:s20], [sflag:$0x7], $0x4000, $0x38;
	[tilespmem:$0x1C200] =	vst v63  }
0x3a: {  	_ =	swait.ge [sflag:s21], $0x4000  }
0x3b: {  	[sflag:s21] =	ssyncset.done $0x0  }
0x3c: {  	s15 =	rddreg [dreg:$0x6];
	[sflag:s21] =	ssyncadd.s32 $0xFFFFC000  }
0x3d: {  	[spmem:s15] =	stream.linear.scatter [tilespmem:s20], [sflag:$0x7], $0x4000, $0x38;
	[tilespmem:$0x1C200] =	vst v63  }
0x3e: {  	_ =	swait.ge [sflag:s21], $0x4000  }
0x3f: {  	[sflag:s21] =	ssyncset.done $0x0  }
0x40: {  	[sflag:s21] =	ssyncadd.s32 $0xFFFFC000  }
0x41: {  	[bflag:$0x0] =	sbarrier.arrive $0xFFFF  }
0x42: {  	[tilespmem:s22], [sflag:$0x7] =	stream.linear.gather [hbm4b:s13+s3], $0x80, $0x38;
	[tilespmem:$0x1C200] =	vst v63  }
0x43: {  	_ =	swait.ge [sflag:s21], $0x80  }
0x44: {  	[sflag:s21] =	ssyncset.done $0x0  }
0x45: {  	[sflag:s21] =	ssyncadd.s32 $0xFFFFFF80  }
0x46: {  	[tilespmem:s23], [sflag:$0x7] =	stream.linear.gather [hbm4b:s14+s3], $0x80, $0x38;
	[tilespmem:$0x1C200] =	vst v63  }
0x47: {  	_ =	swait.ge [sflag:s21], $0x80  }
0x48: {  	[sflag:s21] =	ssyncset.done $0x0  }
0x49: {  	s16 =	rddreg [dreg:$0x7];
	[sflag:s21] =	ssyncadd.s32 $0xFFFFFF80  }
0x4a: {  	[tilespmem:s24], [sflag:$0x7] =	stream.linear.gather [hbm4b:s16+s3], $0x80, $0x38;
	[tilespmem:$0x1C200] =	vst v63  }
0x4b: {  	_ =	swait.ge [sflag:s21], $0x80  }
0x4c: {  	[sflag:s21] =	ssyncset.done $0x0  }
0x4d: {  	s17 =	rddreg [dreg:$0x8];
	[sflag:s21] =	ssyncadd.s32 $0xFFFFFF80  }
0x4e: {  	[tilespmem:s25], [sflag:$0x7] =	stream.linear.gather [hbm4b:s17+s3], $0x80, $0x38;
	[tilespmem:$0x1C200] =	vst v63  }
0x4f: {  	_ =	swait.ge [sflag:s21], $0x80  }
0x50: {  	[sflag:s21] =	ssyncset.done $0x0  }
0x51: {  	[sflag:s21] =	ssyncadd.s32 $0xFFFFFF80  }
0x52: {  	[tilespmem:s20], [sflag:$0x1] =	stream.indirect.gather [hbm4b:s4+s26], $0x80, s22, s26, $0xb8;
	[tilespmem:$0x1C200] =	vst v63  }
0x53: {  	s9 =	simm.s32 $0x180  }
0x54: {  	[tilespmem:s28], [sflag:$0x2] =	stream.indirect.gather [hbm4b:s4+s26], $0x80, s24, s26, $0xb8;
	[tilespmem:$0x1C200] =	vst v63  }
.LBB2_4:
0x55: {  	p0 =	seq.s32 s9, $0x2880  }
0x56: {  	s11 =	sadd.s32 @!p0 $0xFFFFFF80, s9  }
0x57: {  	s15 =	sand.u32 @!p0 $0x7C00, s11  }
0x58: {  	_ =	swait.ge [sflag:s29], $0x4000;
	s16 =	sand.u32 @!p0 $0x300, s11;
	s12 =	sadd.s32 @!p0 s10, s15  }
0x59: {  	[sflag:s29] =	ssyncset.done $0x0;
	p1 =	seq.s32 @!p0 s9, $0x180;
	s11 =	sor.u32 @!p0 s16, s12  }
0x5a: {  	[sflag:s29] =	ssyncadd.s32 $0xFFFFC000;
	p2 =	por p0, !p1;
	s11 =	sshrl.u32 @!p0 s11, $0x3  }
0x5b: {  	s12 =	simm.s32 @!p0 $0x14000;
	s17 =	sadd.s32 @!p0 s5, s11;
	s11 =	simm.s32 @!p0 $0x0  }
0x5c: {  	[tilespmem:s12], [sflag:$0x3] =	stream.linear.gather @!p0 [hbm4b:s17+s11], $0x80, $0x38;
	[tilespmem:$0x1C200] =	vst v63  }
0x5d: {  	_ =	swait.ge @p2 [sflag:s0], $0x80  }
0x5e: {  	[sflag:s0] =	ssyncset.done @p2 $0x0  }
0x5f: {  	s15 =	sadd.s32 @!p0 s7, s15;
	[sflag:s0] =	ssyncadd.s32 @p2 $0xFFFFFF80  }
0x60: {  	[spmem:s1] =	stream.indirect.scatter.add.f32 [tilespmem:s20], [sflag:$0x7], $0x80, s23, s26, $0xb8;
	[tilespmem:$0x1C200] =	vst v63  }
0x61: {  	s15 =	sor.u32 @!p0 s16, s15;
	_ =	swait.ge [sflag:s21], $0x4000  }
0x62: {  	s15 =	sshrl.u32 @!p0 s15, $0x3;
	[sflag:s21] =	ssyncset.done $0x0  }
0x63: {  	s16 =	simm.s32 @!p0 $0x14100;
	s15 =	sadd.s32 @!p0 s6, s15;
	[sflag:s21] =	ssyncadd.s32 $0xFFFFC000  }
0x64: {  	[tilespmem:s16], [sflag:$0x5] =	stream.linear.gather @!p0 [hbm4b:s15+s11], $0x80, $0x38;
	[tilespmem:$0x1C200] =	vst v63  }
0x65: {  	s15 =	simm.s32 @!p0 $0x3  }
0x66: {  	_ =	swait.ge @!p0 [sflag:s15], $0x80  }
0x67: {  	[sflag:s15] =	ssyncset.done @!p0 $0x0  }
0x68: {  	s16 =	simm.s32 @!p0 $0x14200;
	[sflag:s15] =	ssyncadd.s32 @!p0 $0xFFFFFF80;
	s15 =	simm.s32 @!p0 $0x80  }
0x69: {  	[tilespmem:s16], [sflag:$0x1] =	stream.indirect.gather @!p0 [hbm4b:s4+s15], $0x80, s12, s15, $0xb8;
	[tilespmem:$0x1C200] =	vst v63  }
0x6a: {  	s12 =	sand.u32 @!p0 $0x7C00, s9  }
0x6b: {  	s15 =	sand.u32 @!p0 $0x380, s9;
	s12 =	sadd.s32 @!p0 s10, s12  }
0x6c: {  	p1 =	por @!p0 $0x1, $0x1;
	_ =	swait.ge [sflag:s30], $0x4000;
	s12 =	sor.u32 @!p0 s15, s12  }
0x6d: {  	p1 =	por @p2 $0x0, $0x0;
	[sflag:s30] =	ssyncset.done $0x0;
	s12 =	sshrl.u32 @!p0 s12, $0x3  }
0x6e: {  	s15 =	simm.s32 @!p0 $0x14080;
	[sflag:s30] =	ssyncadd.s32 $0xFFFFC000;
	s12 =	sadd.s32 @!p0 s5, s12  }
0x6f: {  	[tilespmem:s15], [sflag:$0x4] =	stream.linear.gather @!p0 [hbm4b:s12+s11], $0x80, $0x38;
	[tilespmem:$0x1C200] =	vst v63  }
0x70: {  	s11 =	simm.s32 @!p1 $0x6  }
0x71: {  	_ =	swait.ge @!p1 [sflag:s11], $0x80  }
0x72: {  	[sflag:s11] =	ssyncset.done @!p1 $0x0  }
.Ltmp3:
0x73: {  	[sflag:s11] =	ssyncadd.s32 @!p1 $0xFFFFFF80;
	(pc) =	sbr.rel @p0 .LBB2_6-.Ltmp3, $4  }
0x74: {  	[spmem:s1] =	stream.indirect.scatter.add.f32 [tilespmem:s28], [sflag:$0x7], $0x80, s25, s26, $0xb8;
	[tilespmem:$0x1C200] =	vst v63  }
0x75: {  	_ =	swait.ge [sflag:s21], $0x4000  }
0x76: {  	[sflag:s21] =	ssyncset.done $0x0  }
0x77: {  	[sflag:s21] =	ssyncadd.s32 $0xFFFFC000  }
0x78: {  	s11 =	sand.u32 $0x7C00, s9  }
0x79: {  	s12 =	sand.u32 $0x380, s9;
	s11 =	sadd.s32 s7, s11  }
0x7a: {  	s11 =	sor.u32 s12, s11  }
0x7b: {  	s11 =	sshrl.u32 s11, $0x3  }
0x7c: {  	s11 =	sadd.s32 s6, s11  }
0x7d: {  	[tilespmem:s25], [sflag:$0x6] =	stream.linear.gather [hbm4b:s11+s3], $0x80, $0x38;
	[tilespmem:$0x1C200] =	vst v63  }
.Ltmp4:
0x7e: {  	_ = 	snop;
	(pc) =	sbr.rel .LBB2_4-.Ltmp4, $4  }
0x7f: {  	_ =	swait.ge [sflag:s31], $0x80  }
0x80: {  	[sflag:s31] =	ssyncset.done $0x0  }
0x81: {  	s9 =	sadd.s32 $0x100, s9;
	[sflag:s31] =	ssyncadd.s32 $0xFFFFFF80  }
0x82: {  	[tilespmem:s28], [sflag:$0x2] =	stream.indirect.gather [hbm4b:s4+s26], $0x80, s24, s26, $0xb8;
	[tilespmem:$0x1C200] =	vst v63  }
.LBB2_7:
0x83: {  	_ =	sfence.sel $0x180000  }
0x84: {  	[bflag:$0x0] =	sbarrier.arrive $0xFFFF  }
0x85: {  	_ =	strace $0x9000004D  }
0x86: {  	s0 =	stileid.u32;
	[bflag:$0x2] =	sbarrier.arrive $0xFFFF  }
0x87: {  	p0 =	sne.s32 s0, $0x0;
	s0 =	rddreg [dreg:$0x2]  }
0x88: {  	s0 =	sadd.s32 @!p0 $0x100000, s0  }
0x89: {  	[sflag:s0] =	ssyncadd.tile.s32 @!p0 $0x1;
	_ =	shalt  }
.Lfunc_end2:
_tile_overlayer_lowered:
.L_overlay_start_2:
0x8a: {  	(tag) =	ssettag $0x2  }
0x8b: {  	s0 =	rddreg [dreg:$0x0];
	s2 =	stileid.u32  }
0x8c: {  	s1 =	rddreg [dreg:$0x1];
	p0 =	sne.s32 s2, $0x0  }
0x8d: {  	s3 =	rddreg [dreg:$0x2];
	[bflag:$0x3] =	sbarrier.arrive $0xFFFF;
	s2 =	simm.s32 @!p0 $0x1C07  }
0x8e: {  	[timem:s3], [sflag:s2] =	dma.local @!p0 [hbm:s0], s1  }
0x8f: {  	s0 =	simm.s32 @!p0 $0x7  }
0x90: {  	_ =	swait.ge @!p0 [sflag:s0], s1  }
0x91: {  	s1 =	ssub.s32 @!p0 $0x0, s1;
	[sflag:s0] =	ssyncset.done @!p0 $0x0  }
0x92: {  	[sflag:s0] =	ssyncadd.s32 @!p0 s1  }
0x93: {  	[bflag:$0x3] =	sbarrier.arrive $0xFFFF  }
0x94: {  	_ =	shalt  }

// kernel: kernel.20.cloned.1.call-start
scs
__scs_entry_jumppad:
0x0: {  	(pc) =	sbr.rel $0x88, $3  }
0x1: {  	(tag) =	ssettag $0x0;
	lr =	simm.s32 $0x1  }
0x2: {  	[smem:$0x3F91] =	sst lr;
	_ =	strace $0xD0000000  }
0x3: {  	_ = 	snop  }
0x4: {  	_ = 	snop  }
0x5: {  	_ = 	snop  }
0x6: {  	_ = 	snop  }
0x7: {  	_ = 	snop  }
__scs_overlays_trampoline_lowered:
0x8: {  	[smem:$0x3FA0] =	sst s0  }
0x9: {  	[smem:$0x3FA1] =	sst s1  }
0xa: {  	[smem:$0x3FA2] =	sst s2  }
0xb: {  	[smem:$0x3FA3] =	sst s3  }
0xc: {  	[smem:$0x3FA4] =	sst s4  }
0xd: {  	[smem:$0x3FA5] =	sst s5  }
0xe: {  	[smem:$0x3FA6] =	sst s6  }
0xf: {  	[smem:$0x3FA7] =	sst s7  }
0x10: {  	[smem:$0x3FA8] =	sst s8  }
0x11: {  	[smem:$0x3FA9] =	sst s9;
	s0 =	simm.s32 @!p0 $0x0  }
0x12: {  	s1 =	sld [smem:$0x3F8F];
	s0 =	simm.s32 @p0 $0x1  }
0x13: {  	[smem:$0x3FAA] =	sst s0;
	s0 =	simm.s32 @!p1 $0x0  }
0x14: {  	s2 =	sld [smem:$0x3F8E];
	s0 =	simm.s32 @p1 $0x1  }
0x15: {  	[smem:$0x3FAB] =	sst s0;
	s0 =	simm.s32 @!p2 $0x0  }
0x16: {  	s3 =	sld [smem:$0x3FDB];
	s0 =	simm.s32 @p2 $0x1  }
0x17: {  	s4 =	simm.s32 $0x1BF5;
	[smem:$0x3FAD] =	sst s0  }
0x18: {  	s0 =	sld [smem:$0x3F90];
	_ =	swait.ge [sflag:s4], $0x0  }
0x19: {  	s7 =	sld [smem:$0x3F91]  }
0x1a: {  	s8 =	sadd.s32 $0xFFFFE003, lr  }
0x1b: {  	s9 =	sadd.s32 $0xFFFFFEF7, lr;
	s5 =	simm.s32 $0xFFFFFFFF;
	p2 =	slt.u32 s8, $0xFFFFF086  }
0x1c: {  	p1 =	slt.u32 s9, $0xF7A;
	s5 =	simm.s32 @!p2 $0x0  }
0x1d: {  	s5 =	simm.s32 @p1 $0x1;
	p0 =	seq.s32 s7, s2  }
0x1e: {  	s7 =	smul.u32 @!p0 $0xF7A, s2;
	p2 =	seq.s32 @!p0 s5, $0x0  }
0x1f: {  	s9 =	smul.u32 $0xF7A, s1;
	s8 =	simm.s32 @!p0 $0x1BF5;
	p2 =	por !p2, p0  }
0x20: {  	[sflag:s8] =	ssyncset.s32 @!p0 $0xFFFFF086;
	s6 =	sadd.s32 @!p0 s3, s7;
	s7 =	simm.s32 @!p0 $0x108  }
0x21: {  	s3 =	sadd.s32 s3, s9;
	s6 =	sadd.s32 @!p0 $0x88, s6;
	s7 =	simm.s32 @p2 $0x1082  }
0x22: {  	[simem:s7], [sflag:s8] =	dma.local @!p0 [hbm:s6], $0xF7A  }
0x23: {  	s9 =	sor.u32 $0xD0000000, s2;
	s6 =	simm.s32 $0x108;
	_ =	swait.ge @!p0 [sflag:s8], $0x0  }
0x24: {  	s3 =	sadd.s32 $0x88, s3;
	s6 =	simm.s32 @!p1 $0x1082;
	[sflag:s4] =	ssyncset.s32 $0xFFFFF086  }
0x25: {  	[simem:s6], [sflag:s4] =	dma.local [hbm:s3], $0xF7A  }
0x26: {  	[smem:$0x3F91] =	sst s1;
	(tag) =	ssettag s2;
	_ =	strace s9  }
0x27: {  	s1 =	sld [smem:$0x3FA1]  }
0x28: {  	s2 =	sld [smem:$0x3FA2]  }
0x29: {  	s4 =	sld [smem:$0x3FA4]  }
0x2a: {  	p0 =	seq.s32 s5, $0x0;
	s5 =	sld [smem:$0x3FA5]  }
0x2b: {  	s6 =	sld [smem:$0x3FA6]  }
0x2c: {  	s7 =	sld [smem:$0x3FA7]  }
0x2d: {  	s3 =	simm.s32 $0x108;
	s8 =	sld [smem:$0x3FA8]  }
0x2e: {  	s3 =	simm.s32 @!p0 $0x1082;
	s9 =	sld [smem:$0x3FA9]  }
0x2f: {  	lr =	sadd.s32 s0, s3;
	s0 =	sld [smem:$0x3FA0]  }
0x30: {  	s3 =	sld [smem:$0x3FA3]  }
0x31: {  	[smem:$0x3FAC] =	sst s10  }
0x32: {  	s10 =	sld [smem:$0x3FAA];
	_ =	sdelay $0x3  }
0x33: {  	p0 =	seq.s32 s10, $0x1;
	s10 =	sld [smem:$0x3FAC];
	_ =	sdelay $0x3  }
0x34: {  	[smem:$0x3FAC] =	sst s10  }
0x35: {  	s10 =	sld [smem:$0x3FAB];
	_ =	sdelay $0x3  }
0x36: {  	p1 =	seq.s32 s10, $0x1;
	s10 =	sld [smem:$0x3FAC];
	_ =	sdelay $0x3  }
0x37: {  	[smem:$0x3FAC] =	sst s10  }
0x38: {  	s10 =	sld [smem:$0x3FAD]  }
0x39: {  	_ = 	snop;
	(pc) =	sbr.ind lr, $3  }
0x3a: {  	_ = 	snop  }
0x3b: {  	_ = 	snop  }
0x3c: {  	p2 =	seq.s32 s10, $0x1;
	s10 =	sld [smem:$0x3FAC]  }
0x3d: {  	_ =	shalt  }
0x3e: {  	_ =	shalt  }
0x3f: {  	_ =	shalt  }
0x40: {  	_ =	shalt  }
0x41: {  	_ =	shalt  }
0x42: {  	_ =	shalt  }
0x43: {  	_ =	shalt  }
0x44: {  	_ =	shalt  }
0x45: {  	_ =	shalt  }
0x46: {  	_ =	shalt  }
0x47: {  	_ =	shalt  }
0x48: {  	_ =	shalt  }
0x49: {  	_ =	shalt  }
0x4a: {  	_ =	shalt  }
0x4b: {  	_ =	shalt  }
0x4c: {  	_ =	shalt  }
0x4d: {  	_ =	shalt  }
0x4e: {  	_ =	shalt  }
0x4f: {  	_ =	shalt  }
0x50: {  	_ =	shalt  }
0x51: {  	_ =	shalt  }
0x52: {  	_ =	shalt  }
0x53: {  	_ =	shalt  }
0x54: {  	_ =	shalt  }
0x55: {  	_ =	shalt  }
0x56: {  	_ =	shalt  }
0x57: {  	_ =	shalt  }
0x58: {  	_ =	shalt  }
0x59: {  	_ =	shalt  }
0x5a: {  	_ =	shalt  }
0x5b: {  	_ =	shalt  }
0x5c: {  	_ =	shalt  }
0x5d: {  	_ =	shalt  }
0x5e: {  	_ =	shalt  }
0x5f: {  	_ =	shalt  }
0x60: {  	_ =	shalt  }
0x61: {  	_ =	shalt  }
0x62: {  	_ =	shalt  }
0x63: {  	_ =	shalt  }
0x64: {  	_ =	shalt  }
0x65: {  	_ =	shalt  }
0x66: {  	_ =	shalt  }
0x67: {  	_ =	shalt  }
0x68: {  	_ =	shalt  }
0x69: {  	_ =	shalt  }
0x6a: {  	_ =	shalt  }
0x6b: {  	_ =	shalt  }
0x6c: {  	_ =	shalt  }
0x6d: {  	_ =	shalt  }
0x6e: {  	_ =	shalt  }
0x6f: {  	_ =	shalt  }
0x70: {  	_ =	shalt  }
0x71: {  	_ =	shalt  }
0x72: {  	_ =	shalt  }
0x73: {  	_ =	shalt  }
0x74: {  	_ =	shalt  }
0x75: {  	_ =	shalt  }
0x76: {  	_ =	shalt  }
0x77: {  	_ =	shalt  }
0x78: {  	_ =	shalt  }
0x79: {  	_ =	shalt  }
0x7a: {  	_ =	shalt  }
0x7b: {  	_ =	shalt  }
0x7c: {  	_ =	shalt  }
0x7d: {  	_ =	shalt  }
0x7e: {  	_ =	shalt  }
0x7f: {  	_ =	shalt  }
0x80: {  	_ =	shalt  }
0x81: {  	_ =	shalt  }
0x82: {  	_ =	shalt  }
0x83: {  	_ =	shalt  }
0x84: {  	_ =	shalt  }
0x85: {  	_ =	shalt  }
0x86: {  	_ =	shalt  }
0x87: {  	_ =	shalt  }
.Lfunc_end0:
.L_simem_size_0:
called_computation.3_lowered:
.L_overlay_start_0:
0x88: {  	s2 =	sld [smem:$0x3FD9]  }
0x89: {  	s3 =	sld [smem:$0x3FFE];
	_ =	sdelay $0x1  }
0x8a: {  	s1 =	srdreg.scid  }
0x8b: {  	s0 =	sand.u32 $0x1, s1  }
0x8c: {  	s16 =	sshll.u32 s0, $0xA;
	s2 =	sadd.s32 s3, s2  }
0x8d: {  	s2 =	sadd.s32 s2, s16  }
0x8e: {  	[smem:$0x3FB8] =	sst s2  }
0x8f: {  	_ = 	snop  }
0x90: {  	(tm) =	ssettm $0x1  }
0x91: {  	s17 =	sld [smem:$0x3FFB];
	_ =	sdelay $0x3  }
0x92: {  	_ =	strace s17  }
0x93: {  	s2 =	sld [smem:$0x3FFC];
	_ =	sdelay $0x3  }
0x94: {  	_ =	strace s2  }
0x95: {  	s2 =	sld [smem:$0x3FFD];
	_ =	sdelay $0x3  }
0x96: {  	_ =	strace s2  }
0x97: {  	_ =	strace $0x8FFFFFFF  }
0x98: {  	s18 =	sld [smem:$0x3FDB];
	_ =	sdelay $0x1  }
0x99: {  	s19 =	simm.s32 $_scs_section_size  }
0x9a: {  	s4 =	simm.s32 $_size__tile_overlayer_lowered;
	s5 =	simm.s32 $_tile_overlayer_lowered  }
0x9b: {  	s22 =	simm.s32 $0x1BFF;
	s21 =	sshll.u32 s5, $0x1;
	s2 =	sadd.s32 s19, s18  }
0x9c: {  	s6 =	simm.s32 $0x0;
	s20 =	sshll.u32 s4, $0x1;
	s4 =	sadd.s32 s21, s2  }
0x9d: {  	[timem:s6], [sflag:s22] =	dma.local [hbm:s4], s20  }
0x9e: {  	_ =	swait.ge [sflag:s22], s20  }
0x9f: {  	s3 =	ssub.s32 $0x0, s20;
	[sflag:s22] =	ssyncset.done $0x0  }
0xa0: {  	[sflag:s22] =	ssyncadd.s32 s3;
	_ =	sdelay $0x1  }
0xa1: {  	s23 =	simm.s32 $0x1B8B  }
0xa2: {  	_ =	swait.ge [sflag:s23], $0x1  }
0xa3: {  	[sflag:s23] =	ssyncset.done $0x0  }
0xa4: {  	s25 =	simm.s32 $0x1B8E;
	s24 =	sld [smem:$0x3FFE];
	[sflag:s23] =	ssyncadd.s32 $0xFFFFFFFF  }
0xa5: {  	s26 =	simm.s32 $execute0_lowered;
	[smem:$0x3FD2] =	sst s25  }
0xa6: {  	s4 =	sshll.u32 s26, $0x1;
	_ =	strace $0x8000004F;
	[dreg:$0x1] =	wrdreg $0xFFFFFFFF  }
0xa7: {  	s28 =	simm.s32 $_size_execute0_lowered;
	s2 =	sadd.s32 s2, s4;
	[dreg:$0x0] =	wrdreg $0x0  }
0xa8: {  	s4 =	sshll.u32 s28, $0x1;
	[dreg:$0x2] =	wrdreg s2  }
0xa9: {  	[dreg:$0x3] =	wrdreg s4  }
0xaa: {  	[dreg:$0x4] =	wrdreg $0xC0  }
0xab: {  	_ =	task [dreg:s6], $0x5FFFF  }
0xac: {  	[dreg:$0x1] =	wrdreg $0xFFFFFFFF  }
0xad: {  	[dreg:$0x0] =	wrdreg $0x60  }
0xae: {  	[dreg:$0x2] =	wrdreg s24  }
0xaf: {  	[dreg:$0x3] =	wrdreg $0x0  }
0xb0: {  	[dreg:$0x4] =	wrdreg $0x9  }
0xb1: {  	_ =	task.clear_ibuf [dreg:s6], $0x5FFFF;
	_ =	strace $0x9000004F  }
0xb2: {  	s29 =	simm.s32 $0x9;
	_ =	strace $0x80000051  }
0xb3: {  	_ =	swait.ge [sflag:s29], $0x1  }
0xb4: {  	[sflag:s29] =	ssyncadd.s32 $0xFFFFFFFF  }
0xb5: {  	_ =	strace $0x90000051  }
0xb6: {  	_ =	sfence  }
0xb7: {  	s30 =	sld [smem:$0x0];
	_ =	sdelay $0x2  }
0xb8: {  	s31 =	sshll.u32 s1, $0xD;
	s1 =	sshrl.u32 s1, $0x2  }
0xb9: {  	s3 =	sand.u32 $0x4000, s31;
	s1 =	sadd.s32 s1, s30  }
0xba: {  	s0 =	sor.u32 s3, s0;
	s1 =	sshll.u32 s1, $0x11  }
0xbb: {  	s0 =	sor.u32 s1, s0  }
0xbc: {  	s0 =	sadd.s32 $0x8F2B, s0  }
0xbd: {  	[sflag:s0] =	ssyncadd.remote.s32 $0x1  }
0xbe: {  	_ =	sfence.sel $0xFFFF  }
0xbf: {  	[dreg:$0x0] =	wrdreg $0xFFFFFFFF;
	(pc) =	sbr.abs _section_cstart, $3  }
0xc0: {  	[dreg:$0x1] =	wrdreg $0xFFFFFFFF  }
0xc1: {  	_ =	task.clear_ibuf [dreg:s6], $0x2FFFF;
	_ =	strace $0x9FFFFFFF  }
0xc2: {  	(tm) =	ssettm $0x7FFFFFFF  }
0xc3: {  	_ =	shalt  }
tec
execute0_lowered:
.L_overlay_start_1:
0x0: {  	(tag) =	ssettag $0x1  }
0x1: {  	s0 =	rddreg [dreg:$0x0]  }
0x2: {  	s1 =	rddreg [dreg:$0x1];
	s2 =	srdreg.scid  }
0x3: {  	s3 =	simm.s32 $0x0;
	s10 =	stileid.u32;
	s28 =	simm.s32 $0x18200  }
0x4: {  	s29 =	simm.s32 $0x1;
	s30 =	simm.s32 $0x2;
	s31 =	simm.s32 $0x4  }
0x5: {  	s2 =	sand.u32 $0x1, s2;
	[smem:$0x7FF] =	sst s3;
	s7 =	smul.u32 $0x14000, s10  }
0x6: {  	s4 =	sadd.s32 $0x12000, s0;
	s5 =	sadd.s32 $0x3000, s0;
	s8 =	smul.u32 $0x50000, s10  }
0x7: {  	s6 =	smul.u32 $0x140000, s2;
	_ =	strace $0x80000050;
	s19 =	ssub.s32 $0x2, s2  }
0x8: {  	s11 =	sshrl.u32 s8, $0x2;
	s8 =	smul.u32 $0x1400, s2;
	s20 =	sshrl.u32 s19, $0x1  }
0x9: {  	s7 =	sadd.s32 s7, s6;
	s6 =	sadd.s32 $0xD000, s0;
	s2 =	ssub.s32 s19, s20  }
0xa: {  	s20 =	simm.s32 $0x14200;
	s9 =	sshrl.u32 s7, $0x3;
	s7 =	smul.u32 $0x2800, s10  }
0xb: {  	s19 =	smax.u32 s2, $0x1;
	s0 =	sadd.s32 s9, s0;
	s9 =	sadd.s32 s11, s1  }
0xc: {  	s2 =	simm.s32 $0x0;
	s21 =	sadd.s32 $0x4000, s9;
	s22 =	sadd.s32 s8, s7  }
0xd: {  	s11 =	sadd.s32 $0x8000, s9;
	s23 =	sadd.s32 $0xC000, s9;
	[dreg:$0x3] =	wrdreg s21  }
0xe: {  	s24 =	sadd.s32 $0x10000, s9;
	s18 =	sadd.s32 $0x3A000, s0;
	[dreg:$0x4] =	wrdreg s11  }
0xf: {  	s0 =	simm.s32 $0x5;
	[dreg:$0x5] =	wrdreg s23;
	s10 =	sshrl.u32 s22, $0x3  }
.Ltmp0:
0x10: {  	[dreg:$0x6] =	wrdreg s24;
	s21 =	simm.s32 $0x7;
	(pc) =	sbr.rel .LBB2_1-.Ltmp0, $4  }
0x11: {  	s22 =	simm.s32 $0x14000;
	s23 =	simm.s32 $0x14100;
	s25 =	sadd.s32 s5, s10  }
0x12: {  	s26 =	sor.u32 $0x10, s10;
	s10 =	sadd.s32 s6, s10;
	[dreg:$0x7] =	wrdreg s25  }
0x13: {  	s24 =	simm.s32 $0x14080;
	[dreg:$0x8] =	wrdreg s10;
	s16 =	sadd.s32 s5, s26  }
0x14: {  	v0 =	vimm.f32 $0.0e+00;
	s17 =	sadd.s32 s6, s26;
	s25 =	simm.s32 $0x14180;
	s26 =	simm.s32 $0x80  }
.LBB2_9:
0x15: {  	s10 =	stileid.u32;
	s2 =	sadd.s32 $0x1, s2  }
0x16: {  	[bflag:$0x0] =	sbarrier.arrive $0xFFFF;
	s10 =	sshll.u32 s10, $0x6;
	p0 =	sne.s32 s2, s19  }
.Ltmp1:
0x17: {  	s11 =	sshrl.u32 s9, $0x3;
	s10 =	sor.u32 $0x1C07, s10;
	(pc) =	sbr.rel @!p0 .LBB2_10-.Ltmp1, $4  }
0x18: {  	[hbm:s18], [sflag:s10] =	dma.local [spmem:s11], $0x2800  }
0x19: {  	_ =	swait.ge [sflag:s21], $0x2800  }
0x1a: {  	[sflag:s21] =	ssyncset.done $0x0  }
0x1b: {  	[sflag:s21] =	ssyncadd.s32 $0xFFFFD800  }
.LBB2_1:
0x1c: {  	s10 =	simm.s32 $0x0;
	s11 =	simm.s32 $0x200  }
.LBB2_2:
0x1d: {  	p0 =	sne.s32 s11, $0xFE00;
	[tilespmem:s10+$0x14270] =	vst v0  }
0x1e: {  	[tilespmem:s10+$0x14200] =	vst v0  }
0x1f: {  	[tilespmem:s10+$0x14210] =	vst v0  }
.Ltmp2:
0x20: {  	[tilespmem:s10+$0x14220] =	vst v0;
	(pc) =	sbr.rel @p0 .LBB2_2-.Ltmp2, $4  }
0x21: {  	[tilespmem:s10+$0x14230] =	vst v0  }
0x22: {  	[tilespmem:s10+$0x14240] =	vst v0  }
0x23: {  	[tilespmem:s10+$0x14250] =	vst v0  }
0x24: {  	[tilespmem:s10+$0x14260] =	vst v0;
	s10 =	sshra.s32 s11, $0x2;
	s11 =	sadd.s32 $0x200, s11  }
0x25: {  	[tilespmem:s10+$0x14270] =	vst v0  }
0x26: {  	[tilespmem:s10+$0x14200] =	vst v0  }
0x27: {  	[tilespmem:s10+$0x14210] =	vst v0  }
0x28: {  	[tilespmem:s10+$0x14220] =	vst v0  }
0x29: {  	[tilespmem:s10+$0x14230] =	vst v0  }
0x2a: {  	[tilespmem:s10+$0x14240] =	vst v0  }
0x2b: {  	[tilespmem:s10+$0x14250] =	vst v0  }
0x2c: {  	[tilespmem:s10+$0x14260] =	vst v0  }
0x2d: {  	[spmem:s9] =	stream.linear.scatter [tilespmem:s20], [sflag:$0x7], $0x4000, $0x38;
	[tilespmem:$0x1C200] =	vst v63  }
0x2e: {  	_ =	swait.ge [sflag:s21], $0x4000  }
0x2f: {  	[sflag:s21] =	ssyncset.done $0x0  }
0x30: {  	s11 =	rddreg [dreg:$0x3];
	[sflag:s21] =	ssyncadd.s32 $0xFFFFC000  }
0x31: {  	[spmem:s11] =	stream.linear.scatter [tilespmem:s20], [sflag:$0x7], $0x4000, $0x38;
	[tilespmem:$0x1C200] =	vst v63  }
0x32: {  	_ =	swait.ge [sflag:s21], $0x4000  }
0x33: {  	[sflag:s21] =	ssyncset.done $0x0  }
0x34: {  	s12 =	rddreg [dreg:$0x4];
	[sflag:s21] =	ssyncadd.s32 $0xFFFFC000  }
0x35: {  	[spmem:s12] =	stream.linear.scatter [tilespmem:s20], [sflag:$0x7], $0x4000, $0x38;
	[tilespmem:$0x1C200] =	vst v63  }
0x36: {  	_ =	swait.ge [sflag:s21], $0x4000  }
0x37: {  	[sflag:s21] =	ssyncset.done $0x0  }
0x38: {  	s13 =	rddreg [dreg:$0x5];
	[sflag:s21] =	ssyncadd.s32 $0xFFFFC000  }
0x39: {  	[spmem:s13] =	stream.linear.scatter [tilespmem:s20], [sflag:$0x7], $0x4000, $0x38;
	[tilespmem:$0x1C200] =	vst v63  }
0x3a: {  	_ =	swait.ge [sflag:s21], $0x4000  }
0x3b: {  	[sflag:s21] =	ssyncset.done $0x0  }
0x3c: {  	s14 =	rddreg [dreg:$0x6];
	[sflag:s21] =	ssyncadd.s32 $0xFFFFC000  }
0x3d: {  	[spmem:s14] =	stream.linear.scatter [tilespmem:s20], [sflag:$0x7], $0x4000, $0x38;
	[tilespmem:$0x1C200] =	vst v63  }
0x3e: {  	_ =	swait.ge [sflag:s21], $0x4000  }
0x3f: {  	[sflag:s21] =	ssyncset.done $0x0  }
0x40: {  	[sflag:s21] =	ssyncadd.s32 $0xFFFFC000  }
0x41: {  	[bflag:$0x0] =	sbarrier.arrive $0xFFFF  }
0x42: {  	s10 =	simm.s32 $0x0;
	s11 =	rddreg [dreg:$0x7]  }
0x43: {  	[tilespmem:s22], [sflag:$0x7] =	stream.linear.gather [hbm4b:s11+s10], $0x80, $0x38;
	[tilespmem:$0x1C200] =	vst v63  }
0x44: {  	_ =	swait.ge [sflag:s21], $0x80  }
0x45: {  	[sflag:s21] =	ssyncset.done $0x0  }
0x46: {  	s15 =	rddreg [dreg:$0x8];
	[sflag:s21] =	ssyncadd.s32 $0xFFFFFF80  }
0x47: {  	[tilespmem:s23], [sflag:$0x7] =	stream.linear.gather [hbm4b:s15+s10], $0x80, $0x38;
	[tilespmem:$0x1C200] =	vst v63  }
0x48: {  	_ =	swait.ge [sflag:s21], $0x80  }
0x49: {  	[sflag:s21] =	ssyncset.done $0x0  }
0x4a: {  	[sflag:s21] =	ssyncadd.s32 $0xFFFFFF80  }
0x4b: {  	[tilespmem:s24], [sflag:$0x7] =	stream.linear.gather [hbm4b:s16+s10], $0x80, $0x38;
	[tilespmem:$0x1C200] =	vst v63  }
0x4c: {  	_ =	swait.ge [sflag:s21], $0x80  }
0x4d: {  	[sflag:s21] =	ssyncset.done $0x0  }
0x4e: {  	[sflag:s21] =	ssyncadd.s32 $0xFFFFFF80  }
0x4f: {  	[tilespmem:s25], [sflag:$0x7] =	stream.linear.gather [hbm4b:s17+s10], $0x80, $0x38;
	[tilespmem:$0x1C200] =	vst v63  }
0x50: {  	_ =	swait.ge [sflag:s21], $0x80  }
0x51: {  	[sflag:s21] =	ssyncset.done $0x0  }
0x52: {  	[sflag:s21] =	ssyncadd.s32 $0xFFFFFF80  }
0x53: {  	[tilespmem:s20], [sflag:$0x1] =	stream.indirect.gather [hbm4b:s4+s26], $0x80, s22, s26, $0xb8;
	[tilespmem:$0x1C200] =	vst v63  }
0x54: {  	_ = 	snop  }
0x55: {  	[tilespmem:s28], [sflag:$0x2] =	stream.indirect.gather [hbm4b:s4+s26], $0x80, s24, s26, $0xb8;
	[tilespmem:$0x1C200] =	vst v63  }
.LBB2_4:
0x56: {  	p0 =	seq.s32 s10, $0x1300  }
0x57: {  	s11 =	sadd.s32 @!p0 s10, s8  }
0x58: {  	p1 =	seq.s32 @!p0 s10, $0x0;
	s12 =	sadd.s32 @!p0 $0x100, s11  }
0x59: {  	_ =	swait.ge [sflag:s29], $0x4000;
	p1 =	por p0, !p1;
	s13 =	sand.u32 @!p0 $0x7C00, s12  }
.Ltmp3:
0x5a: {  	s12 =	sand.u32 @!p0 $0x300, s12;
	s13 =	sadd.s32 @!p0 s7, s13;
	(pc) =	sbr.rel @!p1 .LBB2_5-.Ltmp3, $4  }
0x5b: {  	[sflag:s29] =	ssyncset.done $0x0;
	s12 =	sor.u32 @!p0 s12, s13  }
0x5c: {  	[sflag:s29] =	ssyncadd.s32 $0xFFFFC000;
	s14 =	sshrl.u32 @!p0 s12, $0x3  }
0x5d: {  	s13 =	simm.s32 @!p0 $0x14000;
	s12 =	simm.s32 @!p0 $0x0;
	s15 =	sadd.s32 @!p0 s5, s14  }
0x5e: {  	[tilespmem:s13], [sflag:$0x3] =	stream.linear.gather @!p0 [hbm4b:s15+s12], $0x80, $0x38;
	[tilespmem:$0x1C200] =	vst v63  }
.Ltmp4:
0x5f: {  	(pc) =	sbr.rel .LBB2_7-.Ltmp4, $4  }
0x60: {  	_ = 	snop  }
0x61: {  	_ =	swait.ge [sflag:s0], $0x80  }
0x62: {  	[sflag:s0] =	ssyncset.done $0x0  }
0x63: {  	p1 =	por $0x0, $0x0;
	[sflag:s0] =	ssyncadd.s32 $0xFFFFFF80  }
.LBB2_5:
0x64: {  	p1 =	por @!p0 $0x1, $0x1  }
.LBB2_7:
0x65: {  	[spmem:s1] =	stream.indirect.scatter.add.f32 [tilespmem:s20], [sflag:$0x7], $0x80, s23, s26, $0xb8;
	[tilespmem:$0x1C200] =	vst v63  }
0x66: {  	_ =	swait.ge [sflag:s21], $0x4000  }
0x67: {  	[sflag:s21] =	ssyncset.done $0x0  }
0x68: {  	s14 =	sadd.s32 @!p0 s6, s14;
	s15 =	simm.s32 @!p0 $0x14100;
	[sflag:s21] =	ssyncadd.s32 $0xFFFFC000  }
0x69: {  	[tilespmem:s15], [sflag:$0x5] =	stream.linear.gather @!p0 [hbm4b:s14+s12], $0x80, $0x38;
	[tilespmem:$0x1C200] =	vst v63  }
0x6a: {  	s14 =	simm.s32 @!p0 $0x3  }
0x6b: {  	_ =	swait.ge @!p0 [sflag:s14], $0x80  }
0x6c: {  	s11 =	sadd.s32 @!p0 $0x180, s11;
	[sflag:s14] =	ssyncset.done @!p0 $0x0  }
0x6d: {  	s15 =	simm.s32 @!p0 $0x14200;
	[sflag:s14] =	ssyncadd.s32 @!p0 $0xFFFFFF80;
	s14 =	simm.s32 @!p0 $0x80  }
0x6e: {  	[tilespmem:s15], [sflag:$0x1] =	stream.indirect.gather @!p0 [hbm4b:s4+s14], $0x80, s13, s14, $0xb8;
	[tilespmem:$0x1C200] =	vst v63  }
0x6f: {  	s13 =	sand.u32 @!p0 $0x7FFFFC00, s11  }
0x70: {  	s11 =	sand.u32 @!p0 $0x380, s11;
	s13 =	sadd.s32 @!p0 s7, s13  }
0x71: {  	_ =	swait.ge [sflag:s30], $0x4000;
	s11 =	sor.u32 @!p0 s11, s13  }
0x72: {  	[sflag:s30] =	ssyncset.done $0x0;
	s11 =	sshrl.u32 @!p0 s11, $0x3  }
0x73: {  	s13 =	simm.s32 @!p0 $0x14080;
	[sflag:s30] =	ssyncadd.s32 $0xFFFFC000;
	s11 =	sadd.s32 @!p0 s5, s11  }
0x74: {  	[tilespmem:s13], [sflag:$0x4] =	stream.linear.gather @!p0 [hbm4b:s11+s12], $0x80, $0x38;
	[tilespmem:$0x1C200] =	vst v63  }
0x75: {  	s11 =	simm.s32 @!p1 $0x6  }
0x76: {  	_ =	swait.ge @!p1 [sflag:s11], $0x80  }
0x77: {  	[sflag:s11] =	ssyncset.done @!p1 $0x0  }
.Ltmp5:
0x78: {  	[sflag:s11] =	ssyncadd.s32 @!p1 $0xFFFFFF80;
	(pc) =	sbr.rel @p0 .LBB2_9-.Ltmp5, $4  }
0x79: {  	[spmem:s1] =	stream.indirect.scatter.add.f32 [tilespmem:s28], [sflag:$0x7], $0x80, s25, s26, $0xb8;
	[tilespmem:$0x1C200] =	vst v63  }
0x7a: {  	_ =	swait.ge [sflag:s21], $0x4000  }
0x7b: {  	[sflag:s21] =	ssyncset.done $0x0  }
0x7c: {  	[sflag:s21] =	ssyncadd.s32 $0xFFFFC000  }
0x7d: {  	s11 =	sadd.s32 s10, s8  }
0x7e: {  	s11 =	sadd.s32 $0x180, s11  }
0x7f: {  	s12 =	sand.u32 $0x7FFFFC00, s11  }
0x80: {  	s11 =	sand.u32 $0x380, s11;
	s12 =	sadd.s32 s7, s12  }
0x81: {  	s11 =	sor.u32 s11, s12  }
0x82: {  	s11 =	sshrl.u32 s11, $0x3  }
0x83: {  	s11 =	sadd.s32 s6, s11  }
0x84: {  	[tilespmem:s25], [sflag:$0x6] =	stream.linear.gather [hbm4b:s11+s3], $0x80, $0x38;
	[tilespmem:$0x1C200] =	vst v63  }
.Ltmp6:
0x85: {  	_ = 	snop;
	(pc) =	sbr.rel .LBB2_4-.Ltmp6, $4  }
0x86: {  	_ =	swait.ge [sflag:s31], $0x80  }
0x87: {  	[sflag:s31] =	ssyncset.done $0x0  }
0x88: {  	s10 =	sadd.s32 $0x100, s10;
	[sflag:s31] =	ssyncadd.s32 $0xFFFFFF80  }
0x89: {  	[tilespmem:s28], [sflag:$0x2] =	stream.indirect.gather [hbm4b:s4+s26], $0x80, s24, s26, $0xb8;
	[tilespmem:$0x1C200] =	vst v63  }
.LBB2_10:
0x8a: {  	_ =	sfence.sel $0x180000  }
0x8b: {  	[bflag:$0x0] =	sbarrier.arrive $0xFFFF  }
0x8c: {  	_ =	strace $0x90000050  }
0x8d: {  	s0 =	stileid.u32;
	[bflag:$0x2] =	sbarrier.arrive $0xFFFF  }
0x8e: {  	p0 =	sne.s32 s0, $0x0;
	s0 =	rddreg [dreg:$0x2]  }
0x8f: {  	s0 =	sadd.s32 @!p0 $0x100000, s0  }
0x90: {  	[sflag:s0] =	ssyncadd.tile.s32 @!p0 $0x1;
	_ =	shalt  }
.Lfunc_end2:
_tile_overlayer_lowered:
.L_overlay_start_2:
0x91: {  	(tag) =	ssettag $0x2  }
0x92: {  	s0 =	rddreg [dreg:$0x0];
	s2 =	stileid.u32  }
0x93: {  	s1 =	rddreg [dreg:$0x1];
	p0 =	sne.s32 s2, $0x0  }
0x94: {  	s3 =	rddreg [dreg:$0x2];
	[bflag:$0x3] =	sbarrier.arrive $0xFFFF;
	s2 =	simm.s32 @!p0 $0x1C07  }
0x95: {  	[timem:s3], [sflag:s2] =	dma.local @!p0 [hbm:s0], s1  }
0x96: {  	s0 =	simm.s32 @!p0 $0x7  }
0x97: {  	_ =	swait.ge @!p0 [sflag:s0], s1  }
0x98: {  	s1 =	ssub.s32 @!p0 $0x0, s1;
	[sflag:s0] =	ssyncset.done @!p0 $0x0  }
0x99: {  	[sflag:s0] =	ssyncadd.s32 @!p0 s1  }
0x9a: {  	[bflag:$0x3] =	sbarrier.arrive $0xFFFF  }
0x9b: {  	_ =	shalt  }

// kernel: kernel.23.cloned.1.call-start
scs
__scs_entry_jumppad:
0x0: {  	(pc) =	sbr.rel $0x88, $3  }
0x1: {  	(tag) =	ssettag $0x0;
	lr =	simm.s32 $0x1  }
0x2: {  	[smem:$0x3F91] =	sst lr;
	_ =	strace $0xD0000000  }
0x3: {  	_ = 	snop  }
0x4: {  	_ = 	snop  }
0x5: {  	_ = 	snop  }
0x6: {  	_ = 	snop  }
0x7: {  	_ = 	snop  }
__scs_overlays_trampoline_lowered:
0x8: {  	[smem:$0x3FA0] =	sst s0  }
0x9: {  	[smem:$0x3FA1] =	sst s1  }
0xa: {  	[smem:$0x3FA2] =	sst s2  }
0xb: {  	[smem:$0x3FA3] =	sst s3  }
0xc: {  	[smem:$0x3FA4] =	sst s4  }
0xd: {  	[smem:$0x3FA5] =	sst s5  }
0xe: {  	[smem:$0x3FA6] =	sst s6  }
0xf: {  	[smem:$0x3FA7] =	sst s7  }
0x10: {  	[smem:$0x3FA8] =	sst s8  }
0x11: {  	[smem:$0x3FA9] =	sst s9;
	s0 =	simm.s32 @!p0 $0x0  }
0x12: {  	s1 =	sld [smem:$0x3F8F];
	s0 =	simm.s32 @p0 $0x1  }
0x13: {  	[smem:$0x3FAA] =	sst s0;
	s0 =	simm.s32 @!p1 $0x0  }
0x14: {  	s2 =	sld [smem:$0x3F8E];
	s0 =	simm.s32 @p1 $0x1  }
0x15: {  	[smem:$0x3FAB] =	sst s0;
	s0 =	simm.s32 @!p2 $0x0  }
0x16: {  	s3 =	sld [smem:$0x3FDB];
	s0 =	simm.s32 @p2 $0x1  }
0x17: {  	s4 =	simm.s32 $0x1BF5;
	[smem:$0x3FAD] =	sst s0  }
0x18: {  	s0 =	sld [smem:$0x3F90];
	_ =	swait.ge [sflag:s4], $0x0  }
0x19: {  	s7 =	sld [smem:$0x3F91]  }
0x1a: {  	s8 =	sadd.s32 $0xFFFFE003, lr  }
0x1b: {  	s9 =	sadd.s32 $0xFFFFFEF7, lr;
	s5 =	simm.s32 $0xFFFFFFFF;
	p2 =	slt.u32 s8, $0xFFFFF086  }
0x1c: {  	p1 =	slt.u32 s9, $0xF7A;
	s5 =	simm.s32 @!p2 $0x0  }
0x1d: {  	s5 =	simm.s32 @p1 $0x1;
	p0 =	seq.s32 s7, s2  }
0x1e: {  	s7 =	smul.u32 @!p0 $0xF7A, s2;
	p2 =	seq.s32 @!p0 s5, $0x0  }
0x1f: {  	s9 =	smul.u32 $0xF7A, s1;
	s8 =	simm.s32 @!p0 $0x1BF5;
	p2 =	por !p2, p0  }
0x20: {  	[sflag:s8] =	ssyncset.s32 @!p0 $0xFFFFF086;
	s6 =	sadd.s32 @!p0 s3, s7;
	s7 =	simm.s32 @!p0 $0x108  }
0x21: {  	s3 =	sadd.s32 s3, s9;
	s6 =	sadd.s32 @!p0 $0x88, s6;
	s7 =	simm.s32 @p2 $0x1082  }
0x22: {  	[simem:s7], [sflag:s8] =	dma.local @!p0 [hbm:s6], $0xF7A  }
0x23: {  	s9 =	sor.u32 $0xD0000000, s2;
	s6 =	simm.s32 $0x108;
	_ =	swait.ge @!p0 [sflag:s8], $0x0  }
0x24: {  	s3 =	sadd.s32 $0x88, s3;
	s6 =	simm.s32 @!p1 $0x1082;
	[sflag:s4] =	ssyncset.s32 $0xFFFFF086  }
0x25: {  	[simem:s6], [sflag:s4] =	dma.local [hbm:s3], $0xF7A  }
0x26: {  	[smem:$0x3F91] =	sst s1;
	(tag) =	ssettag s2;
	_ =	strace s9  }
0x27: {  	s1 =	sld [smem:$0x3FA1]  }
0x28: {  	s2 =	sld [smem:$0x3FA2]  }
0x29: {  	s4 =	sld [smem:$0x3FA4]  }
0x2a: {  	p0 =	seq.s32 s5, $0x0;
	s5 =	sld [smem:$0x3FA5]  }
0x2b: {  	s6 =	sld [smem:$0x3FA6]  }
0x2c: {  	s7 =	sld [smem:$0x3FA7]  }
0x2d: {  	s3 =	simm.s32 $0x108;
	s8 =	sld [smem:$0x3FA8]  }
0x2e: {  	s3 =	simm.s32 @!p0 $0x1082;
	s9 =	sld [smem:$0x3FA9]  }
0x2f: {  	lr =	sadd.s32 s0, s3;
	s0 =	sld [smem:$0x3FA0]  }
0x30: {  	s3 =	sld [smem:$0x3FA3]  }
0x31: {  	[smem:$0x3FAC] =	sst s10  }
0x32: {  	s10 =	sld [smem:$0x3FAA];
	_ =	sdelay $0x3  }
0x33: {  	p0 =	seq.s32 s10, $0x1;
	s10 =	sld [smem:$0x3FAC];
	_ =	sdelay $0x3  }
0x34: {  	[smem:$0x3FAC] =	sst s10  }
0x35: {  	s10 =	sld [smem:$0x3FAB];
	_ =	sdelay $0x3  }
0x36: {  	p1 =	seq.s32 s10, $0x1;
	s10 =	sld [smem:$0x3FAC];
	_ =	sdelay $0x3  }
0x37: {  	[smem:$0x3FAC] =	sst s10  }
0x38: {  	s10 =	sld [smem:$0x3FAD]  }
0x39: {  	_ = 	snop;
	(pc) =	sbr.ind lr, $3  }
0x3a: {  	_ = 	snop  }
0x3b: {  	_ = 	snop  }
0x3c: {  	p2 =	seq.s32 s10, $0x1;
	s10 =	sld [smem:$0x3FAC]  }
0x3d: {  	_ =	shalt  }
0x3e: {  	_ =	shalt  }
0x3f: {  	_ =	shalt  }
0x40: {  	_ =	shalt  }
0x41: {  	_ =	shalt  }
0x42: {  	_ =	shalt  }
0x43: {  	_ =	shalt  }
0x44: {  	_ =	shalt  }
0x45: {  	_ =	shalt  }
0x46: {  	_ =	shalt  }
0x47: {  	_ =	shalt  }
0x48: {  	_ =	shalt  }
0x49: {  	_ =	shalt  }
0x4a: {  	_ =	shalt  }
0x4b: {  	_ =	shalt  }
0x4c: {  	_ =	shalt  }
0x4d: {  	_ =	shalt  }
0x4e: {  	_ =	shalt  }
0x4f: {  	_ =	shalt  }
0x50: {  	_ =	shalt  }
0x51: {  	_ =	shalt  }
0x52: {  	_ =	shalt  }
0x53: {  	_ =	shalt  }
0x54: {  	_ =	shalt  }
0x55: {  	_ =	shalt  }
0x56: {  	_ =	shalt  }
0x57: {  	_ =	shalt  }
0x58: {  	_ =	shalt  }
0x59: {  	_ =	shalt  }
0x5a: {  	_ =	shalt  }
0x5b: {  	_ =	shalt  }
0x5c: {  	_ =	shalt  }
0x5d: {  	_ =	shalt  }
0x5e: {  	_ =	shalt  }
0x5f: {  	_ =	shalt  }
0x60: {  	_ =	shalt  }
0x61: {  	_ =	shalt  }
0x62: {  	_ =	shalt  }
0x63: {  	_ =	shalt  }
0x64: {  	_ =	shalt  }
0x65: {  	_ =	shalt  }
0x66: {  	_ =	shalt  }
0x67: {  	_ =	shalt  }
0x68: {  	_ =	shalt  }
0x69: {  	_ =	shalt  }
0x6a: {  	_ =	shalt  }
0x6b: {  	_ =	shalt  }
0x6c: {  	_ =	shalt  }
0x6d: {  	_ =	shalt  }
0x6e: {  	_ =	shalt  }
0x6f: {  	_ =	shalt  }
0x70: {  	_ =	shalt  }
0x71: {  	_ =	shalt  }
0x72: {  	_ =	shalt  }
0x73: {  	_ =	shalt  }
0x74: {  	_ =	shalt  }
0x75: {  	_ =	shalt  }
0x76: {  	_ =	shalt  }
0x77: {  	_ =	shalt  }
0x78: {  	_ =	shalt  }
0x79: {  	_ =	shalt  }
0x7a: {  	_ =	shalt  }
0x7b: {  	_ =	shalt  }
0x7c: {  	_ =	shalt  }
0x7d: {  	_ =	shalt  }
0x7e: {  	_ =	shalt  }
0x7f: {  	_ =	shalt  }
0x80: {  	_ =	shalt  }
0x81: {  	_ =	shalt  }
0x82: {  	_ =	shalt  }
0x83: {  	_ =	shalt  }
0x84: {  	_ =	shalt  }
0x85: {  	_ =	shalt  }
0x86: {  	_ =	shalt  }
0x87: {  	_ =	shalt  }
.Lfunc_end0:
.L_simem_size_0:
called_computation.4_lowered:
.L_overlay_start_0:
0x88: {  	s2 =	sld [smem:$0x3FD9]  }
0x89: {  	s3 =	sld [smem:$0x3FFE];
	_ =	sdelay $0x1  }
0x8a: {  	s1 =	srdreg.scid  }
0x8b: {  	s0 =	sand.u32 $0x1, s1  }
0x8c: {  	s17 =	sshll.u32 s0, $0xA;
	s2 =	sadd.s32 s3, s2  }
0x8d: {  	s2 =	sadd.s32 s2, s17  }
0x8e: {  	[smem:$0x3FB8] =	sst s2  }
0x8f: {  	_ = 	snop  }
0x90: {  	s2 =	sld [smem:$0x3FBB];
	(tm) =	ssettm $0x1  }
0x91: {  	s18 =	sld [smem:$0x3FFB];
	_ =	sdelay $0x3  }
0x92: {  	_ =	strace s18  }
0x93: {  	s3 =	sld [smem:$0x3FFC];
	_ =	sdelay $0x3  }
0x94: {  	_ =	strace s3  }
0x95: {  	s3 =	sld [smem:$0x3FFD];
	_ =	sdelay $0x3  }
0x96: {  	_ =	strace s3  }
0x97: {  	_ =	strace $0x8FFFFFFF  }
0x98: {  	s19 =	sld [smem:$0x3FDB];
	_ =	sdelay $0x1  }
0x99: {  	s4 =	simm.s32 $_scs_section_size  }
0x9a: {  	s5 =	simm.s32 $_size__tile_overlayer_lowered;
	s6 =	simm.s32 $_tile_overlayer_lowered  }
0x9b: {  	s22 =	simm.s32 $0x1BFF;
	s21 =	sshll.u32 s6, $0x1;
	s3 =	sadd.s32 s4, s19  }
0x9c: {  	s7 =	simm.s32 $0x0;
	s20 =	sshll.u32 s5, $0x1;
	s5 =	sadd.s32 s21, s3  }
0x9d: {  	[timem:s7], [sflag:s22] =	dma.local [hbm:s5], s20  }
0x9e: {  	_ =	swait.ge [sflag:s22], s20  }
0x9f: {  	s4 =	ssub.s32 $0x0, s20;
	[sflag:s22] =	ssyncset.done $0x0  }
0xa0: {  	[sflag:s22] =	ssyncadd.s32 s4;
	_ =	sdelay $0x1  }
0xa1: {  	s23 =	simm.s32 $0x1B8B  }
0xa2: {  	_ =	swait.ge [sflag:s23], $0x1  }
0xa3: {  	[sflag:s23] =	ssyncset.done $0x0  }
0xa4: {  	s25 =	simm.s32 $0x1B8E;
	s24 =	sld [smem:$0x3FFE];
	[sflag:s23] =	ssyncadd.s32 $0xFFFFFFFF  }
0xa5: {  	s26 =	simm.s32 $execute0_lowered;
	[smem:$0x3FD2] =	sst s25  }
0xa6: {  	s5 =	sshll.u32 s26, $0x1;
	_ =	strace $0x80000052;
	[dreg:$0x1] =	wrdreg $0xFFFFFFFF  }
0xa7: {  	s28 =	simm.s32 $_size_execute0_lowered;
	s3 =	sadd.s32 s3, s5;
	[dreg:$0x0] =	wrdreg $0x0  }
0xa8: {  	s5 =	sshll.u32 s28, $0x1;
	[dreg:$0x2] =	wrdreg s3  }
0xa9: {  	[dreg:$0x3] =	wrdreg s5  }
0xaa: {  	[dreg:$0x4] =	wrdreg $0xC0  }
0xab: {  	_ =	task [dreg:s7], $0x5FFFF  }
0xac: {  	[dreg:$0x1] =	wrdreg $0xFFFFFFFF  }
0xad: {  	[dreg:$0x0] =	wrdreg $0x60  }
0xae: {  	[dreg:$0x2] =	wrdreg s24  }
0xaf: {  	[dreg:$0x3] =	wrdreg s2  }
0xb0: {  	[dreg:$0x4] =	wrdreg $0x9  }
0xb1: {  	_ =	task.clear_ibuf [dreg:s7], $0x5FFFF;
	_ =	strace $0x90000052  }
0xb2: {  	s29 =	simm.s32 $0x9;
	_ =	strace $0x80000054  }
0xb3: {  	_ =	swait.ge [sflag:s29], $0x1  }
0xb4: {  	[sflag:s29] =	ssyncadd.s32 $0xFFFFFFFF  }
0xb5: {  	_ =	strace $0x90000054  }
0xb6: {  	_ =	sfence  }
0xb7: {  	s30 =	sld [smem:$0x0];
	_ =	sdelay $0x2  }
0xb8: {  	s31 =	sshll.u32 s1, $0xD;
	s1 =	sshrl.u32 s1, $0x2  }
0xb9: {  	s3 =	sand.u32 $0x4000, s31;
	s1 =	sadd.s32 s1, s30  }
0xba: {  	s0 =	sor.u32 s3, s0;
	s1 =	sshll.u32 s1, $0x11  }
0xbb: {  	s0 =	sor.u32 s1, s0  }
0xbc: {  	s0 =	sadd.s32 $0x8F2B, s0  }
0xbd: {  	[sflag:s0] =	ssyncadd.remote.s32 $0x1  }
0xbe: {  	_ =	sfence.sel $0xFFFF  }
0xbf: {  	[dreg:$0x0] =	wrdreg $0xFFFFFFFF;
	(pc) =	sbr.abs _section_cstart, $3  }
0xc0: {  	[dreg:$0x1] =	wrdreg $0xFFFFFFFF  }
0xc1: {  	_ =	task.clear_ibuf [dreg:s7], $0x2FFFF;
	_ =	strace $0x9FFFFFFF  }
0xc2: {  	(tm) =	ssettm $0x7FFFFFFF  }
0xc3: {  	_ =	shalt  }
tec
execute0_lowered:
.L_overlay_start_1:
0x0: {  	(tag) =	ssettag $0x1  }
0x1: {  	s0 =	rddreg [dreg:$0x0]  }
0x2: {  	s1 =	srdreg.scid;
	s3 =	simm.s32 $0x0;
	s4 =	stileid.u32  }
0x3: {  	s10 =	simm.s32 $0x5;
	s11 =	simm.s32 $0x1000;
	s14 =	simm.s32 $0x80  }
0x4: {  	s16 =	simm.s32 $0xA000;
	s17 =	simm.s32 $0x6000;
	s18 =	simm.s32 $0x1080  }
0x5: {  	s19 =	simm.s32 $0xE000;
	s20 =	simm.s32 $0x1;
	s21 =	simm.s32 $0x3  }
0x6: {  	s22 =	simm.s32 $0x12D00;
	s23 =	simm.s32 $0x2;
	s24 =	simm.s32 $0x4  }
0x7: {  	s25 =	simm.s32 $0x12000;
	s1 =	sand.u32 $0x1, s1;
	[smem:$0x7FF] =	sst s3  }
0x8: {  	s26 =	simm.s32 $0x0;
	s2 =	sshll.u32 s1, $0x4;
	_ =	strace $0x80000053  }
.Ltmp0:
0x9: {  	s1 =	ssub.s32 $0x2, s1;
	s2 =	sor.u32 s4, s2;
	(pc) =	sbr.rel .LBB2_1-.Ltmp0, $4  }
0xa: {  	s6 =	sshrl.u32 s1, $0x1;
	s5 =	sshll.u32 s2, $0x9;
	s2 =	smul.u32 $0x1A0, s2  }
0xb: {  	s4 =	sadd.s32 $0x3000, s0;
	s1 =	ssub.s32 s1, s6;
	s7 =	sadd.s32 s5, s0  }
0xc: {  	v0 =	vlaneseq.u32;
	s5 =	sadd.s32 $0x53000, s0;
	s9 =	smax.u32 s1, $0x1;
	s0 =	sadd.s32 s2, s0  }
0xd: {  	v0 =	vmul.u32 $0x11, v0;
	s6 =	sadd.s32 $0x8A000, s7;
	s7 =	sadd.s32 $0x8E000, s7;
	s8 =	sadd.s32 $0x53200, s0  }
.LBB2_12:
0xe: {  	s26 =	sadd.s32 $0x1, s26  }
0xf: {  	p0 =	sne.s32 s26, s9  }
.Ltmp1:
0x10: {  	_ = 	snop;
	(pc) =	sbr.rel @!p0 .LBB2_13-.Ltmp1, $4  }
0x11: {  	[hbm4b:s8+s3] =	stream.linear.scatter [tilespmem:s25], [sflag:$0x5], $0xD00, $0x38;
	[tilespmem:$0x12F80] =	vst v63  }
0x12: {  	_ =	swait.ge [sflag:s10], $0xD00  }
0x13: {  	[sflag:s10] =	ssyncset.done $0x0  }
0x14: {  	[sflag:s10] =	ssyncadd.s32 $0xFFFFF300  }
.LBB2_1:
0x15: {  	[tilespmem:s3], [sflag:$0x5] =	stream.linear.gather [hbm4b:s6+s3], $0xD00, $0x38;
	[tilespmem:$0x12F80] =	vst v63  }
0x16: {  	_ =	swait.ge [sflag:s10], $0xD00  }
0x17: {  	[sflag:s10] =	ssyncset.done $0x0  }
0x18: {  	[sflag:s10] =	ssyncadd.s32 $0xFFFFF300  }
0x19: {  	[tilespmem:s11], [sflag:$0x5] =	stream.linear.gather [hbm4b:s7+s3], $0xD00, $0x38;
	[tilespmem:$0x12F80] =	vst v63  }
0x1a: {  	_ =	swait.ge [sflag:s10], $0xD00  }
0x1b: {  	[sflag:s10] =	ssyncset.done $0x0  }
0x1c: {  	[sflag:s10] =	ssyncadd.s32 $0xFFFFF300  }
0x1d: {  	s1 =	simm.s32 $0x12E80;
	s0 =	rddreg [dreg:$0x1]  }
0x1e: {  	[tilespmem:s1], [sflag:$0x5] =	stream.linear.gather [hbm4b:s0+s3], $0x80, $0x38;
	[tilespmem:$0x12F80] =	vst v63  }
0x1f: {  	_ =	swait.ge [sflag:s10], $0x80  }
0x20: {  	[sflag:s10] =	ssyncset.done $0x0  }
0x21: {  	s30 =	simm.s32 $0x12F00;
	[sflag:s10] =	ssyncadd.s32 $0xFFFFFF80  }
0x22: {  	[tilespmem:s30], [sflag:$0x5] =	stream.linear.gather [hbm4b:s5+s3], $0x80, $0x38;
	[tilespmem:$0x12F80] =	vst v63  }
0x23: {  	_ =	swait.ge [sflag:s10], $0x80  }
0x24: {  	[sflag:s10] =	ssyncset.done $0x0  }
0x25: {  	s31 =	simm.s32 $0x2000;
	[sflag:s10] =	ssyncadd.s32 $0xFFFFFF80  }
0x26: {  	[tilespmem:s31], [sflag:$0x1] =	stream.indirect.gather [hbm4b:s4+s14], $0x80, s3, s14, $0xb8;
	[tilespmem:$0x12F80] =	vst v63  }
0x27: {  	_ = 	snop  }
0x28: {  	[tilespmem:s16], [sflag:$0x3] =	stream.indirect.gather [hbm4b:s4+s14], $0x80, s11, s14, $0xb8;
	[tilespmem:$0x12F80] =	vst v63  }
0x29: {  	_ = 	snop  }
0x2a: {  	[tilespmem:s17], [sflag:$0x2] =	stream.indirect.gather [hbm4b:s4+s14], $0x80, s14, s14, $0xb8;
	[tilespmem:$0x12F80] =	vst v63  }
0x2b: {  	_ = 	snop  }
0x2c: {  	[tilespmem:s19], [sflag:$0x4] =	stream.indirect.gather [hbm4b:s4+s14], $0x80, s18, s14, $0xb8;
	[tilespmem:$0x12F80] =	vst v63  }
0x2d: {  	v1 =	vld [tilespmem:$0x12E80]  }
0x2e: {  	v2 =	vld [tilespmem:$0x12E90]  }
0x2f: {  	v3 =	vld [tilespmem:$0x12EA0]  }
0x30: {  	v4 =	vld [tilespmem:$0x12EB0]  }
0x31: {  	v5 =	vld [tilespmem:$0x12EC0]  }
0x32: {  	v6 =	vld [tilespmem:$0x12ED0]  }
0x33: {  	v7 =	vld [tilespmem:$0x12EE0]  }
0x34: {  	v8 =	vld [tilespmem:$0x12EF0]  }
0x35: {  	s28 =	simm.s32 $0x0;
	v9 =	vld [tilespmem:$0x12F00]  }
.LBB2_2:
0x36: {  	_ =	swait.ge [sflag:s20], $0x4000  }
0x37: {  	[sflag:s20] =	ssyncset.done $0x0  }
0x38: {  	s29 =	sshll.u32 s28, $0x8;
	[sflag:s20] =	ssyncadd.s32 $0xFFFFC000  }
0x39: {  	s30 =	sand.u32 $0x3FFFFF00, s29;
	_ =	swait.ge [sflag:s21], $0x4000  }
0x3a: {  	s31 =	simm.s32 $0x0;
	s0 =	sadd.s32 $0x12000, s30;
	[sflag:s21] =	ssyncset.done $0x0  }
0x3b: {  	s13 =	simm.s32 $0x2040;
	s12 =	simm.s32 $0xA040;
	v10 =	vmov s0;
	[sflag:s21] =	ssyncadd.s32 $0xFFFFC000  }
.LBB2_3:
0x3c: {  	v11 =	vld [tilespmem:s12+$0xFFFFFFC0];
	s15 =	simm.s32 $0x1  }
0x3d: {  	v12 =	vld [tilespmem:s13+$0xFFFFFFC0];
	s0 =	smov.u32 s13;
	s2 =	smov.u32 s12;
	s1 =	simm.s32 $0x0  }
.LBB2_4:
0x3e: {  	p0 =	sne.s32 s15, $0xF;
	v13 =	vld [tilespmem:s0+$0xFFFFFFD0]  }
0x3f: {  	v14 =	vld [tilespmem:s2+$0xFFFFFFD0]  }
0x40: {  	v15 =	vld [tilespmem:s0+$0xFFFFFFE0]  }
0x41: {  	v16 =	vld [tilespmem:s2+$0xFFFFFFE0]  }
0x42: {  	v11 =	vadd.f32 v11, v12;
	v12 =	vld [tilespmem:s0+$0xFFFFFFF0]  }
0x43: {  	v17 =	vld [tilespmem:s2+$0xFFFFFFF0]  }
0x44: {  	v11 =	vmax.f32 v11, $0.0e+00;
	v13 =	vadd.f32 v14, v13;
	v14 =	vld [tilespmem:s0+$0x0]  }
0x45: {  	v11 =	vmul.f32 v11, v1;
	v18 =	vld [tilespmem:s2+$0x0]  }
0x46: {  	v13 =	vmax.f32 v13, $0.0e+00;
	v15 =	vadd.f32 v16, v15;
	v16 =	vld [tilespmem:s0+$0x10]  }
0x47: {  	v11 =	vadd.f32 $0.0e+00, v11;
	v13 =	vmul.f32 v13, v2;
	v19 =	vld [tilespmem:s2+$0x10]  }
0x48: {  	v15 =	vmax.f32 v15, $0.0e+00;
	v12 =	vadd.f32 v17, v12;
	v17 =	vld [tilespmem:s0+$0x20]  }
0x49: {  	v11 =	vadd.f32 v13, v11;
	v13 =	vmul.f32 v15, v3;
	v15 =	vld [tilespmem:s2+$0x20]  }
0x4a: {  	v12 =	vmax.f32 v12, $0.0e+00;
	v14 =	vadd.f32 v18, v14;
	v18 =	vld [tilespmem:s0+$0x30]  }
0x4b: {  	v11 =	vadd.f32 v13, v11;
	v12 =	vmul.f32 v12, v4;
	v13 =	vld [tilespmem:s2+$0x30]  }
0x4c: {  	v14 =	vmax.f32 v14, $0.0e+00;
	v16 =	vadd.f32 v19, v16  }
0x4d: {  	v11 =	vadd.f32 v12, v11;
	v12 =	vmul.f32 v14, v5  }
0x4e: {  	v14 =	vmax.f32 v16, $0.0e+00;
	v15 =	vadd.f32 v15, v17  }
0x4f: {  	v11 =	vadd.f32 v12, v11;
	v12 =	vmul.f32 v14, v6  }
0x50: {  	v14 =	vmax.f32 v15, $0.0e+00;
	v13 =	vadd.f32 v13, v18  }
0x51: {  	v11 =	vadd.f32 v12, v11;
	v12 =	vmul.f32 v14, v7  }
0x52: {  	v14 =	vadd.s32 s1, v0;
	s1 =	smov.u32 s15;
	v13 =	vmax.f32 v13, $0.0e+00  }
0x53: {  	v11 =	vadd.f32 v12, v11;
	v12 =	vmul.f32 v13, v8;
	_ =	sdelay $0x1  }
.Ltmp2:
0x54: {  	v11 =	vadd.f32 v12, v11;
	(pc) =	sbr.rel @p0 .LBB2_4-.Ltmp2, $4  }
0x55: {  	_ = 	snop  }
0x56: {  	s2 =	sadd.s32 $0x80, s2;
	[tilespmem:v14+s22+$0x0] =	vst.idx.msk $0xffff, v11  }
0x57: {  	s0 =	sadd.s32 $0x80, s0;
	v11 =	vld [tilespmem:s2+$0xFFFFFFC0]  }
0x58: {  	s15 =	sadd.s32 $0x1, s15;
	v12 =	vld [tilespmem:s0+$0xFFFFFFC0]  }
0x59: {  	v13 =	vld [tilespmem:s0+$0xFFFFFFD0]  }
0x5a: {  	v14 =	vld [tilespmem:s2+$0xFFFFFFD0]  }
0x5b: {  	v15 =	vld [tilespmem:s0+$0xFFFFFFE0]  }
0x5c: {  	v16 =	vld [tilespmem:s2+$0xFFFFFFE0]  }
0x5d: {  	v35 =	vld [tilespmem:s0+$0xFFFFFFF0];
	v11 =	vadd.f32 v11, v12  }
0x5e: {  	v17 =	vld [tilespmem:s2+$0xFFFFFFF0]  }
0x5f: {  	v36 =	vld [tilespmem:s0+$0x0];
	v13 =	vadd.f32 v14, v13;
	v11 =	vmax.f32 v11, $0.0e+00  }
0x60: {  	v18 =	vld [tilespmem:s2+$0x0];
	v11 =	vmul.f32 v11, v1  }
0x61: {  	v37 =	vld [tilespmem:s0+$0x10];
	v15 =	vadd.f32 v16, v15;
	v13 =	vmax.f32 v13, $0.0e+00  }
0x62: {  	v19 =	vld [tilespmem:s2+$0x10];
	v13 =	vmul.f32 v13, v2;
	v11 =	vadd.f32 $0.0e+00, v11  }
0x63: {  	v38 =	vld [tilespmem:s0+$0x20];
	v12 =	vadd.f32 v17, v35;
	v15 =	vmax.f32 v15, $0.0e+00  }
0x64: {  	v40 =	vld [tilespmem:s2+$0x20];
	v39 =	vmul.f32 v15, v3;
	v11 =	vadd.f32 v13, v11  }
0x65: {  	v41 =	vld [tilespmem:s0+$0x30];
	v14 =	vadd.f32 v18, v36;
	v12 =	vmax.f32 v12, $0.0e+00  }
0x66: {  	v42 =	vld [tilespmem:s2+$0x30];
	v12 =	vmul.f32 v12, v4;
	v11 =	vadd.f32 v39, v11  }
0x67: {  	v16 =	vadd.f32 v19, v37;
	v14 =	vmax.f32 v14, $0.0e+00  }
0x68: {  	v43 =	vmul.f32 v14, v5;
	v11 =	vadd.f32 v12, v11  }
0x69: {  	v44 =	vmax.f32 v16, $0.0e+00;
	v15 =	vadd.f32 v40, v38  }
0x6a: {  	v45 =	vmul.f32 v44, v6;
	v11 =	vadd.f32 v43, v11  }
0x6b: {  	v46 =	vmax.f32 v15, $0.0e+00;
	v13 =	vadd.f32 v42, v41  }
0x6c: {  	v47 =	vmul.f32 v46, v7;
	v11 =	vadd.f32 v45, v11  }
0x6d: {  	v48 =	vadd.s32 s1, v0;
	v13 =	vmax.f32 v13, $0.0e+00  }
0x6e: {  	v49 =	vmul.f32 v13, v8;
	v11 =	vadd.f32 v47, v11;
	_ =	sdelay $0x1  }
0x6f: {  	v11 =	vadd.f32 v49, v11;
	_ =	sdelay $0x1  }
0x70: {  	[tilespmem:v48+s22+$0x0] =	vst.idx.msk $0xffff, v11  }
0x71: {  	v11 =	vld [tilespmem:$0x12D00]  }
0x72: {  	v50 =	vld [tilespmem:$0x12D11];
	_ =	sdelay $0x1  }
0x73: {  	v51 =	vld [tilespmem:$0x12D22];
	_ =	sdelay $0x1  }
0x74: {  	v14 =	vld [tilespmem:$0x12D33]  }
0x75: {  	v11 =	vadd.f32 v50, v11  }
0x76: {  	v52 =	vld [tilespmem:$0x12D44]  }
0x77: {  	v11 =	vadd.f32 v51, v11  }
0x78: {  	v53 =	vld [tilespmem:$0x12D55]  }
0x79: {  	v11 =	vadd.f32 v14, v11  }
0x7a: {  	v54 =	vld [tilespmem:$0x12D66]  }
0x7b: {  	v11 =	vadd.f32 v52, v11  }
0x7c: {  	v55 =	vld [tilespmem:$0x12D77]  }
0x7d: {  	v11 =	vadd.f32 v53, v11  }
0x7e: {  	v56 =	vld [tilespmem:$0x12D88]  }
0x7f: {  	v11 =	vadd.f32 v54, v11  }
0x80: {  	v57 =	vld [tilespmem:$0x12D99]  }
0x81: {  	v11 =	vadd.f32 v55, v11  }
0x82: {  	v58 =	vld [tilespmem:$0x12DAA]  }
0x83: {  	v11 =	vadd.f32 v56, v11  }
0x84: {  	v59 =	vld [tilespmem:$0x12DBB]  }
0x85: {  	v11 =	vadd.f32 v57, v11  }
0x86: {  	v60 =	vld [tilespmem:$0x12DCC]  }
0x87: {  	v11 =	vadd.f32 v58, v11  }
0x88: {  	v61 =	vld [tilespmem:$0x12DDD]  }
0x89: {  	v11 =	vadd.f32 v59, v11  }
0x8a: {  	v62 =	vld [tilespmem:$0x12DEE]  }
0x8b: {  	v11 =	vadd.f32 v60, v11  }
0x8c: {  	v63 =	vld [tilespmem:$0x12DFF]  }
0x8d: {  	v11 =	vadd.f32 v61, v11;
	_ =	sdelay $0x1  }
0x8e: {  	v11 =	vadd.f32 v62, v11;
	_ =	sdelay $0x1  }
0x8f: {  	v11 =	vadd.f32 v63, v11;
	_ =	sdelay $0x1  }
0x90: {  	v11 =	vadd.f32 v11, v9;
	_ =	sdelay $0x1  }
0x91: {  	v11 =	vsub.f32 $0.0e+00, v11;
	_ =	sdelay $0x1  }
0x92: {  	v11 =	vmul.f32 $1.442695020e+00, v11;
	_ =	sdelay $0x1  }
0x93: {  	(erf) = vpow2.f32 v11;
	_ =	sdelay $0x8  }
0x94: {  	v11 =	vpop (erf)  }
0x95: {  	v11 =	vadd.f32 $1.000000000e+00, v11;
	_ =	sdelay $0x1  }
0x96: {  	(erf) = vrcp.f32 v11;
	_ =	sdelay $0x3  }
0x97: {  	s15 =	sshll.u32 s31, $0x4;
	s31 =	sadd.s32 $0x1, s31  }
0x98: {  	p0 =	sne.s32 s31, $0x8  }
.Ltmp3:
0x99: {  	_ = 	snop;
	(pc) =	sbr.rel @p0 .LBB2_3-.Ltmp3, $3  }
0x9a: {  	_ =	sdelay $0x1  }
0x9b: {  	s0 =	sand.u32 $0x3FFFFFF0, s15;
	v11 =	vpop (erf)  }
0x9c: {  	s13 =	sadd.s32 $0x800, s13;
	s12 =	sadd.s32 $0x800, s12;
	[tilespmem:v10+s0+$0x0 ss:$0x1] =	vst.idx.msk $0xffff, v11  }
0x9d: {  	p0 =	seq.s32 s28, $0xC  }
0x9e: {  	s0 =	sadd.s32 @!p0 $0x100, s29;
	s1 =	simm.s32 @!p0 $0x80;
	s2 =	simm.s32 @!p0 $0x2000  }
0x9f: {  	[tilespmem:s2], [sflag:$0x1] =	stream.indirect.gather @!p0 [hbm4b:s4+s1], $0x80, s0, s1, $0xb8;
	[tilespmem:$0x12F80] =	vst v63  }
0xa0: {  	s0 =	sadd.s32 @!p0 $0x1100, s29;
	s2 =	simm.s32 @!p0 $0xA000  }
0xa1: {  	[tilespmem:s2], [sflag:$0x3] =	stream.indirect.gather @!p0 [hbm4b:s4+s1], $0x80, s0, s1, $0xb8;
	[tilespmem:$0x12F80] =	vst v63  }
0xa2: {  	_ =	swait.ge [sflag:s23], $0x4000  }
0xa3: {  	[sflag:s23] =	ssyncset.done $0x0  }
0xa4: {  	[sflag:s23] =	ssyncadd.s32 $0xFFFFC000  }
0xa5: {  	_ =	swait.ge [sflag:s24], $0x4000  }
0xa6: {  	s31 =	sadd.s32 $0x12080, s30;
	s30 =	simm.s32 $0x0;
	[sflag:s24] =	ssyncset.done $0x0  }
0xa7: {  	v10 =	vmov s31;
	s0 =	simm.s32 $0x6040;
	s2 =	simm.s32 $0xE040;
	[sflag:s24] =	ssyncadd.s32 $0xFFFFC000  }
.LBB2_7:
0xa8: {  	v11 =	vld [tilespmem:s2+$0xFFFFFFC0];
	s15 =	simm.s32 $0x1  }
0xa9: {  	v12 =	vld [tilespmem:s0+$0xFFFFFFC0];
	s13 =	smov.u32 s0;
	s12 =	smov.u32 s2;
	s1 =	simm.s32 $0x0  }
.LBB2_8:
0xaa: {  	p1 =	sne.s32 s15, $0xF;
	v13 =	vld [tilespmem:s13+$0xFFFFFFD0]  }
0xab: {  	v14 =	vld [tilespmem:s12+$0xFFFFFFD0]  }
0xac: {  	v15 =	vld [tilespmem:s13+$0xFFFFFFE0]  }
0xad: {  	v16 =	vld [tilespmem:s12+$0xFFFFFFE0]  }
0xae: {  	v11 =	vadd.f32 v11, v12;
	v12 =	vld [tilespmem:s13+$0xFFFFFFF0]  }
0xaf: {  	v17 =	vld [tilespmem:s12+$0xFFFFFFF0]  }
0xb0: {  	v11 =	vmax.f32 v11, $0.0e+00;
	v13 =	vadd.f32 v14, v13;
	v14 =	vld [tilespmem:s13+$0x0]  }
0xb1: {  	v11 =	vmul.f32 v11, v1;
	v18 =	vld [tilespmem:s12+$0x0]  }
0xb2: {  	v13 =	vmax.f32 v13, $0.0e+00;
	v15 =	vadd.f32 v16, v15;
	v16 =	vld [tilespmem:s13+$0x10]  }
0xb3: {  	v11 =	vadd.f32 $0.0e+00, v11;
	v13 =	vmul.f32 v13, v2;
	v19 =	vld [tilespmem:s12+$0x10]  }
0xb4: {  	v15 =	vmax.f32 v15, $0.0e+00;
	v12 =	vadd.f32 v17, v12;
	v17 =	vld [tilespmem:s13+$0x20]  }
0xb5: {  	v11 =	vadd.f32 v13, v11;
	v13 =	vmul.f32 v15, v3;
	v15 =	vld [tilespmem:s12+$0x20]  }
0xb6: {  	v12 =	vmax.f32 v12, $0.0e+00;
	v14 =	vadd.f32 v18, v14;
	v18 =	vld [tilespmem:s13+$0x30]  }
0xb7: {  	v11 =	vadd.f32 v13, v11;
	v12 =	vmul.f32 v12, v4;
	v13 =	vld [tilespmem:s12+$0x30]  }
0xb8: {  	v14 =	vmax.f32 v14, $0.0e+00;
	v16 =	vadd.f32 v19, v16  }
0xb9: {  	v11 =	vadd.f32 v12, v11;
	v12 =	vmul.f32 v14, v5  }
0xba: {  	v14 =	vmax.f32 v16, $0.0e+00;
	v15 =	vadd.f32 v15, v17  }
0xbb: {  	v11 =	vadd.f32 v12, v11;
	v12 =	vmul.f32 v14, v6  }
0xbc: {  	v14 =	vmax.f32 v15, $0.0e+00;
	v13 =	vadd.f32 v13, v18  }
0xbd: {  	v11 =	vadd.f32 v12, v11;
	v12 =	vmul.f32 v14, v7  }
0xbe: {  	v14 =	vadd.s32 s1, v0;
	s1 =	smov.u32 s15;
	v13 =	vmax.f32 v13, $0.0e+00  }
0xbf: {  	v11 =	vadd.f32 v12, v11;
	v12 =	vmul.f32 v13, v8;
	_ =	sdelay $0x1  }
.Ltmp4:
0xc0: {  	v11 =	vadd.f32 v12, v11;
	(pc) =	sbr.rel @p1 .LBB2_8-.Ltmp4, $4  }
0xc1: {  	_ = 	snop  }
0xc2: {  	s12 =	sadd.s32 $0x80, s12;
	[tilespmem:v14+s22+$0x0] =	vst.idx.msk $0xffff, v11  }
0xc3: {  	s13 =	sadd.s32 $0x80, s13;
	v11 =	vld [tilespmem:s12+$0xFFFFFFC0]  }
0xc4: {  	s15 =	sadd.s32 $0x1, s15;
	v12 =	vld [tilespmem:s13+$0xFFFFFFC0]  }
0xc5: {  	v13 =	vld [tilespmem:s13+$0xFFFFFFD0]  }
0xc6: {  	v14 =	vld [tilespmem:s12+$0xFFFFFFD0]  }
0xc7: {  	v15 =	vld [tilespmem:s13+$0xFFFFFFE0]  }
0xc8: {  	v16 =	vld [tilespmem:s12+$0xFFFFFFE0]  }
0xc9: {  	v35 =	vld [tilespmem:s13+$0xFFFFFFF0];
	v11 =	vadd.f32 v11, v12  }
0xca: {  	v17 =	vld [tilespmem:s12+$0xFFFFFFF0]  }
0xcb: {  	v36 =	vld [tilespmem:s13+$0x0];
	v13 =	vadd.f32 v14, v13;
	v11 =	vmax.f32 v11, $0.0e+00  }
0xcc: {  	v18 =	vld [tilespmem:s12+$0x0];
	v11 =	vmul.f32 v11, v1  }
0xcd: {  	v37 =	vld [tilespmem:s13+$0x10];
	v15 =	vadd.f32 v16, v15;
	v13 =	vmax.f32 v13, $0.0e+00  }
0xce: {  	v19 =	vld [tilespmem:s12+$0x10];
	v13 =	vmul.f32 v13, v2;
	v11 =	vadd.f32 $0.0e+00, v11  }
0xcf: {  	v38 =	vld [tilespmem:s13+$0x20];
	v12 =	vadd.f32 v17, v35;
	v15 =	vmax.f32 v15, $0.0e+00  }
0xd0: {  	v40 =	vld [tilespmem:s12+$0x20];
	v39 =	vmul.f32 v15, v3;
	v11 =	vadd.f32 v13, v11  }
0xd1: {  	v41 =	vld [tilespmem:s13+$0x30];
	v14 =	vadd.f32 v18, v36;
	v12 =	vmax.f32 v12, $0.0e+00  }
0xd2: {  	v42 =	vld [tilespmem:s12+$0x30];
	v12 =	vmul.f32 v12, v4;
	v11 =	vadd.f32 v39, v11  }
0xd3: {  	v16 =	vadd.f32 v19, v37;
	v14 =	vmax.f32 v14, $0.0e+00  }
0xd4: {  	v43 =	vmul.f32 v14, v5;
	v11 =	vadd.f32 v12, v11  }
0xd5: {  	v44 =	vmax.f32 v16, $0.0e+00;
	v15 =	vadd.f32 v40, v38  }
0xd6: {  	v45 =	vmul.f32 v44, v6;
	v11 =	vadd.f32 v43, v11  }
0xd7: {  	v46 =	vmax.f32 v15, $0.0e+00;
	v13 =	vadd.f32 v42, v41  }
0xd8: {  	v47 =	vmul.f32 v46, v7;
	v11 =	vadd.f32 v45, v11  }
0xd9: {  	v48 =	vadd.s32 s1, v0;
	v13 =	vmax.f32 v13, $0.0e+00  }
0xda: {  	v49 =	vmul.f32 v13, v8;
	v11 =	vadd.f32 v47, v11;
	_ =	sdelay $0x1  }
0xdb: {  	v11 =	vadd.f32 v49, v11;
	_ =	sdelay $0x1  }
0xdc: {  	[tilespmem:v48+s22+$0x0] =	vst.idx.msk $0xffff, v11  }
0xdd: {  	v11 =	vld [tilespmem:$0x12D00]  }
0xde: {  	v50 =	vld [tilespmem:$0x12D11];
	_ =	sdelay $0x1  }
0xdf: {  	v51 =	vld [tilespmem:$0x12D22];
	_ =	sdelay $0x1  }
0xe0: {  	v14 =	vld [tilespmem:$0x12D33]  }
0xe1: {  	v11 =	vadd.f32 v50, v11  }
0xe2: {  	v52 =	vld [tilespmem:$0x12D44]  }
0xe3: {  	v11 =	vadd.f32 v51, v11  }
0xe4: {  	v53 =	vld [tilespmem:$0x12D55]  }
0xe5: {  	v11 =	vadd.f32 v14, v11  }
0xe6: {  	v54 =	vld [tilespmem:$0x12D66]  }
0xe7: {  	v11 =	vadd.f32 v52, v11  }
0xe8: {  	v55 =	vld [tilespmem:$0x12D77]  }
0xe9: {  	v11 =	vadd.f32 v53, v11  }
0xea: {  	v56 =	vld [tilespmem:$0x12D88]  }
0xeb: {  	v11 =	vadd.f32 v54, v11  }
0xec: {  	v57 =	vld [tilespmem:$0x12D99]  }
0xed: {  	v11 =	vadd.f32 v55, v11  }
0xee: {  	v58 =	vld [tilespmem:$0x12DAA]  }
0xef: {  	v11 =	vadd.f32 v56, v11  }
0xf0: {  	v59 =	vld [tilespmem:$0x12DBB]  }
0xf1: {  	v11 =	vadd.f32 v57, v11  }
0xf2: {  	v60 =	vld [tilespmem:$0x12DCC]  }
0xf3: {  	v11 =	vadd.f32 v58, v11  }
0xf4: {  	v61 =	vld [tilespmem:$0x12DDD]  }
0xf5: {  	v11 =	vadd.f32 v59, v11  }
0xf6: {  	v62 =	vld [tilespmem:$0x12DEE]  }
0xf7: {  	v11 =	vadd.f32 v60, v11  }
0xf8: {  	v63 =	vld [tilespmem:$0x12DFF]  }
0xf9: {  	v11 =	vadd.f32 v61, v11;
	_ =	sdelay $0x1  }
0xfa: {  	v11 =	vadd.f32 v62, v11;
	_ =	sdelay $0x1  }
0xfb: {  	v11 =	vadd.f32 v63, v11;
	_ =	sdelay $0x1  }
0xfc: {  	v11 =	vadd.f32 v11, v9;
	_ =	sdelay $0x1  }
0xfd: {  	v11 =	vsub.f32 $0.0e+00, v11;
	_ =	sdelay $0x1  }
0xfe: {  	v11 =	vmul.f32 $1.442695020e+00, v11;
	_ =	sdelay $0x1  }
0xff: {  	(erf) = vpow2.f32 v11;
	_ =	sdelay $0x8  }
0x100: {  	v11 =	vpop (erf)  }
0x101: {  	v11 =	vadd.f32 $1.000000000e+00, v11;
	_ =	sdelay $0x1  }
0x102: {  	(erf) = vrcp.f32 v11;
	_ =	sdelay $0x3  }
0x103: {  	s31 =	sshll.u32 s30, $0x4;
	s30 =	sadd.s32 $0x1, s30  }
0x104: {  	p1 =	sne.s32 s30, $0x8  }
.Ltmp5:
0x105: {  	_ = 	snop;
	(pc) =	sbr.rel @p1 .LBB2_7-.Ltmp5, $3  }
0x106: {  	_ =	sdelay $0x1  }
0x107: {  	s1 =	sand.u32 $0x3FFFFFF0, s31;
	v11 =	vpop (erf)  }
0x108: {  	s0 =	sadd.s32 $0x800, s0;
	s2 =	sadd.s32 $0x800, s2;
	[tilespmem:v10+s1+$0x0 ss:$0x1] =	vst.idx.msk $0xffff, v11  }
.Ltmp6:
0x109: {  	(pc) =	sbr.rel @p0 .LBB2_12-.Ltmp6, $1  }
0x10a: {  	_ =	sdelay $0x3  }
.Ltmp7:
0x10b: {  	(pc) =	sbr.rel .LBB2_2-.Ltmp7, $4  }
0x10c: {  	s0 =	sadd.s32 $0x180, s29  }
0x10d: {  	[tilespmem:s17], [sflag:$0x2] =	stream.indirect.gather [hbm4b:s4+s14], $0x80, s0, s14, $0xb8;
	[tilespmem:$0x12F80] =	vst v63  }
0x10e: {  	s31 =	sadd.s32 $0x1180, s29;
	s28 =	sadd.s32 $0x1, s28  }
0x10f: {  	[tilespmem:s19], [sflag:$0x4] =	stream.indirect.gather [hbm4b:s4+s14], $0x80, s31, s14, $0xb8;
	[tilespmem:$0x12F80] =	vst v63  }
.LBB2_13:
0x110: {  	_ =	sfence.sel $0x180000  }
0x111: {  	[bflag:$0x0] =	sbarrier.arrive $0xFFFF  }
0x112: {  	_ =	strace $0x90000053  }
0x113: {  	s0 =	stileid.u32;
	[bflag:$0x2] =	sbarrier.arrive $0xFFFF  }
0x114: {  	p0 =	sne.s32 s0, $0x0;
	s0 =	rddreg [dreg:$0x2]  }
0x115: {  	s0 =	sadd.s32 @!p0 $0x100000, s0  }
0x116: {  	[sflag:s0] =	ssyncadd.tile.s32 @!p0 $0x1;
	_ =	shalt  }
.Lfunc_end2:
_tile_overlayer_lowered:
.L_overlay_start_2:
0x117: {  	(tag) =	ssettag $0x2  }
0x118: {  	s0 =	rddreg [dreg:$0x0];
	s2 =	stileid.u32  }
0x119: {  	s1 =	rddreg [dreg:$0x1];
	p0 =	sne.s32 s2, $0x0  }
0x11a: {  	s3 =	rddreg [dreg:$0x2];
	[bflag:$0x3] =	sbarrier.arrive $0xFFFF;
	s2 =	simm.s32 @!p0 $0x1C05  }
0x11b: {  	[timem:s3], [sflag:s2] =	dma.local @!p0 [hbm:s0], s1  }
0x11c: {  	s0 =	simm.s32 @!p0 $0x5  }
0x11d: {  	_ =	swait.ge @!p0 [sflag:s0], s1  }
0x11e: {  	s1 =	ssub.s32 @!p0 $0x0, s1;
	[sflag:s0] =	ssyncset.done @!p0 $0x0  }
0x11f: {  	[sflag:s0] =	ssyncadd.s32 @!p0 s1  }
0x120: {  	[bflag:$0x3] =	sbarrier.arrive $0xFFFF  }
0x121: {  	_ =	shalt  }

</sc_bundles>
